<compile_context>
chip_gen: v7x
topology: tpu7x:2x2x1
jax: 0.10.2.dev20260603
libtpu: 0.0.44.dev20260713+nightly
codegen_flags: <defaults>
</compile_context>

<pallas_src>
import functools

import jax
import jax.numpy as jnp
from jax import lax
from jax.experimental import pallas as pl
from jax.experimental.pallas import tpu as pltpu
from jax.experimental.pallas import tpu_sc as plsc

_VOCAB = 1000000
_D = 64
_BATCH = 16384
_SEQ = 50
_N = _BATCH * _SEQ

_NC = 2
_NS = 16
_NW = _NC * _NS

_CHUNK = 128
_NUNIT = _N // _CHUNK
_PER_W = _NUNIT // _NW
_NBB = _BATCH // _CHUNK

_P = 6
_L = 16
_M = _D // _L
_TPAD = _CHUNK + 1


def _emb_body(idx_hbm, table_hbm, out_hbm, idx_v, g_v, t_v, gsems, ssems):
    wid = lax.axis_index("s") * _NC + lax.axis_index("c")
    base_u = wid * _PER_W
    pltpu.sync_copy(idx_hbm.at[wid], idx_v)

    def fire_gather(t, slot):
        pltpu.async_copy(table_hbm.at[idx_v.at[t]],
                         g_v.at[pl.ds(slot * _CHUNK, _CHUNK)],
                         gsems.at[slot])

    for p in range(_P):
        fire_gather(p, p)

    iota = lax.iota(jnp.int32, _L)
    dblk = [iota // 8 + 2 * m for m in range(_M)]
    drow = lax.rem(iota, 8)

    def transpose_chunk(slot, ts):
        dblk_ts = [v + ts * (_D // 8) for v in dblk]
        row0 = slot * _CHUNK
        vals = [g_v[row0, pl.ds(m * _L, _L)] for m in range(_M)]
        for b in range(_CHUNK):
            b_vec = jnp.full((_L,), b, jnp.int32)
            nxt = None
            if b + 1 < _CHUNK:
                nxt = [g_v[row0 + b + 1, pl.ds(m * _L, _L)]
                       for m in range(_M)]
            for m in range(_M):
                plsc.store_scatter(t_v, [dblk_ts[m], drow, b_vec], vals[m])
            vals = nxt

    def body(t, _):
        slot = lax.rem(t, _P)
        ts = lax.rem(t, 2)
        pltpu.make_async_copy(table_hbm.at[pl.ds(0, _CHUNK)],
                              g_v.at[pl.ds(slot * _CHUNK, _CHUNK)],
                              gsems.at[slot]).wait()
        @pl.when(t >= 2)
        def _():
            pltpu.make_async_copy(
                t_v.at[pl.ds(ts * (_D // 8), _D // 8), :, pl.ds(0, _CHUNK)],
                out_hbm.at[0, :, 0], ssems.at[ts]).wait()
        transpose_chunk(slot, ts)
        u = base_u + t
        s = u // _NBB
        jb = lax.rem(u, _NBB)
        pltpu.async_copy(
            t_v.at[pl.ds(ts * (_D // 8), _D // 8), :, pl.ds(0, _CHUNK)],
            out_hbm.at[s, :, jb], ssems.at[ts])
        @pl.when(t + _P < _PER_W)
        def _():
            fire_gather(t + _P, slot)
        return 0

    lax.fori_loop(0, _PER_W, body, 0)
    pltpu.make_async_copy(t_v.at[pl.ds(0, _D // 8), :, pl.ds(0, _CHUNK)],
                          out_hbm.at[0, :, 0], ssems.at[0]).wait()
    pltpu.make_async_copy(t_v.at[pl.ds(_D // 8, _D // 8), :, pl.ds(0, _CHUNK)],
                          out_hbm.at[0, :, 0], ssems.at[1]).wait()


_mesh = plsc.VectorSubcoreMesh(
    core_axis_name="c", subcore_axis_name="s",
    num_cores=_NC, num_subcores=_NS)

_emb = functools.partial(
    pl.kernel,
    out_type=jax.ShapeDtypeStruct((_SEQ, _D // 8, _NBB, 8, _CHUNK),
                                  jnp.float32),
    mesh=_mesh,
    scratch_types=[
        pltpu.VMEM((_PER_W, _CHUNK), jnp.int32),
        pltpu.VMEM((_P * _CHUNK, _D), jnp.float32),
        pltpu.VMEM((2 * (_D // 8), 8, _TPAD), jnp.float32),
        pltpu.SemaphoreType.DMA((_P,)),
        pltpu.SemaphoreType.DMA((2,)),
    ],
    compiler_params=pltpu.CompilerParams(use_tc_tiling_on_sc=False,
                                         needs_layout_passes=False),
)(_emb_body)


@jax.jit
def kernel(x, embed_weight):
    idx = x.T.reshape(_NW, _PER_W, _CHUNK).astype(jnp.int32)
    o5 = _emb(idx, embed_weight)
    out = o5.transpose(0, 1, 3, 2, 4).reshape(_SEQ, _D, _BATCH)
    return out.transpose(2, 0, 1)

# --- scband reference (transcript-rebuilt; emitter-appended) ---
"""Pipeline reference for scband-word-embedding-68307159875872 (READ-ONLY COPY).

The authoritative reference and input builder live on the scoring server;
editing this copy changes nothing except your own understanding.
"""

import jax, jax.numpy as jnp
import numpy as np

VOCAB = 1000000
WORD_DIM = 64
BATCH = 16384
SEQ = 50

def setup_inputs(seed: int = 0) -> dict:
    key = jax.random.key(seed)
    k1, k2 = jax.random.split(key)
    x = jax.random.randint(k1, (BATCH, SEQ), 0, VOCAB, dtype=jnp.int64 if jax.config.jax_enable_x64 else jnp.int32)
    # embedding table initialized uniform(-0.1, 0.1) as in init_weights
    embed_weight = jax.random.uniform(k2, (VOCAB, WORD_DIM), dtype=jnp.float32, minval=-0.1, maxval=0.1)
    return {"x": x, "embed_weight": embed_weight}

def reference(x, embed_weight):
    # WordEmbedding.forward with we_parameter=None: just nn.Embedding lookup
    out = jnp.take(embed_weight, x, axis=0)
    return out

if __name__ == "__main__":
    import jax
    _d = setup_inputs()
    print(jax.jit(kernel)(*tuple(_d.values())))

</pallas_src>

<mosaic_0001>
#map = affine_map<(d0, d1) -> (0, 0, 0)>
#map1 = affine_map<(d0, d1) -> (0, 0)>
#map2 = affine_map<(d0, d1) -> (0, 0, 0, 0, 0)>
module attributes {stable_mosaic.version = 14 : i64} {
  func.func @_emb_body(%arg0: i32, %arg1: i32, %arg2: memref<32x200x128xi32, #tpu.memory_space<hbm>>, %arg3: memref<1000000x64xf32, #tpu.memory_space<hbm>>, %arg4: memref<50x8x128x8x128xf32, #tpu.memory_space<hbm>>, %arg5: memref<200x128xi32, #tpu.memory_space<vmem>>, %arg6: memref<768x64xf32, #tpu.memory_space<vmem>>, %arg7: memref<16x8x129xf32, #tpu.memory_space<vmem>>, %arg8: memref<6x!tpu.dma_semaphore, #tpu.memory_space<semaphore_mem>>, %arg9: memref<2x!tpu.dma_semaphore, #tpu.memory_space<semaphore_mem>>) attributes {dimension_semantics = [#tpu.dimension_semantics<core_parallel>, #tpu.dimension_semantics<subcore_parallel>], iteration_bounds = array<i64: 2, 16>, scalar_prefetch = 0 : i64, scratch_operands = 5 : i64, tpu.core_type = #tpu.core_type<sc_vector_subcore>, window_params = [{transform_indices = #map}, {transform_indices = #map1}, {transform_indices = #map2}]} {
    %mul3A = arith.constant 2 : i32
    %mul3A_0 = arith.muli %arg1, %mul3A : i32
    %add3A = arith.addi %mul3A_0, %arg0 : i32
    %mul3A_1 = arith.constant 200 : i32
    %mul3A_2 = arith.muli %add3A, %mul3A_1 : i32
    "tpu.region"() ({
      %run_scoped3A = tpu.sem_alloc : memref<!tpu.dma_semaphore, #tpu.memory_space<semaphore_mem>>
      %dma_start3A_262 = arith.constant 0 : i32
      %dma_start3A_263 = arith.constant 0 : i32
      %dma_start3A_264 = tpu.memref_slice %arg2[%add3A, %dma_start3A_262, %dma_start3A_263] : memref<32x200x128xi32, #tpu.memory_space<hbm>> -> memref<1x200x128xi32, #tpu.memory_space<hbm>>
      %dma_start3A_265 = tpu.memref_squeeze %dma_start3A_264 : memref<1x200x128xi32, #tpu.memory_space<hbm>> -> memref<200x128xi32, #tpu.memory_space<hbm>>
      %dma_start3A_266 = arith.constant 0 : i32
      %dma_start3A_267 = arith.constant 0 : i32
      %dma_start3A_268 = tpu.memref_slice %arg2[%add3A, %dma_start3A_266, %dma_start3A_267] : memref<32x200x128xi32, #tpu.memory_space<hbm>> -> memref<1x200x128xi32, #tpu.memory_space<hbm>>
      %dma_start3A_269 = tpu.memref_squeeze %dma_start3A_268 : memref<1x200x128xi32, #tpu.memory_space<hbm>> -> memref<200x128xi32, #tpu.memory_space<hbm>>
      tpu.enqueue_dma source(%dma_start3A_269 : memref<200x128xi32, #tpu.memory_space<hbm>>) target(%arg5 : memref<200x128xi32, #tpu.memory_space<vmem>>) target_semaphore(%run_scoped3A : memref<!tpu.dma_semaphore, #tpu.memory_space<semaphore_mem>>)
      %dma_wait3A_270 = arith.constant 0 : i32
      %dma_wait3A_271 = arith.constant 0 : i32
      %dma_wait3A_272 = tpu.memref_slice %arg2[%add3A, %dma_wait3A_270, %dma_wait3A_271] : memref<32x200x128xi32, #tpu.memory_space<hbm>> -> memref<1x200x128xi32, #tpu.memory_space<hbm>>
      %dma_wait3A_273 = tpu.memref_squeeze %dma_wait3A_272 : memref<1x200x128xi32, #tpu.memory_space<hbm>> -> memref<200x128xi32, #tpu.memory_space<hbm>>
      %dma_wait3A_274 = arith.constant 0 : i32
      %dma_wait3A_275 = arith.constant 0 : i32
      %dma_wait3A_276 = tpu.memref_slice %arg2[%add3A, %dma_wait3A_274, %dma_wait3A_275] : memref<32x200x128xi32, #tpu.memory_space<hbm>> -> memref<1x200x128xi32, #tpu.memory_space<hbm>>
      %dma_wait3A_277 = tpu.memref_squeeze %dma_wait3A_276 : memref<1x200x128xi32, #tpu.memory_space<hbm>> -> memref<200x128xi32, #tpu.memory_space<hbm>>
      tpu.wait_dma2 semaphore(%run_scoped3A : memref<!tpu.dma_semaphore, #tpu.memory_space<semaphore_mem>>) src(%dma_wait3A_277 : memref<200x128xi32, #tpu.memory_space<hbm>>) dst(%arg5 : memref<200x128xi32, #tpu.memory_space<vmem>>)
      tpu.yield
    }) : () -> ()
    %dma_start3A = arith.constant 0 : i32
    %dma_start3A_3 = arith.constant 0 : i32
    %dma_start3A_4 = arith.constant 0 : i32
    %dma_start3A_5 = arith.constant 0 : i32
    %dma_start3A_6 = tpu.memref_slice %arg6[%dma_start3A_4, %dma_start3A_5] : memref<768x64xf32, #tpu.memory_space<vmem>> -> memref<128x64xf32, #tpu.memory_space<vmem>>
    %dma_start3A_7 = arith.constant 0 : i32
    %dma_start3A_8 = tpu.memref_slice %arg5[%dma_start3A, %dma_start3A_7] : memref<200x128xi32, #tpu.memory_space<vmem>> -> memref<1x128xi32, #tpu.memory_space<vmem>>
    %dma_start3A_9 = tpu.memref_squeeze %dma_start3A_8 : memref<1x128xi32, #tpu.memory_space<vmem>> -> memref<128xi32, #tpu.memory_space<vmem>>
    %dma_start3A_10 = arith.constant 0 : i32
    %dma_start3A_11 = arith.constant 0 : i32
    %dma_start3A_12 = tpu.memref_slice %arg3[%dma_start3A_10, %dma_start3A_11] : memref<1000000x64xf32, #tpu.memory_space<hbm>> -> memref<1000000x64xf32, #tpu.memory_space<hbm>>
    %dma_start3A_13 = tpu.memref_slice %arg8[%dma_start3A_3] : memref<6x!tpu.dma_semaphore, #tpu.memory_space<semaphore_mem>> -> memref<1x!tpu.dma_semaphore, #tpu.memory_space<semaphore_mem>>
    %dma_start3A_14 = tpu.memref_squeeze %dma_start3A_13 : memref<1x!tpu.dma_semaphore, #tpu.memory_space<semaphore_mem>> -> memref<!tpu.dma_semaphore, #tpu.memory_space<semaphore_mem>>
    tpu.enqueue_indirect_dma source(%dma_start3A_12 : memref<1000000x64xf32, #tpu.memory_space<hbm>>) target(%dma_start3A_6 : memref<128x64xf32, #tpu.memory_space<vmem>>) offsets(%dma_start3A_9 : memref<128xi32, #tpu.memory_space<vmem>>) semaphore(%dma_start3A_14 : memref<!tpu.dma_semaphore, #tpu.memory_space<semaphore_mem>>)
    %dma_start3A_15 = arith.constant 1 : i32
    %dma_start3A_16 = arith.constant 1 : i32
    %dma_start3A_17 = arith.constant 128 : i32
    %dma_start3A_18 = arith.constant 0 : i32
    %dma_start3A_19 = tpu.memref_slice %arg6[%dma_start3A_17, %dma_start3A_18] : memref<768x64xf32, #tpu.memory_space<vmem>> -> memref<128x64xf32, #tpu.memory_space<vmem>>
    %dma_start3A_20 = arith.constant 0 : i32
    %dma_start3A_21 = tpu.memref_slice %arg5[%dma_start3A_15, %dma_start3A_20] : memref<200x128xi32, #tpu.memory_space<vmem>> -> memref<1x128xi32, #tpu.memory_space<vmem>>
    %dma_start3A_22 = tpu.memref_squeeze %dma_start3A_21 : memref<1x128xi32, #tpu.memory_space<vmem>> -> memref<128xi32, #tpu.memory_space<vmem>>
    %dma_start3A_23 = arith.constant 0 : i32
    %dma_start3A_24 = arith.constant 0 : i32
    %dma_start3A_25 = tpu.memref_slice %arg3[%dma_start3A_23, %dma_start3A_24] : memref<1000000x64xf32, #tpu.memory_space<hbm>> -> memref<1000000x64xf32, #tpu.memory_space<hbm>>
    %dma_start3A_26 = tpu.memref_slice %arg8[%dma_start3A_16] : memref<6x!tpu.dma_semaphore, #tpu.memory_space<semaphore_mem>> -> memref<1x!tpu.dma_semaphore, #tpu.memory_space<semaphore_mem>>
    %dma_start3A_27 = tpu.memref_squeeze %dma_start3A_26 : memref<1x!tpu.dma_semaphore, #tpu.memory_space<semaphore_mem>> -> memref<!tpu.dma_semaphore, #tpu.memory_space<semaphore_mem>>
    tpu.enqueue_indirect_dma source(%dma_start3A_25 : memref<1000000x64xf32, #tpu.memory_space<hbm>>) target(%dma_start3A_19 : memref<128x64xf32, #tpu.memory_space<vmem>>) offsets(%dma_start3A_22 : memref<128xi32, #tpu.memory_space<vmem>>) semaphore(%dma_start3A_27 : memref<!tpu.dma_semaphore, #tpu.memory_space<semaphore_mem>>)
    %dma_start3A_28 = arith.constant 2 : i32
    %dma_start3A_29 = arith.constant 2 : i32
    %dma_start3A_30 = arith.constant 256 : i32
    %dma_start3A_31 = arith.constant 0 : i32
    %dma_start3A_32 = tpu.memref_slice %arg6[%dma_start3A_30, %dma_start3A_31] : memref<768x64xf32, #tpu.memory_space<vmem>> -> memref<128x64xf32, #tpu.memory_space<vmem>>
    %dma_start3A_33 = arith.constant 0 : i32
    %dma_start3A_34 = tpu.memref_slice %arg5[%dma_start3A_28, %dma_start3A_33] : memref<200x128xi32, #tpu.memory_space<vmem>> -> memref<1x128xi32, #tpu.memory_space<vmem>>
    %dma_start3A_35 = tpu.memref_squeeze %dma_start3A_34 : memref<1x128xi32, #tpu.memory_space<vmem>> -> memref<128xi32, #tpu.memory_space<vmem>>
    %dma_start3A_36 = arith.constant 0 : i32
    %dma_start3A_37 = arith.constant 0 : i32
    %dma_start3A_38 = tpu.memref_slice %arg3[%dma_start3A_36, %dma_start3A_37] : memref<1000000x64xf32, #tpu.memory_space<hbm>> -> memref<1000000x64xf32, #tpu.memory_space<hbm>>
    %dma_start3A_39 = tpu.memref_slice %arg8[%dma_start3A_29] : memref<6x!tpu.dma_semaphore, #tpu.memory_space<semaphore_mem>> -> memref<1x!tpu.dma_semaphore, #tpu.memory_space<semaphore_mem>>
    %dma_start3A_40 = tpu.memref_squeeze %dma_start3A_39 : memref<1x!tpu.dma_semaphore, #tpu.memory_space<semaphore_mem>> -> memref<!tpu.dma_semaphore, #tpu.memory_space<semaphore_mem>>
    tpu.enqueue_indirect_dma source(%dma_start3A_38 : memref<1000000x64xf32, #tpu.memory_space<hbm>>) target(%dma_start3A_32 : memref<128x64xf32, #tpu.memory_space<vmem>>) offsets(%dma_start3A_35 : memref<128xi32, #tpu.memory_space<vmem>>) semaphore(%dma_start3A_40 : memref<!tpu.dma_semaphore, #tpu.memory_space<semaphore_mem>>)
    %dma_start3A_41 = arith.constant 3 : i32
    %dma_start3A_42 = arith.constant 3 : i32
    %dma_start3A_43 = arith.constant 384 : i32
    %dma_start3A_44 = arith.constant 0 : i32
    %dma_start3A_45 = tpu.memref_slice %arg6[%dma_start3A_43, %dma_start3A_44] : memref<768x64xf32, #tpu.memory_space<vmem>> -> memref<128x64xf32, #tpu.memory_space<vmem>>
    %dma_start3A_46 = arith.constant 0 : i32
    %dma_start3A_47 = tpu.memref_slice %arg5[%dma_start3A_41, %dma_start3A_46] : memref<200x128xi32, #tpu.memory_space<vmem>> -> memref<1x128xi32, #tpu.memory_space<vmem>>
    %dma_start3A_48 = tpu.memref_squeeze %dma_start3A_47 : memref<1x128xi32, #tpu.memory_space<vmem>> -> memref<128xi32, #tpu.memory_space<vmem>>
    %dma_start3A_49 = arith.constant 0 : i32
    %dma_start3A_50 = arith.constant 0 : i32
    %dma_start3A_51 = tpu.memref_slice %arg3[%dma_start3A_49, %dma_start3A_50] : memref<1000000x64xf32, #tpu.memory_space<hbm>> -> memref<1000000x64xf32, #tpu.memory_space<hbm>>
    %dma_start3A_52 = tpu.memref_slice %arg8[%dma_start3A_42] : memref<6x!tpu.dma_semaphore, #tpu.memory_space<semaphore_mem>> -> memref<1x!tpu.dma_semaphore, #tpu.memory_space<semaphore_mem>>
    %dma_start3A_53 = tpu.memref_squeeze %dma_start3A_52 : memref<1x!tpu.dma_semaphore, #tpu.memory_space<semaphore_mem>> -> memref<!tpu.dma_semaphore, #tpu.memory_space<semaphore_mem>>
    tpu.enqueue_indirect_dma source(%dma_start3A_51 : memref<1000000x64xf32, #tpu.memory_space<hbm>>) target(%dma_start3A_45 : memref<128x64xf32, #tpu.memory_space<vmem>>) offsets(%dma_start3A_48 : memref<128xi32, #tpu.memory_space<vmem>>) semaphore(%dma_start3A_53 : memref<!tpu.dma_semaphore, #tpu.memory_space<semaphore_mem>>)
    %dma_start3A_54 = arith.constant 4 : i32
    %dma_start3A_55 = arith.constant 4 : i32
    %dma_start3A_56 = arith.constant 512 : i32
    %dma_start3A_57 = arith.constant 0 : i32
    %dma_start3A_58 = tpu.memref_slice %arg6[%dma_start3A_56, %dma_start3A_57] : memref<768x64xf32, #tpu.memory_space<vmem>> -> memref<128x64xf32, #tpu.memory_space<vmem>>
    %dma_start3A_59 = arith.constant 0 : i32
    %dma_start3A_60 = tpu.memref_slice %arg5[%dma_start3A_54, %dma_start3A_59] : memref<200x128xi32, #tpu.memory_space<vmem>> -> memref<1x128xi32, #tpu.memory_space<vmem>>
    %dma_start3A_61 = tpu.memref_squeeze %dma_start3A_60 : memref<1x128xi32, #tpu.memory_space<vmem>> -> memref<128xi32, #tpu.memory_space<vmem>>
    %dma_start3A_62 = arith.constant 0 : i32
    %dma_start3A_63 = arith.constant 0 : i32
    %dma_start3A_64 = tpu.memref_slice %arg3[%dma_start3A_62, %dma_start3A_63] : memref<1000000x64xf32, #tpu.memory_space<hbm>> -> memref<1000000x64xf32, #tpu.memory_space<hbm>>
    %dma_start3A_65 = tpu.memref_slice %arg8[%dma_start3A_55] : memref<6x!tpu.dma_semaphore, #tpu.memory_space<semaphore_mem>> -> memref<1x!tpu.dma_semaphore, #tpu.memory_space<semaphore_mem>>
    %dma_start3A_66 = tpu.memref_squeeze %dma_start3A_65 : memref<1x!tpu.dma_semaphore, #tpu.memory_space<semaphore_mem>> -> memref<!tpu.dma_semaphore, #tpu.memory_space<semaphore_mem>>
    tpu.enqueue_indirect_dma source(%dma_start3A_64 : memref<1000000x64xf32, #tpu.memory_space<hbm>>) target(%dma_start3A_58 : memref<128x64xf32, #tpu.memory_space<vmem>>) offsets(%dma_start3A_61 : memref<128xi32, #tpu.memory_space<vmem>>) semaphore(%dma_start3A_66 : memref<!tpu.dma_semaphore, #tpu.memory_space<semaphore_mem>>)
    %dma_start3A_67 = arith.constant 5 : i32
    %dma_start3A_68 = arith.constant 5 : i32
    %dma_start3A_69 = arith.constant 640 : i32
    %dma_start3A_70 = arith.constant 0 : i32
    %dma_start3A_71 = tpu.memref_slice %arg6[%dma_start3A_69, %dma_start3A_70] : memref<768x64xf32, #tpu.memory_space<vmem>> -> memref<128x64xf32, #tpu.memory_space<vmem>>
    %dma_start3A_72 = arith.constant 0 : i32
    %dma_start3A_73 = tpu.memref_slice %arg5[%dma_start3A_67, %dma_start3A_72] : memref<200x128xi32, #tpu.memory_space<vmem>> -> memref<1x128xi32, #tpu.memory_space<vmem>>
    %dma_start3A_74 = tpu.memref_squeeze %dma_start3A_73 : memref<1x128xi32, #tpu.memory_space<vmem>> -> memref<128xi32, #tpu.memory_space<vmem>>
    %dma_start3A_75 = arith.constant 0 : i32
    %dma_start3A_76 = arith.constant 0 : i32
    %dma_start3A_77 = tpu.memref_slice %arg3[%dma_start3A_75, %dma_start3A_76] : memref<1000000x64xf32, #tpu.memory_space<hbm>> -> memref<1000000x64xf32, #tpu.memory_space<hbm>>
    %dma_start3A_78 = tpu.memref_slice %arg8[%dma_start3A_68] : memref<6x!tpu.dma_semaphore, #tpu.memory_space<semaphore_mem>> -> memref<1x!tpu.dma_semaphore, #tpu.memory_space<semaphore_mem>>
    %dma_start3A_79 = tpu.memref_squeeze %dma_start3A_78 : memref<1x!tpu.dma_semaphore, #tpu.memory_space<semaphore_mem>> -> memref<!tpu.dma_semaphore, #tpu.memory_space<semaphore_mem>>
    tpu.enqueue_indirect_dma source(%dma_start3A_77 : memref<1000000x64xf32, #tpu.memory_space<hbm>>) target(%dma_start3A_71 : memref<128x64xf32, #tpu.memory_space<vmem>>) offsets(%dma_start3A_74 : memref<128xi32, #tpu.memory_space<vmem>>) semaphore(%dma_start3A_79 : memref<!tpu.dma_semaphore, #tpu.memory_space<semaphore_mem>>)
    %iota3A = tpu.iota {dimensions = array<i32: 0>} : vector<16xi32>
    %jit3A = arith.constant 8 : i32
    %div3A = vector.broadcast %jit3A : i32 to vector<16xi32>
    %div3A_80 = arith.divsi %iota3A, %div3A : vector<16xi32>
    %sign3A = arith.constant 0 : i32
    %sign3A_81 = vector.broadcast %sign3A : i32 to vector<16xi32>
    %sign3A_82 = arith.cmpi sgt, %iota3A, %sign3A_81 : vector<16xi32>
    %sign3A_83 = arith.extui %sign3A_82 : vector<16xi1> to vector<16xi32>
    %sign3A_84 = arith.constant 0 : i32
    %sign3A_85 = vector.broadcast %sign3A_84 : i32 to vector<16xi32>
    %sign3A_86 = arith.cmpi slt, %iota3A, %sign3A_85 : vector<16xi32>
    %sign3A_87 = arith.extui %sign3A_86 : vector<16xi1> to vector<16xi32>
    %sign3A_88 = arith.subi %sign3A_83, %sign3A_87 : vector<16xi32>
    %sign3A_89 = arith.constant 0 : i32
    %sign3A_90 = arith.cmpi sgt, %jit3A, %sign3A_89 : i32
    %sign3A_91 = arith.extui %sign3A_90 : i1 to i32
    %sign3A_92 = arith.constant 0 : i32
    %sign3A_93 = arith.cmpi slt, %jit3A, %sign3A_92 : i32
    %sign3A_94 = arith.extui %sign3A_93 : i1 to i32
    %sign3A_95 = arith.subi %sign3A_91, %sign3A_94 : i32
    %ne3A = vector.broadcast %sign3A_95 : i32 to vector<16xi32>
    %ne3A_96 = arith.cmpi ne, %sign3A_88, %ne3A : vector<16xi32>
    %rem3A = vector.broadcast %jit3A : i32 to vector<16xi32>
    %rem3A_97 = arith.remsi %iota3A, %rem3A : vector<16xi32>
    %ne3A_98 = arith.constant 0 : i32
    %ne3A_99 = vector.broadcast %ne3A_98 : i32 to vector<16xi32>
    %ne3A_100 = arith.cmpi ne, %rem3A_97, %ne3A_99 : vector<16xi32>
    %and3A = arith.andi %ne3A_96, %ne3A_100 : vector<16xi1>
    %sub3A = arith.constant 1 : i32
    %sub3A_101 = vector.broadcast %sub3A : i32 to vector<16xi32>
    %sub3A_102 = arith.subi %div3A_80, %sub3A_101 : vector<16xi32>
    %select_n3A = arith.select %and3A, %sub3A_102, %div3A_80 : vector<16xi1>, vector<16xi32>
    %add3A_103 = arith.constant 0 : i32
    %add3A_104 = vector.broadcast %add3A_103 : i32 to vector<16xi32>
    %add3A_105 = arith.addi %select_n3A, %add3A_104 : vector<16xi32>
    %jit3A_106 = arith.constant 8 : i32
    %div3A_107 = vector.broadcast %jit3A_106 : i32 to vector<16xi32>
    %div3A_108 = arith.divsi %iota3A, %div3A_107 : vector<16xi32>
    %sign3A_109 = arith.constant 0 : i32
    %sign3A_110 = vector.broadcast %sign3A_109 : i32 to vector<16xi32>
    %sign3A_111 = arith.cmpi sgt, %iota3A, %sign3A_110 : vector<16xi32>
    %sign3A_112 = arith.extui %sign3A_111 : vector<16xi1> to vector<16xi32>
    %sign3A_113 = arith.constant 0 : i32
    %sign3A_114 = vector.broadcast %sign3A_113 : i32 to vector<16xi32>
    %sign3A_115 = arith.cmpi slt, %iota3A, %sign3A_114 : vector<16xi32>
    %sign3A_116 = arith.extui %sign3A_115 : vector<16xi1> to vector<16xi32>
    %sign3A_117 = arith.subi %sign3A_112, %sign3A_116 : vector<16xi32>
    %sign3A_118 = arith.constant 0 : i32
    %sign3A_119 = arith.cmpi sgt, %jit3A_106, %sign3A_118 : i32
    %sign3A_120 = arith.extui %sign3A_119 : i1 to i32
    %sign3A_121 = arith.constant 0 : i32
    %sign3A_122 = arith.cmpi slt, %jit3A_106, %sign3A_121 : i32
    %sign3A_123 = arith.extui %sign3A_122 : i1 to i32
    %sign3A_124 = arith.subi %sign3A_120, %sign3A_123 : i32
    %ne3A_125 = vector.broadcast %sign3A_124 : i32 to vector<16xi32>
    %ne3A_126 = arith.cmpi ne, %sign3A_117, %ne3A_125 : vector<16xi32>
    %rem3A_127 = vector.broadcast %jit3A_106 : i32 to vector<16xi32>
    %rem3A_128 = arith.remsi %iota3A, %rem3A_127 : vector<16xi32>
    %ne3A_129 = arith.constant 0 : i32
    %ne3A_130 = vector.broadcast %ne3A_129 : i32 to vector<16xi32>
    %ne3A_131 = arith.cmpi ne, %rem3A_128, %ne3A_130 : vector<16xi32>
    %and3A_132 = arith.andi %ne3A_126, %ne3A_131 : vector<16xi1>
    %sub3A_133 = arith.constant 1 : i32
    %sub3A_134 = vector.broadcast %sub3A_133 : i32 to vector<16xi32>
    %sub3A_135 = arith.subi %div3A_108, %sub3A_134 : vector<16xi32>
    %select_n3A_136 = arith.select %and3A_132, %sub3A_135, %div3A_108 : vector<16xi1>, vector<16xi32>
    %add3A_137 = arith.constant 2 : i32
    %add3A_138 = vector.broadcast %add3A_137 : i32 to vector<16xi32>
    %add3A_139 = arith.addi %select_n3A_136, %add3A_138 : vector<16xi32>
    %jit3A_140 = arith.constant 8 : i32
    %div3A_141 = vector.broadcast %jit3A_140 : i32 to vector<16xi32>
    %div3A_142 = arith.divsi %iota3A, %div3A_141 : vector<16xi32>
    %sign3A_143 = arith.constant 0 : i32
    %sign3A_144 = vector.broadcast %sign3A_143 : i32 to vector<16xi32>
    %sign3A_145 = arith.cmpi sgt, %iota3A, %sign3A_144 : vector<16xi32>
    %sign3A_146 = arith.extui %sign3A_145 : vector<16xi1> to vector<16xi32>
    %sign3A_147 = arith.constant 0 : i32
    %sign3A_148 = vector.broadcast %sign3A_147 : i32 to vector<16xi32>
    %sign3A_149 = arith.cmpi slt, %iota3A, %sign3A_148 : vector<16xi32>
    %sign3A_150 = arith.extui %sign3A_149 : vector<16xi1> to vector<16xi32>
    %sign3A_151 = arith.subi %sign3A_146, %sign3A_150 : vector<16xi32>
    %sign3A_152 = arith.constant 0 : i32
    %sign3A_153 = arith.cmpi sgt, %jit3A_140, %sign3A_152 : i32
    %sign3A_154 = arith.extui %sign3A_153 : i1 to i32
    %sign3A_155 = arith.constant 0 : i32
    %sign3A_156 = arith.cmpi slt, %jit3A_140, %sign3A_155 : i32
    %sign3A_157 = arith.extui %sign3A_156 : i1 to i32
    %sign3A_158 = arith.subi %sign3A_154, %sign3A_157 : i32
    %ne3A_159 = vector.broadcast %sign3A_158 : i32 to vector<16xi32>
    %ne3A_160 = arith.cmpi ne, %sign3A_151, %ne3A_159 : vector<16xi32>
    %rem3A_161 = vector.broadcast %jit3A_140 : i32 to vector<16xi32>
    %rem3A_162 = arith.remsi %iota3A, %rem3A_161 : vector<16xi32>
    %ne3A_163 = arith.constant 0 : i32
    %ne3A_164 = vector.broadcast %ne3A_163 : i32 to vector<16xi32>
    %ne3A_165 = arith.cmpi ne, %rem3A_162, %ne3A_164 : vector<16xi32>
    %and3A_166 = arith.andi %ne3A_160, %ne3A_165 : vector<16xi1>
    %sub3A_167 = arith.constant 1 : i32
    %sub3A_168 = vector.broadcast %sub3A_167 : i32 to vector<16xi32>
    %sub3A_169 = arith.subi %div3A_142, %sub3A_168 : vector<16xi32>
    %select_n3A_170 = arith.select %and3A_166, %sub3A_169, %div3A_142 : vector<16xi1>, vector<16xi32>
    %add3A_171 = arith.constant 4 : i32
    %add3A_172 = vector.broadcast %add3A_171 : i32 to vector<16xi32>
    %add3A_173 = arith.addi %select_n3A_170, %add3A_172 : vector<16xi32>
    %jit3A_174 = arith.constant 8 : i32
    %div3A_175 = vector.broadcast %jit3A_174 : i32 to vector<16xi32>
    %div3A_176 = arith.divsi %iota3A, %div3A_175 : vector<16xi32>
    %sign3A_177 = arith.constant 0 : i32
    %sign3A_178 = vector.broadcast %sign3A_177 : i32 to vector<16xi32>
    %sign3A_179 = arith.cmpi sgt, %iota3A, %sign3A_178 : vector<16xi32>
    %sign3A_180 = arith.extui %sign3A_179 : vector<16xi1> to vector<16xi32>
    %sign3A_181 = arith.constant 0 : i32
    %sign3A_182 = vector.broadcast %sign3A_181 : i32 to vector<16xi32>
    %sign3A_183 = arith.cmpi slt, %iota3A, %sign3A_182 : vector<16xi32>
    %sign3A_184 = arith.extui %sign3A_183 : vector<16xi1> to vector<16xi32>
    %sign3A_185 = arith.subi %sign3A_180, %sign3A_184 : vector<16xi32>
    %sign3A_186 = arith.constant 0 : i32
    %sign3A_187 = arith.cmpi sgt, %jit3A_174, %sign3A_186 : i32
    %sign3A_188 = arith.extui %sign3A_187 : i1 to i32
    %sign3A_189 = arith.constant 0 : i32
    %sign3A_190 = arith.cmpi slt, %jit3A_174, %sign3A_189 : i32
    %sign3A_191 = arith.extui %sign3A_190 : i1 to i32
    %sign3A_192 = arith.subi %sign3A_188, %sign3A_191 : i32
    %ne3A_193 = vector.broadcast %sign3A_192 : i32 to vector<16xi32>
    %ne3A_194 = arith.cmpi ne, %sign3A_185, %ne3A_193 : vector<16xi32>
    %rem3A_195 = vector.broadcast %jit3A_174 : i32 to vector<16xi32>
    %rem3A_196 = arith.remsi %iota3A, %rem3A_195 : vector<16xi32>
    %ne3A_197 = arith.constant 0 : i32
    %ne3A_198 = vector.broadcast %ne3A_197 : i32 to vector<16xi32>
    %ne3A_199 = arith.cmpi ne, %rem3A_196, %ne3A_198 : vector<16xi32>
    %and3A_200 = arith.andi %ne3A_194, %ne3A_199 : vector<16xi1>
    %sub3A_201 = arith.constant 1 : i32
    %sub3A_202 = vector.broadcast %sub3A_201 : i32 to vector<16xi32>
    %sub3A_203 = arith.subi %div3A_176, %sub3A_202 : vector<16xi32>
    %select_n3A_204 = arith.select %and3A_200, %sub3A_203, %div3A_176 : vector<16xi1>, vector<16xi32>
    %add3A_205 = arith.constant 6 : i32
    %add3A_206 = vector.broadcast %add3A_205 : i32 to vector<16xi32>
    %add3A_207 = arith.addi %select_n3A_204, %add3A_206 : vector<16xi32>
    %rem3A_208 = arith.constant 8 : i32
    %rem3A_209 = vector.broadcast %rem3A_208 : i32 to vector<16xi32>
    %rem3A_210 = arith.remsi %iota3A, %rem3A_209 : vector<16xi32>
    %scan3A = arith.constant 0 : i32
    %scan3A_211 = arith.constant 0 : i32
    %scan3A_212 = arith.constant 200 : i32
    %scan3A_213 = arith.addi %scan3A_211, %scan3A_212 : i32
    %scan3A_214 = arith.constant 1 : i32
    %scan3A_215 = scf.for %scan3A_262 = %scan3A_211 to %scan3A_213 step %scan3A_214 iter_args(%scan3A_263 = %scan3A) -> (i32)  : i32 {
      %rem3A_264 = arith.constant 6 : i32
      %rem3A_265 = arith.remsi %scan3A_262, %rem3A_264 : i32
      %rem3A_266 = arith.constant 2 : i32
      %rem3A_267 = arith.remsi %scan3A_262, %rem3A_266 : i32
      %mul3A_268 = arith.constant 128 : i32
      %mul3A_269 = arith.muli %rem3A_265, %mul3A_268 : i32
      %dma_wait3A_270 = arith.constant 0 : i32
      %dma_wait3A_271 = tpu.memref_slice %arg6[%mul3A_269, %dma_wait3A_270] : memref<768x64xf32, #tpu.memory_space<vmem>> -> memref<128x64xf32, #tpu.memory_space<vmem>>
      %dma_wait3A_272 = arith.constant 0 : i32
      %dma_wait3A_273 = arith.constant 0 : i32
      %dma_wait3A_274 = tpu.memref_slice %arg3[%dma_wait3A_272, %dma_wait3A_273] : memref<1000000x64xf32, #tpu.memory_space<hbm>> -> memref<128x64xf32, #tpu.memory_space<hbm>>
      %dma_wait3A_275 = tpu.memref_slice %arg8[%rem3A_265] : memref<6x!tpu.dma_semaphore, #tpu.memory_space<semaphore_mem>> -> memref<1x!tpu.dma_semaphore, #tpu.memory_space<semaphore_mem>>
      %dma_wait3A_276 = tpu.memref_squeeze %dma_wait3A_275 : memref<1x!tpu.dma_semaphore, #tpu.memory_space<semaphore_mem>> -> memref<!tpu.dma_semaphore, #tpu.memory_space<semaphore_mem>>
      %dma_wait3A_277 = arith.constant 0 : i32
      %dma_wait3A_278 = tpu.memref_slice %arg6[%mul3A_269, %dma_wait3A_277] : memref<768x64xf32, #tpu.memory_space<vmem>> -> memref<128x64xf32, #tpu.memory_space<vmem>>
      %dma_wait3A_279 = arith.constant 0 : i32
      %dma_wait3A_280 = arith.constant 0 : i32
      %dma_wait3A_281 = tpu.memref_slice %arg3[%dma_wait3A_279, %dma_wait3A_280] : memref<1000000x64xf32, #tpu.memory_space<hbm>> -> memref<128x64xf32, #tpu.memory_space<hbm>>
      tpu.wait_dma2 semaphore(%dma_wait3A_276 : memref<!tpu.dma_semaphore, #tpu.memory_space<semaphore_mem>>) src(%dma_wait3A_281 : memref<128x64xf32, #tpu.memory_space<hbm>>) dst(%dma_wait3A_278 : memref<128x64xf32, #tpu.memory_space<vmem>>)
      %ge3A = arith.constant 2 : i32
      %ge3A_282 = arith.cmpi sge, %scan3A_262, %ge3A : i32
      %convert_element_type3A = arith.extui %ge3A_282 : i1 to i32
      %cond3A = arith.constant 0 : i32
      %cond3A_283 = arith.cmpi ne, %convert_element_type3A, %cond3A : i32
      scf.if %cond3A_283 {
        %mul3A_4178 = arith.constant 8 : i32
        %mul3A_4179 = arith.muli %rem3A_267, %mul3A_4178 : i32
        %dma_wait3A_4180 = arith.constant 0 : i32
        %dma_wait3A_4181 = arith.constant 0 : i32
        %dma_wait3A_4182 = arith.constant 0 : i32
        %dma_wait3A_4183 = arith.constant 0 : i32
        %dma_wait3A_4184 = tpu.memref_slice %arg7[%mul3A_4179, %dma_wait3A_4182, %dma_wait3A_4183] : memref<16x8x129xf32, #tpu.memory_space<vmem>> -> memref<8x8x128xf32, #tpu.memory_space<vmem>>
        %dma_wait3A_4185 = arith.constant 0 : i32
        %dma_wait3A_4186 = arith.constant 0 : i32
        %dma_wait3A_4187 = arith.constant 0 : i32
        %dma_wait3A_4188 = tpu.memref_slice %arg4[%dma_wait3A_4180, %dma_wait3A_4185, %dma_wait3A_4181, %dma_wait3A_4186, %dma_wait3A_4187] : memref<50x8x128x8x128xf32, #tpu.memory_space<hbm>> -> memref<1x8x1x8x128xf32, #tpu.memory_space<hbm>>
        %dma_wait3A_4189 = tpu.memref_squeeze %dma_wait3A_4188 : memref<1x8x1x8x128xf32, #tpu.memory_space<hbm>> -> memref<8x8x128xf32, #tpu.memory_space<hbm>>
        %dma_wait3A_4190 = tpu.memref_slice %arg9[%rem3A_267] : memref<2x!tpu.dma_semaphore, #tpu.memory_space<semaphore_mem>> -> memref<1x!tpu.dma_semaphore, #tpu.memory_space<semaphore_mem>>
        %dma_wait3A_4191 = tpu.memref_squeeze %dma_wait3A_4190 : memref<1x!tpu.dma_semaphore, #tpu.memory_space<semaphore_mem>> -> memref<!tpu.dma_semaphore, #tpu.memory_space<semaphore_mem>>
        %dma_wait3A_4192 = arith.constant 0 : i32
        %dma_wait3A_4193 = arith.constant 0 : i32
        %dma_wait3A_4194 = arith.constant 0 : i32
        %dma_wait3A_4195 = tpu.memref_slice %arg4[%dma_wait3A_4180, %dma_wait3A_4192, %dma_wait3A_4181, %dma_wait3A_4193, %dma_wait3A_4194] : memref<50x8x128x8x128xf32, #tpu.memory_space<hbm>> -> memref<1x8x1x8x128xf32, #tpu.memory_space<hbm>>
        %dma_wait3A_4196 = tpu.memref_squeeze %dma_wait3A_4195 : memref<1x8x1x8x128xf32, #tpu.memory_space<hbm>> -> memref<8x8x128xf32, #tpu.memory_space<hbm>>
        %dma_wait3A_4197 = arith.constant 0 : i32
        %dma_wait3A_4198 = arith.constant 0 : i32
        %dma_wait3A_4199 = tpu.memref_slice %arg7[%mul3A_4179, %dma_wait3A_4197, %dma_wait3A_4198] : memref<16x8x129xf32, #tpu.memory_space<vmem>> -> memref<8x8x128xf32, #tpu.memory_space<vmem>>
        tpu.wait_dma2 semaphore(%dma_wait3A_4191 : memref<!tpu.dma_semaphore, #tpu.memory_space<semaphore_mem>>) src(%dma_wait3A_4199 : memref<8x8x128xf32, #tpu.memory_space<vmem>>) dst(%dma_wait3A_4196 : memref<8x8x128xf32, #tpu.memory_space<hbm>>)
      } else {
      }
      %mul3A_284 = arith.constant 8 : i32
      %mul3A_285 = arith.muli %rem3A_267, %mul3A_284 : i32
      %add3A_286 = vector.broadcast %mul3A_285 : i32 to vector<16xi32>
      %add3A_287 = arith.addi %add3A_105, %add3A_286 : vector<16xi32>
      %mul3A_288 = arith.constant 8 : i32
      %mul3A_289 = arith.muli %rem3A_267, %mul3A_288 : i32
      %add3A_290 = vector.broadcast %mul3A_289 : i32 to vector<16xi32>
      %add3A_291 = arith.addi %add3A_139, %add3A_290 : vector<16xi32>
      %mul3A_292 = arith.constant 8 : i32
      %mul3A_293 = arith.muli %rem3A_267, %mul3A_292 : i32
      %add3A_294 = vector.broadcast %mul3A_293 : i32 to vector<16xi32>
      %add3A_295 = arith.addi %add3A_173, %add3A_294 : vector<16xi32>
      %mul3A_296 = arith.constant 8 : i32
      %mul3A_297 = arith.muli %rem3A_267, %mul3A_296 : i32
      %add3A_298 = vector.broadcast %mul3A_297 : i32 to vector<16xi32>
      %add3A_299 = arith.addi %add3A_207, %add3A_298 : vector<16xi32>
      %mul3A_300 = arith.constant 128 : i32
      %mul3A_301 = arith.muli %rem3A_265, %mul3A_300 : i32
      %get3A = arith.index_cast %mul3A_301 : i32 to index
      %get3A_302 = arith.constant 0 : index
      %get3A_303 = tpu.vector_load %arg6[%get3A, %get3A_302] {strides = array<i32>} : memref<768x64xf32, #tpu.memory_space<vmem>>, vector<16xf32>,
      %get3A_304 = arith.index_cast %mul3A_301 : i32 to index
      %get3A_305 = arith.constant 16 : index
      %get3A_306 = tpu.vector_load %arg6[%get3A_304, %get3A_305] {strides = array<i32>} : memref<768x64xf32, #tpu.memory_space<vmem>>, vector<16xf32>,
      %get3A_307 = arith.index_cast %mul3A_301 : i32 to index
      %get3A_308 = arith.constant 32 : index
      %get3A_309 = tpu.vector_load %arg6[%get3A_307, %get3A_308] {strides = array<i32>} : memref<768x64xf32, #tpu.memory_space<vmem>>, vector<16xf32>,
      %get3A_310 = arith.index_cast %mul3A_301 : i32 to index
      %get3A_311 = arith.constant 48 : index
      %get3A_312 = tpu.vector_load %arg6[%get3A_310, %get3A_311] {strides = array<i32>} : memref<768x64xf32, #tpu.memory_space<vmem>>, vector<16xf32>,
      %broadcast_in_dim3A = arith.constant 0 : i32
      %broadcast_in_dim3A_313 = vector.broadcast %broadcast_in_dim3A : i32 to vector<16xi32>
      %add3A_314 = arith.constant 0 : i32
      %add3A_315 = arith.addi %mul3A_301, %add3A_314 : i32
      %add3A_316 = arith.constant 1 : i32
      %add3A_317 = arith.addi %add3A_315, %add3A_316 : i32
      %get3A_318 = arith.index_cast %add3A_317 : i32 to index
      %get3A_319 = arith.constant 0 : index
      %get3A_320 = tpu.vector_load %arg6[%get3A_318, %get3A_319] {strides = array<i32>} : memref<768x64xf32, #tpu.memory_space<vmem>>, vector<16xf32>,
      %add3A_321 = arith.constant 0 : i32
      %add3A_322 = arith.addi %mul3A_301, %add3A_321 : i32
      %add3A_323 = arith.constant 1 : i32
      %add3A_324 = arith.addi %add3A_322, %add3A_323 : i32
      %get3A_325 = arith.index_cast %add3A_324 : i32 to index
      %get3A_326 = arith.constant 16 : index
      %get3A_327 = tpu.vector_load %arg6[%get3A_325, %get3A_326] {strides = array<i32>} : memref<768x64xf32, #tpu.memory_space<vmem>>, vector<16xf32>,
      %add3A_328 = arith.constant 0 : i32
      %add3A_329 = arith.addi %mul3A_301, %add3A_328 : i32
      %add3A_330 = arith.constant 1 : i32
      %add3A_331 = arith.addi %add3A_329, %add3A_330 : i32
      %get3A_332 = arith.index_cast %add3A_331 : i32 to index
      %get3A_333 = arith.constant 32 : index
      %get3A_334 = tpu.vector_load %arg6[%get3A_332, %get3A_333] {strides = array<i32>} : memref<768x64xf32, #tpu.memory_space<vmem>>, vector<16xf32>,
      %add3A_335 = arith.constant 0 : i32
      %add3A_336 = arith.addi %mul3A_301, %add3A_335 : i32
      %add3A_337 = arith.constant 1 : i32
      %add3A_338 = arith.addi %add3A_336, %add3A_337 : i32
      %get3A_339 = arith.index_cast %add3A_338 : i32 to index
      %get3A_340 = arith.constant 48 : index
      %get3A_341 = tpu.vector_load %arg6[%get3A_339, %get3A_340] {strides = array<i32>} : memref<768x64xf32, #tpu.memory_space<vmem>>, vector<16xf32>,
      tpu.vector_store_idx %arg7[%add3A_287, %rem3A_210, %broadcast_in_dim3A_313], %get3A_303 : memref<16x8x129xf32, #tpu.memory_space<vmem>>[vector<16xi32>, vector<16xi32>, vector<16xi32>], vector<16xf32>,
      tpu.vector_store_idx %arg7[%add3A_291, %rem3A_210, %broadcast_in_dim3A_313], %get3A_306 : memref<16x8x129xf32, #tpu.memory_space<vmem>>[vector<16xi32>, vector<16xi32>, vector<16xi32>], vector<16xf32>,
      tpu.vector_store_idx %arg7[%add3A_295, %rem3A_210, %broadcast_in_dim3A_313], %get3A_309 : memref<16x8x129xf32, #tpu.memory_space<vmem>>[vector<16xi32>, vector<16xi32>, vector<16xi32>], vector<16xf32>,
      tpu.vector_store_idx %arg7[%add3A_299, %rem3A_210, %broadcast_in_dim3A_313], %get3A_312 : memref<16x8x129xf32, #tpu.memory_space<vmem>>[vector<16xi32>, vector<16xi32>, vector<16xi32>], vector<16xf32>,
      %broadcast_in_dim3A_342 = arith.constant 1 : i32
      %broadcast_in_dim3A_343 = vector.broadcast %broadcast_in_dim3A_342 : i32 to vector<16xi32>
      %add3A_344 = arith.constant 1 : i32
      %add3A_345 = arith.addi %mul3A_301, %add3A_344 : i32
      %add3A_346 = arith.constant 1 : i32
      %add3A_347 = arith.addi %add3A_345, %add3A_346 : i32
      %get3A_348 = arith.index_cast %add3A_347 : i32 to index
      %get3A_349 = arith.constant 0 : index
      %get3A_350 = tpu.vector_load %arg6[%get3A_348, %get3A_349] {strides = array<i32>} : memref<768x64xf32, #tpu.memory_space<vmem>>, vector<16xf32>,
      %add3A_351 = arith.constant 1 : i32
      %add3A_352 = arith.addi %mul3A_301, %add3A_351 : i32
      %add3A_353 = arith.constant 1 : i32
      %add3A_354 = arith.addi %add3A_352, %add3A_353 : i32
      %get3A_355 = arith.index_cast %add3A_354 : i32 to index
      %get3A_356 = arith.constant 16 : index
      %get3A_357 = tpu.vector_load %arg6[%get3A_355, %get3A_356] {strides = array<i32>} : memref<768x64xf32, #tpu.memory_space<vmem>>, vector<16xf32>,
      %add3A_358 = arith.constant 1 : i32
      %add3A_359 = arith.addi %mul3A_301, %add3A_358 : i32
      %add3A_360 = arith.constant 1 : i32
      %add3A_361 = arith.addi %add3A_359, %add3A_360 : i32
      %get3A_362 = arith.index_cast %add3A_361 : i32 to index
      %get3A_363 = arith.constant 32 : index
      %get3A_364 = tpu.vector_load %arg6[%get3A_362, %get3A_363] {strides = array<i32>} : memref<768x64xf32, #tpu.memory_space<vmem>>, vector<16xf32>,
      %add3A_365 = arith.constant 1 : i32
      %add3A_366 = arith.addi %mul3A_301, %add3A_365 : i32
      %add3A_367 = arith.constant 1 : i32
      %add3A_368 = arith.addi %add3A_366, %add3A_367 : i32
      %get3A_369 = arith.index_cast %add3A_368 : i32 to index
      %get3A_370 = arith.constant 48 : index
      %get3A_371 = tpu.vector_load %arg6[%get3A_369, %get3A_370] {strides = array<i32>} : memref<768x64xf32, #tpu.memory_space<vmem>>, vector<16xf32>,
      tpu.vector_store_idx %arg7[%add3A_287, %rem3A_210, %broadcast_in_dim3A_343], %get3A_320 : memref<16x8x129xf32, #tpu.memory_space<vmem>>[vector<16xi32>, vector<16xi32>, vector<16xi32>], vector<16xf32>,
      tpu.vector_store_idx %arg7[%add3A_291, %rem3A_210, %broadcast_in_dim3A_343], %get3A_327 : memref<16x8x129xf32, #tpu.memory_space<vmem>>[vector<16xi32>, vector<16xi32>, vector<16xi32>], vector<16xf32>,
      tpu.vector_store_idx %arg7[%add3A_295, %rem3A_210, %broadcast_in_dim3A_343], %get3A_334 : memref<16x8x129xf32, #tpu.memory_space<vmem>>[vector<16xi32>, vector<16xi32>, vector<16xi32>], vector<16xf32>,
      tpu.vector_store_idx %arg7[%add3A_299, %rem3A_210, %broadcast_in_dim3A_343], %get3A_341 : memref<16x8x129xf32, #tpu.memory_space<vmem>>[vector<16xi32>, vector<16xi32>, vector<16xi32>], vector<16xf32>,
      %broadcast_in_dim3A_372 = arith.constant 2 : i32
      %broadcast_in_dim3A_373 = vector.broadcast %broadcast_in_dim3A_372 : i32 to vector<16xi32>
      %add3A_374 = arith.constant 2 : i32
      %add3A_375 = arith.addi %mul3A_301, %add3A_374 : i32
      %add3A_376 = arith.constant 1 : i32
      %add3A_377 = arith.addi %add3A_375, %add3A_376 : i32
      %get3A_378 = arith.index_cast %add3A_377 : i32 to index
      %get3A_379 = arith.constant 0 : index
      %get3A_380 = tpu.vector_load %arg6[%get3A_378, %get3A_379] {strides = array<i32>} : memref<768x64xf32, #tpu.memory_space<vmem>>, vector<16xf32>,
      %add3A_381 = arith.constant 2 : i32
      %add3A_382 = arith.addi %mul3A_301, %add3A_381 : i32
      %add3A_383 = arith.constant 1 : i32
      %add3A_384 = arith.addi %add3A_382, %add3A_383 : i32
      %get3A_385 = arith.index_cast %add3A_384 : i32 to index
      %get3A_386 = arith.constant 16 : index
      %get3A_387 = tpu.vector_load %arg6[%get3A_385, %get3A_386] {strides = array<i32>} : memref<768x64xf32, #tpu.memory_space<vmem>>, vector<16xf32>,
      %add3A_388 = arith.constant 2 : i32
      %add3A_389 = arith.addi %mul3A_301, %add3A_388 : i32
      %add3A_390 = arith.constant 1 : i32
      %add3A_391 = arith.addi %add3A_389, %add3A_390 : i32
      %get3A_392 = arith.index_cast %add3A_391 : i32 to index
      %get3A_393 = arith.constant 32 : index
      %get3A_394 = tpu.vector_load %arg6[%get3A_392, %get3A_393] {strides = array<i32>} : memref<768x64xf32, #tpu.memory_space<vmem>>, vector<16xf32>,
      %add3A_395 = arith.constant 2 : i32
      %add3A_396 = arith.addi %mul3A_301, %add3A_395 : i32
      %add3A_397 = arith.constant 1 : i32
      %add3A_398 = arith.addi %add3A_396, %add3A_397 : i32
      %get3A_399 = arith.index_cast %add3A_398 : i32 to index
      %get3A_400 = arith.constant 48 : index
      %get3A_401 = tpu.vector_load %arg6[%get3A_399, %get3A_400] {strides = array<i32>} : memref<768x64xf32, #tpu.memory_space<vmem>>, vector<16xf32>,
      tpu.vector_store_idx %arg7[%add3A_287, %rem3A_210, %broadcast_in_dim3A_373], %get3A_350 : memref<16x8x129xf32, #tpu.memory_space<vmem>>[vector<16xi32>, vector<16xi32>, vector<16xi32>], vector<16xf32>,
      tpu.vector_store_idx %arg7[%add3A_291, %rem3A_210, %broadcast_in_dim3A_373], %get3A_357 : memref<16x8x129xf32, #tpu.memory_space<vmem>>[vector<16xi32>, vector<16xi32>, vector<16xi32>], vector<16xf32>,
      tpu.vector_store_idx %arg7[%add3A_295, %rem3A_210, %broadcast_in_dim3A_373], %get3A_364 : memref<16x8x129xf32, #tpu.memory_space<vmem>>[vector<16xi32>, vector<16xi32>, vector<16xi32>], vector<16xf32>,
      tpu.vector_store_idx %arg7[%add3A_299, %rem3A_210, %broadcast_in_dim3A_373], %get3A_371 : memref<16x8x129xf32, #tpu.memory_space<vmem>>[vector<16xi32>, vector<16xi32>, vector<16xi32>], vector<16xf32>,
      %broadcast_in_dim3A_402 = arith.constant 3 : i32
      %broadcast_in_dim3A_403 = vector.broadcast %broadcast_in_dim3A_402 : i32 to vector<16xi32>
      %add3A_404 = arith.constant 3 : i32
      %add3A_405 = arith.addi %mul3A_301, %add3A_404 : i32
      %add3A_406 = arith.constant 1 : i32
      %add3A_407 = arith.addi %add3A_405, %add3A_406 : i32
      %get3A_408 = arith.index_cast %add3A_407 : i32 to index
      %get3A_409 = arith.constant 0 : index
      %get3A_410 = tpu.vector_load %arg6[%get3A_408, %get3A_409] {strides = array<i32>} : memref<768x64xf32, #tpu.memory_space<vmem>>, vector<16xf32>,
      %add3A_411 = arith.constant 3 : i32
      %add3A_412 = arith.addi %mul3A_301, %add3A_411 : i32
      %add3A_413 = arith.constant 1 : i32
      %add3A_414 = arith.addi %add3A_412, %add3A_413 : i32
      %get3A_415 = arith.index_cast %add3A_414 : i32 to index
      %get3A_416 = arith.constant 16 : index
      %get3A_417 = tpu.vector_load %arg6[%get3A_415, %get3A_416] {strides = array<i32>} : memref<768x64xf32, #tpu.memory_space<vmem>>, vector<16xf32>,
      %add3A_418 = arith.constant 3 : i32
      %add3A_419 = arith.addi %mul3A_301, %add3A_418 : i32
      %add3A_420 = arith.constant 1 : i32
      %add3A_421 = arith.addi %add3A_419, %add3A_420 : i32
      %get3A_422 = arith.index_cast %add3A_421 : i32 to index
      %get3A_423 = arith.constant 32 : index
      %get3A_424 = tpu.vector_load %arg6[%get3A_422, %get3A_423] {strides = array<i32>} : memref<768x64xf32, #tpu.memory_space<vmem>>, vector<16xf32>,
      %add3A_425 = arith.constant 3 : i32
      %add3A_426 = arith.addi %mul3A_301, %add3A_425 : i32
      %add3A_427 = arith.constant 1 : i32
      %add3A_428 = arith.addi %add3A_426, %add3A_427 : i32
      %get3A_429 = arith.index_cast %add3A_428 : i32 to index
      %get3A_430 = arith.constant 48 : index
      %get3A_431 = tpu.vector_load %arg6[%get3A_429, %get3A_430] {strides = array<i32>} : memref<768x64xf32, #tpu.memory_space<vmem>>, vector<16xf32>,
      tpu.vector_store_idx %arg7[%add3A_287, %rem3A_210, %broadcast_in_dim3A_403], %get3A_380 : memref<16x8x129xf32, #tpu.memory_space<vmem>>[vector<16xi32>, vector<16xi32>, vector<16xi32>], vector<16xf32>,
      tpu.vector_store_idx %arg7[%add3A_291, %rem3A_210, %broadcast_in_dim3A_403], %get3A_387 : memref<16x8x129xf32, #tpu.memory_space<vmem>>[vector<16xi32>, vector<16xi32>, vector<16xi32>], vector<16xf32>,
      tpu.vector_store_idx %arg7[%add3A_295, %rem3A_210, %broadcast_in_dim3A_403], %get3A_394 : memref<16x8x129xf32, #tpu.memory_space<vmem>>[vector<16xi32>, vector<16xi32>, vector<16xi32>], vector<16xf32>,
      tpu.vector_store_idx %arg7[%add3A_299, %rem3A_210, %broadcast_in_dim3A_403], %get3A_401 : memref<16x8x129xf32, #tpu.memory_space<vmem>>[vector<16xi32>, vector<16xi32>, vector<16xi32>], vector<16xf32>,
      %broadcast_in_dim3A_432 = arith.constant 4 : i32
      %broadcast_in_dim3A_433 = vector.broadcast %broadcast_in_dim3A_432 : i32 to vector<16xi32>
      %add3A_434 = arith.constant 4 : i32
      %add3A_435 = arith.addi %mul3A_301, %add3A_434 : i32
      %add3A_436 = arith.constant 1 : i32
      %add3A_437 = arith.addi %add3A_435, %add3A_436 : i32
      %get3A_438 = arith.index_cast %add3A_437 : i32 to index
      %get3A_439 = arith.constant 0 : index
      %get3A_440 = tpu.vector_load %arg6[%get3A_438, %get3A_439] {strides = array<i32>} : memref<768x64xf32, #tpu.memory_space<vmem>>, vector<16xf32>,
      %add3A_441 = arith.constant 4 : i32
      %add3A_442 = arith.addi %mul3A_301, %add3A_441 : i32
      %add3A_443 = arith.constant 1 : i32
      %add3A_444 = arith.addi %add3A_442, %add3A_443 : i32
      %get3A_445 = arith.index_cast %add3A_444 : i32 to index
      %get3A_446 = arith.constant 16 : index
      %get3A_447 = tpu.vector_load %arg6[%get3A_445, %get3A_446] {strides = array<i32>} : memref<768x64xf32, #tpu.memory_space<vmem>>, vector<16xf32>,
      %add3A_448 = arith.constant 4 : i32
      %add3A_449 = arith.addi %mul3A_301, %add3A_448 : i32
      %add3A_450 = arith.constant 1 : i32
      %add3A_451 = arith.addi %add3A_449, %add3A_450 : i32
      %get3A_452 = arith.index_cast %add3A_451 : i32 to index
      %get3A_453 = arith.constant 32 : index
      %get3A_454 = tpu.vector_load %arg6[%get3A_452, %get3A_453] {strides = array<i32>} : memref<768x64xf32, #tpu.memory_space<vmem>>, vector<16xf32>,
      %add3A_455 = arith.constant 4 : i32
      %add3A_456 = arith.addi %mul3A_301, %add3A_455 : i32
      %add3A_457 = arith.constant 1 : i32
      %add3A_458 = arith.addi %add3A_456, %add3A_457 : i32
      %get3A_459 = arith.index_cast %add3A_458 : i32 to index
      %get3A_460 = arith.constant 48 : index
      %get3A_461 = tpu.vector_load %arg6[%get3A_459, %get3A_460] {strides = array<i32>} : memref<768x64xf32, #tpu.memory_space<vmem>>, vector<16xf32>,
      tpu.vector_store_idx %arg7[%add3A_287, %rem3A_210, %broadcast_in_dim3A_433], %get3A_410 : memref<16x8x129xf32, #tpu.memory_space<vmem>>[vector<16xi32>, vector<16xi32>, vector<16xi32>], vector<16xf32>,
      tpu.vector_store_idx %arg7[%add3A_291, %rem3A_210, %broadcast_in_dim3A_433], %get3A_417 : memref<16x8x129xf32, #tpu.memory_space<vmem>>[vector<16xi32>, vector<16xi32>, vector<16xi32>], vector<16xf32>,
      tpu.vector_store_idx %arg7[%add3A_295, %rem3A_210, %broadcast_in_dim3A_433], %get3A_424 : memref<16x8x129xf32, #tpu.memory_space<vmem>>[vector<16xi32>, vector<16xi32>, vector<16xi32>], vector<16xf32>,
      tpu.vector_store_idx %arg7[%add3A_299, %rem3A_210, %broadcast_in_dim3A_433], %get3A_431 : memref<16x8x129xf32, #tpu.memory_space<vmem>>[vector<16xi32>, vector<16xi32>, vector<16xi32>], vector<16xf32>,
      %broadcast_in_dim3A_462 = arith.constant 5 : i32
      %broadcast_in_dim3A_463 = vector.broadcast %broadcast_in_dim3A_462 : i32 to vector<16xi32>
      %add3A_464 = arith.constant 5 : i32
      %add3A_465 = arith.addi %mul3A_301, %add3A_464 : i32
      %add3A_466 = arith.constant 1 : i32
      %add3A_467 = arith.addi %add3A_465, %add3A_466 : i32
      %get3A_468 = arith.index_cast %add3A_467 : i32 to index
      %get3A_469 = arith.constant 0 : index
      %get3A_470 = tpu.vector_load %arg6[%get3A_468, %get3A_469] {strides = array<i32>} : memref<768x64xf32, #tpu.memory_space<vmem>>, vector<16xf32>,
      %add3A_471 = arith.constant 5 : i32
      %add3A_472 = arith.addi %mul3A_301, %add3A_471 : i32
      %add3A_473 = arith.constant 1 : i32
      %add3A_474 = arith.addi %add3A_472, %add3A_473 : i32
      %get3A_475 = arith.index_cast %add3A_474 : i32 to index
      %get3A_476 = arith.constant 16 : index
      %get3A_477 = tpu.vector_load %arg6[%get3A_475, %get3A_476] {strides = array<i32>} : memref<768x64xf32, #tpu.memory_space<vmem>>, vector<16xf32>,
      %add3A_478 = arith.constant 5 : i32
      %add3A_479 = arith.addi %mul3A_301, %add3A_478 : i32
      %add3A_480 = arith.constant 1 : i32
      %add3A_481 = arith.addi %add3A_479, %add3A_480 : i32
      %get3A_482 = arith.index_cast %add3A_481 : i32 to index
      %get3A_483 = arith.constant 32 : index
      %get3A_484 = tpu.vector_load %arg6[%get3A_482, %get3A_483] {strides = array<i32>} : memref<768x64xf32, #tpu.memory_space<vmem>>, vector<16xf32>,
      %add3A_485 = arith.constant 5 : i32
      %add3A_486 = arith.addi %mul3A_301, %add3A_485 : i32
      %add3A_487 = arith.constant 1 : i32
      %add3A_488 = arith.addi %add3A_486, %add3A_487 : i32
      %get3A_489 = arith.index_cast %add3A_488 : i32 to index
      %get3A_490 = arith.constant 48 : index
      %get3A_491 = tpu.vector_load %arg6[%get3A_489, %get3A_490] {strides = array<i32>} : memref<768x64xf32, #tpu.memory_space<vmem>>, vector<16xf32>,
      tpu.vector_store_idx %arg7[%add3A_287, %rem3A_210, %broadcast_in_dim3A_463], %get3A_440 : memref<16x8x129xf32, #tpu.memory_space<vmem>>[vector<16xi32>, vector<16xi32>, vector<16xi32>], vector<16xf32>,
      tpu.vector_store_idx %arg7[%add3A_291, %rem3A_210, %broadcast_in_dim3A_463], %get3A_447 : memref<16x8x129xf32, #tpu.memory_space<vmem>>[vector<16xi32>, vector<16xi32>, vector<16xi32>], vector<16xf32>,
      tpu.vector_store_idx %arg7[%add3A_295, %rem3A_210, %broadcast_in_dim3A_463], %get3A_454 : memref<16x8x129xf32, #tpu.memory_space<vmem>>[vector<16xi32>, vector<16xi32>, vector<16xi32>], vector<16xf32>,
      tpu.vector_store_idx %arg7[%add3A_299, %rem3A_210, %broadcast_in_dim3A_463], %get3A_461 : memref<16x8x129xf32, #tpu.memory_space<vmem>>[vector<16xi32>, vector<16xi32>, vector<16xi32>], vector<16xf32>,
      %broadcast_in_dim3A_492 = arith.constant 6 : i32
      %broadcast_in_dim3A_493 = vector.broadcast %broadcast_in_dim3A_492 : i32 to vector<16xi32>
      %add3A_494 = arith.constant 6 : i32
      %add3A_495 = arith.addi %mul3A_301, %add3A_494 : i32
      %add3A_496 = arith.constant 1 : i32
      %add3A_497 = arith.addi %add3A_495, %add3A_496 : i32
      %get3A_498 = arith.index_cast %add3A_497 : i32 to index
      %get3A_499 = arith.constant 0 : index
      %get3A_500 = tpu.vector_load %arg6[%get3A_498, %get3A_499] {strides = array<i32>} : memref<768x64xf32, #tpu.memory_space<vmem>>, vector<16xf32>,
      %add3A_501 = arith.constant 6 : i32
      %add3A_502 = arith.addi %mul3A_301, %add3A_501 : i32
      %add3A_503 = arith.constant 1 : i32
      %add3A_504 = arith.addi %add3A_502, %add3A_503 : i32
      %get3A_505 = arith.index_cast %add3A_504 : i32 to index
      %get3A_506 = arith.constant 16 : index
      %get3A_507 = tpu.vector_load %arg6[%get3A_505, %get3A_506] {strides = array<i32>} : memref<768x64xf32, #tpu.memory_space<vmem>>, vector<16xf32>,
      %add3A_508 = arith.constant 6 : i32
      %add3A_509 = arith.addi %mul3A_301, %add3A_508 : i32
      %add3A_510 = arith.constant 1 : i32
      %add3A_511 = arith.addi %add3A_509, %add3A_510 : i32
      %get3A_512 = arith.index_cast %add3A_511 : i32 to index
      %get3A_513 = arith.constant 32 : index
      %get3A_514 = tpu.vector_load %arg6[%get3A_512, %get3A_513] {strides = array<i32>} : memref<768x64xf32, #tpu.memory_space<vmem>>, vector<16xf32>,
      %add3A_515 = arith.constant 6 : i32
      %add3A_516 = arith.addi %mul3A_301, %add3A_515 : i32
      %add3A_517 = arith.constant 1 : i32
      %add3A_518 = arith.addi %add3A_516, %add3A_517 : i32
      %get3A_519 = arith.index_cast %add3A_518 : i32 to index
      %get3A_520 = arith.constant 48 : index
      %get3A_521 = tpu.vector_load %arg6[%get3A_519, %get3A_520] {strides = array<i32>} : memref<768x64xf32, #tpu.memory_space<vmem>>, vector<16xf32>,
      tpu.vector_store_idx %arg7[%add3A_287, %rem3A_210, %broadcast_in_dim3A_493], %get3A_470 : memref<16x8x129xf32, #tpu.memory_space<vmem>>[vector<16xi32>, vector<16xi32>, vector<16xi32>], vector<16xf32>,
      tpu.vector_store_idx %arg7[%add3A_291, %rem3A_210, %broadcast_in_dim3A_493], %get3A_477 : memref<16x8x129xf32, #tpu.memory_space<vmem>>[vector<16xi32>, vector<16xi32>, vector<16xi32>], vector<16xf32>,
      tpu.vector_store_idx %arg7[%add3A_295, %rem3A_210, %broadcast_in_dim3A_493], %get3A_484 : memref<16x8x129xf32, #tpu.memory_space<vmem>>[vector<16xi32>, vector<16xi32>, vector<16xi32>], vector<16xf32>,
      tpu.vector_store_idx %arg7[%add3A_299, %rem3A_210, %broadcast_in_dim3A_493], %get3A_491 : memref<16x8x129xf32, #tpu.memory_space<vmem>>[vector<16xi32>, vector<16xi32>, vector<16xi32>], vector<16xf32>,
      %broadcast_in_dim3A_522 = arith.constant 7 : i32
      %broadcast_in_dim3A_523 = vector.broadcast %broadcast_in_dim3A_522 : i32 to vector<16xi32>
      %add3A_524 = arith.constant 7 : i32
      %add3A_525 = arith.addi %mul3A_301, %add3A_524 : i32
      %add3A_526 = arith.constant 1 : i32
      %add3A_527 = arith.addi %add3A_525, %add3A_526 : i32
      %get3A_528 = arith.index_cast %add3A_527 : i32 to index
      %get3A_529 = arith.constant 0 : index
      %get3A_530 = tpu.vector_load %arg6[%get3A_528, %get3A_529] {strides = array<i32>} : memref<768x64xf32, #tpu.memory_space<vmem>>, vector<16xf32>,
      %add3A_531 = arith.constant 7 : i32
      %add3A_532 = arith.addi %mul3A_301, %add3A_531 : i32
      %add3A_533 = arith.constant 1 : i32
      %add3A_534 = arith.addi %add3A_532, %add3A_533 : i32
      %get3A_535 = arith.index_cast %add3A_534 : i32 to index
      %get3A_536 = arith.constant 16 : index
      %get3A_537 = tpu.vector_load %arg6[%get3A_535, %get3A_536] {strides = array<i32>} : memref<768x64xf32, #tpu.memory_space<vmem>>, vector<16xf32>,
      %add3A_538 = arith.constant 7 : i32
      %add3A_539 = arith.addi %mul3A_301, %add3A_538 : i32
      %add3A_540 = arith.constant 1 : i32
      %add3A_541 = arith.addi %add3A_539, %add3A_540 : i32
      %get3A_542 = arith.index_cast %add3A_541 : i32 to index
      %get3A_543 = arith.constant 32 : index
      %get3A_544 = tpu.vector_load %arg6[%get3A_542, %get3A_543] {strides = array<i32>} : memref<768x64xf32, #tpu.memory_space<vmem>>, vector<16xf32>,
      %add3A_545 = arith.constant 7 : i32
      %add3A_546 = arith.addi %mul3A_301, %add3A_545 : i32
      %add3A_547 = arith.constant 1 : i32
      %add3A_548 = arith.addi %add3A_546, %add3A_547 : i32
      %get3A_549 = arith.index_cast %add3A_548 : i32 to index
      %get3A_550 = arith.constant 48 : index
      %get3A_551 = tpu.vector_load %arg6[%get3A_549, %get3A_550] {strides = array<i32>} : memref<768x64xf32, #tpu.memory_space<vmem>>, vector<16xf32>,
      tpu.vector_store_idx %arg7[%add3A_287, %rem3A_210, %broadcast_in_dim3A_523], %get3A_500 : memref<16x8x129xf32, #tpu.memory_space<vmem>>[vector<16xi32>, vector<16xi32>, vector<16xi32>], vector<16xf32>,
      tpu.vector_store_idx %arg7[%add3A_291, %rem3A_210, %broadcast_in_dim3A_523], %get3A_507 : memref<16x8x129xf32, #tpu.memory_space<vmem>>[vector<16xi32>, vector<16xi32>, vector<16xi32>], vector<16xf32>,
      tpu.vector_store_idx %arg7[%add3A_295, %rem3A_210, %broadcast_in_dim3A_523], %get3A_514 : memref<16x8x129xf32, #tpu.memory_space<vmem>>[vector<16xi32>, vector<16xi32>, vector<16xi32>], vector<16xf32>,
      tpu.vector_store_idx %arg7[%add3A_299, %rem3A_210, %broadcast_in_dim3A_523], %get3A_521 : memref<16x8x129xf32, #tpu.memory_space<vmem>>[vector<16xi32>, vector<16xi32>, vector<16xi32>], vector<16xf32>,
      %broadcast_in_dim3A_552 = arith.constant 8 : i32
      %broadcast_in_dim3A_553 = vector.broadcast %broadcast_in_dim3A_552 : i32 to vector<16xi32>
      %add3A_554 = arith.constant 8 : i32
      %add3A_555 = arith.addi %mul3A_301, %add3A_554 : i32
      %add3A_556 = arith.constant 1 : i32
      %add3A_557 = arith.addi %add3A_555, %add3A_556 : i32
      %get3A_558 = arith.index_cast %add3A_557 : i32 to index
      %get3A_559 = arith.constant 0 : index
      %get3A_560 = tpu.vector_load %arg6[%get3A_558, %get3A_559] {strides = array<i32>} : memref<768x64xf32, #tpu.memory_space<vmem>>, vector<16xf32>,
      %add3A_561 = arith.constant 8 : i32
      %add3A_562 = arith.addi %mul3A_301, %add3A_561 : i32
      %add3A_563 = arith.constant 1 : i32
      %add3A_564 = arith.addi %add3A_562, %add3A_563 : i32
      %get3A_565 = arith.index_cast %add3A_564 : i32 to index
      %get3A_566 = arith.constant 16 : index
      %get3A_567 = tpu.vector_load %arg6[%get3A_565, %get3A_566] {strides = array<i32>} : memref<768x64xf32, #tpu.memory_space<vmem>>, vector<16xf32>,
      %add3A_568 = arith.constant 8 : i32
      %add3A_569 = arith.addi %mul3A_301, %add3A_568 : i32
      %add3A_570 = arith.constant 1 : i32
      %add3A_571 = arith.addi %add3A_569, %add3A_570 : i32
      %get3A_572 = arith.index_cast %add3A_571 : i32 to index
      %get3A_573 = arith.constant 32 : index
      %get3A_574 = tpu.vector_load %arg6[%get3A_572, %get3A_573] {strides = array<i32>} : memref<768x64xf32, #tpu.memory_space<vmem>>, vector<16xf32>,
      %add3A_575 = arith.constant 8 : i32
      %add3A_576 = arith.addi %mul3A_301, %add3A_575 : i32
      %add3A_577 = arith.constant 1 : i32
      %add3A_578 = arith.addi %add3A_576, %add3A_577 : i32
      %get3A_579 = arith.index_cast %add3A_578 : i32 to index
      %get3A_580 = arith.constant 48 : index
      %get3A_581 = tpu.vector_load %arg6[%get3A_579, %get3A_580] {strides = array<i32>} : memref<768x64xf32, #tpu.memory_space<vmem>>, vector<16xf32>,
      tpu.vector_store_idx %arg7[%add3A_287, %rem3A_210, %broadcast_in_dim3A_553], %get3A_530 : memref<16x8x129xf32, #tpu.memory_space<vmem>>[vector<16xi32>, vector<16xi32>, vector<16xi32>], vector<16xf32>,
      tpu.vector_store_idx %arg7[%add3A_291, %rem3A_210, %broadcast_in_dim3A_553], %get3A_537 : memref<16x8x129xf32, #tpu.memory_space<vmem>>[vector<16xi32>, vector<16xi32>, vector<16xi32>], vector<16xf32>,
      tpu.vector_store_idx %arg7[%add3A_295, %rem3A_210, %broadcast_in_dim3A_553], %get3A_544 : memref<16x8x129xf32, #tpu.memory_space<vmem>>[vector<16xi32>, vector<16xi32>, vector<16xi32>], vector<16xf32>,
      tpu.vector_store_idx %arg7[%add3A_299, %rem3A_210, %broadcast_in_dim3A_553], %get3A_551 : memref<16x8x129xf32, #tpu.memory_space<vmem>>[vector<16xi32>, vector<16xi32>, vector<16xi32>], vector<16xf32>,
      %broadcast_in_dim3A_582 = arith.constant 9 : i32
      %broadcast_in_dim3A_583 = vector.broadcast %broadcast_in_dim3A_582 : i32 to vector<16xi32>
      %add3A_584 = arith.constant 9 : i32
      %add3A_585 = arith.addi %mul3A_301, %add3A_584 : i32
      %add3A_586 = arith.constant 1 : i32
      %add3A_587 = arith.addi %add3A_585, %add3A_586 : i32
      %get3A_588 = arith.index_cast %add3A_587 : i32 to index
      %get3A_589 = arith.constant 0 : index
      %get3A_590 = tpu.vector_load %arg6[%get3A_588, %get3A_589] {strides = array<i32>} : memref<768x64xf32, #tpu.memory_space<vmem>>, vector<16xf32>,
      %add3A_591 = arith.constant 9 : i32
      %add3A_592 = arith.addi %mul3A_301, %add3A_591 : i32
      %add3A_593 = arith.constant 1 : i32
      %add3A_594 = arith.addi %add3A_592, %add3A_593 : i32
      %get3A_595 = arith.index_cast %add3A_594 : i32 to index
      %get3A_596 = arith.constant 16 : index
      %get3A_597 = tpu.vector_load %arg6[%get3A_595, %get3A_596] {strides = array<i32>} : memref<768x64xf32, #tpu.memory_space<vmem>>, vector<16xf32>,
      %add3A_598 = arith.constant 9 : i32
      %add3A_599 = arith.addi %mul3A_301, %add3A_598 : i32
      %add3A_600 = arith.constant 1 : i32
      %add3A_601 = arith.addi %add3A_599, %add3A_600 : i32
      %get3A_602 = arith.index_cast %add3A_601 : i32 to index
      %get3A_603 = arith.constant 32 : index
      %get3A_604 = tpu.vector_load %arg6[%get3A_602, %get3A_603] {strides = array<i32>} : memref<768x64xf32, #tpu.memory_space<vmem>>, vector<16xf32>,
      %add3A_605 = arith.constant 9 : i32
      %add3A_606 = arith.addi %mul3A_301, %add3A_605 : i32
      %add3A_607 = arith.constant 1 : i32
      %add3A_608 = arith.addi %add3A_606, %add3A_607 : i32
      %get3A_609 = arith.index_cast %add3A_608 : i32 to index
      %get3A_610 = arith.constant 48 : index
      %get3A_611 = tpu.vector_load %arg6[%get3A_609, %get3A_610] {strides = array<i32>} : memref<768x64xf32, #tpu.memory_space<vmem>>, vector<16xf32>,
      tpu.vector_store_idx %arg7[%add3A_287, %rem3A_210, %broadcast_in_dim3A_583], %get3A_560 : memref<16x8x129xf32, #tpu.memory_space<vmem>>[vector<16xi32>, vector<16xi32>, vector<16xi32>], vector<16xf32>,
      tpu.vector_store_idx %arg7[%add3A_291, %rem3A_210, %broadcast_in_dim3A_583], %get3A_567 : memref<16x8x129xf32, #tpu.memory_space<vmem>>[vector<16xi32>, vector<16xi32>, vector<16xi32>], vector<16xf32>,
      tpu.vector_store_idx %arg7[%add3A_295, %rem3A_210, %broadcast_in_dim3A_583], %get3A_574 : memref<16x8x129xf32, #tpu.memory_space<vmem>>[vector<16xi32>, vector<16xi32>, vector<16xi32>], vector<16xf32>,
      tpu.vector_store_idx %arg7[%add3A_299, %rem3A_210, %broadcast_in_dim3A_583], %get3A_581 : memref<16x8x129xf32, #tpu.memory_space<vmem>>[vector<16xi32>, vector<16xi32>, vector<16xi32>], vector<16xf32>,
      %broadcast_in_dim3A_612 = arith.constant 10 : i32
      %broadcast_in_dim3A_613 = vector.broadcast %broadcast_in_dim3A_612 : i32 to vector<16xi32>
      %add3A_614 = arith.constant 10 : i32
      %add3A_615 = arith.addi %mul3A_301, %add3A_614 : i32
      %add3A_616 = arith.constant 1 : i32
      %add3A_617 = arith.addi %add3A_615, %add3A_616 : i32
      %get3A_618 = arith.index_cast %add3A_617 : i32 to index
      %get3A_619 = arith.constant 0 : index
      %get3A_620 = tpu.vector_load %arg6[%get3A_618, %get3A_619] {strides = array<i32>} : memref<768x64xf32, #tpu.memory_space<vmem>>, vector<16xf32>,
      %add3A_621 = arith.constant 10 : i32
      %add3A_622 = arith.addi %mul3A_301, %add3A_621 : i32
      %add3A_623 = arith.constant 1 : i32
      %add3A_624 = arith.addi %add3A_622, %add3A_623 : i32
      %get3A_625 = arith.index_cast %add3A_624 : i32 to index
      %get3A_626 = arith.constant 16 : index
      %get3A_627 = tpu.vector_load %arg6[%get3A_625, %get3A_626] {strides = array<i32>} : memref<768x64xf32, #tpu.memory_space<vmem>>, vector<16xf32>,
      %add3A_628 = arith.constant 10 : i32
      %add3A_629 = arith.addi %mul3A_301, %add3A_628 : i32
      %add3A_630 = arith.constant 1 : i32
      %add3A_631 = arith.addi %add3A_629, %add3A_630 : i32
      %get3A_632 = arith.index_cast %add3A_631 : i32 to index
      %get3A_633 = arith.constant 32 : index
      %get3A_634 = tpu.vector_load %arg6[%get3A_632, %get3A_633] {strides = array<i32>} : memref<768x64xf32, #tpu.memory_space<vmem>>, vector<16xf32>,
      %add3A_635 = arith.constant 10 : i32
      %add3A_636 = arith.addi %mul3A_301, %add3A_635 : i32
      %add3A_637 = arith.constant 1 : i32
      %add3A_638 = arith.addi %add3A_636, %add3A_637 : i32
      %get3A_639 = arith.index_cast %add3A_638 : i32 to index
      %get3A_640 = arith.constant 48 : index
      %get3A_641 = tpu.vector_load %arg6[%get3A_639, %get3A_640] {strides = array<i32>} : memref<768x64xf32, #tpu.memory_space<vmem>>, vector<16xf32>,
      tpu.vector_store_idx %arg7[%add3A_287, %rem3A_210, %broadcast_in_dim3A_613], %get3A_590 : memref<16x8x129xf32, #tpu.memory_space<vmem>>[vector<16xi32>, vector<16xi32>, vector<16xi32>], vector<16xf32>,
      tpu.vector_store_idx %arg7[%add3A_291, %rem3A_210, %broadcast_in_dim3A_613], %get3A_597 : memref<16x8x129xf32, #tpu.memory_space<vmem>>[vector<16xi32>, vector<16xi32>, vector<16xi32>], vector<16xf32>,
      tpu.vector_store_idx %arg7[%add3A_295, %rem3A_210, %broadcast_in_dim3A_613], %get3A_604 : memref<16x8x129xf32, #tpu.memory_space<vmem>>[vector<16xi32>, vector<16xi32>, vector<16xi32>], vector<16xf32>,
      tpu.vector_store_idx %arg7[%add3A_299, %rem3A_210, %broadcast_in_dim3A_613], %get3A_611 : memref<16x8x129xf32, #tpu.memory_space<vmem>>[vector<16xi32>, vector<16xi32>, vector<16xi32>], vector<16xf32>,
      %broadcast_in_dim3A_642 = arith.constant 11 : i32
      %broadcast_in_dim3A_643 = vector.broadcast %broadcast_in_dim3A_642 : i32 to vector<16xi32>
      %add3A_644 = arith.constant 11 : i32
      %add3A_645 = arith.addi %mul3A_301, %add3A_644 : i32
      %add3A_646 = arith.constant 1 : i32
      %add3A_647 = arith.addi %add3A_645, %add3A_646 : i32
      %get3A_648 = arith.index_cast %add3A_647 : i32 to index
      %get3A_649 = arith.constant 0 : index
      %get3A_650 = tpu.vector_load %arg6[%get3A_648, %get3A_649] {strides = array<i32>} : memref<768x64xf32, #tpu.memory_space<vmem>>, vector<16xf32>,
      %add3A_651 = arith.constant 11 : i32
      %add3A_652 = arith.addi %mul3A_301, %add3A_651 : i32
      %add3A_653 = arith.constant 1 : i32
      %add3A_654 = arith.addi %add3A_652, %add3A_653 : i32
      %get3A_655 = arith.index_cast %add3A_654 : i32 to index
      %get3A_656 = arith.constant 16 : index
      %get3A_657 = tpu.vector_load %arg6[%get3A_655, %get3A_656] {strides = array<i32>} : memref<768x64xf32, #tpu.memory_space<vmem>>, vector<16xf32>,
      %add3A_658 = arith.constant 11 : i32
      %add3A_659 = arith.addi %mul3A_301, %add3A_658 : i32
      %add3A_660 = arith.constant 1 : i32
      %add3A_661 = arith.addi %add3A_659, %add3A_660 : i32
      %get3A_662 = arith.index_cast %add3A_661 : i32 to index
      %get3A_663 = arith.constant 32 : index
      %get3A_664 = tpu.vector_load %arg6[%get3A_662, %get3A_663] {strides = array<i32>} : memref<768x64xf32, #tpu.memory_space<vmem>>, vector<16xf32>,
      %add3A_665 = arith.constant 11 : i32
      %add3A_666 = arith.addi %mul3A_301, %add3A_665 : i32
      %add3A_667 = arith.constant 1 : i32
      %add3A_668 = arith.addi %add3A_666, %add3A_667 : i32
      %get3A_669 = arith.index_cast %add3A_668 : i32 to index
      %get3A_670 = arith.constant 48 : index
      %get3A_671 = tpu.vector_load %arg6[%get3A_669, %get3A_670] {strides = array<i32>} : memref<768x64xf32, #tpu.memory_space<vmem>>, vector<16xf32>,
      tpu.vector_store_idx %arg7[%add3A_287, %rem3A_210, %broadcast_in_dim3A_643], %get3A_620 : memref<16x8x129xf32, #tpu.memory_space<vmem>>[vector<16xi32>, vector<16xi32>, vector<16xi32>], vector<16xf32>,
      tpu.vector_store_idx %arg7[%add3A_291, %rem3A_210, %broadcast_in_dim3A_643], %get3A_627 : memref<16x8x129xf32, #tpu.memory_space<vmem>>[vector<16xi32>, vector<16xi32>, vector<16xi32>], vector<16xf32>,
      tpu.vector_store_idx %arg7[%add3A_295, %rem3A_210, %broadcast_in_dim3A_643], %get3A_634 : memref<16x8x129xf32, #tpu.memory_space<vmem>>[vector<16xi32>, vector<16xi32>, vector<16xi32>], vector<16xf32>,
      tpu.vector_store_idx %arg7[%add3A_299, %rem3A_210, %broadcast_in_dim3A_643], %get3A_641 : memref<16x8x129xf32, #tpu.memory_space<vmem>>[vector<16xi32>, vector<16xi32>, vector<16xi32>], vector<16xf32>,
      %broadcast_in_dim3A_672 = arith.constant 12 : i32
      %broadcast_in_dim3A_673 = vector.broadcast %broadcast_in_dim3A_672 : i32 to vector<16xi32>
      %add3A_674 = arith.constant 12 : i32
      %add3A_675 = arith.addi %mul3A_301, %add3A_674 : i32
      %add3A_676 = arith.constant 1 : i32
      %add3A_677 = arith.addi %add3A_675, %add3A_676 : i32
      %get3A_678 = arith.index_cast %add3A_677 : i32 to index
      %get3A_679 = arith.constant 0 : index
      %get3A_680 = tpu.vector_load %arg6[%get3A_678, %get3A_679] {strides = array<i32>} : memref<768x64xf32, #tpu.memory_space<vmem>>, vector<16xf32>,
      %add3A_681 = arith.constant 12 : i32
      %add3A_682 = arith.addi %mul3A_301, %add3A_681 : i32
      %add3A_683 = arith.constant 1 : i32
      %add3A_684 = arith.addi %add3A_682, %add3A_683 : i32
      %get3A_685 = arith.index_cast %add3A_684 : i32 to index
      %get3A_686 = arith.constant 16 : index
      %get3A_687 = tpu.vector_load %arg6[%get3A_685, %get3A_686] {strides = array<i32>} : memref<768x64xf32, #tpu.memory_space<vmem>>, vector<16xf32>,
      %add3A_688 = arith.constant 12 : i32
      %add3A_689 = arith.addi %mul3A_301, %add3A_688 : i32
      %add3A_690 = arith.constant 1 : i32
      %add3A_691 = arith.addi %add3A_689, %add3A_690 : i32
      %get3A_692 = arith.index_cast %add3A_691 : i32 to index
      %get3A_693 = arith.constant 32 : index
      %get3A_694 = tpu.vector_load %arg6[%get3A_692, %get3A_693] {strides = array<i32>} : memref<768x64xf32, #tpu.memory_space<vmem>>, vector<16xf32>,
      %add3A_695 = arith.constant 12 : i32
      %add3A_696 = arith.addi %mul3A_301, %add3A_695 : i32
      %add3A_697 = arith.constant 1 : i32
      %add3A_698 = arith.addi %add3A_696, %add3A_697 : i32
      %get3A_699 = arith.index_cast %add3A_698 : i32 to index
      %get3A_700 = arith.constant 48 : index
      %get3A_701 = tpu.vector_load %arg6[%get3A_699, %get3A_700] {strides = array<i32>} : memref<768x64xf32, #tpu.memory_space<vmem>>, vector<16xf32>,
      tpu.vector_store_idx %arg7[%add3A_287, %rem3A_210, %broadcast_in_dim3A_673], %get3A_650 : memref<16x8x129xf32, #tpu.memory_space<vmem>>[vector<16xi32>, vector<16xi32>, vector<16xi32>], vector<16xf32>,
      tpu.vector_store_idx %arg7[%add3A_291, %rem3A_210, %broadcast_in_dim3A_673], %get3A_657 : memref<16x8x129xf32, #tpu.memory_space<vmem>>[vector<16xi32>, vector<16xi32>, vector<16xi32>], vector<16xf32>,
      tpu.vector_store_idx %arg7[%add3A_295, %rem3A_210, %broadcast_in_dim3A_673], %get3A_664 : memref<16x8x129xf32, #tpu.memory_space<vmem>>[vector<16xi32>, vector<16xi32>, vector<16xi32>], vector<16xf32>,
      tpu.vector_store_idx %arg7[%add3A_299, %rem3A_210, %broadcast_in_dim3A_673], %get3A_671 : memref<16x8x129xf32, #tpu.memory_space<vmem>>[vector<16xi32>, vector<16xi32>, vector<16xi32>], vector<16xf32>,
      %broadcast_in_dim3A_702 = arith.constant 13 : i32
      %broadcast_in_dim3A_703 = vector.broadcast %broadcast_in_dim3A_702 : i32 to vector<16xi32>
      %add3A_704 = arith.constant 13 : i32
      %add3A_705 = arith.addi %mul3A_301, %add3A_704 : i32
      %add3A_706 = arith.constant 1 : i32
      %add3A_707 = arith.addi %add3A_705, %add3A_706 : i32
      %get3A_708 = arith.index_cast %add3A_707 : i32 to index
      %get3A_709 = arith.constant 0 : index
      %get3A_710 = tpu.vector_load %arg6[%get3A_708, %get3A_709] {strides = array<i32>} : memref<768x64xf32, #tpu.memory_space<vmem>>, vector<16xf32>,
      %add3A_711 = arith.constant 13 : i32
      %add3A_712 = arith.addi %mul3A_301, %add3A_711 : i32
      %add3A_713 = arith.constant 1 : i32
      %add3A_714 = arith.addi %add3A_712, %add3A_713 : i32
      %get3A_715 = arith.index_cast %add3A_714 : i32 to index
      %get3A_716 = arith.constant 16 : index
      %get3A_717 = tpu.vector_load %arg6[%get3A_715, %get3A_716] {strides = array<i32>} : memref<768x64xf32, #tpu.memory_space<vmem>>, vector<16xf32>,
      %add3A_718 = arith.constant 13 : i32
      %add3A_719 = arith.addi %mul3A_301, %add3A_718 : i32
      %add3A_720 = arith.constant 1 : i32
      %add3A_721 = arith.addi %add3A_719, %add3A_720 : i32
      %get3A_722 = arith.index_cast %add3A_721 : i32 to index
      %get3A_723 = arith.constant 32 : index
      %get3A_724 = tpu.vector_load %arg6[%get3A_722, %get3A_723] {strides = array<i32>} : memref<768x64xf32, #tpu.memory_space<vmem>>, vector<16xf32>,
      %add3A_725 = arith.constant 13 : i32
      %add3A_726 = arith.addi %mul3A_301, %add3A_725 : i32
      %add3A_727 = arith.constant 1 : i32
      %add3A_728 = arith.addi %add3A_726, %add3A_727 : i32
      %get3A_729 = arith.index_cast %add3A_728 : i32 to index
      %get3A_730 = arith.constant 48 : index
      %get3A_731 = tpu.vector_load %arg6[%get3A_729, %get3A_730] {strides = array<i32>} : memref<768x64xf32, #tpu.memory_space<vmem>>, vector<16xf32>,
      tpu.vector_store_idx %arg7[%add3A_287, %rem3A_210, %broadcast_in_dim3A_703], %get3A_680 : memref<16x8x129xf32, #tpu.memory_space<vmem>>[vector<16xi32>, vector<16xi32>, vector<16xi32>], vector<16xf32>,
      tpu.vector_store_idx %arg7[%add3A_291, %rem3A_210, %broadcast_in_dim3A_703], %get3A_687 : memref<16x8x129xf32, #tpu.memory_space<vmem>>[vector<16xi32>, vector<16xi32>, vector<16xi32>], vector<16xf32>,
      tpu.vector_store_idx %arg7[%add3A_295, %rem3A_210, %broadcast_in_dim3A_703], %get3A_694 : memref<16x8x129xf32, #tpu.memory_space<vmem>>[vector<16xi32>, vector<16xi32>, vector<16xi32>], vector<16xf32>,
      tpu.vector_store_idx %arg7[%add3A_299, %rem3A_210, %broadcast_in_dim3A_703], %get3A_701 : memref<16x8x129xf32, #tpu.memory_space<vmem>>[vector<16xi32>, vector<16xi32>, vector<16xi32>], vector<16xf32>,
      %broadcast_in_dim3A_732 = arith.constant 14 : i32
      %broadcast_in_dim3A_733 = vector.broadcast %broadcast_in_dim3A_732 : i32 to vector<16xi32>
      %add3A_734 = arith.constant 14 : i32
      %add3A_735 = arith.addi %mul3A_301, %add3A_734 : i32
      %add3A_736 = arith.constant 1 : i32
      %add3A_737 = arith.addi %add3A_735, %add3A_736 : i32
      %get3A_738 = arith.index_cast %add3A_737 : i32 to index
      %get3A_739 = arith.constant 0 : index
      %get3A_740 = tpu.vector_load %arg6[%get3A_738, %get3A_739] {strides = array<i32>} : memref<768x64xf32, #tpu.memory_space<vmem>>, vector<16xf32>,
      %add3A_741 = arith.constant 14 : i32
      %add3A_742 = arith.addi %mul3A_301, %add3A_741 : i32
      %add3A_743 = arith.constant 1 : i32
      %add3A_744 = arith.addi %add3A_742, %add3A_743 : i32
      %get3A_745 = arith.index_cast %add3A_744 : i32 to index
      %get3A_746 = arith.constant 16 : index
      %get3A_747 = tpu.vector_load %arg6[%get3A_745, %get3A_746] {strides = array<i32>} : memref<768x64xf32, #tpu.memory_space<vmem>>, vector<16xf32>,
      %add3A_748 = arith.constant 14 : i32
      %add3A_749 = arith.addi %mul3A_301, %add3A_748 : i32
      %add3A_750 = arith.constant 1 : i32
      %add3A_751 = arith.addi %add3A_749, %add3A_750 : i32
      %get3A_752 = arith.index_cast %add3A_751 : i32 to index
      %get3A_753 = arith.constant 32 : index
      %get3A_754 = tpu.vector_load %arg6[%get3A_752, %get3A_753] {strides = array<i32>} : memref<768x64xf32, #tpu.memory_space<vmem>>, vector<16xf32>,
      %add3A_755 = arith.constant 14 : i32
      %add3A_756 = arith.addi %mul3A_301, %add3A_755 : i32
      %add3A_757 = arith.constant 1 : i32
      %add3A_758 = arith.addi %add3A_756, %add3A_757 : i32
      %get3A_759 = arith.index_cast %add3A_758 : i32 to index
      %get3A_760 = arith.constant 48 : index
      %get3A_761 = tpu.vector_load %arg6[%get3A_759, %get3A_760] {strides = array<i32>} : memref<768x64xf32, #tpu.memory_space<vmem>>, vector<16xf32>,
      tpu.vector_store_idx %arg7[%add3A_287, %rem3A_210, %broadcast_in_dim3A_733], %get3A_710 : memref<16x8x129xf32, #tpu.memory_space<vmem>>[vector<16xi32>, vector<16xi32>, vector<16xi32>], vector<16xf32>,
      tpu.vector_store_idx %arg7[%add3A_291, %rem3A_210, %broadcast_in_dim3A_733], %get3A_717 : memref<16x8x129xf32, #tpu.memory_space<vmem>>[vector<16xi32>, vector<16xi32>, vector<16xi32>], vector<16xf32>,
      tpu.vector_store_idx %arg7[%add3A_295, %rem3A_210, %broadcast_in_dim3A_733], %get3A_724 : memref<16x8x129xf32, #tpu.memory_space<vmem>>[vector<16xi32>, vector<16xi32>, vector<16xi32>], vector<16xf32>,
      tpu.vector_store_idx %arg7[%add3A_299, %rem3A_210, %broadcast_in_dim3A_733], %get3A_731 : memref<16x8x129xf32, #tpu.memory_space<vmem>>[vector<16xi32>, vector<16xi32>, vector<16xi32>], vector<16xf32>,
      %broadcast_in_dim3A_762 = arith.constant 15 : i32
      %broadcast_in_dim3A_763 = vector.broadcast %broadcast_in_dim3A_762 : i32 to vector<16xi32>
      %add3A_764 = arith.constant 15 : i32
      %add3A_765 = arith.addi %mul3A_301, %add3A_764 : i32
      %add3A_766 = arith.constant 1 : i32
      %add3A_767 = arith.addi %add3A_765, %add3A_766 : i32
      %get3A_768 = arith.index_cast %add3A_767 : i32 to index
      %get3A_769 = arith.constant 0 : index
      %get3A_770 = tpu.vector_load %arg6[%get3A_768, %get3A_769] {strides = array<i32>} : memref<768x64xf32, #tpu.memory_space<vmem>>, vector<16xf32>,
      %add3A_771 = arith.constant 15 : i32
      %add3A_772 = arith.addi %mul3A_301, %add3A_771 : i32
      %add3A_773 = arith.constant 1 : i32
      %add3A_774 = arith.addi %add3A_772, %add3A_773 : i32
      %get3A_775 = arith.index_cast %add3A_774 : i32 to index
      %get3A_776 = arith.constant 16 : index
      %get3A_777 = tpu.vector_load %arg6[%get3A_775, %get3A_776] {strides = array<i32>} : memref<768x64xf32, #tpu.memory_space<vmem>>, vector<16xf32>,
      %add3A_778 = arith.constant 15 : i32
      %add3A_779 = arith.addi %mul3A_301, %add3A_778 : i32
      %add3A_780 = arith.constant 1 : i32
      %add3A_781 = arith.addi %add3A_779, %add3A_780 : i32
      %get3A_782 = arith.index_cast %add3A_781 : i32 to index
      %get3A_783 = arith.constant 32 : index
      %get3A_784 = tpu.vector_load %arg6[%get3A_782, %get3A_783] {strides = array<i32>} : memref<768x64xf32, #tpu.memory_space<vmem>>, vector<16xf32>,
      %add3A_785 = arith.constant 15 : i32
      %add3A_786 = arith.addi %mul3A_301, %add3A_785 : i32
      %add3A_787 = arith.constant 1 : i32
      %add3A_788 = arith.addi %add3A_786, %add3A_787 : i32
      %get3A_789 = arith.index_cast %add3A_788 : i32 to index
      %get3A_790 = arith.constant 48 : index
      %get3A_791 = tpu.vector_load %arg6[%get3A_789, %get3A_790] {strides = array<i32>} : memref<768x64xf32, #tpu.memory_space<vmem>>, vector<16xf32>,
      tpu.vector_store_idx %arg7[%add3A_287, %rem3A_210, %broadcast_in_dim3A_763], %get3A_740 : memref<16x8x129xf32, #tpu.memory_space<vmem>>[vector<16xi32>, vector<16xi32>, vector<16xi32>], vector<16xf32>,
      tpu.vector_store_idx %arg7[%add3A_291, %rem3A_210, %broadcast_in_dim3A_763], %get3A_747 : memref<16x8x129xf32, #tpu.memory_space<vmem>>[vector<16xi32>, vector<16xi32>, vector<16xi32>], vector<16xf32>,
      tpu.vector_store_idx %arg7[%add3A_295, %rem3A_210, %broadcast_in_dim3A_763], %get3A_754 : memref<16x8x129xf32, #tpu.memory_space<vmem>>[vector<16xi32>, vector<16xi32>, vector<16xi32>], vector<16xf32>,
      tpu.vector_store_idx %arg7[%add3A_299, %rem3A_210, %broadcast_in_dim3A_763], %get3A_761 : memref<16x8x129xf32, #tpu.memory_space<vmem>>[vector<16xi32>, vector<16xi32>, vector<16xi32>], vector<16xf32>,
      %broadcast_in_dim3A_792 = arith.constant 16 : i32
      %broadcast_in_dim3A_793 = vector.broadcast %broadcast_in_dim3A_792 : i32 to vector<16xi32>
      %add3A_794 = arith.constant 16 : i32
      %add3A_795 = arith.addi %mul3A_301, %add3A_794 : i32
      %add3A_796 = arith.constant 1 : i32
      %add3A_797 = arith.addi %add3A_795, %add3A_796 : i32
      %get3A_798 = arith.index_cast %add3A_797 : i32 to index
      %get3A_799 = arith.constant 0 : index
      %get3A_800 = tpu.vector_load %arg6[%get3A_798, %get3A_799] {strides = array<i32>} : memref<768x64xf32, #tpu.memory_space<vmem>>, vector<16xf32>,
      %add3A_801 = arith.constant 16 : i32
      %add3A_802 = arith.addi %mul3A_301, %add3A_801 : i32
      %add3A_803 = arith.constant 1 : i32
      %add3A_804 = arith.addi %add3A_802, %add3A_803 : i32
      %get3A_805 = arith.index_cast %add3A_804 : i32 to index
      %get3A_806 = arith.constant 16 : index
      %get3A_807 = tpu.vector_load %arg6[%get3A_805, %get3A_806] {strides = array<i32>} : memref<768x64xf32, #tpu.memory_space<vmem>>, vector<16xf32>,
      %add3A_808 = arith.constant 16 : i32
      %add3A_809 = arith.addi %mul3A_301, %add3A_808 : i32
      %add3A_810 = arith.constant 1 : i32
      %add3A_811 = arith.addi %add3A_809, %add3A_810 : i32
      %get3A_812 = arith.index_cast %add3A_811 : i32 to index
      %get3A_813 = arith.constant 32 : index
      %get3A_814 = tpu.vector_load %arg6[%get3A_812, %get3A_813] {strides = array<i32>} : memref<768x64xf32, #tpu.memory_space<vmem>>, vector<16xf32>,
      %add3A_815 = arith.constant 16 : i32
      %add3A_816 = arith.addi %mul3A_301, %add3A_815 : i32
      %add3A_817 = arith.constant 1 : i32
      %add3A_818 = arith.addi %add3A_816, %add3A_817 : i32
      %get3A_819 = arith.index_cast %add3A_818 : i32 to index
      %get3A_820 = arith.constant 48 : index
      %get3A_821 = tpu.vector_load %arg6[%get3A_819, %get3A_820] {strides = array<i32>} : memref<768x64xf32, #tpu.memory_space<vmem>>, vector<16xf32>,
      tpu.vector_store_idx %arg7[%add3A_287, %rem3A_210, %broadcast_in_dim3A_793], %get3A_770 : memref<16x8x129xf32, #tpu.memory_space<vmem>>[vector<16xi32>, vector<16xi32>, vector<16xi32>], vector<16xf32>,
      tpu.vector_store_idx %arg7[%add3A_291, %rem3A_210, %broadcast_in_dim3A_793], %get3A_777 : memref<16x8x129xf32, #tpu.memory_space<vmem>>[vector<16xi32>, vector<16xi32>, vector<16xi32>], vector<16xf32>,
      tpu.vector_store_idx %arg7[%add3A_295, %rem3A_210, %broadcast_in_dim3A_793], %get3A_784 : memref<16x8x129xf32, #tpu.memory_space<vmem>>[vector<16xi32>, vector<16xi32>, vector<16xi32>], vector<16xf32>,
      tpu.vector_store_idx %arg7[%add3A_299, %rem3A_210, %broadcast_in_dim3A_793], %get3A_791 : memref<16x8x129xf32, #tpu.memory_space<vmem>>[vector<16xi32>, vector<16xi32>, vector<16xi32>], vector<16xf32>,
      %broadcast_in_dim3A_822 = arith.constant 17 : i32
      %broadcast_in_dim3A_823 = vector.broadcast %broadcast_in_dim3A_822 : i32 to vector<16xi32>
      %add3A_824 = arith.constant 17 : i32
      %add3A_825 = arith.addi %mul3A_301, %add3A_824 : i32
      %add3A_826 = arith.constant 1 : i32
      %add3A_827 = arith.addi %add3A_825, %add3A_826 : i32
      %get3A_828 = arith.index_cast %add3A_827 : i32 to index
      %get3A_829 = arith.constant 0 : index
      %get3A_830 = tpu.vector_load %arg6[%get3A_828, %get3A_829] {strides = array<i32>} : memref<768x64xf32, #tpu.memory_space<vmem>>, vector<16xf32>,
      %add3A_831 = arith.constant 17 : i32
      %add3A_832 = arith.addi %mul3A_301, %add3A_831 : i32
      %add3A_833 = arith.constant 1 : i32
      %add3A_834 = arith.addi %add3A_832, %add3A_833 : i32
      %get3A_835 = arith.index_cast %add3A_834 : i32 to index
      %get3A_836 = arith.constant 16 : index
      %get3A_837 = tpu.vector_load %arg6[%get3A_835, %get3A_836] {strides = array<i32>} : memref<768x64xf32, #tpu.memory_space<vmem>>, vector<16xf32>,
      %add3A_838 = arith.constant 17 : i32
      %add3A_839 = arith.addi %mul3A_301, %add3A_838 : i32
      %add3A_840 = arith.constant 1 : i32
      %add3A_841 = arith.addi %add3A_839, %add3A_840 : i32
      %get3A_842 = arith.index_cast %add3A_841 : i32 to index
      %get3A_843 = arith.constant 32 : index
      %get3A_844 = tpu.vector_load %arg6[%get3A_842, %get3A_843] {strides = array<i32>} : memref<768x64xf32, #tpu.memory_space<vmem>>, vector<16xf32>,
      %add3A_845 = arith.constant 17 : i32
      %add3A_846 = arith.addi %mul3A_301, %add3A_845 : i32
      %add3A_847 = arith.constant 1 : i32
      %add3A_848 = arith.addi %add3A_846, %add3A_847 : i32
      %get3A_849 = arith.index_cast %add3A_848 : i32 to index
      %get3A_850 = arith.constant 48 : index
      %get3A_851 = tpu.vector_load %arg6[%get3A_849, %get3A_850] {strides = array<i32>} : memref<768x64xf32, #tpu.memory_space<vmem>>, vector<16xf32>,
      tpu.vector_store_idx %arg7[%add3A_287, %rem3A_210, %broadcast_in_dim3A_823], %get3A_800 : memref<16x8x129xf32, #tpu.memory_space<vmem>>[vector<16xi32>, vector<16xi32>, vector<16xi32>], vector<16xf32>,
      tpu.vector_store_idx %arg7[%add3A_291, %rem3A_210, %broadcast_in_dim3A_823], %get3A_807 : memref<16x8x129xf32, #tpu.memory_space<vmem>>[vector<16xi32>, vector<16xi32>, vector<16xi32>], vector<16xf32>,
      tpu.vector_store_idx %arg7[%add3A_295, %rem3A_210, %broadcast_in_dim3A_823], %get3A_814 : memref<16x8x129xf32, #tpu.memory_space<vmem>>[vector<16xi32>, vector<16xi32>, vector<16xi32>], vector<16xf32>,
      tpu.vector_store_idx %arg7[%add3A_299, %rem3A_210, %broadcast_in_dim3A_823], %get3A_821 : memref<16x8x129xf32, #tpu.memory_space<vmem>>[vector<16xi32>, vector<16xi32>, vector<16xi32>], vector<16xf32>,
      %broadcast_in_dim3A_852 = arith.constant 18 : i32
      %broadcast_in_dim3A_853 = vector.broadcast %broadcast_in_dim3A_852 : i32 to vector<16xi32>
      %add3A_854 = arith.constant 18 : i32
      %add3A_855 = arith.addi %mul3A_301, %add3A_854 : i32
      %add3A_856 = arith.constant 1 : i32
      %add3A_857 = arith.addi %add3A_855, %add3A_856 : i32
      %get3A_858 = arith.index_cast %add3A_857 : i32 to index
      %get3A_859 = arith.constant 0 : index
      %get3A_860 = tpu.vector_load %arg6[%get3A_858, %get3A_859] {strides = array<i32>} : memref<768x64xf32, #tpu.memory_space<vmem>>, vector<16xf32>,
      %add3A_861 = arith.constant 18 : i32
      %add3A_862 = arith.addi %mul3A_301, %add3A_861 : i32
      %add3A_863 = arith.constant 1 : i32
      %add3A_864 = arith.addi %add3A_862, %add3A_863 : i32
      %get3A_865 = arith.index_cast %add3A_864 : i32 to index
      %get3A_866 = arith.constant 16 : index
      %get3A_867 = tpu.vector_load %arg6[%get3A_865, %get3A_866] {strides = array<i32>} : memref<768x64xf32, #tpu.memory_space<vmem>>, vector<16xf32>,
      %add3A_868 = arith.constant 18 : i32
      %add3A_869 = arith.addi %mul3A_301, %add3A_868 : i32
      %add3A_870 = arith.constant 1 : i32
      %add3A_871 = arith.addi %add3A_869, %add3A_870 : i32
      %get3A_872 = arith.index_cast %add3A_871 : i32 to index
      %get3A_873 = arith.constant 32 : index
      %get3A_874 = tpu.vector_load %arg6[%get3A_872, %get3A_873] {strides = array<i32>} : memref<768x64xf32, #tpu.memory_space<vmem>>, vector<16xf32>,
      %add3A_875 = arith.constant 18 : i32
      %add3A_876 = arith.addi %mul3A_301, %add3A_875 : i32
      %add3A_877 = arith.constant 1 : i32
      %add3A_878 = arith.addi %add3A_876, %add3A_877 : i32
      %get3A_879 = arith.index_cast %add3A_878 : i32 to index
      %get3A_880 = arith.constant 48 : index
      %get3A_881 = tpu.vector_load %arg6[%get3A_879, %get3A_880] {strides = array<i32>} : memref<768x64xf32, #tpu.memory_space<vmem>>, vector<16xf32>,
      tpu.vector_store_idx %arg7[%add3A_287, %rem3A_210, %broadcast_in_dim3A_853], %get3A_830 : memref<16x8x129xf32, #tpu.memory_space<vmem>>[vector<16xi32>, vector<16xi32>, vector<16xi32>], vector<16xf32>,
      tpu.vector_store_idx %arg7[%add3A_291, %rem3A_210, %broadcast_in_dim3A_853], %get3A_837 : memref<16x8x129xf32, #tpu.memory_space<vmem>>[vector<16xi32>, vector<16xi32>, vector<16xi32>], vector<16xf32>,
      tpu.vector_store_idx %arg7[%add3A_295, %rem3A_210, %broadcast_in_dim3A_853], %get3A_844 : memref<16x8x129xf32, #tpu.memory_space<vmem>>[vector<16xi32>, vector<16xi32>, vector<16xi32>], vector<16xf32>,
      tpu.vector_store_idx %arg7[%add3A_299, %rem3A_210, %broadcast_in_dim3A_853], %get3A_851 : memref<16x8x129xf32, #tpu.memory_space<vmem>>[vector<16xi32>, vector<16xi32>, vector<16xi32>], vector<16xf32>,
      %broadcast_in_dim3A_882 = arith.constant 19 : i32
      %broadcast_in_dim3A_883 = vector.broadcast %broadcast_in_dim3A_882 : i32 to vector<16xi32>
      %add3A_884 = arith.constant 19 : i32
      %add3A_885 = arith.addi %mul3A_301, %add3A_884 : i32
      %add3A_886 = arith.constant 1 : i32
      %add3A_887 = arith.addi %add3A_885, %add3A_886 : i32
      %get3A_888 = arith.index_cast %add3A_887 : i32 to index
      %get3A_889 = arith.constant 0 : index
      %get3A_890 = tpu.vector_load %arg6[%get3A_888, %get3A_889] {strides = array<i32>} : memref<768x64xf32, #tpu.memory_space<vmem>>, vector<16xf32>,
      %add3A_891 = arith.constant 19 : i32
      %add3A_892 = arith.addi %mul3A_301, %add3A_891 : i32
      %add3A_893 = arith.constant 1 : i32
      %add3A_894 = arith.addi %add3A_892, %add3A_893 : i32
      %get3A_895 = arith.index_cast %add3A_894 : i32 to index
      %get3A_896 = arith.constant 16 : index
      %get3A_897 = tpu.vector_load %arg6[%get3A_895, %get3A_896] {strides = array<i32>} : memref<768x64xf32, #tpu.memory_space<vmem>>, vector<16xf32>,
      %add3A_898 = arith.constant 19 : i32
      %add3A_899 = arith.addi %mul3A_301, %add3A_898 : i32
      %add3A_900 = arith.constant 1 : i32
      %add3A_901 = arith.addi %add3A_899, %add3A_900 : i32
      %get3A_902 = arith.index_cast %add3A_901 : i32 to index
      %get3A_903 = arith.constant 32 : index
      %get3A_904 = tpu.vector_load %arg6[%get3A_902, %get3A_903] {strides = array<i32>} : memref<768x64xf32, #tpu.memory_space<vmem>>, vector<16xf32>,
      %add3A_905 = arith.constant 19 : i32
      %add3A_906 = arith.addi %mul3A_301, %add3A_905 : i32
      %add3A_907 = arith.constant 1 : i32
      %add3A_908 = arith.addi %add3A_906, %add3A_907 : i32
      %get3A_909 = arith.index_cast %add3A_908 : i32 to index
      %get3A_910 = arith.constant 48 : index
      %get3A_911 = tpu.vector_load %arg6[%get3A_909, %get3A_910] {strides = array<i32>} : memref<768x64xf32, #tpu.memory_space<vmem>>, vector<16xf32>,
      tpu.vector_store_idx %arg7[%add3A_287, %rem3A_210, %broadcast_in_dim3A_883], %get3A_860 : memref<16x8x129xf32, #tpu.memory_space<vmem>>[vector<16xi32>, vector<16xi32>, vector<16xi32>], vector<16xf32>,
      tpu.vector_store_idx %arg7[%add3A_291, %rem3A_210, %broadcast_in_dim3A_883], %get3A_867 : memref<16x8x129xf32, #tpu.memory_space<vmem>>[vector<16xi32>, vector<16xi32>, vector<16xi32>], vector<16xf32>,
      tpu.vector_store_idx %arg7[%add3A_295, %rem3A_210, %broadcast_in_dim3A_883], %get3A_874 : memref<16x8x129xf32, #tpu.memory_space<vmem>>[vector<16xi32>, vector<16xi32>, vector<16xi32>], vector<16xf32>,
      tpu.vector_store_idx %arg7[%add3A_299, %rem3A_210, %broadcast_in_dim3A_883], %get3A_881 : memref<16x8x129xf32, #tpu.memory_space<vmem>>[vector<16xi32>, vector<16xi32>, vector<16xi32>], vector<16xf32>,
      %broadcast_in_dim3A_912 = arith.constant 20 : i32
      %broadcast_in_dim3A_913 = vector.broadcast %broadcast_in_dim3A_912 : i32 to vector<16xi32>
      %add3A_914 = arith.constant 20 : i32
      %add3A_915 = arith.addi %mul3A_301, %add3A_914 : i32
      %add3A_916 = arith.constant 1 : i32
      %add3A_917 = arith.addi %add3A_915, %add3A_916 : i32
      %get3A_918 = arith.index_cast %add3A_917 : i32 to index
      %get3A_919 = arith.constant 0 : index
      %get3A_920 = tpu.vector_load %arg6[%get3A_918, %get3A_919] {strides = array<i32>} : memref<768x64xf32, #tpu.memory_space<vmem>>, vector<16xf32>,
      %add3A_921 = arith.constant 20 : i32
      %add3A_922 = arith.addi %mul3A_301, %add3A_921 : i32
      %add3A_923 = arith.constant 1 : i32
      %add3A_924 = arith.addi %add3A_922, %add3A_923 : i32
      %get3A_925 = arith.index_cast %add3A_924 : i32 to index
      %get3A_926 = arith.constant 16 : index
      %get3A_927 = tpu.vector_load %arg6[%get3A_925, %get3A_926] {strides = array<i32>} : memref<768x64xf32, #tpu.memory_space<vmem>>, vector<16xf32>,
      %add3A_928 = arith.constant 20 : i32
      %add3A_929 = arith.addi %mul3A_301, %add3A_928 : i32
      %add3A_930 = arith.constant 1 : i32
      %add3A_931 = arith.addi %add3A_929, %add3A_930 : i32
      %get3A_932 = arith.index_cast %add3A_931 : i32 to index
      %get3A_933 = arith.constant 32 : index
      %get3A_934 = tpu.vector_load %arg6[%get3A_932, %get3A_933] {strides = array<i32>} : memref<768x64xf32, #tpu.memory_space<vmem>>, vector<16xf32>,
      %add3A_935 = arith.constant 20 : i32
      %add3A_936 = arith.addi %mul3A_301, %add3A_935 : i32
      %add3A_937 = arith.constant 1 : i32
      %add3A_938 = arith.addi %add3A_936, %add3A_937 : i32
      %get3A_939 = arith.index_cast %add3A_938 : i32 to index
      %get3A_940 = arith.constant 48 : index
      %get3A_941 = tpu.vector_load %arg6[%get3A_939, %get3A_940] {strides = array<i32>} : memref<768x64xf32, #tpu.memory_space<vmem>>, vector<16xf32>,
      tpu.vector_store_idx %arg7[%add3A_287, %rem3A_210, %broadcast_in_dim3A_913], %get3A_890 : memref<16x8x129xf32, #tpu.memory_space<vmem>>[vector<16xi32>, vector<16xi32>, vector<16xi32>], vector<16xf32>,
      tpu.vector_store_idx %arg7[%add3A_291, %rem3A_210, %broadcast_in_dim3A_913], %get3A_897 : memref<16x8x129xf32, #tpu.memory_space<vmem>>[vector<16xi32>, vector<16xi32>, vector<16xi32>], vector<16xf32>,
      tpu.vector_store_idx %arg7[%add3A_295, %rem3A_210, %broadcast_in_dim3A_913], %get3A_904 : memref<16x8x129xf32, #tpu.memory_space<vmem>>[vector<16xi32>, vector<16xi32>, vector<16xi32>], vector<16xf32>,
      tpu.vector_store_idx %arg7[%add3A_299, %rem3A_210, %broadcast_in_dim3A_913], %get3A_911 : memref<16x8x129xf32, #tpu.memory_space<vmem>>[vector<16xi32>, vector<16xi32>, vector<16xi32>], vector<16xf32>,
      %broadcast_in_dim3A_942 = arith.constant 21 : i32
      %broadcast_in_dim3A_943 = vector.broadcast %broadcast_in_dim3A_942 : i32 to vector<16xi32>
      %add3A_944 = arith.constant 21 : i32
      %add3A_945 = arith.addi %mul3A_301, %add3A_944 : i32
      %add3A_946 = arith.constant 1 : i32
      %add3A_947 = arith.addi %add3A_945, %add3A_946 : i32
      %get3A_948 = arith.index_cast %add3A_947 : i32 to index
      %get3A_949 = arith.constant 0 : index
      %get3A_950 = tpu.vector_load %arg6[%get3A_948, %get3A_949] {strides = array<i32>} : memref<768x64xf32, #tpu.memory_space<vmem>>, vector<16xf32>,
      %add3A_951 = arith.constant 21 : i32
      %add3A_952 = arith.addi %mul3A_301, %add3A_951 : i32
      %add3A_953 = arith.constant 1 : i32
      %add3A_954 = arith.addi %add3A_952, %add3A_953 : i32
      %get3A_955 = arith.index_cast %add3A_954 : i32 to index
      %get3A_956 = arith.constant 16 : index
      %get3A_957 = tpu.vector_load %arg6[%get3A_955, %get3A_956] {strides = array<i32>} : memref<768x64xf32, #tpu.memory_space<vmem>>, vector<16xf32>,
      %add3A_958 = arith.constant 21 : i32
      %add3A_959 = arith.addi %mul3A_301, %add3A_958 : i32
      %add3A_960 = arith.constant 1 : i32
      %add3A_961 = arith.addi %add3A_959, %add3A_960 : i32
      %get3A_962 = arith.index_cast %add3A_961 : i32 to index
      %get3A_963 = arith.constant 32 : index
      %get3A_964 = tpu.vector_load %arg6[%get3A_962, %get3A_963] {strides = array<i32>} : memref<768x64xf32, #tpu.memory_space<vmem>>, vector<16xf32>,
      %add3A_965 = arith.constant 21 : i32
      %add3A_966 = arith.addi %mul3A_301, %add3A_965 : i32
      %add3A_967 = arith.constant 1 : i32
      %add3A_968 = arith.addi %add3A_966, %add3A_967 : i32
      %get3A_969 = arith.index_cast %add3A_968 : i32 to index
      %get3A_970 = arith.constant 48 : index
      %get3A_971 = tpu.vector_load %arg6[%get3A_969, %get3A_970] {strides = array<i32>} : memref<768x64xf32, #tpu.memory_space<vmem>>, vector<16xf32>,
      tpu.vector_store_idx %arg7[%add3A_287, %rem3A_210, %broadcast_in_dim3A_943], %get3A_920 : memref<16x8x129xf32, #tpu.memory_space<vmem>>[vector<16xi32>, vector<16xi32>, vector<16xi32>], vector<16xf32>,
      tpu.vector_store_idx %arg7[%add3A_291, %rem3A_210, %broadcast_in_dim3A_943], %get3A_927 : memref<16x8x129xf32, #tpu.memory_space<vmem>>[vector<16xi32>, vector<16xi32>, vector<16xi32>], vector<16xf32>,
      tpu.vector_store_idx %arg7[%add3A_295, %rem3A_210, %broadcast_in_dim3A_943], %get3A_934 : memref<16x8x129xf32, #tpu.memory_space<vmem>>[vector<16xi32>, vector<16xi32>, vector<16xi32>], vector<16xf32>,
      tpu.vector_store_idx %arg7[%add3A_299, %rem3A_210, %broadcast_in_dim3A_943], %get3A_941 : memref<16x8x129xf32, #tpu.memory_space<vmem>>[vector<16xi32>, vector<16xi32>, vector<16xi32>], vector<16xf32>,
      %broadcast_in_dim3A_972 = arith.constant 22 : i32
      %broadcast_in_dim3A_973 = vector.broadcast %broadcast_in_dim3A_972 : i32 to vector<16xi32>
      %add3A_974 = arith.constant 22 : i32
      %add3A_975 = arith.addi %mul3A_301, %add3A_974 : i32
      %add3A_976 = arith.constant 1 : i32
      %add3A_977 = arith.addi %add3A_975, %add3A_976 : i32
      %get3A_978 = arith.index_cast %add3A_977 : i32 to index
      %get3A_979 = arith.constant 0 : index
      %get3A_980 = tpu.vector_load %arg6[%get3A_978, %get3A_979] {strides = array<i32>} : memref<768x64xf32, #tpu.memory_space<vmem>>, vector<16xf32>,
      %add3A_981 = arith.constant 22 : i32
      %add3A_982 = arith.addi %mul3A_301, %add3A_981 : i32
      %add3A_983 = arith.constant 1 : i32
      %add3A_984 = arith.addi %add3A_982, %add3A_983 : i32
      %get3A_985 = arith.index_cast %add3A_984 : i32 to index
      %get3A_986 = arith.constant 16 : index
      %get3A_987 = tpu.vector_load %arg6[%get3A_985, %get3A_986] {strides = array<i32>} : memref<768x64xf32, #tpu.memory_space<vmem>>, vector<16xf32>,
      %add3A_988 = arith.constant 22 : i32
      %add3A_989 = arith.addi %mul3A_301, %add3A_988 : i32
      %add3A_990 = arith.constant 1 : i32
      %add3A_991 = arith.addi %add3A_989, %add3A_990 : i32
      %get3A_992 = arith.index_cast %add3A_991 : i32 to index
      %get3A_993 = arith.constant 32 : index
      %get3A_994 = tpu.vector_load %arg6[%get3A_992, %get3A_993] {strides = array<i32>} : memref<768x64xf32, #tpu.memory_space<vmem>>, vector<16xf32>,
      %add3A_995 = arith.constant 22 : i32
      %add3A_996 = arith.addi %mul3A_301, %add3A_995 : i32
      %add3A_997 = arith.constant 1 : i32
      %add3A_998 = arith.addi %add3A_996, %add3A_997 : i32
      %get3A_999 = arith.index_cast %add3A_998 : i32 to index
      %get3A_1000 = arith.constant 48 : index
      %get3A_1001 = tpu.vector_load %arg6[%get3A_999, %get3A_1000] {strides = array<i32>} : memref<768x64xf32, #tpu.memory_space<vmem>>, vector<16xf32>,
      tpu.vector_store_idx %arg7[%add3A_287, %rem3A_210, %broadcast_in_dim3A_973], %get3A_950 : memref<16x8x129xf32, #tpu.memory_space<vmem>>[vector<16xi32>, vector<16xi32>, vector<16xi32>], vector<16xf32>,
      tpu.vector_store_idx %arg7[%add3A_291, %rem3A_210, %broadcast_in_dim3A_973], %get3A_957 : memref<16x8x129xf32, #tpu.memory_space<vmem>>[vector<16xi32>, vector<16xi32>, vector<16xi32>], vector<16xf32>,
      tpu.vector_store_idx %arg7[%add3A_295, %rem3A_210, %broadcast_in_dim3A_973], %get3A_964 : memref<16x8x129xf32, #tpu.memory_space<vmem>>[vector<16xi32>, vector<16xi32>, vector<16xi32>], vector<16xf32>,
      tpu.vector_store_idx %arg7[%add3A_299, %rem3A_210, %broadcast_in_dim3A_973], %get3A_971 : memref<16x8x129xf32, #tpu.memory_space<vmem>>[vector<16xi32>, vector<16xi32>, vector<16xi32>], vector<16xf32>,
      %broadcast_in_dim3A_1002 = arith.constant 23 : i32
      %broadcast_in_dim3A_1003 = vector.broadcast %broadcast_in_dim3A_1002 : i32 to vector<16xi32>
      %add3A_1004 = arith.constant 23 : i32
      %add3A_1005 = arith.addi %mul3A_301, %add3A_1004 : i32
      %add3A_1006 = arith.constant 1 : i32
      %add3A_1007 = arith.addi %add3A_1005, %add3A_1006 : i32
      %get3A_1008 = arith.index_cast %add3A_1007 : i32 to index
      %get3A_1009 = arith.constant 0 : index
      %get3A_1010 = tpu.vector_load %arg6[%get3A_1008, %get3A_1009] {strides = array<i32>} : memref<768x64xf32, #tpu.memory_space<vmem>>, vector<16xf32>,
      %add3A_1011 = arith.constant 23 : i32
      %add3A_1012 = arith.addi %mul3A_301, %add3A_1011 : i32
      %add3A_1013 = arith.constant 1 : i32
      %add3A_1014 = arith.addi %add3A_1012, %add3A_1013 : i32
      %get3A_1015 = arith.index_cast %add3A_1014 : i32 to index
      %get3A_1016 = arith.constant 16 : index
      %get3A_1017 = tpu.vector_load %arg6[%get3A_1015, %get3A_1016] {strides = array<i32>} : memref<768x64xf32, #tpu.memory_space<vmem>>, vector<16xf32>,
      %add3A_1018 = arith.constant 23 : i32
      %add3A_1019 = arith.addi %mul3A_301, %add3A_1018 : i32
      %add3A_1020 = arith.constant 1 : i32
      %add3A_1021 = arith.addi %add3A_1019, %add3A_1020 : i32
      %get3A_1022 = arith.index_cast %add3A_1021 : i32 to index
      %get3A_1023 = arith.constant 32 : index
      %get3A_1024 = tpu.vector_load %arg6[%get3A_1022, %get3A_1023] {strides = array<i32>} : memref<768x64xf32, #tpu.memory_space<vmem>>, vector<16xf32>,
      %add3A_1025 = arith.constant 23 : i32
      %add3A_1026 = arith.addi %mul3A_301, %add3A_1025 : i32
      %add3A_1027 = arith.constant 1 : i32
      %add3A_1028 = arith.addi %add3A_1026, %add3A_1027 : i32
      %get3A_1029 = arith.index_cast %add3A_1028 : i32 to index
      %get3A_1030 = arith.constant 48 : index
      %get3A_1031 = tpu.vector_load %arg6[%get3A_1029, %get3A_1030] {strides = array<i32>} : memref<768x64xf32, #tpu.memory_space<vmem>>, vector<16xf32>,
      tpu.vector_store_idx %arg7[%add3A_287, %rem3A_210, %broadcast_in_dim3A_1003], %get3A_980 : memref<16x8x129xf32, #tpu.memory_space<vmem>>[vector<16xi32>, vector<16xi32>, vector<16xi32>], vector<16xf32>,
      tpu.vector_store_idx %arg7[%add3A_291, %rem3A_210, %broadcast_in_dim3A_1003], %get3A_987 : memref<16x8x129xf32, #tpu.memory_space<vmem>>[vector<16xi32>, vector<16xi32>, vector<16xi32>], vector<16xf32>,
      tpu.vector_store_idx %arg7[%add3A_295, %rem3A_210, %broadcast_in_dim3A_1003], %get3A_994 : memref<16x8x129xf32, #tpu.memory_space<vmem>>[vector<16xi32>, vector<16xi32>, vector<16xi32>], vector<16xf32>,
      tpu.vector_store_idx %arg7[%add3A_299, %rem3A_210, %broadcast_in_dim3A_1003], %get3A_1001 : memref<16x8x129xf32, #tpu.memory_space<vmem>>[vector<16xi32>, vector<16xi32>, vector<16xi32>], vector<16xf32>,
      %broadcast_in_dim3A_1032 = arith.constant 24 : i32
      %broadcast_in_dim3A_1033 = vector.broadcast %broadcast_in_dim3A_1032 : i32 to vector<16xi32>
      %add3A_1034 = arith.constant 24 : i32
      %add3A_1035 = arith.addi %mul3A_301, %add3A_1034 : i32
      %add3A_1036 = arith.constant 1 : i32
      %add3A_1037 = arith.addi %add3A_1035, %add3A_1036 : i32
      %get3A_1038 = arith.index_cast %add3A_1037 : i32 to index
      %get3A_1039 = arith.constant 0 : index
      %get3A_1040 = tpu.vector_load %arg6[%get3A_1038, %get3A_1039] {strides = array<i32>} : memref<768x64xf32, #tpu.memory_space<vmem>>, vector<16xf32>,
      %add3A_1041 = arith.constant 24 : i32
      %add3A_1042 = arith.addi %mul3A_301, %add3A_1041 : i32
      %add3A_1043 = arith.constant 1 : i32
      %add3A_1044 = arith.addi %add3A_1042, %add3A_1043 : i32
      %get3A_1045 = arith.index_cast %add3A_1044 : i32 to index
      %get3A_1046 = arith.constant 16 : index
      %get3A_1047 = tpu.vector_load %arg6[%get3A_1045, %get3A_1046] {strides = array<i32>} : memref<768x64xf32, #tpu.memory_space<vmem>>, vector<16xf32>,
      %add3A_1048 = arith.constant 24 : i32
      %add3A_1049 = arith.addi %mul3A_301, %add3A_1048 : i32
      %add3A_1050 = arith.constant 1 : i32
      %add3A_1051 = arith.addi %add3A_1049, %add3A_1050 : i32
      %get3A_1052 = arith.index_cast %add3A_1051 : i32 to index
      %get3A_1053 = arith.constant 32 : index
      %get3A_1054 = tpu.vector_load %arg6[%get3A_1052, %get3A_1053] {strides = array<i32>} : memref<768x64xf32, #tpu.memory_space<vmem>>, vector<16xf32>,
      %add3A_1055 = arith.constant 24 : i32
      %add3A_1056 = arith.addi %mul3A_301, %add3A_1055 : i32
      %add3A_1057 = arith.constant 1 : i32
      %add3A_1058 = arith.addi %add3A_1056, %add3A_1057 : i32
      %get3A_1059 = arith.index_cast %add3A_1058 : i32 to index
      %get3A_1060 = arith.constant 48 : index
      %get3A_1061 = tpu.vector_load %arg6[%get3A_1059, %get3A_1060] {strides = array<i32>} : memref<768x64xf32, #tpu.memory_space<vmem>>, vector<16xf32>,
      tpu.vector_store_idx %arg7[%add3A_287, %rem3A_210, %broadcast_in_dim3A_1033], %get3A_1010 : memref<16x8x129xf32, #tpu.memory_space<vmem>>[vector<16xi32>, vector<16xi32>, vector<16xi32>], vector<16xf32>,
      tpu.vector_store_idx %arg7[%add3A_291, %rem3A_210, %broadcast_in_dim3A_1033], %get3A_1017 : memref<16x8x129xf32, #tpu.memory_space<vmem>>[vector<16xi32>, vector<16xi32>, vector<16xi32>], vector<16xf32>,
      tpu.vector_store_idx %arg7[%add3A_295, %rem3A_210, %broadcast_in_dim3A_1033], %get3A_1024 : memref<16x8x129xf32, #tpu.memory_space<vmem>>[vector<16xi32>, vector<16xi32>, vector<16xi32>], vector<16xf32>,
      tpu.vector_store_idx %arg7[%add3A_299, %rem3A_210, %broadcast_in_dim3A_1033], %get3A_1031 : memref<16x8x129xf32, #tpu.memory_space<vmem>>[vector<16xi32>, vector<16xi32>, vector<16xi32>], vector<16xf32>,
      %broadcast_in_dim3A_1062 = arith.constant 25 : i32
      %broadcast_in_dim3A_1063 = vector.broadcast %broadcast_in_dim3A_1062 : i32 to vector<16xi32>
      %add3A_1064 = arith.constant 25 : i32
      %add3A_1065 = arith.addi %mul3A_301, %add3A_1064 : i32
      %add3A_1066 = arith.constant 1 : i32
      %add3A_1067 = arith.addi %add3A_1065, %add3A_1066 : i32
      %get3A_1068 = arith.index_cast %add3A_1067 : i32 to index
      %get3A_1069 = arith.constant 0 : index
      %get3A_1070 = tpu.vector_load %arg6[%get3A_1068, %get3A_1069] {strides = array<i32>} : memref<768x64xf32, #tpu.memory_space<vmem>>, vector<16xf32>,
      %add3A_1071 = arith.constant 25 : i32
      %add3A_1072 = arith.addi %mul3A_301, %add3A_1071 : i32
      %add3A_1073 = arith.constant 1 : i32
      %add3A_1074 = arith.addi %add3A_1072, %add3A_1073 : i32
      %get3A_1075 = arith.index_cast %add3A_1074 : i32 to index
      %get3A_1076 = arith.constant 16 : index
      %get3A_1077 = tpu.vector_load %arg6[%get3A_1075, %get3A_1076] {strides = array<i32>} : memref<768x64xf32, #tpu.memory_space<vmem>>, vector<16xf32>,
      %add3A_1078 = arith.constant 25 : i32
      %add3A_1079 = arith.addi %mul3A_301, %add3A_1078 : i32
      %add3A_1080 = arith.constant 1 : i32
      %add3A_1081 = arith.addi %add3A_1079, %add3A_1080 : i32
      %get3A_1082 = arith.index_cast %add3A_1081 : i32 to index
      %get3A_1083 = arith.constant 32 : index
      %get3A_1084 = tpu.vector_load %arg6[%get3A_1082, %get3A_1083] {strides = array<i32>} : memref<768x64xf32, #tpu.memory_space<vmem>>, vector<16xf32>,
      %add3A_1085 = arith.constant 25 : i32
      %add3A_1086 = arith.addi %mul3A_301, %add3A_1085 : i32
      %add3A_1087 = arith.constant 1 : i32
      %add3A_1088 = arith.addi %add3A_1086, %add3A_1087 : i32
      %get3A_1089 = arith.index_cast %add3A_1088 : i32 to index
      %get3A_1090 = arith.constant 48 : index
      %get3A_1091 = tpu.vector_load %arg6[%get3A_1089, %get3A_1090] {strides = array<i32>} : memref<768x64xf32, #tpu.memory_space<vmem>>, vector<16xf32>,
      tpu.vector_store_idx %arg7[%add3A_287, %rem3A_210, %broadcast_in_dim3A_1063], %get3A_1040 : memref<16x8x129xf32, #tpu.memory_space<vmem>>[vector<16xi32>, vector<16xi32>, vector<16xi32>], vector<16xf32>,
      tpu.vector_store_idx %arg7[%add3A_291, %rem3A_210, %broadcast_in_dim3A_1063], %get3A_1047 : memref<16x8x129xf32, #tpu.memory_space<vmem>>[vector<16xi32>, vector<16xi32>, vector<16xi32>], vector<16xf32>,
      tpu.vector_store_idx %arg7[%add3A_295, %rem3A_210, %broadcast_in_dim3A_1063], %get3A_1054 : memref<16x8x129xf32, #tpu.memory_space<vmem>>[vector<16xi32>, vector<16xi32>, vector<16xi32>], vector<16xf32>,
      tpu.vector_store_idx %arg7[%add3A_299, %rem3A_210, %broadcast_in_dim3A_1063], %get3A_1061 : memref<16x8x129xf32, #tpu.memory_space<vmem>>[vector<16xi32>, vector<16xi32>, vector<16xi32>], vector<16xf32>,
      %broadcast_in_dim3A_1092 = arith.constant 26 : i32
      %broadcast_in_dim3A_1093 = vector.broadcast %broadcast_in_dim3A_1092 : i32 to vector<16xi32>
      %add3A_1094 = arith.constant 26 : i32
      %add3A_1095 = arith.addi %mul3A_301, %add3A_1094 : i32
      %add3A_1096 = arith.constant 1 : i32
      %add3A_1097 = arith.addi %add3A_1095, %add3A_1096 : i32
      %get3A_1098 = arith.index_cast %add3A_1097 : i32 to index
      %get3A_1099 = arith.constant 0 : index
      %get3A_1100 = tpu.vector_load %arg6[%get3A_1098, %get3A_1099] {strides = array<i32>} : memref<768x64xf32, #tpu.memory_space<vmem>>, vector<16xf32>,
      %add3A_1101 = arith.constant 26 : i32
      %add3A_1102 = arith.addi %mul3A_301, %add3A_1101 : i32
      %add3A_1103 = arith.constant 1 : i32
      %add3A_1104 = arith.addi %add3A_1102, %add3A_1103 : i32
      %get3A_1105 = arith.index_cast %add3A_1104 : i32 to index
      %get3A_1106 = arith.constant 16 : index
      %get3A_1107 = tpu.vector_load %arg6[%get3A_1105, %get3A_1106] {strides = array<i32>} : memref<768x64xf32, #tpu.memory_space<vmem>>, vector<16xf32>,
      %add3A_1108 = arith.constant 26 : i32
      %add3A_1109 = arith.addi %mul3A_301, %add3A_1108 : i32
      %add3A_1110 = arith.constant 1 : i32
      %add3A_1111 = arith.addi %add3A_1109, %add3A_1110 : i32
      %get3A_1112 = arith.index_cast %add3A_1111 : i32 to index
      %get3A_1113 = arith.constant 32 : index
      %get3A_1114 = tpu.vector_load %arg6[%get3A_1112, %get3A_1113] {strides = array<i32>} : memref<768x64xf32, #tpu.memory_space<vmem>>, vector<16xf32>,
      %add3A_1115 = arith.constant 26 : i32
      %add3A_1116 = arith.addi %mul3A_301, %add3A_1115 : i32
      %add3A_1117 = arith.constant 1 : i32
      %add3A_1118 = arith.addi %add3A_1116, %add3A_1117 : i32
      %get3A_1119 = arith.index_cast %add3A_1118 : i32 to index
      %get3A_1120 = arith.constant 48 : index
      %get3A_1121 = tpu.vector_load %arg6[%get3A_1119, %get3A_1120] {strides = array<i32>} : memref<768x64xf32, #tpu.memory_space<vmem>>, vector<16xf32>,
      tpu.vector_store_idx %arg7[%add3A_287, %rem3A_210, %broadcast_in_dim3A_1093], %get3A_1070 : memref<16x8x129xf32, #tpu.memory_space<vmem>>[vector<16xi32>, vector<16xi32>, vector<16xi32>], vector<16xf32>,
      tpu.vector_store_idx %arg7[%add3A_291, %rem3A_210, %broadcast_in_dim3A_1093], %get3A_1077 : memref<16x8x129xf32, #tpu.memory_space<vmem>>[vector<16xi32>, vector<16xi32>, vector<16xi32>], vector<16xf32>,
      tpu.vector_store_idx %arg7[%add3A_295, %rem3A_210, %broadcast_in_dim3A_1093], %get3A_1084 : memref<16x8x129xf32, #tpu.memory_space<vmem>>[vector<16xi32>, vector<16xi32>, vector<16xi32>], vector<16xf32>,
      tpu.vector_store_idx %arg7[%add3A_299, %rem3A_210, %broadcast_in_dim3A_1093], %get3A_1091 : memref<16x8x129xf32, #tpu.memory_space<vmem>>[vector<16xi32>, vector<16xi32>, vector<16xi32>], vector<16xf32>,
      %broadcast_in_dim3A_1122 = arith.constant 27 : i32
      %broadcast_in_dim3A_1123 = vector.broadcast %broadcast_in_dim3A_1122 : i32 to vector<16xi32>
      %add3A_1124 = arith.constant 27 : i32
      %add3A_1125 = arith.addi %mul3A_301, %add3A_1124 : i32
      %add3A_1126 = arith.constant 1 : i32
      %add3A_1127 = arith.addi %add3A_1125, %add3A_1126 : i32
      %get3A_1128 = arith.index_cast %add3A_1127 : i32 to index
      %get3A_1129 = arith.constant 0 : index
      %get3A_1130 = tpu.vector_load %arg6[%get3A_1128, %get3A_1129] {strides = array<i32>} : memref<768x64xf32, #tpu.memory_space<vmem>>, vector<16xf32>,
      %add3A_1131 = arith.constant 27 : i32
      %add3A_1132 = arith.addi %mul3A_301, %add3A_1131 : i32
      %add3A_1133 = arith.constant 1 : i32
      %add3A_1134 = arith.addi %add3A_1132, %add3A_1133 : i32
      %get3A_1135 = arith.index_cast %add3A_1134 : i32 to index
      %get3A_1136 = arith.constant 16 : index
      %get3A_1137 = tpu.vector_load %arg6[%get3A_1135, %get3A_1136] {strides = array<i32>} : memref<768x64xf32, #tpu.memory_space<vmem>>, vector<16xf32>,
      %add3A_1138 = arith.constant 27 : i32
      %add3A_1139 = arith.addi %mul3A_301, %add3A_1138 : i32
      %add3A_1140 = arith.constant 1 : i32
      %add3A_1141 = arith.addi %add3A_1139, %add3A_1140 : i32
      %get3A_1142 = arith.index_cast %add3A_1141 : i32 to index
      %get3A_1143 = arith.constant 32 : index
      %get3A_1144 = tpu.vector_load %arg6[%get3A_1142, %get3A_1143] {strides = array<i32>} : memref<768x64xf32, #tpu.memory_space<vmem>>, vector<16xf32>,
      %add3A_1145 = arith.constant 27 : i32
      %add3A_1146 = arith.addi %mul3A_301, %add3A_1145 : i32
      %add3A_1147 = arith.constant 1 : i32
      %add3A_1148 = arith.addi %add3A_1146, %add3A_1147 : i32
      %get3A_1149 = arith.index_cast %add3A_1148 : i32 to index
      %get3A_1150 = arith.constant 48 : index
      %get3A_1151 = tpu.vector_load %arg6[%get3A_1149, %get3A_1150] {strides = array<i32>} : memref<768x64xf32, #tpu.memory_space<vmem>>, vector<16xf32>,
      tpu.vector_store_idx %arg7[%add3A_287, %rem3A_210, %broadcast_in_dim3A_1123], %get3A_1100 : memref<16x8x129xf32, #tpu.memory_space<vmem>>[vector<16xi32>, vector<16xi32>, vector<16xi32>], vector<16xf32>,
      tpu.vector_store_idx %arg7[%add3A_291, %rem3A_210, %broadcast_in_dim3A_1123], %get3A_1107 : memref<16x8x129xf32, #tpu.memory_space<vmem>>[vector<16xi32>, vector<16xi32>, vector<16xi32>], vector<16xf32>,
      tpu.vector_store_idx %arg7[%add3A_295, %rem3A_210, %broadcast_in_dim3A_1123], %get3A_1114 : memref<16x8x129xf32, #tpu.memory_space<vmem>>[vector<16xi32>, vector<16xi32>, vector<16xi32>], vector<16xf32>,
      tpu.vector_store_idx %arg7[%add3A_299, %rem3A_210, %broadcast_in_dim3A_1123], %get3A_1121 : memref<16x8x129xf32, #tpu.memory_space<vmem>>[vector<16xi32>, vector<16xi32>, vector<16xi32>], vector<16xf32>,
      %broadcast_in_dim3A_1152 = arith.constant 28 : i32
      %broadcast_in_dim3A_1153 = vector.broadcast %broadcast_in_dim3A_1152 : i32 to vector<16xi32>
      %add3A_1154 = arith.constant 28 : i32
      %add3A_1155 = arith.addi %mul3A_301, %add3A_1154 : i32
      %add3A_1156 = arith.constant 1 : i32
      %add3A_1157 = arith.addi %add3A_1155, %add3A_1156 : i32
      %get3A_1158 = arith.index_cast %add3A_1157 : i32 to index
      %get3A_1159 = arith.constant 0 : index
      %get3A_1160 = tpu.vector_load %arg6[%get3A_1158, %get3A_1159] {strides = array<i32>} : memref<768x64xf32, #tpu.memory_space<vmem>>, vector<16xf32>,
      %add3A_1161 = arith.constant 28 : i32
      %add3A_1162 = arith.addi %mul3A_301, %add3A_1161 : i32
      %add3A_1163 = arith.constant 1 : i32
      %add3A_1164 = arith.addi %add3A_1162, %add3A_1163 : i32
      %get3A_1165 = arith.index_cast %add3A_1164 : i32 to index
      %get3A_1166 = arith.constant 16 : index
      %get3A_1167 = tpu.vector_load %arg6[%get3A_1165, %get3A_1166] {strides = array<i32>} : memref<768x64xf32, #tpu.memory_space<vmem>>, vector<16xf32>,
      %add3A_1168 = arith.constant 28 : i32
      %add3A_1169 = arith.addi %mul3A_301, %add3A_1168 : i32
      %add3A_1170 = arith.constant 1 : i32
      %add3A_1171 = arith.addi %add3A_1169, %add3A_1170 : i32
      %get3A_1172 = arith.index_cast %add3A_1171 : i32 to index
      %get3A_1173 = arith.constant 32 : index
      %get3A_1174 = tpu.vector_load %arg6[%get3A_1172, %get3A_1173] {strides = array<i32>} : memref<768x64xf32, #tpu.memory_space<vmem>>, vector<16xf32>,
      %add3A_1175 = arith.constant 28 : i32
      %add3A_1176 = arith.addi %mul3A_301, %add3A_1175 : i32
      %add3A_1177 = arith.constant 1 : i32
      %add3A_1178 = arith.addi %add3A_1176, %add3A_1177 : i32
      %get3A_1179 = arith.index_cast %add3A_1178 : i32 to index
      %get3A_1180 = arith.constant 48 : index
      %get3A_1181 = tpu.vector_load %arg6[%get3A_1179, %get3A_1180] {strides = array<i32>} : memref<768x64xf32, #tpu.memory_space<vmem>>, vector<16xf32>,
      tpu.vector_store_idx %arg7[%add3A_287, %rem3A_210, %broadcast_in_dim3A_1153], %get3A_1130 : memref<16x8x129xf32, #tpu.memory_space<vmem>>[vector<16xi32>, vector<16xi32>, vector<16xi32>], vector<16xf32>,
      tpu.vector_store_idx %arg7[%add3A_291, %rem3A_210, %broadcast_in_dim3A_1153], %get3A_1137 : memref<16x8x129xf32, #tpu.memory_space<vmem>>[vector<16xi32>, vector<16xi32>, vector<16xi32>], vector<16xf32>,
      tpu.vector_store_idx %arg7[%add3A_295, %rem3A_210, %broadcast_in_dim3A_1153], %get3A_1144 : memref<16x8x129xf32, #tpu.memory_space<vmem>>[vector<16xi32>, vector<16xi32>, vector<16xi32>], vector<16xf32>,
      tpu.vector_store_idx %arg7[%add3A_299, %rem3A_210, %broadcast_in_dim3A_1153], %get3A_1151 : memref<16x8x129xf32, #tpu.memory_space<vmem>>[vector<16xi32>, vector<16xi32>, vector<16xi32>], vector<16xf32>,
      %broadcast_in_dim3A_1182 = arith.constant 29 : i32
      %broadcast_in_dim3A_1183 = vector.broadcast %broadcast_in_dim3A_1182 : i32 to vector<16xi32>
      %add3A_1184 = arith.constant 29 : i32
      %add3A_1185 = arith.addi %mul3A_301, %add3A_1184 : i32
      %add3A_1186 = arith.constant 1 : i32
      %add3A_1187 = arith.addi %add3A_1185, %add3A_1186 : i32
      %get3A_1188 = arith.index_cast %add3A_1187 : i32 to index
      %get3A_1189 = arith.constant 0 : index
      %get3A_1190 = tpu.vector_load %arg6[%get3A_1188, %get3A_1189] {strides = array<i32>} : memref<768x64xf32, #tpu.memory_space<vmem>>, vector<16xf32>,
      %add3A_1191 = arith.constant 29 : i32
      %add3A_1192 = arith.addi %mul3A_301, %add3A_1191 : i32
      %add3A_1193 = arith.constant 1 : i32
      %add3A_1194 = arith.addi %add3A_1192, %add3A_1193 : i32
      %get3A_1195 = arith.index_cast %add3A_1194 : i32 to index
      %get3A_1196 = arith.constant 16 : index
      %get3A_1197 = tpu.vector_load %arg6[%get3A_1195, %get3A_1196] {strides = array<i32>} : memref<768x64xf32, #tpu.memory_space<vmem>>, vector<16xf32>,
      %add3A_1198 = arith.constant 29 : i32
      %add3A_1199 = arith.addi %mul3A_301, %add3A_1198 : i32
      %add3A_1200 = arith.constant 1 : i32
      %add3A_1201 = arith.addi %add3A_1199, %add3A_1200 : i32
      %get3A_1202 = arith.index_cast %add3A_1201 : i32 to index
      %get3A_1203 = arith.constant 32 : index
      %get3A_1204 = tpu.vector_load %arg6[%get3A_1202, %get3A_1203] {strides = array<i32>} : memref<768x64xf32, #tpu.memory_space<vmem>>, vector<16xf32>,
      %add3A_1205 = arith.constant 29 : i32
      %add3A_1206 = arith.addi %mul3A_301, %add3A_1205 : i32
      %add3A_1207 = arith.constant 1 : i32
      %add3A_1208 = arith.addi %add3A_1206, %add3A_1207 : i32
      %get3A_1209 = arith.index_cast %add3A_1208 : i32 to index
      %get3A_1210 = arith.constant 48 : index
      %get3A_1211 = tpu.vector_load %arg6[%get3A_1209, %get3A_1210] {strides = array<i32>} : memref<768x64xf32, #tpu.memory_space<vmem>>, vector<16xf32>,
      tpu.vector_store_idx %arg7[%add3A_287, %rem3A_210, %broadcast_in_dim3A_1183], %get3A_1160 : memref<16x8x129xf32, #tpu.memory_space<vmem>>[vector<16xi32>, vector<16xi32>, vector<16xi32>], vector<16xf32>,
      tpu.vector_store_idx %arg7[%add3A_291, %rem3A_210, %broadcast_in_dim3A_1183], %get3A_1167 : memref<16x8x129xf32, #tpu.memory_space<vmem>>[vector<16xi32>, vector<16xi32>, vector<16xi32>], vector<16xf32>,
      tpu.vector_store_idx %arg7[%add3A_295, %rem3A_210, %broadcast_in_dim3A_1183], %get3A_1174 : memref<16x8x129xf32, #tpu.memory_space<vmem>>[vector<16xi32>, vector<16xi32>, vector<16xi32>], vector<16xf32>,
      tpu.vector_store_idx %arg7[%add3A_299, %rem3A_210, %broadcast_in_dim3A_1183], %get3A_1181 : memref<16x8x129xf32, #tpu.memory_space<vmem>>[vector<16xi32>, vector<16xi32>, vector<16xi32>], vector<16xf32>,
      %broadcast_in_dim3A_1212 = arith.constant 30 : i32
      %broadcast_in_dim3A_1213 = vector.broadcast %broadcast_in_dim3A_1212 : i32 to vector<16xi32>
      %add3A_1214 = arith.constant 30 : i32
      %add3A_1215 = arith.addi %mul3A_301, %add3A_1214 : i32
      %add3A_1216 = arith.constant 1 : i32
      %add3A_1217 = arith.addi %add3A_1215, %add3A_1216 : i32
      %get3A_1218 = arith.index_cast %add3A_1217 : i32 to index
      %get3A_1219 = arith.constant 0 : index
      %get3A_1220 = tpu.vector_load %arg6[%get3A_1218, %get3A_1219] {strides = array<i32>} : memref<768x64xf32, #tpu.memory_space<vmem>>, vector<16xf32>,
      %add3A_1221 = arith.constant 30 : i32
      %add3A_1222 = arith.addi %mul3A_301, %add3A_1221 : i32
      %add3A_1223 = arith.constant 1 : i32
      %add3A_1224 = arith.addi %add3A_1222, %add3A_1223 : i32
      %get3A_1225 = arith.index_cast %add3A_1224 : i32 to index
      %get3A_1226 = arith.constant 16 : index
      %get3A_1227 = tpu.vector_load %arg6[%get3A_1225, %get3A_1226] {strides = array<i32>} : memref<768x64xf32, #tpu.memory_space<vmem>>, vector<16xf32>,
      %add3A_1228 = arith.constant 30 : i32
      %add3A_1229 = arith.addi %mul3A_301, %add3A_1228 : i32
      %add3A_1230 = arith.constant 1 : i32
      %add3A_1231 = arith.addi %add3A_1229, %add3A_1230 : i32
      %get3A_1232 = arith.index_cast %add3A_1231 : i32 to index
      %get3A_1233 = arith.constant 32 : index
      %get3A_1234 = tpu.vector_load %arg6[%get3A_1232, %get3A_1233] {strides = array<i32>} : memref<768x64xf32, #tpu.memory_space<vmem>>, vector<16xf32>,
      %add3A_1235 = arith.constant 30 : i32
      %add3A_1236 = arith.addi %mul3A_301, %add3A_1235 : i32
      %add3A_1237 = arith.constant 1 : i32
      %add3A_1238 = arith.addi %add3A_1236, %add3A_1237 : i32
      %get3A_1239 = arith.index_cast %add3A_1238 : i32 to index
      %get3A_1240 = arith.constant 48 : index
      %get3A_1241 = tpu.vector_load %arg6[%get3A_1239, %get3A_1240] {strides = array<i32>} : memref<768x64xf32, #tpu.memory_space<vmem>>, vector<16xf32>,
      tpu.vector_store_idx %arg7[%add3A_287, %rem3A_210, %broadcast_in_dim3A_1213], %get3A_1190 : memref<16x8x129xf32, #tpu.memory_space<vmem>>[vector<16xi32>, vector<16xi32>, vector<16xi32>], vector<16xf32>,
      tpu.vector_store_idx %arg7[%add3A_291, %rem3A_210, %broadcast_in_dim3A_1213], %get3A_1197 : memref<16x8x129xf32, #tpu.memory_space<vmem>>[vector<16xi32>, vector<16xi32>, vector<16xi32>], vector<16xf32>,
      tpu.vector_store_idx %arg7[%add3A_295, %rem3A_210, %broadcast_in_dim3A_1213], %get3A_1204 : memref<16x8x129xf32, #tpu.memory_space<vmem>>[vector<16xi32>, vector<16xi32>, vector<16xi32>], vector<16xf32>,
      tpu.vector_store_idx %arg7[%add3A_299, %rem3A_210, %broadcast_in_dim3A_1213], %get3A_1211 : memref<16x8x129xf32, #tpu.memory_space<vmem>>[vector<16xi32>, vector<16xi32>, vector<16xi32>], vector<16xf32>,
      %broadcast_in_dim3A_1242 = arith.constant 31 : i32
      %broadcast_in_dim3A_1243 = vector.broadcast %broadcast_in_dim3A_1242 : i32 to vector<16xi32>
      %add3A_1244 = arith.constant 31 : i32
      %add3A_1245 = arith.addi %mul3A_301, %add3A_1244 : i32
      %add3A_1246 = arith.constant 1 : i32
      %add3A_1247 = arith.addi %add3A_1245, %add3A_1246 : i32
      %get3A_1248 = arith.index_cast %add3A_1247 : i32 to index
      %get3A_1249 = arith.constant 0 : index
      %get3A_1250 = tpu.vector_load %arg6[%get3A_1248, %get3A_1249] {strides = array<i32>} : memref<768x64xf32, #tpu.memory_space<vmem>>, vector<16xf32>,
      %add3A_1251 = arith.constant 31 : i32
      %add3A_1252 = arith.addi %mul3A_301, %add3A_1251 : i32
      %add3A_1253 = arith.constant 1 : i32
      %add3A_1254 = arith.addi %add3A_1252, %add3A_1253 : i32
      %get3A_1255 = arith.index_cast %add3A_1254 : i32 to index
      %get3A_1256 = arith.constant 16 : index
      %get3A_1257 = tpu.vector_load %arg6[%get3A_1255, %get3A_1256] {strides = array<i32>} : memref<768x64xf32, #tpu.memory_space<vmem>>, vector<16xf32>,
      %add3A_1258 = arith.constant 31 : i32
      %add3A_1259 = arith.addi %mul3A_301, %add3A_1258 : i32
      %add3A_1260 = arith.constant 1 : i32
      %add3A_1261 = arith.addi %add3A_1259, %add3A_1260 : i32
      %get3A_1262 = arith.index_cast %add3A_1261 : i32 to index
      %get3A_1263 = arith.constant 32 : index
      %get3A_1264 = tpu.vector_load %arg6[%get3A_1262, %get3A_1263] {strides = array<i32>} : memref<768x64xf32, #tpu.memory_space<vmem>>, vector<16xf32>,
      %add3A_1265 = arith.constant 31 : i32
      %add3A_1266 = arith.addi %mul3A_301, %add3A_1265 : i32
      %add3A_1267 = arith.constant 1 : i32
      %add3A_1268 = arith.addi %add3A_1266, %add3A_1267 : i32
      %get3A_1269 = arith.index_cast %add3A_1268 : i32 to index
      %get3A_1270 = arith.constant 48 : index
      %get3A_1271 = tpu.vector_load %arg6[%get3A_1269, %get3A_1270] {strides = array<i32>} : memref<768x64xf32, #tpu.memory_space<vmem>>, vector<16xf32>,
      tpu.vector_store_idx %arg7[%add3A_287, %rem3A_210, %broadcast_in_dim3A_1243], %get3A_1220 : memref<16x8x129xf32, #tpu.memory_space<vmem>>[vector<16xi32>, vector<16xi32>, vector<16xi32>], vector<16xf32>,
      tpu.vector_store_idx %arg7[%add3A_291, %rem3A_210, %broadcast_in_dim3A_1243], %get3A_1227 : memref<16x8x129xf32, #tpu.memory_space<vmem>>[vector<16xi32>, vector<16xi32>, vector<16xi32>], vector<16xf32>,
      tpu.vector_store_idx %arg7[%add3A_295, %rem3A_210, %broadcast_in_dim3A_1243], %get3A_1234 : memref<16x8x129xf32, #tpu.memory_space<vmem>>[vector<16xi32>, vector<16xi32>, vector<16xi32>], vector<16xf32>,
      tpu.vector_store_idx %arg7[%add3A_299, %rem3A_210, %broadcast_in_dim3A_1243], %get3A_1241 : memref<16x8x129xf32, #tpu.memory_space<vmem>>[vector<16xi32>, vector<16xi32>, vector<16xi32>], vector<16xf32>,
      %broadcast_in_dim3A_1272 = arith.constant 32 : i32
      %broadcast_in_dim3A_1273 = vector.broadcast %broadcast_in_dim3A_1272 : i32 to vector<16xi32>
      %add3A_1274 = arith.constant 32 : i32
      %add3A_1275 = arith.addi %mul3A_301, %add3A_1274 : i32
      %add3A_1276 = arith.constant 1 : i32
      %add3A_1277 = arith.addi %add3A_1275, %add3A_1276 : i32
      %get3A_1278 = arith.index_cast %add3A_1277 : i32 to index
      %get3A_1279 = arith.constant 0 : index
      %get3A_1280 = tpu.vector_load %arg6[%get3A_1278, %get3A_1279] {strides = array<i32>} : memref<768x64xf32, #tpu.memory_space<vmem>>, vector<16xf32>,
      %add3A_1281 = arith.constant 32 : i32
      %add3A_1282 = arith.addi %mul3A_301, %add3A_1281 : i32
      %add3A_1283 = arith.constant 1 : i32
      %add3A_1284 = arith.addi %add3A_1282, %add3A_1283 : i32
      %get3A_1285 = arith.index_cast %add3A_1284 : i32 to index
      %get3A_1286 = arith.constant 16 : index
      %get3A_1287 = tpu.vector_load %arg6[%get3A_1285, %get3A_1286] {strides = array<i32>} : memref<768x64xf32, #tpu.memory_space<vmem>>, vector<16xf32>,
      %add3A_1288 = arith.constant 32 : i32
      %add3A_1289 = arith.addi %mul3A_301, %add3A_1288 : i32
      %add3A_1290 = arith.constant 1 : i32
      %add3A_1291 = arith.addi %add3A_1289, %add3A_1290 : i32
      %get3A_1292 = arith.index_cast %add3A_1291 : i32 to index
      %get3A_1293 = arith.constant 32 : index
      %get3A_1294 = tpu.vector_load %arg6[%get3A_1292, %get3A_1293] {strides = array<i32>} : memref<768x64xf32, #tpu.memory_space<vmem>>, vector<16xf32>,
      %add3A_1295 = arith.constant 32 : i32
      %add3A_1296 = arith.addi %mul3A_301, %add3A_1295 : i32
      %add3A_1297 = arith.constant 1 : i32
      %add3A_1298 = arith.addi %add3A_1296, %add3A_1297 : i32
      %get3A_1299 = arith.index_cast %add3A_1298 : i32 to index
      %get3A_1300 = arith.constant 48 : index
      %get3A_1301 = tpu.vector_load %arg6[%get3A_1299, %get3A_1300] {strides = array<i32>} : memref<768x64xf32, #tpu.memory_space<vmem>>, vector<16xf32>,
      tpu.vector_store_idx %arg7[%add3A_287, %rem3A_210, %broadcast_in_dim3A_1273], %get3A_1250 : memref<16x8x129xf32, #tpu.memory_space<vmem>>[vector<16xi32>, vector<16xi32>, vector<16xi32>], vector<16xf32>,
      tpu.vector_store_idx %arg7[%add3A_291, %rem3A_210, %broadcast_in_dim3A_1273], %get3A_1257 : memref<16x8x129xf32, #tpu.memory_space<vmem>>[vector<16xi32>, vector<16xi32>, vector<16xi32>], vector<16xf32>,
      tpu.vector_store_idx %arg7[%add3A_295, %rem3A_210, %broadcast_in_dim3A_1273], %get3A_1264 : memref<16x8x129xf32, #tpu.memory_space<vmem>>[vector<16xi32>, vector<16xi32>, vector<16xi32>], vector<16xf32>,
      tpu.vector_store_idx %arg7[%add3A_299, %rem3A_210, %broadcast_in_dim3A_1273], %get3A_1271 : memref<16x8x129xf32, #tpu.memory_space<vmem>>[vector<16xi32>, vector<16xi32>, vector<16xi32>], vector<16xf32>,
      %broadcast_in_dim3A_1302 = arith.constant 33 : i32
      %broadcast_in_dim3A_1303 = vector.broadcast %broadcast_in_dim3A_1302 : i32 to vector<16xi32>
      %add3A_1304 = arith.constant 33 : i32
      %add3A_1305 = arith.addi %mul3A_301, %add3A_1304 : i32
      %add3A_1306 = arith.constant 1 : i32
      %add3A_1307 = arith.addi %add3A_1305, %add3A_1306 : i32
      %get3A_1308 = arith.index_cast %add3A_1307 : i32 to index
      %get3A_1309 = arith.constant 0 : index
      %get3A_1310 = tpu.vector_load %arg6[%get3A_1308, %get3A_1309] {strides = array<i32>} : memref<768x64xf32, #tpu.memory_space<vmem>>, vector<16xf32>,
      %add3A_1311 = arith.constant 33 : i32
      %add3A_1312 = arith.addi %mul3A_301, %add3A_1311 : i32
      %add3A_1313 = arith.constant 1 : i32
      %add3A_1314 = arith.addi %add3A_1312, %add3A_1313 : i32
      %get3A_1315 = arith.index_cast %add3A_1314 : i32 to index
      %get3A_1316 = arith.constant 16 : index
      %get3A_1317 = tpu.vector_load %arg6[%get3A_1315, %get3A_1316] {strides = array<i32>} : memref<768x64xf32, #tpu.memory_space<vmem>>, vector<16xf32>,
      %add3A_1318 = arith.constant 33 : i32
      %add3A_1319 = arith.addi %mul3A_301, %add3A_1318 : i32
      %add3A_1320 = arith.constant 1 : i32
      %add3A_1321 = arith.addi %add3A_1319, %add3A_1320 : i32
      %get3A_1322 = arith.index_cast %add3A_1321 : i32 to index
      %get3A_1323 = arith.constant 32 : index
      %get3A_1324 = tpu.vector_load %arg6[%get3A_1322, %get3A_1323] {strides = array<i32>} : memref<768x64xf32, #tpu.memory_space<vmem>>, vector<16xf32>,
      %add3A_1325 = arith.constant 33 : i32
      %add3A_1326 = arith.addi %mul3A_301, %add3A_1325 : i32
      %add3A_1327 = arith.constant 1 : i32
      %add3A_1328 = arith.addi %add3A_1326, %add3A_1327 : i32
      %get3A_1329 = arith.index_cast %add3A_1328 : i32 to index
      %get3A_1330 = arith.constant 48 : index
      %get3A_1331 = tpu.vector_load %arg6[%get3A_1329, %get3A_1330] {strides = array<i32>} : memref<768x64xf32, #tpu.memory_space<vmem>>, vector<16xf32>,
      tpu.vector_store_idx %arg7[%add3A_287, %rem3A_210, %broadcast_in_dim3A_1303], %get3A_1280 : memref<16x8x129xf32, #tpu.memory_space<vmem>>[vector<16xi32>, vector<16xi32>, vector<16xi32>], vector<16xf32>,
      tpu.vector_store_idx %arg7[%add3A_291, %rem3A_210, %broadcast_in_dim3A_1303], %get3A_1287 : memref<16x8x129xf32, #tpu.memory_space<vmem>>[vector<16xi32>, vector<16xi32>, vector<16xi32>], vector<16xf32>,
      tpu.vector_store_idx %arg7[%add3A_295, %rem3A_210, %broadcast_in_dim3A_1303], %get3A_1294 : memref<16x8x129xf32, #tpu.memory_space<vmem>>[vector<16xi32>, vector<16xi32>, vector<16xi32>], vector<16xf32>,
      tpu.vector_store_idx %arg7[%add3A_299, %rem3A_210, %broadcast_in_dim3A_1303], %get3A_1301 : memref<16x8x129xf32, #tpu.memory_space<vmem>>[vector<16xi32>, vector<16xi32>, vector<16xi32>], vector<16xf32>,
      %broadcast_in_dim3A_1332 = arith.constant 34 : i32
      %broadcast_in_dim3A_1333 = vector.broadcast %broadcast_in_dim3A_1332 : i32 to vector<16xi32>
      %add3A_1334 = arith.constant 34 : i32
      %add3A_1335 = arith.addi %mul3A_301, %add3A_1334 : i32
      %add3A_1336 = arith.constant 1 : i32
      %add3A_1337 = arith.addi %add3A_1335, %add3A_1336 : i32
      %get3A_1338 = arith.index_cast %add3A_1337 : i32 to index
      %get3A_1339 = arith.constant 0 : index
      %get3A_1340 = tpu.vector_load %arg6[%get3A_1338, %get3A_1339] {strides = array<i32>} : memref<768x64xf32, #tpu.memory_space<vmem>>, vector<16xf32>,
      %add3A_1341 = arith.constant 34 : i32
      %add3A_1342 = arith.addi %mul3A_301, %add3A_1341 : i32
      %add3A_1343 = arith.constant 1 : i32
      %add3A_1344 = arith.addi %add3A_1342, %add3A_1343 : i32
      %get3A_1345 = arith.index_cast %add3A_1344 : i32 to index
      %get3A_1346 = arith.constant 16 : index
      %get3A_1347 = tpu.vector_load %arg6[%get3A_1345, %get3A_1346] {strides = array<i32>} : memref<768x64xf32, #tpu.memory_space<vmem>>, vector<16xf32>,
      %add3A_1348 = arith.constant 34 : i32
      %add3A_1349 = arith.addi %mul3A_301, %add3A_1348 : i32
      %add3A_1350 = arith.constant 1 : i32
      %add3A_1351 = arith.addi %add3A_1349, %add3A_1350 : i32
      %get3A_1352 = arith.index_cast %add3A_1351 : i32 to index
      %get3A_1353 = arith.constant 32 : index
      %get3A_1354 = tpu.vector_load %arg6[%get3A_1352, %get3A_1353] {strides = array<i32>} : memref<768x64xf32, #tpu.memory_space<vmem>>, vector<16xf32>,
      %add3A_1355 = arith.constant 34 : i32
      %add3A_1356 = arith.addi %mul3A_301, %add3A_1355 : i32
      %add3A_1357 = arith.constant 1 : i32
      %add3A_1358 = arith.addi %add3A_1356, %add3A_1357 : i32
      %get3A_1359 = arith.index_cast %add3A_1358 : i32 to index
      %get3A_1360 = arith.constant 48 : index
      %get3A_1361 = tpu.vector_load %arg6[%get3A_1359, %get3A_1360] {strides = array<i32>} : memref<768x64xf32, #tpu.memory_space<vmem>>, vector<16xf32>,
      tpu.vector_store_idx %arg7[%add3A_287, %rem3A_210, %broadcast_in_dim3A_1333], %get3A_1310 : memref<16x8x129xf32, #tpu.memory_space<vmem>>[vector<16xi32>, vector<16xi32>, vector<16xi32>], vector<16xf32>,
      tpu.vector_store_idx %arg7[%add3A_291, %rem3A_210, %broadcast_in_dim3A_1333], %get3A_1317 : memref<16x8x129xf32, #tpu.memory_space<vmem>>[vector<16xi32>, vector<16xi32>, vector<16xi32>], vector<16xf32>,
      tpu.vector_store_idx %arg7[%add3A_295, %rem3A_210, %broadcast_in_dim3A_1333], %get3A_1324 : memref<16x8x129xf32, #tpu.memory_space<vmem>>[vector<16xi32>, vector<16xi32>, vector<16xi32>], vector<16xf32>,
      tpu.vector_store_idx %arg7[%add3A_299, %rem3A_210, %broadcast_in_dim3A_1333], %get3A_1331 : memref<16x8x129xf32, #tpu.memory_space<vmem>>[vector<16xi32>, vector<16xi32>, vector<16xi32>], vector<16xf32>,
      %broadcast_in_dim3A_1362 = arith.constant 35 : i32
      %broadcast_in_dim3A_1363 = vector.broadcast %broadcast_in_dim3A_1362 : i32 to vector<16xi32>
      %add3A_1364 = arith.constant 35 : i32
      %add3A_1365 = arith.addi %mul3A_301, %add3A_1364 : i32
      %add3A_1366 = arith.constant 1 : i32
      %add3A_1367 = arith.addi %add3A_1365, %add3A_1366 : i32
      %get3A_1368 = arith.index_cast %add3A_1367 : i32 to index
      %get3A_1369 = arith.constant 0 : index
      %get3A_1370 = tpu.vector_load %arg6[%get3A_1368, %get3A_1369] {strides = array<i32>} : memref<768x64xf32, #tpu.memory_space<vmem>>, vector<16xf32>,
      %add3A_1371 = arith.constant 35 : i32
      %add3A_1372 = arith.addi %mul3A_301, %add3A_1371 : i32
      %add3A_1373 = arith.constant 1 : i32
      %add3A_1374 = arith.addi %add3A_1372, %add3A_1373 : i32
      %get3A_1375 = arith.index_cast %add3A_1374 : i32 to index
      %get3A_1376 = arith.constant 16 : index
      %get3A_1377 = tpu.vector_load %arg6[%get3A_1375, %get3A_1376] {strides = array<i32>} : memref<768x64xf32, #tpu.memory_space<vmem>>, vector<16xf32>,
      %add3A_1378 = arith.constant 35 : i32
      %add3A_1379 = arith.addi %mul3A_301, %add3A_1378 : i32
      %add3A_1380 = arith.constant 1 : i32
      %add3A_1381 = arith.addi %add3A_1379, %add3A_1380 : i32
      %get3A_1382 = arith.index_cast %add3A_1381 : i32 to index
      %get3A_1383 = arith.constant 32 : index
      %get3A_1384 = tpu.vector_load %arg6[%get3A_1382, %get3A_1383] {strides = array<i32>} : memref<768x64xf32, #tpu.memory_space<vmem>>, vector<16xf32>,
      %add3A_1385 = arith.constant 35 : i32
      %add3A_1386 = arith.addi %mul3A_301, %add3A_1385 : i32
      %add3A_1387 = arith.constant 1 : i32
      %add3A_1388 = arith.addi %add3A_1386, %add3A_1387 : i32
      %get3A_1389 = arith.index_cast %add3A_1388 : i32 to index
      %get3A_1390 = arith.constant 48 : index
      %get3A_1391 = tpu.vector_load %arg6[%get3A_1389, %get3A_1390] {strides = array<i32>} : memref<768x64xf32, #tpu.memory_space<vmem>>, vector<16xf32>,
      tpu.vector_store_idx %arg7[%add3A_287, %rem3A_210, %broadcast_in_dim3A_1363], %get3A_1340 : memref<16x8x129xf32, #tpu.memory_space<vmem>>[vector<16xi32>, vector<16xi32>, vector<16xi32>], vector<16xf32>,
      tpu.vector_store_idx %arg7[%add3A_291, %rem3A_210, %broadcast_in_dim3A_1363], %get3A_1347 : memref<16x8x129xf32, #tpu.memory_space<vmem>>[vector<16xi32>, vector<16xi32>, vector<16xi32>], vector<16xf32>,
      tpu.vector_store_idx %arg7[%add3A_295, %rem3A_210, %broadcast_in_dim3A_1363], %get3A_1354 : memref<16x8x129xf32, #tpu.memory_space<vmem>>[vector<16xi32>, vector<16xi32>, vector<16xi32>], vector<16xf32>,
      tpu.vector_store_idx %arg7[%add3A_299, %rem3A_210, %broadcast_in_dim3A_1363], %get3A_1361 : memref<16x8x129xf32, #tpu.memory_space<vmem>>[vector<16xi32>, vector<16xi32>, vector<16xi32>], vector<16xf32>,
      %broadcast_in_dim3A_1392 = arith.constant 36 : i32
      %broadcast_in_dim3A_1393 = vector.broadcast %broadcast_in_dim3A_1392 : i32 to vector<16xi32>
      %add3A_1394 = arith.constant 36 : i32
      %add3A_1395 = arith.addi %mul3A_301, %add3A_1394 : i32
      %add3A_1396 = arith.constant 1 : i32
      %add3A_1397 = arith.addi %add3A_1395, %add3A_1396 : i32
      %get3A_1398 = arith.index_cast %add3A_1397 : i32 to index
      %get3A_1399 = arith.constant 0 : index
      %get3A_1400 = tpu.vector_load %arg6[%get3A_1398, %get3A_1399] {strides = array<i32>} : memref<768x64xf32, #tpu.memory_space<vmem>>, vector<16xf32>,
      %add3A_1401 = arith.constant 36 : i32
      %add3A_1402 = arith.addi %mul3A_301, %add3A_1401 : i32
      %add3A_1403 = arith.constant 1 : i32
      %add3A_1404 = arith.addi %add3A_1402, %add3A_1403 : i32
      %get3A_1405 = arith.index_cast %add3A_1404 : i32 to index
      %get3A_1406 = arith.constant 16 : index
      %get3A_1407 = tpu.vector_load %arg6[%get3A_1405, %get3A_1406] {strides = array<i32>} : memref<768x64xf32, #tpu.memory_space<vmem>>, vector<16xf32>,
      %add3A_1408 = arith.constant 36 : i32
      %add3A_1409 = arith.addi %mul3A_301, %add3A_1408 : i32
      %add3A_1410 = arith.constant 1 : i32
      %add3A_1411 = arith.addi %add3A_1409, %add3A_1410 : i32
      %get3A_1412 = arith.index_cast %add3A_1411 : i32 to index
      %get3A_1413 = arith.constant 32 : index
      %get3A_1414 = tpu.vector_load %arg6[%get3A_1412, %get3A_1413] {strides = array<i32>} : memref<768x64xf32, #tpu.memory_space<vmem>>, vector<16xf32>,
      %add3A_1415 = arith.constant 36 : i32
      %add3A_1416 = arith.addi %mul3A_301, %add3A_1415 : i32
      %add3A_1417 = arith.constant 1 : i32
      %add3A_1418 = arith.addi %add3A_1416, %add3A_1417 : i32
      %get3A_1419 = arith.index_cast %add3A_1418 : i32 to index
      %get3A_1420 = arith.constant 48 : index
      %get3A_1421 = tpu.vector_load %arg6[%get3A_1419, %get3A_1420] {strides = array<i32>} : memref<768x64xf32, #tpu.memory_space<vmem>>, vector<16xf32>,
      tpu.vector_store_idx %arg7[%add3A_287, %rem3A_210, %broadcast_in_dim3A_1393], %get3A_1370 : memref<16x8x129xf32, #tpu.memory_space<vmem>>[vector<16xi32>, vector<16xi32>, vector<16xi32>], vector<16xf32>,
      tpu.vector_store_idx %arg7[%add3A_291, %rem3A_210, %broadcast_in_dim3A_1393], %get3A_1377 : memref<16x8x129xf32, #tpu.memory_space<vmem>>[vector<16xi32>, vector<16xi32>, vector<16xi32>], vector<16xf32>,
      tpu.vector_store_idx %arg7[%add3A_295, %rem3A_210, %broadcast_in_dim3A_1393], %get3A_1384 : memref<16x8x129xf32, #tpu.memory_space<vmem>>[vector<16xi32>, vector<16xi32>, vector<16xi32>], vector<16xf32>,
      tpu.vector_store_idx %arg7[%add3A_299, %rem3A_210, %broadcast_in_dim3A_1393], %get3A_1391 : memref<16x8x129xf32, #tpu.memory_space<vmem>>[vector<16xi32>, vector<16xi32>, vector<16xi32>], vector<16xf32>,
      %broadcast_in_dim3A_1422 = arith.constant 37 : i32
      %broadcast_in_dim3A_1423 = vector.broadcast %broadcast_in_dim3A_1422 : i32 to vector<16xi32>
      %add3A_1424 = arith.constant 37 : i32
      %add3A_1425 = arith.addi %mul3A_301, %add3A_1424 : i32
      %add3A_1426 = arith.constant 1 : i32
      %add3A_1427 = arith.addi %add3A_1425, %add3A_1426 : i32
      %get3A_1428 = arith.index_cast %add3A_1427 : i32 to index
      %get3A_1429 = arith.constant 0 : index
      %get3A_1430 = tpu.vector_load %arg6[%get3A_1428, %get3A_1429] {strides = array<i32>} : memref<768x64xf32, #tpu.memory_space<vmem>>, vector<16xf32>,
      %add3A_1431 = arith.constant 37 : i32
      %add3A_1432 = arith.addi %mul3A_301, %add3A_1431 : i32
      %add3A_1433 = arith.constant 1 : i32
      %add3A_1434 = arith.addi %add3A_1432, %add3A_1433 : i32
      %get3A_1435 = arith.index_cast %add3A_1434 : i32 to index
      %get3A_1436 = arith.constant 16 : index
      %get3A_1437 = tpu.vector_load %arg6[%get3A_1435, %get3A_1436] {strides = array<i32>} : memref<768x64xf32, #tpu.memory_space<vmem>>, vector<16xf32>,
      %add3A_1438 = arith.constant 37 : i32
      %add3A_1439 = arith.addi %mul3A_301, %add3A_1438 : i32
      %add3A_1440 = arith.constant 1 : i32
      %add3A_1441 = arith.addi %add3A_1439, %add3A_1440 : i32
      %get3A_1442 = arith.index_cast %add3A_1441 : i32 to index
      %get3A_1443 = arith.constant 32 : index
      %get3A_1444 = tpu.vector_load %arg6[%get3A_1442, %get3A_1443] {strides = array<i32>} : memref<768x64xf32, #tpu.memory_space<vmem>>, vector<16xf32>,
      %add3A_1445 = arith.constant 37 : i32
      %add3A_1446 = arith.addi %mul3A_301, %add3A_1445 : i32
      %add3A_1447 = arith.constant 1 : i32
      %add3A_1448 = arith.addi %add3A_1446, %add3A_1447 : i32
      %get3A_1449 = arith.index_cast %add3A_1448 : i32 to index
      %get3A_1450 = arith.constant 48 : index
      %get3A_1451 = tpu.vector_load %arg6[%get3A_1449, %get3A_1450] {strides = array<i32>} : memref<768x64xf32, #tpu.memory_space<vmem>>, vector<16xf32>,
      tpu.vector_store_idx %arg7[%add3A_287, %rem3A_210, %broadcast_in_dim3A_1423], %get3A_1400 : memref<16x8x129xf32, #tpu.memory_space<vmem>>[vector<16xi32>, vector<16xi32>, vector<16xi32>], vector<16xf32>,
      tpu.vector_store_idx %arg7[%add3A_291, %rem3A_210, %broadcast_in_dim3A_1423], %get3A_1407 : memref<16x8x129xf32, #tpu.memory_space<vmem>>[vector<16xi32>, vector<16xi32>, vector<16xi32>], vector<16xf32>,
      tpu.vector_store_idx %arg7[%add3A_295, %rem3A_210, %broadcast_in_dim3A_1423], %get3A_1414 : memref<16x8x129xf32, #tpu.memory_space<vmem>>[vector<16xi32>, vector<16xi32>, vector<16xi32>], vector<16xf32>,
      tpu.vector_store_idx %arg7[%add3A_299, %rem3A_210, %broadcast_in_dim3A_1423], %get3A_1421 : memref<16x8x129xf32, #tpu.memory_space<vmem>>[vector<16xi32>, vector<16xi32>, vector<16xi32>], vector<16xf32>,
      %broadcast_in_dim3A_1452 = arith.constant 38 : i32
      %broadcast_in_dim3A_1453 = vector.broadcast %broadcast_in_dim3A_1452 : i32 to vector<16xi32>
      %add3A_1454 = arith.constant 38 : i32
      %add3A_1455 = arith.addi %mul3A_301, %add3A_1454 : i32
      %add3A_1456 = arith.constant 1 : i32
      %add3A_1457 = arith.addi %add3A_1455, %add3A_1456 : i32
      %get3A_1458 = arith.index_cast %add3A_1457 : i32 to index
      %get3A_1459 = arith.constant 0 : index
      %get3A_1460 = tpu.vector_load %arg6[%get3A_1458, %get3A_1459] {strides = array<i32>} : memref<768x64xf32, #tpu.memory_space<vmem>>, vector<16xf32>,
      %add3A_1461 = arith.constant 38 : i32
      %add3A_1462 = arith.addi %mul3A_301, %add3A_1461 : i32
      %add3A_1463 = arith.constant 1 : i32
      %add3A_1464 = arith.addi %add3A_1462, %add3A_1463 : i32
      %get3A_1465 = arith.index_cast %add3A_1464 : i32 to index
      %get3A_1466 = arith.constant 16 : index
      %get3A_1467 = tpu.vector_load %arg6[%get3A_1465, %get3A_1466] {strides = array<i32>} : memref<768x64xf32, #tpu.memory_space<vmem>>, vector<16xf32>,
      %add3A_1468 = arith.constant 38 : i32
      %add3A_1469 = arith.addi %mul3A_301, %add3A_1468 : i32
      %add3A_1470 = arith.constant 1 : i32
      %add3A_1471 = arith.addi %add3A_1469, %add3A_1470 : i32
      %get3A_1472 = arith.index_cast %add3A_1471 : i32 to index
      %get3A_1473 = arith.constant 32 : index
      %get3A_1474 = tpu.vector_load %arg6[%get3A_1472, %get3A_1473] {strides = array<i32>} : memref<768x64xf32, #tpu.memory_space<vmem>>, vector<16xf32>,
      %add3A_1475 = arith.constant 38 : i32
      %add3A_1476 = arith.addi %mul3A_301, %add3A_1475 : i32
      %add3A_1477 = arith.constant 1 : i32
      %add3A_1478 = arith.addi %add3A_1476, %add3A_1477 : i32
      %get3A_1479 = arith.index_cast %add3A_1478 : i32 to index
      %get3A_1480 = arith.constant 48 : index
      %get3A_1481 = tpu.vector_load %arg6[%get3A_1479, %get3A_1480] {strides = array<i32>} : memref<768x64xf32, #tpu.memory_space<vmem>>, vector<16xf32>,
      tpu.vector_store_idx %arg7[%add3A_287, %rem3A_210, %broadcast_in_dim3A_1453], %get3A_1430 : memref<16x8x129xf32, #tpu.memory_space<vmem>>[vector<16xi32>, vector<16xi32>, vector<16xi32>], vector<16xf32>,
      tpu.vector_store_idx %arg7[%add3A_291, %rem3A_210, %broadcast_in_dim3A_1453], %get3A_1437 : memref<16x8x129xf32, #tpu.memory_space<vmem>>[vector<16xi32>, vector<16xi32>, vector<16xi32>], vector<16xf32>,
      tpu.vector_store_idx %arg7[%add3A_295, %rem3A_210, %broadcast_in_dim3A_1453], %get3A_1444 : memref<16x8x129xf32, #tpu.memory_space<vmem>>[vector<16xi32>, vector<16xi32>, vector<16xi32>], vector<16xf32>,
      tpu.vector_store_idx %arg7[%add3A_299, %rem3A_210, %broadcast_in_dim3A_1453], %get3A_1451 : memref<16x8x129xf32, #tpu.memory_space<vmem>>[vector<16xi32>, vector<16xi32>, vector<16xi32>], vector<16xf32>,
      %broadcast_in_dim3A_1482 = arith.constant 39 : i32
      %broadcast_in_dim3A_1483 = vector.broadcast %broadcast_in_dim3A_1482 : i32 to vector<16xi32>
      %add3A_1484 = arith.constant 39 : i32
      %add3A_1485 = arith.addi %mul3A_301, %add3A_1484 : i32
      %add3A_1486 = arith.constant 1 : i32
      %add3A_1487 = arith.addi %add3A_1485, %add3A_1486 : i32
      %get3A_1488 = arith.index_cast %add3A_1487 : i32 to index
      %get3A_1489 = arith.constant 0 : index
      %get3A_1490 = tpu.vector_load %arg6[%get3A_1488, %get3A_1489] {strides = array<i32>} : memref<768x64xf32, #tpu.memory_space<vmem>>, vector<16xf32>,
      %add3A_1491 = arith.constant 39 : i32
      %add3A_1492 = arith.addi %mul3A_301, %add3A_1491 : i32
      %add3A_1493 = arith.constant 1 : i32
      %add3A_1494 = arith.addi %add3A_1492, %add3A_1493 : i32
      %get3A_1495 = arith.index_cast %add3A_1494 : i32 to index
      %get3A_1496 = arith.constant 16 : index
      %get3A_1497 = tpu.vector_load %arg6[%get3A_1495, %get3A_1496] {strides = array<i32>} : memref<768x64xf32, #tpu.memory_space<vmem>>, vector<16xf32>,
      %add3A_1498 = arith.constant 39 : i32
      %add3A_1499 = arith.addi %mul3A_301, %add3A_1498 : i32
      %add3A_1500 = arith.constant 1 : i32
      %add3A_1501 = arith.addi %add3A_1499, %add3A_1500 : i32
      %get3A_1502 = arith.index_cast %add3A_1501 : i32 to index
      %get3A_1503 = arith.constant 32 : index
      %get3A_1504 = tpu.vector_load %arg6[%get3A_1502, %get3A_1503] {strides = array<i32>} : memref<768x64xf32, #tpu.memory_space<vmem>>, vector<16xf32>,
      %add3A_1505 = arith.constant 39 : i32
      %add3A_1506 = arith.addi %mul3A_301, %add3A_1505 : i32
      %add3A_1507 = arith.constant 1 : i32
      %add3A_1508 = arith.addi %add3A_1506, %add3A_1507 : i32
      %get3A_1509 = arith.index_cast %add3A_1508 : i32 to index
      %get3A_1510 = arith.constant 48 : index
      %get3A_1511 = tpu.vector_load %arg6[%get3A_1509, %get3A_1510] {strides = array<i32>} : memref<768x64xf32, #tpu.memory_space<vmem>>, vector<16xf32>,
      tpu.vector_store_idx %arg7[%add3A_287, %rem3A_210, %broadcast_in_dim3A_1483], %get3A_1460 : memref<16x8x129xf32, #tpu.memory_space<vmem>>[vector<16xi32>, vector<16xi32>, vector<16xi32>], vector<16xf32>,
      tpu.vector_store_idx %arg7[%add3A_291, %rem3A_210, %broadcast_in_dim3A_1483], %get3A_1467 : memref<16x8x129xf32, #tpu.memory_space<vmem>>[vector<16xi32>, vector<16xi32>, vector<16xi32>], vector<16xf32>,
      tpu.vector_store_idx %arg7[%add3A_295, %rem3A_210, %broadcast_in_dim3A_1483], %get3A_1474 : memref<16x8x129xf32, #tpu.memory_space<vmem>>[vector<16xi32>, vector<16xi32>, vector<16xi32>], vector<16xf32>,
      tpu.vector_store_idx %arg7[%add3A_299, %rem3A_210, %broadcast_in_dim3A_1483], %get3A_1481 : memref<16x8x129xf32, #tpu.memory_space<vmem>>[vector<16xi32>, vector<16xi32>, vector<16xi32>], vector<16xf32>,
      %broadcast_in_dim3A_1512 = arith.constant 40 : i32
      %broadcast_in_dim3A_1513 = vector.broadcast %broadcast_in_dim3A_1512 : i32 to vector<16xi32>
      %add3A_1514 = arith.constant 40 : i32
      %add3A_1515 = arith.addi %mul3A_301, %add3A_1514 : i32
      %add3A_1516 = arith.constant 1 : i32
      %add3A_1517 = arith.addi %add3A_1515, %add3A_1516 : i32
      %get3A_1518 = arith.index_cast %add3A_1517 : i32 to index
      %get3A_1519 = arith.constant 0 : index
      %get3A_1520 = tpu.vector_load %arg6[%get3A_1518, %get3A_1519] {strides = array<i32>} : memref<768x64xf32, #tpu.memory_space<vmem>>, vector<16xf32>,
      %add3A_1521 = arith.constant 40 : i32
      %add3A_1522 = arith.addi %mul3A_301, %add3A_1521 : i32
      %add3A_1523 = arith.constant 1 : i32
      %add3A_1524 = arith.addi %add3A_1522, %add3A_1523 : i32
      %get3A_1525 = arith.index_cast %add3A_1524 : i32 to index
      %get3A_1526 = arith.constant 16 : index
      %get3A_1527 = tpu.vector_load %arg6[%get3A_1525, %get3A_1526] {strides = array<i32>} : memref<768x64xf32, #tpu.memory_space<vmem>>, vector<16xf32>,
      %add3A_1528 = arith.constant 40 : i32
      %add3A_1529 = arith.addi %mul3A_301, %add3A_1528 : i32
      %add3A_1530 = arith.constant 1 : i32
      %add3A_1531 = arith.addi %add3A_1529, %add3A_1530 : i32
      %get3A_1532 = arith.index_cast %add3A_1531 : i32 to index
      %get3A_1533 = arith.constant 32 : index
      %get3A_1534 = tpu.vector_load %arg6[%get3A_1532, %get3A_1533] {strides = array<i32>} : memref<768x64xf32, #tpu.memory_space<vmem>>, vector<16xf32>,
      %add3A_1535 = arith.constant 40 : i32
      %add3A_1536 = arith.addi %mul3A_301, %add3A_1535 : i32
      %add3A_1537 = arith.constant 1 : i32
      %add3A_1538 = arith.addi %add3A_1536, %add3A_1537 : i32
      %get3A_1539 = arith.index_cast %add3A_1538 : i32 to index
      %get3A_1540 = arith.constant 48 : index
      %get3A_1541 = tpu.vector_load %arg6[%get3A_1539, %get3A_1540] {strides = array<i32>} : memref<768x64xf32, #tpu.memory_space<vmem>>, vector<16xf32>,
      tpu.vector_store_idx %arg7[%add3A_287, %rem3A_210, %broadcast_in_dim3A_1513], %get3A_1490 : memref<16x8x129xf32, #tpu.memory_space<vmem>>[vector<16xi32>, vector<16xi32>, vector<16xi32>], vector<16xf32>,
      tpu.vector_store_idx %arg7[%add3A_291, %rem3A_210, %broadcast_in_dim3A_1513], %get3A_1497 : memref<16x8x129xf32, #tpu.memory_space<vmem>>[vector<16xi32>, vector<16xi32>, vector<16xi32>], vector<16xf32>,
      tpu.vector_store_idx %arg7[%add3A_295, %rem3A_210, %broadcast_in_dim3A_1513], %get3A_1504 : memref<16x8x129xf32, #tpu.memory_space<vmem>>[vector<16xi32>, vector<16xi32>, vector<16xi32>], vector<16xf32>,
      tpu.vector_store_idx %arg7[%add3A_299, %rem3A_210, %broadcast_in_dim3A_1513], %get3A_1511 : memref<16x8x129xf32, #tpu.memory_space<vmem>>[vector<16xi32>, vector<16xi32>, vector<16xi32>], vector<16xf32>,
      %broadcast_in_dim3A_1542 = arith.constant 41 : i32
      %broadcast_in_dim3A_1543 = vector.broadcast %broadcast_in_dim3A_1542 : i32 to vector<16xi32>
      %add3A_1544 = arith.constant 41 : i32
      %add3A_1545 = arith.addi %mul3A_301, %add3A_1544 : i32
      %add3A_1546 = arith.constant 1 : i32
      %add3A_1547 = arith.addi %add3A_1545, %add3A_1546 : i32
      %get3A_1548 = arith.index_cast %add3A_1547 : i32 to index
      %get3A_1549 = arith.constant 0 : index
      %get3A_1550 = tpu.vector_load %arg6[%get3A_1548, %get3A_1549] {strides = array<i32>} : memref<768x64xf32, #tpu.memory_space<vmem>>, vector<16xf32>,
      %add3A_1551 = arith.constant 41 : i32
      %add3A_1552 = arith.addi %mul3A_301, %add3A_1551 : i32
      %add3A_1553 = arith.constant 1 : i32
      %add3A_1554 = arith.addi %add3A_1552, %add3A_1553 : i32
      %get3A_1555 = arith.index_cast %add3A_1554 : i32 to index
      %get3A_1556 = arith.constant 16 : index
      %get3A_1557 = tpu.vector_load %arg6[%get3A_1555, %get3A_1556] {strides = array<i32>} : memref<768x64xf32, #tpu.memory_space<vmem>>, vector<16xf32>,
      %add3A_1558 = arith.constant 41 : i32
      %add3A_1559 = arith.addi %mul3A_301, %add3A_1558 : i32
      %add3A_1560 = arith.constant 1 : i32
      %add3A_1561 = arith.addi %add3A_1559, %add3A_1560 : i32
      %get3A_1562 = arith.index_cast %add3A_1561 : i32 to index
      %get3A_1563 = arith.constant 32 : index
      %get3A_1564 = tpu.vector_load %arg6[%get3A_1562, %get3A_1563] {strides = array<i32>} : memref<768x64xf32, #tpu.memory_space<vmem>>, vector<16xf32>,
      %add3A_1565 = arith.constant 41 : i32
      %add3A_1566 = arith.addi %mul3A_301, %add3A_1565 : i32
      %add3A_1567 = arith.constant 1 : i32
      %add3A_1568 = arith.addi %add3A_1566, %add3A_1567 : i32
      %get3A_1569 = arith.index_cast %add3A_1568 : i32 to index
      %get3A_1570 = arith.constant 48 : index
      %get3A_1571 = tpu.vector_load %arg6[%get3A_1569, %get3A_1570] {strides = array<i32>} : memref<768x64xf32, #tpu.memory_space<vmem>>, vector<16xf32>,
      tpu.vector_store_idx %arg7[%add3A_287, %rem3A_210, %broadcast_in_dim3A_1543], %get3A_1520 : memref<16x8x129xf32, #tpu.memory_space<vmem>>[vector<16xi32>, vector<16xi32>, vector<16xi32>], vector<16xf32>,
      tpu.vector_store_idx %arg7[%add3A_291, %rem3A_210, %broadcast_in_dim3A_1543], %get3A_1527 : memref<16x8x129xf32, #tpu.memory_space<vmem>>[vector<16xi32>, vector<16xi32>, vector<16xi32>], vector<16xf32>,
      tpu.vector_store_idx %arg7[%add3A_295, %rem3A_210, %broadcast_in_dim3A_1543], %get3A_1534 : memref<16x8x129xf32, #tpu.memory_space<vmem>>[vector<16xi32>, vector<16xi32>, vector<16xi32>], vector<16xf32>,
      tpu.vector_store_idx %arg7[%add3A_299, %rem3A_210, %broadcast_in_dim3A_1543], %get3A_1541 : memref<16x8x129xf32, #tpu.memory_space<vmem>>[vector<16xi32>, vector<16xi32>, vector<16xi32>], vector<16xf32>,
      %broadcast_in_dim3A_1572 = arith.constant 42 : i32
      %broadcast_in_dim3A_1573 = vector.broadcast %broadcast_in_dim3A_1572 : i32 to vector<16xi32>
      %add3A_1574 = arith.constant 42 : i32
      %add3A_1575 = arith.addi %mul3A_301, %add3A_1574 : i32
      %add3A_1576 = arith.constant 1 : i32
      %add3A_1577 = arith.addi %add3A_1575, %add3A_1576 : i32
      %get3A_1578 = arith.index_cast %add3A_1577 : i32 to index
      %get3A_1579 = arith.constant 0 : index
      %get3A_1580 = tpu.vector_load %arg6[%get3A_1578, %get3A_1579] {strides = array<i32>} : memref<768x64xf32, #tpu.memory_space<vmem>>, vector<16xf32>,
      %add3A_1581 = arith.constant 42 : i32
      %add3A_1582 = arith.addi %mul3A_301, %add3A_1581 : i32
      %add3A_1583 = arith.constant 1 : i32
      %add3A_1584 = arith.addi %add3A_1582, %add3A_1583 : i32
      %get3A_1585 = arith.index_cast %add3A_1584 : i32 to index
      %get3A_1586 = arith.constant 16 : index
      %get3A_1587 = tpu.vector_load %arg6[%get3A_1585, %get3A_1586] {strides = array<i32>} : memref<768x64xf32, #tpu.memory_space<vmem>>, vector<16xf32>,
      %add3A_1588 = arith.constant 42 : i32
      %add3A_1589 = arith.addi %mul3A_301, %add3A_1588 : i32
      %add3A_1590 = arith.constant 1 : i32
      %add3A_1591 = arith.addi %add3A_1589, %add3A_1590 : i32
      %get3A_1592 = arith.index_cast %add3A_1591 : i32 to index
      %get3A_1593 = arith.constant 32 : index
      %get3A_1594 = tpu.vector_load %arg6[%get3A_1592, %get3A_1593] {strides = array<i32>} : memref<768x64xf32, #tpu.memory_space<vmem>>, vector<16xf32>,
      %add3A_1595 = arith.constant 42 : i32
      %add3A_1596 = arith.addi %mul3A_301, %add3A_1595 : i32
      %add3A_1597 = arith.constant 1 : i32
      %add3A_1598 = arith.addi %add3A_1596, %add3A_1597 : i32
      %get3A_1599 = arith.index_cast %add3A_1598 : i32 to index
      %get3A_1600 = arith.constant 48 : index
      %get3A_1601 = tpu.vector_load %arg6[%get3A_1599, %get3A_1600] {strides = array<i32>} : memref<768x64xf32, #tpu.memory_space<vmem>>, vector<16xf32>,
      tpu.vector_store_idx %arg7[%add3A_287, %rem3A_210, %broadcast_in_dim3A_1573], %get3A_1550 : memref<16x8x129xf32, #tpu.memory_space<vmem>>[vector<16xi32>, vector<16xi32>, vector<16xi32>], vector<16xf32>,
      tpu.vector_store_idx %arg7[%add3A_291, %rem3A_210, %broadcast_in_dim3A_1573], %get3A_1557 : memref<16x8x129xf32, #tpu.memory_space<vmem>>[vector<16xi32>, vector<16xi32>, vector<16xi32>], vector<16xf32>,
      tpu.vector_store_idx %arg7[%add3A_295, %rem3A_210, %broadcast_in_dim3A_1573], %get3A_1564 : memref<16x8x129xf32, #tpu.memory_space<vmem>>[vector<16xi32>, vector<16xi32>, vector<16xi32>], vector<16xf32>,
      tpu.vector_store_idx %arg7[%add3A_299, %rem3A_210, %broadcast_in_dim3A_1573], %get3A_1571 : memref<16x8x129xf32, #tpu.memory_space<vmem>>[vector<16xi32>, vector<16xi32>, vector<16xi32>], vector<16xf32>,
      %broadcast_in_dim3A_1602 = arith.constant 43 : i32
      %broadcast_in_dim3A_1603 = vector.broadcast %broadcast_in_dim3A_1602 : i32 to vector<16xi32>
      %add3A_1604 = arith.constant 43 : i32
      %add3A_1605 = arith.addi %mul3A_301, %add3A_1604 : i32
      %add3A_1606 = arith.constant 1 : i32
      %add3A_1607 = arith.addi %add3A_1605, %add3A_1606 : i32
      %get3A_1608 = arith.index_cast %add3A_1607 : i32 to index
      %get3A_1609 = arith.constant 0 : index
      %get3A_1610 = tpu.vector_load %arg6[%get3A_1608, %get3A_1609] {strides = array<i32>} : memref<768x64xf32, #tpu.memory_space<vmem>>, vector<16xf32>,
      %add3A_1611 = arith.constant 43 : i32
      %add3A_1612 = arith.addi %mul3A_301, %add3A_1611 : i32
      %add3A_1613 = arith.constant 1 : i32
      %add3A_1614 = arith.addi %add3A_1612, %add3A_1613 : i32
      %get3A_1615 = arith.index_cast %add3A_1614 : i32 to index
      %get3A_1616 = arith.constant 16 : index
      %get3A_1617 = tpu.vector_load %arg6[%get3A_1615, %get3A_1616] {strides = array<i32>} : memref<768x64xf32, #tpu.memory_space<vmem>>, vector<16xf32>,
      %add3A_1618 = arith.constant 43 : i32
      %add3A_1619 = arith.addi %mul3A_301, %add3A_1618 : i32
      %add3A_1620 = arith.constant 1 : i32
      %add3A_1621 = arith.addi %add3A_1619, %add3A_1620 : i32
      %get3A_1622 = arith.index_cast %add3A_1621 : i32 to index
      %get3A_1623 = arith.constant 32 : index
      %get3A_1624 = tpu.vector_load %arg6[%get3A_1622, %get3A_1623] {strides = array<i32>} : memref<768x64xf32, #tpu.memory_space<vmem>>, vector<16xf32>,
      %add3A_1625 = arith.constant 43 : i32
      %add3A_1626 = arith.addi %mul3A_301, %add3A_1625 : i32
      %add3A_1627 = arith.constant 1 : i32
      %add3A_1628 = arith.addi %add3A_1626, %add3A_1627 : i32
      %get3A_1629 = arith.index_cast %add3A_1628 : i32 to index
      %get3A_1630 = arith.constant 48 : index
      %get3A_1631 = tpu.vector_load %arg6[%get3A_1629, %get3A_1630] {strides = array<i32>} : memref<768x64xf32, #tpu.memory_space<vmem>>, vector<16xf32>,
      tpu.vector_store_idx %arg7[%add3A_287, %rem3A_210, %broadcast_in_dim3A_1603], %get3A_1580 : memref<16x8x129xf32, #tpu.memory_space<vmem>>[vector<16xi32>, vector<16xi32>, vector<16xi32>], vector<16xf32>,
      tpu.vector_store_idx %arg7[%add3A_291, %rem3A_210, %broadcast_in_dim3A_1603], %get3A_1587 : memref<16x8x129xf32, #tpu.memory_space<vmem>>[vector<16xi32>, vector<16xi32>, vector<16xi32>], vector<16xf32>,
      tpu.vector_store_idx %arg7[%add3A_295, %rem3A_210, %broadcast_in_dim3A_1603], %get3A_1594 : memref<16x8x129xf32, #tpu.memory_space<vmem>>[vector<16xi32>, vector<16xi32>, vector<16xi32>], vector<16xf32>,
      tpu.vector_store_idx %arg7[%add3A_299, %rem3A_210, %broadcast_in_dim3A_1603], %get3A_1601 : memref<16x8x129xf32, #tpu.memory_space<vmem>>[vector<16xi32>, vector<16xi32>, vector<16xi32>], vector<16xf32>,
      %broadcast_in_dim3A_1632 = arith.constant 44 : i32
      %broadcast_in_dim3A_1633 = vector.broadcast %broadcast_in_dim3A_1632 : i32 to vector<16xi32>
      %add3A_1634 = arith.constant 44 : i32
      %add3A_1635 = arith.addi %mul3A_301, %add3A_1634 : i32
      %add3A_1636 = arith.constant 1 : i32
      %add3A_1637 = arith.addi %add3A_1635, %add3A_1636 : i32
      %get3A_1638 = arith.index_cast %add3A_1637 : i32 to index
      %get3A_1639 = arith.constant 0 : index
      %get3A_1640 = tpu.vector_load %arg6[%get3A_1638, %get3A_1639] {strides = array<i32>} : memref<768x64xf32, #tpu.memory_space<vmem>>, vector<16xf32>,
      %add3A_1641 = arith.constant 44 : i32
      %add3A_1642 = arith.addi %mul3A_301, %add3A_1641 : i32
      %add3A_1643 = arith.constant 1 : i32
      %add3A_1644 = arith.addi %add3A_1642, %add3A_1643 : i32
      %get3A_1645 = arith.index_cast %add3A_1644 : i32 to index
      %get3A_1646 = arith.constant 16 : index
      %get3A_1647 = tpu.vector_load %arg6[%get3A_1645, %get3A_1646] {strides = array<i32>} : memref<768x64xf32, #tpu.memory_space<vmem>>, vector<16xf32>,
      %add3A_1648 = arith.constant 44 : i32
      %add3A_1649 = arith.addi %mul3A_301, %add3A_1648 : i32
      %add3A_1650 = arith.constant 1 : i32
      %add3A_1651 = arith.addi %add3A_1649, %add3A_1650 : i32
      %get3A_1652 = arith.index_cast %add3A_1651 : i32 to index
      %get3A_1653 = arith.constant 32 : index
      %get3A_1654 = tpu.vector_load %arg6[%get3A_1652, %get3A_1653] {strides = array<i32>} : memref<768x64xf32, #tpu.memory_space<vmem>>, vector<16xf32>,
      %add3A_1655 = arith.constant 44 : i32
      %add3A_1656 = arith.addi %mul3A_301, %add3A_1655 : i32
      %add3A_1657 = arith.constant 1 : i32
      %add3A_1658 = arith.addi %add3A_1656, %add3A_1657 : i32
      %get3A_1659 = arith.index_cast %add3A_1658 : i32 to index
      %get3A_1660 = arith.constant 48 : index
      %get3A_1661 = tpu.vector_load %arg6[%get3A_1659, %get3A_1660] {strides = array<i32>} : memref<768x64xf32, #tpu.memory_space<vmem>>, vector<16xf32>,
      tpu.vector_store_idx %arg7[%add3A_287, %rem3A_210, %broadcast_in_dim3A_1633], %get3A_1610 : memref<16x8x129xf32, #tpu.memory_space<vmem>>[vector<16xi32>, vector<16xi32>, vector<16xi32>], vector<16xf32>,
      tpu.vector_store_idx %arg7[%add3A_291, %rem3A_210, %broadcast_in_dim3A_1633], %get3A_1617 : memref<16x8x129xf32, #tpu.memory_space<vmem>>[vector<16xi32>, vector<16xi32>, vector<16xi32>], vector<16xf32>,
      tpu.vector_store_idx %arg7[%add3A_295, %rem3A_210, %broadcast_in_dim3A_1633], %get3A_1624 : memref<16x8x129xf32, #tpu.memory_space<vmem>>[vector<16xi32>, vector<16xi32>, vector<16xi32>], vector<16xf32>,
      tpu.vector_store_idx %arg7[%add3A_299, %rem3A_210, %broadcast_in_dim3A_1633], %get3A_1631 : memref<16x8x129xf32, #tpu.memory_space<vmem>>[vector<16xi32>, vector<16xi32>, vector<16xi32>], vector<16xf32>,
      %broadcast_in_dim3A_1662 = arith.constant 45 : i32
      %broadcast_in_dim3A_1663 = vector.broadcast %broadcast_in_dim3A_1662 : i32 to vector<16xi32>
      %add3A_1664 = arith.constant 45 : i32
      %add3A_1665 = arith.addi %mul3A_301, %add3A_1664 : i32
      %add3A_1666 = arith.constant 1 : i32
      %add3A_1667 = arith.addi %add3A_1665, %add3A_1666 : i32
      %get3A_1668 = arith.index_cast %add3A_1667 : i32 to index
      %get3A_1669 = arith.constant 0 : index
      %get3A_1670 = tpu.vector_load %arg6[%get3A_1668, %get3A_1669] {strides = array<i32>} : memref<768x64xf32, #tpu.memory_space<vmem>>, vector<16xf32>,
      %add3A_1671 = arith.constant 45 : i32
      %add3A_1672 = arith.addi %mul3A_301, %add3A_1671 : i32
      %add3A_1673 = arith.constant 1 : i32
      %add3A_1674 = arith.addi %add3A_1672, %add3A_1673 : i32
      %get3A_1675 = arith.index_cast %add3A_1674 : i32 to index
      %get3A_1676 = arith.constant 16 : index
      %get3A_1677 = tpu.vector_load %arg6[%get3A_1675, %get3A_1676] {strides = array<i32>} : memref<768x64xf32, #tpu.memory_space<vmem>>, vector<16xf32>,
      %add3A_1678 = arith.constant 45 : i32
      %add3A_1679 = arith.addi %mul3A_301, %add3A_1678 : i32
      %add3A_1680 = arith.constant 1 : i32
      %add3A_1681 = arith.addi %add3A_1679, %add3A_1680 : i32
      %get3A_1682 = arith.index_cast %add3A_1681 : i32 to index
      %get3A_1683 = arith.constant 32 : index
      %get3A_1684 = tpu.vector_load %arg6[%get3A_1682, %get3A_1683] {strides = array<i32>} : memref<768x64xf32, #tpu.memory_space<vmem>>, vector<16xf32>,
      %add3A_1685 = arith.constant 45 : i32
      %add3A_1686 = arith.addi %mul3A_301, %add3A_1685 : i32
      %add3A_1687 = arith.constant 1 : i32
      %add3A_1688 = arith.addi %add3A_1686, %add3A_1687 : i32
      %get3A_1689 = arith.index_cast %add3A_1688 : i32 to index
      %get3A_1690 = arith.constant 48 : index
      %get3A_1691 = tpu.vector_load %arg6[%get3A_1689, %get3A_1690] {strides = array<i32>} : memref<768x64xf32, #tpu.memory_space<vmem>>, vector<16xf32>,
      tpu.vector_store_idx %arg7[%add3A_287, %rem3A_210, %broadcast_in_dim3A_1663], %get3A_1640 : memref<16x8x129xf32, #tpu.memory_space<vmem>>[vector<16xi32>, vector<16xi32>, vector<16xi32>], vector<16xf32>,
      tpu.vector_store_idx %arg7[%add3A_291, %rem3A_210, %broadcast_in_dim3A_1663], %get3A_1647 : memref<16x8x129xf32, #tpu.memory_space<vmem>>[vector<16xi32>, vector<16xi32>, vector<16xi32>], vector<16xf32>,
      tpu.vector_store_idx %arg7[%add3A_295, %rem3A_210, %broadcast_in_dim3A_1663], %get3A_1654 : memref<16x8x129xf32, #tpu.memory_space<vmem>>[vector<16xi32>, vector<16xi32>, vector<16xi32>], vector<16xf32>,
      tpu.vector_store_idx %arg7[%add3A_299, %rem3A_210, %broadcast_in_dim3A_1663], %get3A_1661 : memref<16x8x129xf32, #tpu.memory_space<vmem>>[vector<16xi32>, vector<16xi32>, vector<16xi32>], vector<16xf32>,
      %broadcast_in_dim3A_1692 = arith.constant 46 : i32
      %broadcast_in_dim3A_1693 = vector.broadcast %broadcast_in_dim3A_1692 : i32 to vector<16xi32>
      %add3A_1694 = arith.constant 46 : i32
      %add3A_1695 = arith.addi %mul3A_301, %add3A_1694 : i32
      %add3A_1696 = arith.constant 1 : i32
      %add3A_1697 = arith.addi %add3A_1695, %add3A_1696 : i32
      %get3A_1698 = arith.index_cast %add3A_1697 : i32 to index
      %get3A_1699 = arith.constant 0 : index
      %get3A_1700 = tpu.vector_load %arg6[%get3A_1698, %get3A_1699] {strides = array<i32>} : memref<768x64xf32, #tpu.memory_space<vmem>>, vector<16xf32>,
      %add3A_1701 = arith.constant 46 : i32
      %add3A_1702 = arith.addi %mul3A_301, %add3A_1701 : i32
      %add3A_1703 = arith.constant 1 : i32
      %add3A_1704 = arith.addi %add3A_1702, %add3A_1703 : i32
      %get3A_1705 = arith.index_cast %add3A_1704 : i32 to index
      %get3A_1706 = arith.constant 16 : index
      %get3A_1707 = tpu.vector_load %arg6[%get3A_1705, %get3A_1706] {strides = array<i32>} : memref<768x64xf32, #tpu.memory_space<vmem>>, vector<16xf32>,
      %add3A_1708 = arith.constant 46 : i32
      %add3A_1709 = arith.addi %mul3A_301, %add3A_1708 : i32
      %add3A_1710 = arith.constant 1 : i32
      %add3A_1711 = arith.addi %add3A_1709, %add3A_1710 : i32
      %get3A_1712 = arith.index_cast %add3A_1711 : i32 to index
      %get3A_1713 = arith.constant 32 : index
      %get3A_1714 = tpu.vector_load %arg6[%get3A_1712, %get3A_1713] {strides = array<i32>} : memref<768x64xf32, #tpu.memory_space<vmem>>, vector<16xf32>,
      %add3A_1715 = arith.constant 46 : i32
      %add3A_1716 = arith.addi %mul3A_301, %add3A_1715 : i32
      %add3A_1717 = arith.constant 1 : i32
      %add3A_1718 = arith.addi %add3A_1716, %add3A_1717 : i32
      %get3A_1719 = arith.index_cast %add3A_1718 : i32 to index
      %get3A_1720 = arith.constant 48 : index
      %get3A_1721 = tpu.vector_load %arg6[%get3A_1719, %get3A_1720] {strides = array<i32>} : memref<768x64xf32, #tpu.memory_space<vmem>>, vector<16xf32>,
      tpu.vector_store_idx %arg7[%add3A_287, %rem3A_210, %broadcast_in_dim3A_1693], %get3A_1670 : memref<16x8x129xf32, #tpu.memory_space<vmem>>[vector<16xi32>, vector<16xi32>, vector<16xi32>], vector<16xf32>,
      tpu.vector_store_idx %arg7[%add3A_291, %rem3A_210, %broadcast_in_dim3A_1693], %get3A_1677 : memref<16x8x129xf32, #tpu.memory_space<vmem>>[vector<16xi32>, vector<16xi32>, vector<16xi32>], vector<16xf32>,
      tpu.vector_store_idx %arg7[%add3A_295, %rem3A_210, %broadcast_in_dim3A_1693], %get3A_1684 : memref<16x8x129xf32, #tpu.memory_space<vmem>>[vector<16xi32>, vector<16xi32>, vector<16xi32>], vector<16xf32>,
      tpu.vector_store_idx %arg7[%add3A_299, %rem3A_210, %broadcast_in_dim3A_1693], %get3A_1691 : memref<16x8x129xf32, #tpu.memory_space<vmem>>[vector<16xi32>, vector<16xi32>, vector<16xi32>], vector<16xf32>,
      %broadcast_in_dim3A_1722 = arith.constant 47 : i32
      %broadcast_in_dim3A_1723 = vector.broadcast %broadcast_in_dim3A_1722 : i32 to vector<16xi32>
      %add3A_1724 = arith.constant 47 : i32
      %add3A_1725 = arith.addi %mul3A_301, %add3A_1724 : i32
      %add3A_1726 = arith.constant 1 : i32
      %add3A_1727 = arith.addi %add3A_1725, %add3A_1726 : i32
      %get3A_1728 = arith.index_cast %add3A_1727 : i32 to index
      %get3A_1729 = arith.constant 0 : index
      %get3A_1730 = tpu.vector_load %arg6[%get3A_1728, %get3A_1729] {strides = array<i32>} : memref<768x64xf32, #tpu.memory_space<vmem>>, vector<16xf32>,
      %add3A_1731 = arith.constant 47 : i32
      %add3A_1732 = arith.addi %mul3A_301, %add3A_1731 : i32
      %add3A_1733 = arith.constant 1 : i32
      %add3A_1734 = arith.addi %add3A_1732, %add3A_1733 : i32
      %get3A_1735 = arith.index_cast %add3A_1734 : i32 to index
      %get3A_1736 = arith.constant 16 : index
      %get3A_1737 = tpu.vector_load %arg6[%get3A_1735, %get3A_1736] {strides = array<i32>} : memref<768x64xf32, #tpu.memory_space<vmem>>, vector<16xf32>,
      %add3A_1738 = arith.constant 47 : i32
      %add3A_1739 = arith.addi %mul3A_301, %add3A_1738 : i32
      %add3A_1740 = arith.constant 1 : i32
      %add3A_1741 = arith.addi %add3A_1739, %add3A_1740 : i32
      %get3A_1742 = arith.index_cast %add3A_1741 : i32 to index
      %get3A_1743 = arith.constant 32 : index
      %get3A_1744 = tpu.vector_load %arg6[%get3A_1742, %get3A_1743] {strides = array<i32>} : memref<768x64xf32, #tpu.memory_space<vmem>>, vector<16xf32>,
      %add3A_1745 = arith.constant 47 : i32
      %add3A_1746 = arith.addi %mul3A_301, %add3A_1745 : i32
      %add3A_1747 = arith.constant 1 : i32
      %add3A_1748 = arith.addi %add3A_1746, %add3A_1747 : i32
      %get3A_1749 = arith.index_cast %add3A_1748 : i32 to index
      %get3A_1750 = arith.constant 48 : index
      %get3A_1751 = tpu.vector_load %arg6[%get3A_1749, %get3A_1750] {strides = array<i32>} : memref<768x64xf32, #tpu.memory_space<vmem>>, vector<16xf32>,
      tpu.vector_store_idx %arg7[%add3A_287, %rem3A_210, %broadcast_in_dim3A_1723], %get3A_1700 : memref<16x8x129xf32, #tpu.memory_space<vmem>>[vector<16xi32>, vector<16xi32>, vector<16xi32>], vector<16xf32>,
      tpu.vector_store_idx %arg7[%add3A_291, %rem3A_210, %broadcast_in_dim3A_1723], %get3A_1707 : memref<16x8x129xf32, #tpu.memory_space<vmem>>[vector<16xi32>, vector<16xi32>, vector<16xi32>], vector<16xf32>,
      tpu.vector_store_idx %arg7[%add3A_295, %rem3A_210, %broadcast_in_dim3A_1723], %get3A_1714 : memref<16x8x129xf32, #tpu.memory_space<vmem>>[vector<16xi32>, vector<16xi32>, vector<16xi32>], vector<16xf32>,
      tpu.vector_store_idx %arg7[%add3A_299, %rem3A_210, %broadcast_in_dim3A_1723], %get3A_1721 : memref<16x8x129xf32, #tpu.memory_space<vmem>>[vector<16xi32>, vector<16xi32>, vector<16xi32>], vector<16xf32>,
      %broadcast_in_dim3A_1752 = arith.constant 48 : i32
      %broadcast_in_dim3A_1753 = vector.broadcast %broadcast_in_dim3A_1752 : i32 to vector<16xi32>
      %add3A_1754 = arith.constant 48 : i32
      %add3A_1755 = arith.addi %mul3A_301, %add3A_1754 : i32
      %add3A_1756 = arith.constant 1 : i32
      %add3A_1757 = arith.addi %add3A_1755, %add3A_1756 : i32
      %get3A_1758 = arith.index_cast %add3A_1757 : i32 to index
      %get3A_1759 = arith.constant 0 : index
      %get3A_1760 = tpu.vector_load %arg6[%get3A_1758, %get3A_1759] {strides = array<i32>} : memref<768x64xf32, #tpu.memory_space<vmem>>, vector<16xf32>,
      %add3A_1761 = arith.constant 48 : i32
      %add3A_1762 = arith.addi %mul3A_301, %add3A_1761 : i32
      %add3A_1763 = arith.constant 1 : i32
      %add3A_1764 = arith.addi %add3A_1762, %add3A_1763 : i32
      %get3A_1765 = arith.index_cast %add3A_1764 : i32 to index
      %get3A_1766 = arith.constant 16 : index
      %get3A_1767 = tpu.vector_load %arg6[%get3A_1765, %get3A_1766] {strides = array<i32>} : memref<768x64xf32, #tpu.memory_space<vmem>>, vector<16xf32>,
      %add3A_1768 = arith.constant 48 : i32
      %add3A_1769 = arith.addi %mul3A_301, %add3A_1768 : i32
      %add3A_1770 = arith.constant 1 : i32
      %add3A_1771 = arith.addi %add3A_1769, %add3A_1770 : i32
      %get3A_1772 = arith.index_cast %add3A_1771 : i32 to index
      %get3A_1773 = arith.constant 32 : index
      %get3A_1774 = tpu.vector_load %arg6[%get3A_1772, %get3A_1773] {strides = array<i32>} : memref<768x64xf32, #tpu.memory_space<vmem>>, vector<16xf32>,
      %add3A_1775 = arith.constant 48 : i32
      %add3A_1776 = arith.addi %mul3A_301, %add3A_1775 : i32
      %add3A_1777 = arith.constant 1 : i32
      %add3A_1778 = arith.addi %add3A_1776, %add3A_1777 : i32
      %get3A_1779 = arith.index_cast %add3A_1778 : i32 to index
      %get3A_1780 = arith.constant 48 : index
      %get3A_1781 = tpu.vector_load %arg6[%get3A_1779, %get3A_1780] {strides = array<i32>} : memref<768x64xf32, #tpu.memory_space<vmem>>, vector<16xf32>,
      tpu.vector_store_idx %arg7[%add3A_287, %rem3A_210, %broadcast_in_dim3A_1753], %get3A_1730 : memref<16x8x129xf32, #tpu.memory_space<vmem>>[vector<16xi32>, vector<16xi32>, vector<16xi32>], vector<16xf32>,
      tpu.vector_store_idx %arg7[%add3A_291, %rem3A_210, %broadcast_in_dim3A_1753], %get3A_1737 : memref<16x8x129xf32, #tpu.memory_space<vmem>>[vector<16xi32>, vector<16xi32>, vector<16xi32>], vector<16xf32>,
      tpu.vector_store_idx %arg7[%add3A_295, %rem3A_210, %broadcast_in_dim3A_1753], %get3A_1744 : memref<16x8x129xf32, #tpu.memory_space<vmem>>[vector<16xi32>, vector<16xi32>, vector<16xi32>], vector<16xf32>,
      tpu.vector_store_idx %arg7[%add3A_299, %rem3A_210, %broadcast_in_dim3A_1753], %get3A_1751 : memref<16x8x129xf32, #tpu.memory_space<vmem>>[vector<16xi32>, vector<16xi32>, vector<16xi32>], vector<16xf32>,
      %broadcast_in_dim3A_1782 = arith.constant 49 : i32
      %broadcast_in_dim3A_1783 = vector.broadcast %broadcast_in_dim3A_1782 : i32 to vector<16xi32>
      %add3A_1784 = arith.constant 49 : i32
      %add3A_1785 = arith.addi %mul3A_301, %add3A_1784 : i32
      %add3A_1786 = arith.constant 1 : i32
      %add3A_1787 = arith.addi %add3A_1785, %add3A_1786 : i32
      %get3A_1788 = arith.index_cast %add3A_1787 : i32 to index
      %get3A_1789 = arith.constant 0 : index
      %get3A_1790 = tpu.vector_load %arg6[%get3A_1788, %get3A_1789] {strides = array<i32>} : memref<768x64xf32, #tpu.memory_space<vmem>>, vector<16xf32>,
      %add3A_1791 = arith.constant 49 : i32
      %add3A_1792 = arith.addi %mul3A_301, %add3A_1791 : i32
      %add3A_1793 = arith.constant 1 : i32
      %add3A_1794 = arith.addi %add3A_1792, %add3A_1793 : i32
      %get3A_1795 = arith.index_cast %add3A_1794 : i32 to index
      %get3A_1796 = arith.constant 16 : index
      %get3A_1797 = tpu.vector_load %arg6[%get3A_1795, %get3A_1796] {strides = array<i32>} : memref<768x64xf32, #tpu.memory_space<vmem>>, vector<16xf32>,
      %add3A_1798 = arith.constant 49 : i32
      %add3A_1799 = arith.addi %mul3A_301, %add3A_1798 : i32
      %add3A_1800 = arith.constant 1 : i32
      %add3A_1801 = arith.addi %add3A_1799, %add3A_1800 : i32
      %get3A_1802 = arith.index_cast %add3A_1801 : i32 to index
      %get3A_1803 = arith.constant 32 : index
      %get3A_1804 = tpu.vector_load %arg6[%get3A_1802, %get3A_1803] {strides = array<i32>} : memref<768x64xf32, #tpu.memory_space<vmem>>, vector<16xf32>,
      %add3A_1805 = arith.constant 49 : i32
      %add3A_1806 = arith.addi %mul3A_301, %add3A_1805 : i32
      %add3A_1807 = arith.constant 1 : i32
      %add3A_1808 = arith.addi %add3A_1806, %add3A_1807 : i32
      %get3A_1809 = arith.index_cast %add3A_1808 : i32 to index
      %get3A_1810 = arith.constant 48 : index
      %get3A_1811 = tpu.vector_load %arg6[%get3A_1809, %get3A_1810] {strides = array<i32>} : memref<768x64xf32, #tpu.memory_space<vmem>>, vector<16xf32>,
      tpu.vector_store_idx %arg7[%add3A_287, %rem3A_210, %broadcast_in_dim3A_1783], %get3A_1760 : memref<16x8x129xf32, #tpu.memory_space<vmem>>[vector<16xi32>, vector<16xi32>, vector<16xi32>], vector<16xf32>,
      tpu.vector_store_idx %arg7[%add3A_291, %rem3A_210, %broadcast_in_dim3A_1783], %get3A_1767 : memref<16x8x129xf32, #tpu.memory_space<vmem>>[vector<16xi32>, vector<16xi32>, vector<16xi32>], vector<16xf32>,
      tpu.vector_store_idx %arg7[%add3A_295, %rem3A_210, %broadcast_in_dim3A_1783], %get3A_1774 : memref<16x8x129xf32, #tpu.memory_space<vmem>>[vector<16xi32>, vector<16xi32>, vector<16xi32>], vector<16xf32>,
      tpu.vector_store_idx %arg7[%add3A_299, %rem3A_210, %broadcast_in_dim3A_1783], %get3A_1781 : memref<16x8x129xf32, #tpu.memory_space<vmem>>[vector<16xi32>, vector<16xi32>, vector<16xi32>], vector<16xf32>,
      %broadcast_in_dim3A_1812 = arith.constant 50 : i32
      %broadcast_in_dim3A_1813 = vector.broadcast %broadcast_in_dim3A_1812 : i32 to vector<16xi32>
      %add3A_1814 = arith.constant 50 : i32
      %add3A_1815 = arith.addi %mul3A_301, %add3A_1814 : i32
      %add3A_1816 = arith.constant 1 : i32
      %add3A_1817 = arith.addi %add3A_1815, %add3A_1816 : i32
      %get3A_1818 = arith.index_cast %add3A_1817 : i32 to index
      %get3A_1819 = arith.constant 0 : index
      %get3A_1820 = tpu.vector_load %arg6[%get3A_1818, %get3A_1819] {strides = array<i32>} : memref<768x64xf32, #tpu.memory_space<vmem>>, vector<16xf32>,
      %add3A_1821 = arith.constant 50 : i32
      %add3A_1822 = arith.addi %mul3A_301, %add3A_1821 : i32
      %add3A_1823 = arith.constant 1 : i32
      %add3A_1824 = arith.addi %add3A_1822, %add3A_1823 : i32
      %get3A_1825 = arith.index_cast %add3A_1824 : i32 to index
      %get3A_1826 = arith.constant 16 : index
      %get3A_1827 = tpu.vector_load %arg6[%get3A_1825, %get3A_1826] {strides = array<i32>} : memref<768x64xf32, #tpu.memory_space<vmem>>, vector<16xf32>,
      %add3A_1828 = arith.constant 50 : i32
      %add3A_1829 = arith.addi %mul3A_301, %add3A_1828 : i32
      %add3A_1830 = arith.constant 1 : i32
      %add3A_1831 = arith.addi %add3A_1829, %add3A_1830 : i32
      %get3A_1832 = arith.index_cast %add3A_1831 : i32 to index
      %get3A_1833 = arith.constant 32 : index
      %get3A_1834 = tpu.vector_load %arg6[%get3A_1832, %get3A_1833] {strides = array<i32>} : memref<768x64xf32, #tpu.memory_space<vmem>>, vector<16xf32>,
      %add3A_1835 = arith.constant 50 : i32
      %add3A_1836 = arith.addi %mul3A_301, %add3A_1835 : i32
      %add3A_1837 = arith.constant 1 : i32
      %add3A_1838 = arith.addi %add3A_1836, %add3A_1837 : i32
      %get3A_1839 = arith.index_cast %add3A_1838 : i32 to index
      %get3A_1840 = arith.constant 48 : index
      %get3A_1841 = tpu.vector_load %arg6[%get3A_1839, %get3A_1840] {strides = array<i32>} : memref<768x64xf32, #tpu.memory_space<vmem>>, vector<16xf32>,
      tpu.vector_store_idx %arg7[%add3A_287, %rem3A_210, %broadcast_in_dim3A_1813], %get3A_1790 : memref<16x8x129xf32, #tpu.memory_space<vmem>>[vector<16xi32>, vector<16xi32>, vector<16xi32>], vector<16xf32>,
      tpu.vector_store_idx %arg7[%add3A_291, %rem3A_210, %broadcast_in_dim3A_1813], %get3A_1797 : memref<16x8x129xf32, #tpu.memory_space<vmem>>[vector<16xi32>, vector<16xi32>, vector<16xi32>], vector<16xf32>,
      tpu.vector_store_idx %arg7[%add3A_295, %rem3A_210, %broadcast_in_dim3A_1813], %get3A_1804 : memref<16x8x129xf32, #tpu.memory_space<vmem>>[vector<16xi32>, vector<16xi32>, vector<16xi32>], vector<16xf32>,
      tpu.vector_store_idx %arg7[%add3A_299, %rem3A_210, %broadcast_in_dim3A_1813], %get3A_1811 : memref<16x8x129xf32, #tpu.memory_space<vmem>>[vector<16xi32>, vector<16xi32>, vector<16xi32>], vector<16xf32>,
      %broadcast_in_dim3A_1842 = arith.constant 51 : i32
      %broadcast_in_dim3A_1843 = vector.broadcast %broadcast_in_dim3A_1842 : i32 to vector<16xi32>
      %add3A_1844 = arith.constant 51 : i32
      %add3A_1845 = arith.addi %mul3A_301, %add3A_1844 : i32
      %add3A_1846 = arith.constant 1 : i32
      %add3A_1847 = arith.addi %add3A_1845, %add3A_1846 : i32
      %get3A_1848 = arith.index_cast %add3A_1847 : i32 to index
      %get3A_1849 = arith.constant 0 : index
      %get3A_1850 = tpu.vector_load %arg6[%get3A_1848, %get3A_1849] {strides = array<i32>} : memref<768x64xf32, #tpu.memory_space<vmem>>, vector<16xf32>,
      %add3A_1851 = arith.constant 51 : i32
      %add3A_1852 = arith.addi %mul3A_301, %add3A_1851 : i32
      %add3A_1853 = arith.constant 1 : i32
      %add3A_1854 = arith.addi %add3A_1852, %add3A_1853 : i32
      %get3A_1855 = arith.index_cast %add3A_1854 : i32 to index
      %get3A_1856 = arith.constant 16 : index
      %get3A_1857 = tpu.vector_load %arg6[%get3A_1855, %get3A_1856] {strides = array<i32>} : memref<768x64xf32, #tpu.memory_space<vmem>>, vector<16xf32>,
      %add3A_1858 = arith.constant 51 : i32
      %add3A_1859 = arith.addi %mul3A_301, %add3A_1858 : i32
      %add3A_1860 = arith.constant 1 : i32
      %add3A_1861 = arith.addi %add3A_1859, %add3A_1860 : i32
      %get3A_1862 = arith.index_cast %add3A_1861 : i32 to index
      %get3A_1863 = arith.constant 32 : index
      %get3A_1864 = tpu.vector_load %arg6[%get3A_1862, %get3A_1863] {strides = array<i32>} : memref<768x64xf32, #tpu.memory_space<vmem>>, vector<16xf32>,
      %add3A_1865 = arith.constant 51 : i32
      %add3A_1866 = arith.addi %mul3A_301, %add3A_1865 : i32
      %add3A_1867 = arith.constant 1 : i32
      %add3A_1868 = arith.addi %add3A_1866, %add3A_1867 : i32
      %get3A_1869 = arith.index_cast %add3A_1868 : i32 to index
      %get3A_1870 = arith.constant 48 : index
      %get3A_1871 = tpu.vector_load %arg6[%get3A_1869, %get3A_1870] {strides = array<i32>} : memref<768x64xf32, #tpu.memory_space<vmem>>, vector<16xf32>,
      tpu.vector_store_idx %arg7[%add3A_287, %rem3A_210, %broadcast_in_dim3A_1843], %get3A_1820 : memref<16x8x129xf32, #tpu.memory_space<vmem>>[vector<16xi32>, vector<16xi32>, vector<16xi32>], vector<16xf32>,
      tpu.vector_store_idx %arg7[%add3A_291, %rem3A_210, %broadcast_in_dim3A_1843], %get3A_1827 : memref<16x8x129xf32, #tpu.memory_space<vmem>>[vector<16xi32>, vector<16xi32>, vector<16xi32>], vector<16xf32>,
      tpu.vector_store_idx %arg7[%add3A_295, %rem3A_210, %broadcast_in_dim3A_1843], %get3A_1834 : memref<16x8x129xf32, #tpu.memory_space<vmem>>[vector<16xi32>, vector<16xi32>, vector<16xi32>], vector<16xf32>,
      tpu.vector_store_idx %arg7[%add3A_299, %rem3A_210, %broadcast_in_dim3A_1843], %get3A_1841 : memref<16x8x129xf32, #tpu.memory_space<vmem>>[vector<16xi32>, vector<16xi32>, vector<16xi32>], vector<16xf32>,
      %broadcast_in_dim3A_1872 = arith.constant 52 : i32
      %broadcast_in_dim3A_1873 = vector.broadcast %broadcast_in_dim3A_1872 : i32 to vector<16xi32>
      %add3A_1874 = arith.constant 52 : i32
      %add3A_1875 = arith.addi %mul3A_301, %add3A_1874 : i32
      %add3A_1876 = arith.constant 1 : i32
      %add3A_1877 = arith.addi %add3A_1875, %add3A_1876 : i32
      %get3A_1878 = arith.index_cast %add3A_1877 : i32 to index
      %get3A_1879 = arith.constant 0 : index
      %get3A_1880 = tpu.vector_load %arg6[%get3A_1878, %get3A_1879] {strides = array<i32>} : memref<768x64xf32, #tpu.memory_space<vmem>>, vector<16xf32>,
      %add3A_1881 = arith.constant 52 : i32
      %add3A_1882 = arith.addi %mul3A_301, %add3A_1881 : i32
      %add3A_1883 = arith.constant 1 : i32
      %add3A_1884 = arith.addi %add3A_1882, %add3A_1883 : i32
      %get3A_1885 = arith.index_cast %add3A_1884 : i32 to index
      %get3A_1886 = arith.constant 16 : index
      %get3A_1887 = tpu.vector_load %arg6[%get3A_1885, %get3A_1886] {strides = array<i32>} : memref<768x64xf32, #tpu.memory_space<vmem>>, vector<16xf32>,
      %add3A_1888 = arith.constant 52 : i32
      %add3A_1889 = arith.addi %mul3A_301, %add3A_1888 : i32
      %add3A_1890 = arith.constant 1 : i32
      %add3A_1891 = arith.addi %add3A_1889, %add3A_1890 : i32
      %get3A_1892 = arith.index_cast %add3A_1891 : i32 to index
      %get3A_1893 = arith.constant 32 : index
      %get3A_1894 = tpu.vector_load %arg6[%get3A_1892, %get3A_1893] {strides = array<i32>} : memref<768x64xf32, #tpu.memory_space<vmem>>, vector<16xf32>,
      %add3A_1895 = arith.constant 52 : i32
      %add3A_1896 = arith.addi %mul3A_301, %add3A_1895 : i32
      %add3A_1897 = arith.constant 1 : i32
      %add3A_1898 = arith.addi %add3A_1896, %add3A_1897 : i32
      %get3A_1899 = arith.index_cast %add3A_1898 : i32 to index
      %get3A_1900 = arith.constant 48 : index
      %get3A_1901 = tpu.vector_load %arg6[%get3A_1899, %get3A_1900] {strides = array<i32>} : memref<768x64xf32, #tpu.memory_space<vmem>>, vector<16xf32>,
      tpu.vector_store_idx %arg7[%add3A_287, %rem3A_210, %broadcast_in_dim3A_1873], %get3A_1850 : memref<16x8x129xf32, #tpu.memory_space<vmem>>[vector<16xi32>, vector<16xi32>, vector<16xi32>], vector<16xf32>,
      tpu.vector_store_idx %arg7[%add3A_291, %rem3A_210, %broadcast_in_dim3A_1873], %get3A_1857 : memref<16x8x129xf32, #tpu.memory_space<vmem>>[vector<16xi32>, vector<16xi32>, vector<16xi32>], vector<16xf32>,
      tpu.vector_store_idx %arg7[%add3A_295, %rem3A_210, %broadcast_in_dim3A_1873], %get3A_1864 : memref<16x8x129xf32, #tpu.memory_space<vmem>>[vector<16xi32>, vector<16xi32>, vector<16xi32>], vector<16xf32>,
      tpu.vector_store_idx %arg7[%add3A_299, %rem3A_210, %broadcast_in_dim3A_1873], %get3A_1871 : memref<16x8x129xf32, #tpu.memory_space<vmem>>[vector<16xi32>, vector<16xi32>, vector<16xi32>], vector<16xf32>,
      %broadcast_in_dim3A_1902 = arith.constant 53 : i32
      %broadcast_in_dim3A_1903 = vector.broadcast %broadcast_in_dim3A_1902 : i32 to vector<16xi32>
      %add3A_1904 = arith.constant 53 : i32
      %add3A_1905 = arith.addi %mul3A_301, %add3A_1904 : i32
      %add3A_1906 = arith.constant 1 : i32
      %add3A_1907 = arith.addi %add3A_1905, %add3A_1906 : i32
      %get3A_1908 = arith.index_cast %add3A_1907 : i32 to index
      %get3A_1909 = arith.constant 0 : index
      %get3A_1910 = tpu.vector_load %arg6[%get3A_1908, %get3A_1909] {strides = array<i32>} : memref<768x64xf32, #tpu.memory_space<vmem>>, vector<16xf32>,
      %add3A_1911 = arith.constant 53 : i32
      %add3A_1912 = arith.addi %mul3A_301, %add3A_1911 : i32
      %add3A_1913 = arith.constant 1 : i32
      %add3A_1914 = arith.addi %add3A_1912, %add3A_1913 : i32
      %get3A_1915 = arith.index_cast %add3A_1914 : i32 to index
      %get3A_1916 = arith.constant 16 : index
      %get3A_1917 = tpu.vector_load %arg6[%get3A_1915, %get3A_1916] {strides = array<i32>} : memref<768x64xf32, #tpu.memory_space<vmem>>, vector<16xf32>,
      %add3A_1918 = arith.constant 53 : i32
      %add3A_1919 = arith.addi %mul3A_301, %add3A_1918 : i32
      %add3A_1920 = arith.constant 1 : i32
      %add3A_1921 = arith.addi %add3A_1919, %add3A_1920 : i32
      %get3A_1922 = arith.index_cast %add3A_1921 : i32 to index
      %get3A_1923 = arith.constant 32 : index
      %get3A_1924 = tpu.vector_load %arg6[%get3A_1922, %get3A_1923] {strides = array<i32>} : memref<768x64xf32, #tpu.memory_space<vmem>>, vector<16xf32>,
      %add3A_1925 = arith.constant 53 : i32
      %add3A_1926 = arith.addi %mul3A_301, %add3A_1925 : i32
      %add3A_1927 = arith.constant 1 : i32
      %add3A_1928 = arith.addi %add3A_1926, %add3A_1927 : i32
      %get3A_1929 = arith.index_cast %add3A_1928 : i32 to index
      %get3A_1930 = arith.constant 48 : index
      %get3A_1931 = tpu.vector_load %arg6[%get3A_1929, %get3A_1930] {strides = array<i32>} : memref<768x64xf32, #tpu.memory_space<vmem>>, vector<16xf32>,
      tpu.vector_store_idx %arg7[%add3A_287, %rem3A_210, %broadcast_in_dim3A_1903], %get3A_1880 : memref<16x8x129xf32, #tpu.memory_space<vmem>>[vector<16xi32>, vector<16xi32>, vector<16xi32>], vector<16xf32>,
      tpu.vector_store_idx %arg7[%add3A_291, %rem3A_210, %broadcast_in_dim3A_1903], %get3A_1887 : memref<16x8x129xf32, #tpu.memory_space<vmem>>[vector<16xi32>, vector<16xi32>, vector<16xi32>], vector<16xf32>,
      tpu.vector_store_idx %arg7[%add3A_295, %rem3A_210, %broadcast_in_dim3A_1903], %get3A_1894 : memref<16x8x129xf32, #tpu.memory_space<vmem>>[vector<16xi32>, vector<16xi32>, vector<16xi32>], vector<16xf32>,
      tpu.vector_store_idx %arg7[%add3A_299, %rem3A_210, %broadcast_in_dim3A_1903], %get3A_1901 : memref<16x8x129xf32, #tpu.memory_space<vmem>>[vector<16xi32>, vector<16xi32>, vector<16xi32>], vector<16xf32>,
      %broadcast_in_dim3A_1932 = arith.constant 54 : i32
      %broadcast_in_dim3A_1933 = vector.broadcast %broadcast_in_dim3A_1932 : i32 to vector<16xi32>
      %add3A_1934 = arith.constant 54 : i32
      %add3A_1935 = arith.addi %mul3A_301, %add3A_1934 : i32
      %add3A_1936 = arith.constant 1 : i32
      %add3A_1937 = arith.addi %add3A_1935, %add3A_1936 : i32
      %get3A_1938 = arith.index_cast %add3A_1937 : i32 to index
      %get3A_1939 = arith.constant 0 : index
      %get3A_1940 = tpu.vector_load %arg6[%get3A_1938, %get3A_1939] {strides = array<i32>} : memref<768x64xf32, #tpu.memory_space<vmem>>, vector<16xf32>,
      %add3A_1941 = arith.constant 54 : i32
      %add3A_1942 = arith.addi %mul3A_301, %add3A_1941 : i32
      %add3A_1943 = arith.constant 1 : i32
      %add3A_1944 = arith.addi %add3A_1942, %add3A_1943 : i32
      %get3A_1945 = arith.index_cast %add3A_1944 : i32 to index
      %get3A_1946 = arith.constant 16 : index
      %get3A_1947 = tpu.vector_load %arg6[%get3A_1945, %get3A_1946] {strides = array<i32>} : memref<768x64xf32, #tpu.memory_space<vmem>>, vector<16xf32>,
      %add3A_1948 = arith.constant 54 : i32
      %add3A_1949 = arith.addi %mul3A_301, %add3A_1948 : i32
      %add3A_1950 = arith.constant 1 : i32
      %add3A_1951 = arith.addi %add3A_1949, %add3A_1950 : i32
      %get3A_1952 = arith.index_cast %add3A_1951 : i32 to index
      %get3A_1953 = arith.constant 32 : index
      %get3A_1954 = tpu.vector_load %arg6[%get3A_1952, %get3A_1953] {strides = array<i32>} : memref<768x64xf32, #tpu.memory_space<vmem>>, vector<16xf32>,
      %add3A_1955 = arith.constant 54 : i32
      %add3A_1956 = arith.addi %mul3A_301, %add3A_1955 : i32
      %add3A_1957 = arith.constant 1 : i32
      %add3A_1958 = arith.addi %add3A_1956, %add3A_1957 : i32
      %get3A_1959 = arith.index_cast %add3A_1958 : i32 to index
      %get3A_1960 = arith.constant 48 : index
      %get3A_1961 = tpu.vector_load %arg6[%get3A_1959, %get3A_1960] {strides = array<i32>} : memref<768x64xf32, #tpu.memory_space<vmem>>, vector<16xf32>,
      tpu.vector_store_idx %arg7[%add3A_287, %rem3A_210, %broadcast_in_dim3A_1933], %get3A_1910 : memref<16x8x129xf32, #tpu.memory_space<vmem>>[vector<16xi32>, vector<16xi32>, vector<16xi32>], vector<16xf32>,
      tpu.vector_store_idx %arg7[%add3A_291, %rem3A_210, %broadcast_in_dim3A_1933], %get3A_1917 : memref<16x8x129xf32, #tpu.memory_space<vmem>>[vector<16xi32>, vector<16xi32>, vector<16xi32>], vector<16xf32>,
      tpu.vector_store_idx %arg7[%add3A_295, %rem3A_210, %broadcast_in_dim3A_1933], %get3A_1924 : memref<16x8x129xf32, #tpu.memory_space<vmem>>[vector<16xi32>, vector<16xi32>, vector<16xi32>], vector<16xf32>,
      tpu.vector_store_idx %arg7[%add3A_299, %rem3A_210, %broadcast_in_dim3A_1933], %get3A_1931 : memref<16x8x129xf32, #tpu.memory_space<vmem>>[vector<16xi32>, vector<16xi32>, vector<16xi32>], vector<16xf32>,
      %broadcast_in_dim3A_1962 = arith.constant 55 : i32
      %broadcast_in_dim3A_1963 = vector.broadcast %broadcast_in_dim3A_1962 : i32 to vector<16xi32>
      %add3A_1964 = arith.constant 55 : i32
      %add3A_1965 = arith.addi %mul3A_301, %add3A_1964 : i32
      %add3A_1966 = arith.constant 1 : i32
      %add3A_1967 = arith.addi %add3A_1965, %add3A_1966 : i32
      %get3A_1968 = arith.index_cast %add3A_1967 : i32 to index
      %get3A_1969 = arith.constant 0 : index
      %get3A_1970 = tpu.vector_load %arg6[%get3A_1968, %get3A_1969] {strides = array<i32>} : memref<768x64xf32, #tpu.memory_space<vmem>>, vector<16xf32>,
      %add3A_1971 = arith.constant 55 : i32
      %add3A_1972 = arith.addi %mul3A_301, %add3A_1971 : i32
      %add3A_1973 = arith.constant 1 : i32
      %add3A_1974 = arith.addi %add3A_1972, %add3A_1973 : i32
      %get3A_1975 = arith.index_cast %add3A_1974 : i32 to index
      %get3A_1976 = arith.constant 16 : index
      %get3A_1977 = tpu.vector_load %arg6[%get3A_1975, %get3A_1976] {strides = array<i32>} : memref<768x64xf32, #tpu.memory_space<vmem>>, vector<16xf32>,
      %add3A_1978 = arith.constant 55 : i32
      %add3A_1979 = arith.addi %mul3A_301, %add3A_1978 : i32
      %add3A_1980 = arith.constant 1 : i32
      %add3A_1981 = arith.addi %add3A_1979, %add3A_1980 : i32
      %get3A_1982 = arith.index_cast %add3A_1981 : i32 to index
      %get3A_1983 = arith.constant 32 : index
      %get3A_1984 = tpu.vector_load %arg6[%get3A_1982, %get3A_1983] {strides = array<i32>} : memref<768x64xf32, #tpu.memory_space<vmem>>, vector<16xf32>,
      %add3A_1985 = arith.constant 55 : i32
      %add3A_1986 = arith.addi %mul3A_301, %add3A_1985 : i32
      %add3A_1987 = arith.constant 1 : i32
      %add3A_1988 = arith.addi %add3A_1986, %add3A_1987 : i32
      %get3A_1989 = arith.index_cast %add3A_1988 : i32 to index
      %get3A_1990 = arith.constant 48 : index
      %get3A_1991 = tpu.vector_load %arg6[%get3A_1989, %get3A_1990] {strides = array<i32>} : memref<768x64xf32, #tpu.memory_space<vmem>>, vector<16xf32>,
      tpu.vector_store_idx %arg7[%add3A_287, %rem3A_210, %broadcast_in_dim3A_1963], %get3A_1940 : memref<16x8x129xf32, #tpu.memory_space<vmem>>[vector<16xi32>, vector<16xi32>, vector<16xi32>], vector<16xf32>,
      tpu.vector_store_idx %arg7[%add3A_291, %rem3A_210, %broadcast_in_dim3A_1963], %get3A_1947 : memref<16x8x129xf32, #tpu.memory_space<vmem>>[vector<16xi32>, vector<16xi32>, vector<16xi32>], vector<16xf32>,
      tpu.vector_store_idx %arg7[%add3A_295, %rem3A_210, %broadcast_in_dim3A_1963], %get3A_1954 : memref<16x8x129xf32, #tpu.memory_space<vmem>>[vector<16xi32>, vector<16xi32>, vector<16xi32>], vector<16xf32>,
      tpu.vector_store_idx %arg7[%add3A_299, %rem3A_210, %broadcast_in_dim3A_1963], %get3A_1961 : memref<16x8x129xf32, #tpu.memory_space<vmem>>[vector<16xi32>, vector<16xi32>, vector<16xi32>], vector<16xf32>,
      %broadcast_in_dim3A_1992 = arith.constant 56 : i32
      %broadcast_in_dim3A_1993 = vector.broadcast %broadcast_in_dim3A_1992 : i32 to vector<16xi32>
      %add3A_1994 = arith.constant 56 : i32
      %add3A_1995 = arith.addi %mul3A_301, %add3A_1994 : i32
      %add3A_1996 = arith.constant 1 : i32
      %add3A_1997 = arith.addi %add3A_1995, %add3A_1996 : i32
      %get3A_1998 = arith.index_cast %add3A_1997 : i32 to index
      %get3A_1999 = arith.constant 0 : index
      %get3A_2000 = tpu.vector_load %arg6[%get3A_1998, %get3A_1999] {strides = array<i32>} : memref<768x64xf32, #tpu.memory_space<vmem>>, vector<16xf32>,
      %add3A_2001 = arith.constant 56 : i32
      %add3A_2002 = arith.addi %mul3A_301, %add3A_2001 : i32
      %add3A_2003 = arith.constant 1 : i32
      %add3A_2004 = arith.addi %add3A_2002, %add3A_2003 : i32
      %get3A_2005 = arith.index_cast %add3A_2004 : i32 to index
      %get3A_2006 = arith.constant 16 : index
      %get3A_2007 = tpu.vector_load %arg6[%get3A_2005, %get3A_2006] {strides = array<i32>} : memref<768x64xf32, #tpu.memory_space<vmem>>, vector<16xf32>,
      %add3A_2008 = arith.constant 56 : i32
      %add3A_2009 = arith.addi %mul3A_301, %add3A_2008 : i32
      %add3A_2010 = arith.constant 1 : i32
      %add3A_2011 = arith.addi %add3A_2009, %add3A_2010 : i32
      %get3A_2012 = arith.index_cast %add3A_2011 : i32 to index
      %get3A_2013 = arith.constant 32 : index
      %get3A_2014 = tpu.vector_load %arg6[%get3A_2012, %get3A_2013] {strides = array<i32>} : memref<768x64xf32, #tpu.memory_space<vmem>>, vector<16xf32>,
      %add3A_2015 = arith.constant 56 : i32
      %add3A_2016 = arith.addi %mul3A_301, %add3A_2015 : i32
      %add3A_2017 = arith.constant 1 : i32
      %add3A_2018 = arith.addi %add3A_2016, %add3A_2017 : i32
      %get3A_2019 = arith.index_cast %add3A_2018 : i32 to index
      %get3A_2020 = arith.constant 48 : index
      %get3A_2021 = tpu.vector_load %arg6[%get3A_2019, %get3A_2020] {strides = array<i32>} : memref<768x64xf32, #tpu.memory_space<vmem>>, vector<16xf32>,
      tpu.vector_store_idx %arg7[%add3A_287, %rem3A_210, %broadcast_in_dim3A_1993], %get3A_1970 : memref<16x8x129xf32, #tpu.memory_space<vmem>>[vector<16xi32>, vector<16xi32>, vector<16xi32>], vector<16xf32>,
      tpu.vector_store_idx %arg7[%add3A_291, %rem3A_210, %broadcast_in_dim3A_1993], %get3A_1977 : memref<16x8x129xf32, #tpu.memory_space<vmem>>[vector<16xi32>, vector<16xi32>, vector<16xi32>], vector<16xf32>,
      tpu.vector_store_idx %arg7[%add3A_295, %rem3A_210, %broadcast_in_dim3A_1993], %get3A_1984 : memref<16x8x129xf32, #tpu.memory_space<vmem>>[vector<16xi32>, vector<16xi32>, vector<16xi32>], vector<16xf32>,
      tpu.vector_store_idx %arg7[%add3A_299, %rem3A_210, %broadcast_in_dim3A_1993], %get3A_1991 : memref<16x8x129xf32, #tpu.memory_space<vmem>>[vector<16xi32>, vector<16xi32>, vector<16xi32>], vector<16xf32>,
      %broadcast_in_dim3A_2022 = arith.constant 57 : i32
      %broadcast_in_dim3A_2023 = vector.broadcast %broadcast_in_dim3A_2022 : i32 to vector<16xi32>
      %add3A_2024 = arith.constant 57 : i32
      %add3A_2025 = arith.addi %mul3A_301, %add3A_2024 : i32
      %add3A_2026 = arith.constant 1 : i32
      %add3A_2027 = arith.addi %add3A_2025, %add3A_2026 : i32
      %get3A_2028 = arith.index_cast %add3A_2027 : i32 to index
      %get3A_2029 = arith.constant 0 : index
      %get3A_2030 = tpu.vector_load %arg6[%get3A_2028, %get3A_2029] {strides = array<i32>} : memref<768x64xf32, #tpu.memory_space<vmem>>, vector<16xf32>,
      %add3A_2031 = arith.constant 57 : i32
      %add3A_2032 = arith.addi %mul3A_301, %add3A_2031 : i32
      %add3A_2033 = arith.constant 1 : i32
      %add3A_2034 = arith.addi %add3A_2032, %add3A_2033 : i32
      %get3A_2035 = arith.index_cast %add3A_2034 : i32 to index
      %get3A_2036 = arith.constant 16 : index
      %get3A_2037 = tpu.vector_load %arg6[%get3A_2035, %get3A_2036] {strides = array<i32>} : memref<768x64xf32, #tpu.memory_space<vmem>>, vector<16xf32>,
      %add3A_2038 = arith.constant 57 : i32
      %add3A_2039 = arith.addi %mul3A_301, %add3A_2038 : i32
      %add3A_2040 = arith.constant 1 : i32
      %add3A_2041 = arith.addi %add3A_2039, %add3A_2040 : i32
      %get3A_2042 = arith.index_cast %add3A_2041 : i32 to index
      %get3A_2043 = arith.constant 32 : index
      %get3A_2044 = tpu.vector_load %arg6[%get3A_2042, %get3A_2043] {strides = array<i32>} : memref<768x64xf32, #tpu.memory_space<vmem>>, vector<16xf32>,
      %add3A_2045 = arith.constant 57 : i32
      %add3A_2046 = arith.addi %mul3A_301, %add3A_2045 : i32
      %add3A_2047 = arith.constant 1 : i32
      %add3A_2048 = arith.addi %add3A_2046, %add3A_2047 : i32
      %get3A_2049 = arith.index_cast %add3A_2048 : i32 to index
      %get3A_2050 = arith.constant 48 : index
      %get3A_2051 = tpu.vector_load %arg6[%get3A_2049, %get3A_2050] {strides = array<i32>} : memref<768x64xf32, #tpu.memory_space<vmem>>, vector<16xf32>,
      tpu.vector_store_idx %arg7[%add3A_287, %rem3A_210, %broadcast_in_dim3A_2023], %get3A_2000 : memref<16x8x129xf32, #tpu.memory_space<vmem>>[vector<16xi32>, vector<16xi32>, vector<16xi32>], vector<16xf32>,
      tpu.vector_store_idx %arg7[%add3A_291, %rem3A_210, %broadcast_in_dim3A_2023], %get3A_2007 : memref<16x8x129xf32, #tpu.memory_space<vmem>>[vector<16xi32>, vector<16xi32>, vector<16xi32>], vector<16xf32>,
      tpu.vector_store_idx %arg7[%add3A_295, %rem3A_210, %broadcast_in_dim3A_2023], %get3A_2014 : memref<16x8x129xf32, #tpu.memory_space<vmem>>[vector<16xi32>, vector<16xi32>, vector<16xi32>], vector<16xf32>,
      tpu.vector_store_idx %arg7[%add3A_299, %rem3A_210, %broadcast_in_dim3A_2023], %get3A_2021 : memref<16x8x129xf32, #tpu.memory_space<vmem>>[vector<16xi32>, vector<16xi32>, vector<16xi32>], vector<16xf32>,
      %broadcast_in_dim3A_2052 = arith.constant 58 : i32
      %broadcast_in_dim3A_2053 = vector.broadcast %broadcast_in_dim3A_2052 : i32 to vector<16xi32>
      %add3A_2054 = arith.constant 58 : i32
      %add3A_2055 = arith.addi %mul3A_301, %add3A_2054 : i32
      %add3A_2056 = arith.constant 1 : i32
      %add3A_2057 = arith.addi %add3A_2055, %add3A_2056 : i32
      %get3A_2058 = arith.index_cast %add3A_2057 : i32 to index
      %get3A_2059 = arith.constant 0 : index
      %get3A_2060 = tpu.vector_load %arg6[%get3A_2058, %get3A_2059] {strides = array<i32>} : memref<768x64xf32, #tpu.memory_space<vmem>>, vector<16xf32>,
      %add3A_2061 = arith.constant 58 : i32
      %add3A_2062 = arith.addi %mul3A_301, %add3A_2061 : i32
      %add3A_2063 = arith.constant 1 : i32
      %add3A_2064 = arith.addi %add3A_2062, %add3A_2063 : i32
      %get3A_2065 = arith.index_cast %add3A_2064 : i32 to index
      %get3A_2066 = arith.constant 16 : index
      %get3A_2067 = tpu.vector_load %arg6[%get3A_2065, %get3A_2066] {strides = array<i32>} : memref<768x64xf32, #tpu.memory_space<vmem>>, vector<16xf32>,
      %add3A_2068 = arith.constant 58 : i32
      %add3A_2069 = arith.addi %mul3A_301, %add3A_2068 : i32
      %add3A_2070 = arith.constant 1 : i32
      %add3A_2071 = arith.addi %add3A_2069, %add3A_2070 : i32
      %get3A_2072 = arith.index_cast %add3A_2071 : i32 to index
      %get3A_2073 = arith.constant 32 : index
      %get3A_2074 = tpu.vector_load %arg6[%get3A_2072, %get3A_2073] {strides = array<i32>} : memref<768x64xf32, #tpu.memory_space<vmem>>, vector<16xf32>,
      %add3A_2075 = arith.constant 58 : i32
      %add3A_2076 = arith.addi %mul3A_301, %add3A_2075 : i32
      %add3A_2077 = arith.constant 1 : i32
      %add3A_2078 = arith.addi %add3A_2076, %add3A_2077 : i32
      %get3A_2079 = arith.index_cast %add3A_2078 : i32 to index
      %get3A_2080 = arith.constant 48 : index
      %get3A_2081 = tpu.vector_load %arg6[%get3A_2079, %get3A_2080] {strides = array<i32>} : memref<768x64xf32, #tpu.memory_space<vmem>>, vector<16xf32>,
      tpu.vector_store_idx %arg7[%add3A_287, %rem3A_210, %broadcast_in_dim3A_2053], %get3A_2030 : memref<16x8x129xf32, #tpu.memory_space<vmem>>[vector<16xi32>, vector<16xi32>, vector<16xi32>], vector<16xf32>,
      tpu.vector_store_idx %arg7[%add3A_291, %rem3A_210, %broadcast_in_dim3A_2053], %get3A_2037 : memref<16x8x129xf32, #tpu.memory_space<vmem>>[vector<16xi32>, vector<16xi32>, vector<16xi32>], vector<16xf32>,
      tpu.vector_store_idx %arg7[%add3A_295, %rem3A_210, %broadcast_in_dim3A_2053], %get3A_2044 : memref<16x8x129xf32, #tpu.memory_space<vmem>>[vector<16xi32>, vector<16xi32>, vector<16xi32>], vector<16xf32>,
      tpu.vector_store_idx %arg7[%add3A_299, %rem3A_210, %broadcast_in_dim3A_2053], %get3A_2051 : memref<16x8x129xf32, #tpu.memory_space<vmem>>[vector<16xi32>, vector<16xi32>, vector<16xi32>], vector<16xf32>,
      %broadcast_in_dim3A_2082 = arith.constant 59 : i32
      %broadcast_in_dim3A_2083 = vector.broadcast %broadcast_in_dim3A_2082 : i32 to vector<16xi32>
      %add3A_2084 = arith.constant 59 : i32
      %add3A_2085 = arith.addi %mul3A_301, %add3A_2084 : i32
      %add3A_2086 = arith.constant 1 : i32
      %add3A_2087 = arith.addi %add3A_2085, %add3A_2086 : i32
      %get3A_2088 = arith.index_cast %add3A_2087 : i32 to index
      %get3A_2089 = arith.constant 0 : index
      %get3A_2090 = tpu.vector_load %arg6[%get3A_2088, %get3A_2089] {strides = array<i32>} : memref<768x64xf32, #tpu.memory_space<vmem>>, vector<16xf32>,
      %add3A_2091 = arith.constant 59 : i32
      %add3A_2092 = arith.addi %mul3A_301, %add3A_2091 : i32
      %add3A_2093 = arith.constant 1 : i32
      %add3A_2094 = arith.addi %add3A_2092, %add3A_2093 : i32
      %get3A_2095 = arith.index_cast %add3A_2094 : i32 to index
      %get3A_2096 = arith.constant 16 : index
      %get3A_2097 = tpu.vector_load %arg6[%get3A_2095, %get3A_2096] {strides = array<i32>} : memref<768x64xf32, #tpu.memory_space<vmem>>, vector<16xf32>,
      %add3A_2098 = arith.constant 59 : i32
      %add3A_2099 = arith.addi %mul3A_301, %add3A_2098 : i32
      %add3A_2100 = arith.constant 1 : i32
      %add3A_2101 = arith.addi %add3A_2099, %add3A_2100 : i32
      %get3A_2102 = arith.index_cast %add3A_2101 : i32 to index
      %get3A_2103 = arith.constant 32 : index
      %get3A_2104 = tpu.vector_load %arg6[%get3A_2102, %get3A_2103] {strides = array<i32>} : memref<768x64xf32, #tpu.memory_space<vmem>>, vector<16xf32>,
      %add3A_2105 = arith.constant 59 : i32
      %add3A_2106 = arith.addi %mul3A_301, %add3A_2105 : i32
      %add3A_2107 = arith.constant 1 : i32
      %add3A_2108 = arith.addi %add3A_2106, %add3A_2107 : i32
      %get3A_2109 = arith.index_cast %add3A_2108 : i32 to index
      %get3A_2110 = arith.constant 48 : index
      %get3A_2111 = tpu.vector_load %arg6[%get3A_2109, %get3A_2110] {strides = array<i32>} : memref<768x64xf32, #tpu.memory_space<vmem>>, vector<16xf32>,
      tpu.vector_store_idx %arg7[%add3A_287, %rem3A_210, %broadcast_in_dim3A_2083], %get3A_2060 : memref<16x8x129xf32, #tpu.memory_space<vmem>>[vector<16xi32>, vector<16xi32>, vector<16xi32>], vector<16xf32>,
      tpu.vector_store_idx %arg7[%add3A_291, %rem3A_210, %broadcast_in_dim3A_2083], %get3A_2067 : memref<16x8x129xf32, #tpu.memory_space<vmem>>[vector<16xi32>, vector<16xi32>, vector<16xi32>], vector<16xf32>,
      tpu.vector_store_idx %arg7[%add3A_295, %rem3A_210, %broadcast_in_dim3A_2083], %get3A_2074 : memref<16x8x129xf32, #tpu.memory_space<vmem>>[vector<16xi32>, vector<16xi32>, vector<16xi32>], vector<16xf32>,
      tpu.vector_store_idx %arg7[%add3A_299, %rem3A_210, %broadcast_in_dim3A_2083], %get3A_2081 : memref<16x8x129xf32, #tpu.memory_space<vmem>>[vector<16xi32>, vector<16xi32>, vector<16xi32>], vector<16xf32>,
      %broadcast_in_dim3A_2112 = arith.constant 60 : i32
      %broadcast_in_dim3A_2113 = vector.broadcast %broadcast_in_dim3A_2112 : i32 to vector<16xi32>
      %add3A_2114 = arith.constant 60 : i32
      %add3A_2115 = arith.addi %mul3A_301, %add3A_2114 : i32
      %add3A_2116 = arith.constant 1 : i32
      %add3A_2117 = arith.addi %add3A_2115, %add3A_2116 : i32
      %get3A_2118 = arith.index_cast %add3A_2117 : i32 to index
      %get3A_2119 = arith.constant 0 : index
      %get3A_2120 = tpu.vector_load %arg6[%get3A_2118, %get3A_2119] {strides = array<i32>} : memref<768x64xf32, #tpu.memory_space<vmem>>, vector<16xf32>,
      %add3A_2121 = arith.constant 60 : i32
      %add3A_2122 = arith.addi %mul3A_301, %add3A_2121 : i32
      %add3A_2123 = arith.constant 1 : i32
      %add3A_2124 = arith.addi %add3A_2122, %add3A_2123 : i32
      %get3A_2125 = arith.index_cast %add3A_2124 : i32 to index
      %get3A_2126 = arith.constant 16 : index
      %get3A_2127 = tpu.vector_load %arg6[%get3A_2125, %get3A_2126] {strides = array<i32>} : memref<768x64xf32, #tpu.memory_space<vmem>>, vector<16xf32>,
      %add3A_2128 = arith.constant 60 : i32
      %add3A_2129 = arith.addi %mul3A_301, %add3A_2128 : i32
      %add3A_2130 = arith.constant 1 : i32
      %add3A_2131 = arith.addi %add3A_2129, %add3A_2130 : i32
      %get3A_2132 = arith.index_cast %add3A_2131 : i32 to index
      %get3A_2133 = arith.constant 32 : index
      %get3A_2134 = tpu.vector_load %arg6[%get3A_2132, %get3A_2133] {strides = array<i32>} : memref<768x64xf32, #tpu.memory_space<vmem>>, vector<16xf32>,
      %add3A_2135 = arith.constant 60 : i32
      %add3A_2136 = arith.addi %mul3A_301, %add3A_2135 : i32
      %add3A_2137 = arith.constant 1 : i32
      %add3A_2138 = arith.addi %add3A_2136, %add3A_2137 : i32
      %get3A_2139 = arith.index_cast %add3A_2138 : i32 to index
      %get3A_2140 = arith.constant 48 : index
      %get3A_2141 = tpu.vector_load %arg6[%get3A_2139, %get3A_2140] {strides = array<i32>} : memref<768x64xf32, #tpu.memory_space<vmem>>, vector<16xf32>,
      tpu.vector_store_idx %arg7[%add3A_287, %rem3A_210, %broadcast_in_dim3A_2113], %get3A_2090 : memref<16x8x129xf32, #tpu.memory_space<vmem>>[vector<16xi32>, vector<16xi32>, vector<16xi32>], vector<16xf32>,
      tpu.vector_store_idx %arg7[%add3A_291, %rem3A_210, %broadcast_in_dim3A_2113], %get3A_2097 : memref<16x8x129xf32, #tpu.memory_space<vmem>>[vector<16xi32>, vector<16xi32>, vector<16xi32>], vector<16xf32>,
      tpu.vector_store_idx %arg7[%add3A_295, %rem3A_210, %broadcast_in_dim3A_2113], %get3A_2104 : memref<16x8x129xf32, #tpu.memory_space<vmem>>[vector<16xi32>, vector<16xi32>, vector<16xi32>], vector<16xf32>,
      tpu.vector_store_idx %arg7[%add3A_299, %rem3A_210, %broadcast_in_dim3A_2113], %get3A_2111 : memref<16x8x129xf32, #tpu.memory_space<vmem>>[vector<16xi32>, vector<16xi32>, vector<16xi32>], vector<16xf32>,
      %broadcast_in_dim3A_2142 = arith.constant 61 : i32
      %broadcast_in_dim3A_2143 = vector.broadcast %broadcast_in_dim3A_2142 : i32 to vector<16xi32>
      %add3A_2144 = arith.constant 61 : i32
      %add3A_2145 = arith.addi %mul3A_301, %add3A_2144 : i32
      %add3A_2146 = arith.constant 1 : i32
      %add3A_2147 = arith.addi %add3A_2145, %add3A_2146 : i32
      %get3A_2148 = arith.index_cast %add3A_2147 : i32 to index
      %get3A_2149 = arith.constant 0 : index
      %get3A_2150 = tpu.vector_load %arg6[%get3A_2148, %get3A_2149] {strides = array<i32>} : memref<768x64xf32, #tpu.memory_space<vmem>>, vector<16xf32>,
      %add3A_2151 = arith.constant 61 : i32
      %add3A_2152 = arith.addi %mul3A_301, %add3A_2151 : i32
      %add3A_2153 = arith.constant 1 : i32
      %add3A_2154 = arith.addi %add3A_2152, %add3A_2153 : i32
      %get3A_2155 = arith.index_cast %add3A_2154 : i32 to index
      %get3A_2156 = arith.constant 16 : index
      %get3A_2157 = tpu.vector_load %arg6[%get3A_2155, %get3A_2156] {strides = array<i32>} : memref<768x64xf32, #tpu.memory_space<vmem>>, vector<16xf32>,
      %add3A_2158 = arith.constant 61 : i32
      %add3A_2159 = arith.addi %mul3A_301, %add3A_2158 : i32
      %add3A_2160 = arith.constant 1 : i32
      %add3A_2161 = arith.addi %add3A_2159, %add3A_2160 : i32
      %get3A_2162 = arith.index_cast %add3A_2161 : i32 to index
      %get3A_2163 = arith.constant 32 : index
      %get3A_2164 = tpu.vector_load %arg6[%get3A_2162, %get3A_2163] {strides = array<i32>} : memref<768x64xf32, #tpu.memory_space<vmem>>, vector<16xf32>,
      %add3A_2165 = arith.constant 61 : i32
      %add3A_2166 = arith.addi %mul3A_301, %add3A_2165 : i32
      %add3A_2167 = arith.constant 1 : i32
      %add3A_2168 = arith.addi %add3A_2166, %add3A_2167 : i32
      %get3A_2169 = arith.index_cast %add3A_2168 : i32 to index
      %get3A_2170 = arith.constant 48 : index
      %get3A_2171 = tpu.vector_load %arg6[%get3A_2169, %get3A_2170] {strides = array<i32>} : memref<768x64xf32, #tpu.memory_space<vmem>>, vector<16xf32>,
      tpu.vector_store_idx %arg7[%add3A_287, %rem3A_210, %broadcast_in_dim3A_2143], %get3A_2120 : memref<16x8x129xf32, #tpu.memory_space<vmem>>[vector<16xi32>, vector<16xi32>, vector<16xi32>], vector<16xf32>,
      tpu.vector_store_idx %arg7[%add3A_291, %rem3A_210, %broadcast_in_dim3A_2143], %get3A_2127 : memref<16x8x129xf32, #tpu.memory_space<vmem>>[vector<16xi32>, vector<16xi32>, vector<16xi32>], vector<16xf32>,
      tpu.vector_store_idx %arg7[%add3A_295, %rem3A_210, %broadcast_in_dim3A_2143], %get3A_2134 : memref<16x8x129xf32, #tpu.memory_space<vmem>>[vector<16xi32>, vector<16xi32>, vector<16xi32>], vector<16xf32>,
      tpu.vector_store_idx %arg7[%add3A_299, %rem3A_210, %broadcast_in_dim3A_2143], %get3A_2141 : memref<16x8x129xf32, #tpu.memory_space<vmem>>[vector<16xi32>, vector<16xi32>, vector<16xi32>], vector<16xf32>,
      %broadcast_in_dim3A_2172 = arith.constant 62 : i32
      %broadcast_in_dim3A_2173 = vector.broadcast %broadcast_in_dim3A_2172 : i32 to vector<16xi32>
      %add3A_2174 = arith.constant 62 : i32
      %add3A_2175 = arith.addi %mul3A_301, %add3A_2174 : i32
      %add3A_2176 = arith.constant 1 : i32
      %add3A_2177 = arith.addi %add3A_2175, %add3A_2176 : i32
      %get3A_2178 = arith.index_cast %add3A_2177 : i32 to index
      %get3A_2179 = arith.constant 0 : index
      %get3A_2180 = tpu.vector_load %arg6[%get3A_2178, %get3A_2179] {strides = array<i32>} : memref<768x64xf32, #tpu.memory_space<vmem>>, vector<16xf32>,
      %add3A_2181 = arith.constant 62 : i32
      %add3A_2182 = arith.addi %mul3A_301, %add3A_2181 : i32
      %add3A_2183 = arith.constant 1 : i32
      %add3A_2184 = arith.addi %add3A_2182, %add3A_2183 : i32
      %get3A_2185 = arith.index_cast %add3A_2184 : i32 to index
      %get3A_2186 = arith.constant 16 : index
      %get3A_2187 = tpu.vector_load %arg6[%get3A_2185, %get3A_2186] {strides = array<i32>} : memref<768x64xf32, #tpu.memory_space<vmem>>, vector<16xf32>,
      %add3A_2188 = arith.constant 62 : i32
      %add3A_2189 = arith.addi %mul3A_301, %add3A_2188 : i32
      %add3A_2190 = arith.constant 1 : i32
      %add3A_2191 = arith.addi %add3A_2189, %add3A_2190 : i32
      %get3A_2192 = arith.index_cast %add3A_2191 : i32 to index
      %get3A_2193 = arith.constant 32 : index
      %get3A_2194 = tpu.vector_load %arg6[%get3A_2192, %get3A_2193] {strides = array<i32>} : memref<768x64xf32, #tpu.memory_space<vmem>>, vector<16xf32>,
      %add3A_2195 = arith.constant 62 : i32
      %add3A_2196 = arith.addi %mul3A_301, %add3A_2195 : i32
      %add3A_2197 = arith.constant 1 : i32
      %add3A_2198 = arith.addi %add3A_2196, %add3A_2197 : i32
      %get3A_2199 = arith.index_cast %add3A_2198 : i32 to index
      %get3A_2200 = arith.constant 48 : index
      %get3A_2201 = tpu.vector_load %arg6[%get3A_2199, %get3A_2200] {strides = array<i32>} : memref<768x64xf32, #tpu.memory_space<vmem>>, vector<16xf32>,
      tpu.vector_store_idx %arg7[%add3A_287, %rem3A_210, %broadcast_in_dim3A_2173], %get3A_2150 : memref<16x8x129xf32, #tpu.memory_space<vmem>>[vector<16xi32>, vector<16xi32>, vector<16xi32>], vector<16xf32>,
      tpu.vector_store_idx %arg7[%add3A_291, %rem3A_210, %broadcast_in_dim3A_2173], %get3A_2157 : memref<16x8x129xf32, #tpu.memory_space<vmem>>[vector<16xi32>, vector<16xi32>, vector<16xi32>], vector<16xf32>,
      tpu.vector_store_idx %arg7[%add3A_295, %rem3A_210, %broadcast_in_dim3A_2173], %get3A_2164 : memref<16x8x129xf32, #tpu.memory_space<vmem>>[vector<16xi32>, vector<16xi32>, vector<16xi32>], vector<16xf32>,
      tpu.vector_store_idx %arg7[%add3A_299, %rem3A_210, %broadcast_in_dim3A_2173], %get3A_2171 : memref<16x8x129xf32, #tpu.memory_space<vmem>>[vector<16xi32>, vector<16xi32>, vector<16xi32>], vector<16xf32>,
      %broadcast_in_dim3A_2202 = arith.constant 63 : i32
      %broadcast_in_dim3A_2203 = vector.broadcast %broadcast_in_dim3A_2202 : i32 to vector<16xi32>
      %add3A_2204 = arith.constant 63 : i32
      %add3A_2205 = arith.addi %mul3A_301, %add3A_2204 : i32
      %add3A_2206 = arith.constant 1 : i32
      %add3A_2207 = arith.addi %add3A_2205, %add3A_2206 : i32
      %get3A_2208 = arith.index_cast %add3A_2207 : i32 to index
      %get3A_2209 = arith.constant 0 : index
      %get3A_2210 = tpu.vector_load %arg6[%get3A_2208, %get3A_2209] {strides = array<i32>} : memref<768x64xf32, #tpu.memory_space<vmem>>, vector<16xf32>,
      %add3A_2211 = arith.constant 63 : i32
      %add3A_2212 = arith.addi %mul3A_301, %add3A_2211 : i32
      %add3A_2213 = arith.constant 1 : i32
      %add3A_2214 = arith.addi %add3A_2212, %add3A_2213 : i32
      %get3A_2215 = arith.index_cast %add3A_2214 : i32 to index
      %get3A_2216 = arith.constant 16 : index
      %get3A_2217 = tpu.vector_load %arg6[%get3A_2215, %get3A_2216] {strides = array<i32>} : memref<768x64xf32, #tpu.memory_space<vmem>>, vector<16xf32>,
      %add3A_2218 = arith.constant 63 : i32
      %add3A_2219 = arith.addi %mul3A_301, %add3A_2218 : i32
      %add3A_2220 = arith.constant 1 : i32
      %add3A_2221 = arith.addi %add3A_2219, %add3A_2220 : i32
      %get3A_2222 = arith.index_cast %add3A_2221 : i32 to index
      %get3A_2223 = arith.constant 32 : index
      %get3A_2224 = tpu.vector_load %arg6[%get3A_2222, %get3A_2223] {strides = array<i32>} : memref<768x64xf32, #tpu.memory_space<vmem>>, vector<16xf32>,
      %add3A_2225 = arith.constant 63 : i32
      %add3A_2226 = arith.addi %mul3A_301, %add3A_2225 : i32
      %add3A_2227 = arith.constant 1 : i32
      %add3A_2228 = arith.addi %add3A_2226, %add3A_2227 : i32
      %get3A_2229 = arith.index_cast %add3A_2228 : i32 to index
      %get3A_2230 = arith.constant 48 : index
      %get3A_2231 = tpu.vector_load %arg6[%get3A_2229, %get3A_2230] {strides = array<i32>} : memref<768x64xf32, #tpu.memory_space<vmem>>, vector<16xf32>,
      tpu.vector_store_idx %arg7[%add3A_287, %rem3A_210, %broadcast_in_dim3A_2203], %get3A_2180 : memref<16x8x129xf32, #tpu.memory_space<vmem>>[vector<16xi32>, vector<16xi32>, vector<16xi32>], vector<16xf32>,
      tpu.vector_store_idx %arg7[%add3A_291, %rem3A_210, %broadcast_in_dim3A_2203], %get3A_2187 : memref<16x8x129xf32, #tpu.memory_space<vmem>>[vector<16xi32>, vector<16xi32>, vector<16xi32>], vector<16xf32>,
      tpu.vector_store_idx %arg7[%add3A_295, %rem3A_210, %broadcast_in_dim3A_2203], %get3A_2194 : memref<16x8x129xf32, #tpu.memory_space<vmem>>[vector<16xi32>, vector<16xi32>, vector<16xi32>], vector<16xf32>,
      tpu.vector_store_idx %arg7[%add3A_299, %rem3A_210, %broadcast_in_dim3A_2203], %get3A_2201 : memref<16x8x129xf32, #tpu.memory_space<vmem>>[vector<16xi32>, vector<16xi32>, vector<16xi32>], vector<16xf32>,
      %broadcast_in_dim3A_2232 = arith.constant 64 : i32
      %broadcast_in_dim3A_2233 = vector.broadcast %broadcast_in_dim3A_2232 : i32 to vector<16xi32>
      %add3A_2234 = arith.constant 64 : i32
      %add3A_2235 = arith.addi %mul3A_301, %add3A_2234 : i32
      %add3A_2236 = arith.constant 1 : i32
      %add3A_2237 = arith.addi %add3A_2235, %add3A_2236 : i32
      %get3A_2238 = arith.index_cast %add3A_2237 : i32 to index
      %get3A_2239 = arith.constant 0 : index
      %get3A_2240 = tpu.vector_load %arg6[%get3A_2238, %get3A_2239] {strides = array<i32>} : memref<768x64xf32, #tpu.memory_space<vmem>>, vector<16xf32>,
      %add3A_2241 = arith.constant 64 : i32
      %add3A_2242 = arith.addi %mul3A_301, %add3A_2241 : i32
      %add3A_2243 = arith.constant 1 : i32
      %add3A_2244 = arith.addi %add3A_2242, %add3A_2243 : i32
      %get3A_2245 = arith.index_cast %add3A_2244 : i32 to index
      %get3A_2246 = arith.constant 16 : index
      %get3A_2247 = tpu.vector_load %arg6[%get3A_2245, %get3A_2246] {strides = array<i32>} : memref<768x64xf32, #tpu.memory_space<vmem>>, vector<16xf32>,
      %add3A_2248 = arith.constant 64 : i32
      %add3A_2249 = arith.addi %mul3A_301, %add3A_2248 : i32
      %add3A_2250 = arith.constant 1 : i32
      %add3A_2251 = arith.addi %add3A_2249, %add3A_2250 : i32
      %get3A_2252 = arith.index_cast %add3A_2251 : i32 to index
      %get3A_2253 = arith.constant 32 : index
      %get3A_2254 = tpu.vector_load %arg6[%get3A_2252, %get3A_2253] {strides = array<i32>} : memref<768x64xf32, #tpu.memory_space<vmem>>, vector<16xf32>,
      %add3A_2255 = arith.constant 64 : i32
      %add3A_2256 = arith.addi %mul3A_301, %add3A_2255 : i32
      %add3A_2257 = arith.constant 1 : i32
      %add3A_2258 = arith.addi %add3A_2256, %add3A_2257 : i32
      %get3A_2259 = arith.index_cast %add3A_2258 : i32 to index
      %get3A_2260 = arith.constant 48 : index
      %get3A_2261 = tpu.vector_load %arg6[%get3A_2259, %get3A_2260] {strides = array<i32>} : memref<768x64xf32, #tpu.memory_space<vmem>>, vector<16xf32>,
      tpu.vector_store_idx %arg7[%add3A_287, %rem3A_210, %broadcast_in_dim3A_2233], %get3A_2210 : memref<16x8x129xf32, #tpu.memory_space<vmem>>[vector<16xi32>, vector<16xi32>, vector<16xi32>], vector<16xf32>,
      tpu.vector_store_idx %arg7[%add3A_291, %rem3A_210, %broadcast_in_dim3A_2233], %get3A_2217 : memref<16x8x129xf32, #tpu.memory_space<vmem>>[vector<16xi32>, vector<16xi32>, vector<16xi32>], vector<16xf32>,
      tpu.vector_store_idx %arg7[%add3A_295, %rem3A_210, %broadcast_in_dim3A_2233], %get3A_2224 : memref<16x8x129xf32, #tpu.memory_space<vmem>>[vector<16xi32>, vector<16xi32>, vector<16xi32>], vector<16xf32>,
      tpu.vector_store_idx %arg7[%add3A_299, %rem3A_210, %broadcast_in_dim3A_2233], %get3A_2231 : memref<16x8x129xf32, #tpu.memory_space<vmem>>[vector<16xi32>, vector<16xi32>, vector<16xi32>], vector<16xf32>,
      %broadcast_in_dim3A_2262 = arith.constant 65 : i32
      %broadcast_in_dim3A_2263 = vector.broadcast %broadcast_in_dim3A_2262 : i32 to vector<16xi32>
      %add3A_2264 = arith.constant 65 : i32
      %add3A_2265 = arith.addi %mul3A_301, %add3A_2264 : i32
      %add3A_2266 = arith.constant 1 : i32
      %add3A_2267 = arith.addi %add3A_2265, %add3A_2266 : i32
      %get3A_2268 = arith.index_cast %add3A_2267 : i32 to index
      %get3A_2269 = arith.constant 0 : index
      %get3A_2270 = tpu.vector_load %arg6[%get3A_2268, %get3A_2269] {strides = array<i32>} : memref<768x64xf32, #tpu.memory_space<vmem>>, vector<16xf32>,
      %add3A_2271 = arith.constant 65 : i32
      %add3A_2272 = arith.addi %mul3A_301, %add3A_2271 : i32
      %add3A_2273 = arith.constant 1 : i32
      %add3A_2274 = arith.addi %add3A_2272, %add3A_2273 : i32
      %get3A_2275 = arith.index_cast %add3A_2274 : i32 to index
      %get3A_2276 = arith.constant 16 : index
      %get3A_2277 = tpu.vector_load %arg6[%get3A_2275, %get3A_2276] {strides = array<i32>} : memref<768x64xf32, #tpu.memory_space<vmem>>, vector<16xf32>,
      %add3A_2278 = arith.constant 65 : i32
      %add3A_2279 = arith.addi %mul3A_301, %add3A_2278 : i32
      %add3A_2280 = arith.constant 1 : i32
      %add3A_2281 = arith.addi %add3A_2279, %add3A_2280 : i32
      %get3A_2282 = arith.index_cast %add3A_2281 : i32 to index
      %get3A_2283 = arith.constant 32 : index
      %get3A_2284 = tpu.vector_load %arg6[%get3A_2282, %get3A_2283] {strides = array<i32>} : memref<768x64xf32, #tpu.memory_space<vmem>>, vector<16xf32>,
      %add3A_2285 = arith.constant 65 : i32
      %add3A_2286 = arith.addi %mul3A_301, %add3A_2285 : i32
      %add3A_2287 = arith.constant 1 : i32
      %add3A_2288 = arith.addi %add3A_2286, %add3A_2287 : i32
      %get3A_2289 = arith.index_cast %add3A_2288 : i32 to index
      %get3A_2290 = arith.constant 48 : index
      %get3A_2291 = tpu.vector_load %arg6[%get3A_2289, %get3A_2290] {strides = array<i32>} : memref<768x64xf32, #tpu.memory_space<vmem>>, vector<16xf32>,
      tpu.vector_store_idx %arg7[%add3A_287, %rem3A_210, %broadcast_in_dim3A_2263], %get3A_2240 : memref<16x8x129xf32, #tpu.memory_space<vmem>>[vector<16xi32>, vector<16xi32>, vector<16xi32>], vector<16xf32>,
      tpu.vector_store_idx %arg7[%add3A_291, %rem3A_210, %broadcast_in_dim3A_2263], %get3A_2247 : memref<16x8x129xf32, #tpu.memory_space<vmem>>[vector<16xi32>, vector<16xi32>, vector<16xi32>], vector<16xf32>,
      tpu.vector_store_idx %arg7[%add3A_295, %rem3A_210, %broadcast_in_dim3A_2263], %get3A_2254 : memref<16x8x129xf32, #tpu.memory_space<vmem>>[vector<16xi32>, vector<16xi32>, vector<16xi32>], vector<16xf32>,
      tpu.vector_store_idx %arg7[%add3A_299, %rem3A_210, %broadcast_in_dim3A_2263], %get3A_2261 : memref<16x8x129xf32, #tpu.memory_space<vmem>>[vector<16xi32>, vector<16xi32>, vector<16xi32>], vector<16xf32>,
      %broadcast_in_dim3A_2292 = arith.constant 66 : i32
      %broadcast_in_dim3A_2293 = vector.broadcast %broadcast_in_dim3A_2292 : i32 to vector<16xi32>
      %add3A_2294 = arith.constant 66 : i32
      %add3A_2295 = arith.addi %mul3A_301, %add3A_2294 : i32
      %add3A_2296 = arith.constant 1 : i32
      %add3A_2297 = arith.addi %add3A_2295, %add3A_2296 : i32
      %get3A_2298 = arith.index_cast %add3A_2297 : i32 to index
      %get3A_2299 = arith.constant 0 : index
      %get3A_2300 = tpu.vector_load %arg6[%get3A_2298, %get3A_2299] {strides = array<i32>} : memref<768x64xf32, #tpu.memory_space<vmem>>, vector<16xf32>,
      %add3A_2301 = arith.constant 66 : i32
      %add3A_2302 = arith.addi %mul3A_301, %add3A_2301 : i32
      %add3A_2303 = arith.constant 1 : i32
      %add3A_2304 = arith.addi %add3A_2302, %add3A_2303 : i32
      %get3A_2305 = arith.index_cast %add3A_2304 : i32 to index
      %get3A_2306 = arith.constant 16 : index
      %get3A_2307 = tpu.vector_load %arg6[%get3A_2305, %get3A_2306] {strides = array<i32>} : memref<768x64xf32, #tpu.memory_space<vmem>>, vector<16xf32>,
      %add3A_2308 = arith.constant 66 : i32
      %add3A_2309 = arith.addi %mul3A_301, %add3A_2308 : i32
      %add3A_2310 = arith.constant 1 : i32
      %add3A_2311 = arith.addi %add3A_2309, %add3A_2310 : i32
      %get3A_2312 = arith.index_cast %add3A_2311 : i32 to index
      %get3A_2313 = arith.constant 32 : index
      %get3A_2314 = tpu.vector_load %arg6[%get3A_2312, %get3A_2313] {strides = array<i32>} : memref<768x64xf32, #tpu.memory_space<vmem>>, vector<16xf32>,
      %add3A_2315 = arith.constant 66 : i32
      %add3A_2316 = arith.addi %mul3A_301, %add3A_2315 : i32
      %add3A_2317 = arith.constant 1 : i32
      %add3A_2318 = arith.addi %add3A_2316, %add3A_2317 : i32
      %get3A_2319 = arith.index_cast %add3A_2318 : i32 to index
      %get3A_2320 = arith.constant 48 : index
      %get3A_2321 = tpu.vector_load %arg6[%get3A_2319, %get3A_2320] {strides = array<i32>} : memref<768x64xf32, #tpu.memory_space<vmem>>, vector<16xf32>,
      tpu.vector_store_idx %arg7[%add3A_287, %rem3A_210, %broadcast_in_dim3A_2293], %get3A_2270 : memref<16x8x129xf32, #tpu.memory_space<vmem>>[vector<16xi32>, vector<16xi32>, vector<16xi32>], vector<16xf32>,
      tpu.vector_store_idx %arg7[%add3A_291, %rem3A_210, %broadcast_in_dim3A_2293], %get3A_2277 : memref<16x8x129xf32, #tpu.memory_space<vmem>>[vector<16xi32>, vector<16xi32>, vector<16xi32>], vector<16xf32>,
      tpu.vector_store_idx %arg7[%add3A_295, %rem3A_210, %broadcast_in_dim3A_2293], %get3A_2284 : memref<16x8x129xf32, #tpu.memory_space<vmem>>[vector<16xi32>, vector<16xi32>, vector<16xi32>], vector<16xf32>,
      tpu.vector_store_idx %arg7[%add3A_299, %rem3A_210, %broadcast_in_dim3A_2293], %get3A_2291 : memref<16x8x129xf32, #tpu.memory_space<vmem>>[vector<16xi32>, vector<16xi32>, vector<16xi32>], vector<16xf32>,
      %broadcast_in_dim3A_2322 = arith.constant 67 : i32
      %broadcast_in_dim3A_2323 = vector.broadcast %broadcast_in_dim3A_2322 : i32 to vector<16xi32>
      %add3A_2324 = arith.constant 67 : i32
      %add3A_2325 = arith.addi %mul3A_301, %add3A_2324 : i32
      %add3A_2326 = arith.constant 1 : i32
      %add3A_2327 = arith.addi %add3A_2325, %add3A_2326 : i32
      %get3A_2328 = arith.index_cast %add3A_2327 : i32 to index
      %get3A_2329 = arith.constant 0 : index
      %get3A_2330 = tpu.vector_load %arg6[%get3A_2328, %get3A_2329] {strides = array<i32>} : memref<768x64xf32, #tpu.memory_space<vmem>>, vector<16xf32>,
      %add3A_2331 = arith.constant 67 : i32
      %add3A_2332 = arith.addi %mul3A_301, %add3A_2331 : i32
      %add3A_2333 = arith.constant 1 : i32
      %add3A_2334 = arith.addi %add3A_2332, %add3A_2333 : i32
      %get3A_2335 = arith.index_cast %add3A_2334 : i32 to index
      %get3A_2336 = arith.constant 16 : index
      %get3A_2337 = tpu.vector_load %arg6[%get3A_2335, %get3A_2336] {strides = array<i32>} : memref<768x64xf32, #tpu.memory_space<vmem>>, vector<16xf32>,
      %add3A_2338 = arith.constant 67 : i32
      %add3A_2339 = arith.addi %mul3A_301, %add3A_2338 : i32
      %add3A_2340 = arith.constant 1 : i32
      %add3A_2341 = arith.addi %add3A_2339, %add3A_2340 : i32
      %get3A_2342 = arith.index_cast %add3A_2341 : i32 to index
      %get3A_2343 = arith.constant 32 : index
      %get3A_2344 = tpu.vector_load %arg6[%get3A_2342, %get3A_2343] {strides = array<i32>} : memref<768x64xf32, #tpu.memory_space<vmem>>, vector<16xf32>,
      %add3A_2345 = arith.constant 67 : i32
      %add3A_2346 = arith.addi %mul3A_301, %add3A_2345 : i32
      %add3A_2347 = arith.constant 1 : i32
      %add3A_2348 = arith.addi %add3A_2346, %add3A_2347 : i32
      %get3A_2349 = arith.index_cast %add3A_2348 : i32 to index
      %get3A_2350 = arith.constant 48 : index
      %get3A_2351 = tpu.vector_load %arg6[%get3A_2349, %get3A_2350] {strides = array<i32>} : memref<768x64xf32, #tpu.memory_space<vmem>>, vector<16xf32>,
      tpu.vector_store_idx %arg7[%add3A_287, %rem3A_210, %broadcast_in_dim3A_2323], %get3A_2300 : memref<16x8x129xf32, #tpu.memory_space<vmem>>[vector<16xi32>, vector<16xi32>, vector<16xi32>], vector<16xf32>,
      tpu.vector_store_idx %arg7[%add3A_291, %rem3A_210, %broadcast_in_dim3A_2323], %get3A_2307 : memref<16x8x129xf32, #tpu.memory_space<vmem>>[vector<16xi32>, vector<16xi32>, vector<16xi32>], vector<16xf32>,
      tpu.vector_store_idx %arg7[%add3A_295, %rem3A_210, %broadcast_in_dim3A_2323], %get3A_2314 : memref<16x8x129xf32, #tpu.memory_space<vmem>>[vector<16xi32>, vector<16xi32>, vector<16xi32>], vector<16xf32>,
      tpu.vector_store_idx %arg7[%add3A_299, %rem3A_210, %broadcast_in_dim3A_2323], %get3A_2321 : memref<16x8x129xf32, #tpu.memory_space<vmem>>[vector<16xi32>, vector<16xi32>, vector<16xi32>], vector<16xf32>,
      %broadcast_in_dim3A_2352 = arith.constant 68 : i32
      %broadcast_in_dim3A_2353 = vector.broadcast %broadcast_in_dim3A_2352 : i32 to vector<16xi32>
      %add3A_2354 = arith.constant 68 : i32
      %add3A_2355 = arith.addi %mul3A_301, %add3A_2354 : i32
      %add3A_2356 = arith.constant 1 : i32
      %add3A_2357 = arith.addi %add3A_2355, %add3A_2356 : i32
      %get3A_2358 = arith.index_cast %add3A_2357 : i32 to index
      %get3A_2359 = arith.constant 0 : index
      %get3A_2360 = tpu.vector_load %arg6[%get3A_2358, %get3A_2359] {strides = array<i32>} : memref<768x64xf32, #tpu.memory_space<vmem>>, vector<16xf32>,
      %add3A_2361 = arith.constant 68 : i32
      %add3A_2362 = arith.addi %mul3A_301, %add3A_2361 : i32
      %add3A_2363 = arith.constant 1 : i32
      %add3A_2364 = arith.addi %add3A_2362, %add3A_2363 : i32
      %get3A_2365 = arith.index_cast %add3A_2364 : i32 to index
      %get3A_2366 = arith.constant 16 : index
      %get3A_2367 = tpu.vector_load %arg6[%get3A_2365, %get3A_2366] {strides = array<i32>} : memref<768x64xf32, #tpu.memory_space<vmem>>, vector<16xf32>,
      %add3A_2368 = arith.constant 68 : i32
      %add3A_2369 = arith.addi %mul3A_301, %add3A_2368 : i32
      %add3A_2370 = arith.constant 1 : i32
      %add3A_2371 = arith.addi %add3A_2369, %add3A_2370 : i32
      %get3A_2372 = arith.index_cast %add3A_2371 : i32 to index
      %get3A_2373 = arith.constant 32 : index
      %get3A_2374 = tpu.vector_load %arg6[%get3A_2372, %get3A_2373] {strides = array<i32>} : memref<768x64xf32, #tpu.memory_space<vmem>>, vector<16xf32>,
      %add3A_2375 = arith.constant 68 : i32
      %add3A_2376 = arith.addi %mul3A_301, %add3A_2375 : i32
      %add3A_2377 = arith.constant 1 : i32
      %add3A_2378 = arith.addi %add3A_2376, %add3A_2377 : i32
      %get3A_2379 = arith.index_cast %add3A_2378 : i32 to index
      %get3A_2380 = arith.constant 48 : index
      %get3A_2381 = tpu.vector_load %arg6[%get3A_2379, %get3A_2380] {strides = array<i32>} : memref<768x64xf32, #tpu.memory_space<vmem>>, vector<16xf32>,
      tpu.vector_store_idx %arg7[%add3A_287, %rem3A_210, %broadcast_in_dim3A_2353], %get3A_2330 : memref<16x8x129xf32, #tpu.memory_space<vmem>>[vector<16xi32>, vector<16xi32>, vector<16xi32>], vector<16xf32>,
      tpu.vector_store_idx %arg7[%add3A_291, %rem3A_210, %broadcast_in_dim3A_2353], %get3A_2337 : memref<16x8x129xf32, #tpu.memory_space<vmem>>[vector<16xi32>, vector<16xi32>, vector<16xi32>], vector<16xf32>,
      tpu.vector_store_idx %arg7[%add3A_295, %rem3A_210, %broadcast_in_dim3A_2353], %get3A_2344 : memref<16x8x129xf32, #tpu.memory_space<vmem>>[vector<16xi32>, vector<16xi32>, vector<16xi32>], vector<16xf32>,
      tpu.vector_store_idx %arg7[%add3A_299, %rem3A_210, %broadcast_in_dim3A_2353], %get3A_2351 : memref<16x8x129xf32, #tpu.memory_space<vmem>>[vector<16xi32>, vector<16xi32>, vector<16xi32>], vector<16xf32>,
      %broadcast_in_dim3A_2382 = arith.constant 69 : i32
      %broadcast_in_dim3A_2383 = vector.broadcast %broadcast_in_dim3A_2382 : i32 to vector<16xi32>
      %add3A_2384 = arith.constant 69 : i32
      %add3A_2385 = arith.addi %mul3A_301, %add3A_2384 : i32
      %add3A_2386 = arith.constant 1 : i32
      %add3A_2387 = arith.addi %add3A_2385, %add3A_2386 : i32
      %get3A_2388 = arith.index_cast %add3A_2387 : i32 to index
      %get3A_2389 = arith.constant 0 : index
      %get3A_2390 = tpu.vector_load %arg6[%get3A_2388, %get3A_2389] {strides = array<i32>} : memref<768x64xf32, #tpu.memory_space<vmem>>, vector<16xf32>,
      %add3A_2391 = arith.constant 69 : i32
      %add3A_2392 = arith.addi %mul3A_301, %add3A_2391 : i32
      %add3A_2393 = arith.constant 1 : i32
      %add3A_2394 = arith.addi %add3A_2392, %add3A_2393 : i32
      %get3A_2395 = arith.index_cast %add3A_2394 : i32 to index
      %get3A_2396 = arith.constant 16 : index
      %get3A_2397 = tpu.vector_load %arg6[%get3A_2395, %get3A_2396] {strides = array<i32>} : memref<768x64xf32, #tpu.memory_space<vmem>>, vector<16xf32>,
      %add3A_2398 = arith.constant 69 : i32
      %add3A_2399 = arith.addi %mul3A_301, %add3A_2398 : i32
      %add3A_2400 = arith.constant 1 : i32
      %add3A_2401 = arith.addi %add3A_2399, %add3A_2400 : i32
      %get3A_2402 = arith.index_cast %add3A_2401 : i32 to index
      %get3A_2403 = arith.constant 32 : index
      %get3A_2404 = tpu.vector_load %arg6[%get3A_2402, %get3A_2403] {strides = array<i32>} : memref<768x64xf32, #tpu.memory_space<vmem>>, vector<16xf32>,
      %add3A_2405 = arith.constant 69 : i32
      %add3A_2406 = arith.addi %mul3A_301, %add3A_2405 : i32
      %add3A_2407 = arith.constant 1 : i32
      %add3A_2408 = arith.addi %add3A_2406, %add3A_2407 : i32
      %get3A_2409 = arith.index_cast %add3A_2408 : i32 to index
      %get3A_2410 = arith.constant 48 : index
      %get3A_2411 = tpu.vector_load %arg6[%get3A_2409, %get3A_2410] {strides = array<i32>} : memref<768x64xf32, #tpu.memory_space<vmem>>, vector<16xf32>,
      tpu.vector_store_idx %arg7[%add3A_287, %rem3A_210, %broadcast_in_dim3A_2383], %get3A_2360 : memref<16x8x129xf32, #tpu.memory_space<vmem>>[vector<16xi32>, vector<16xi32>, vector<16xi32>], vector<16xf32>,
      tpu.vector_store_idx %arg7[%add3A_291, %rem3A_210, %broadcast_in_dim3A_2383], %get3A_2367 : memref<16x8x129xf32, #tpu.memory_space<vmem>>[vector<16xi32>, vector<16xi32>, vector<16xi32>], vector<16xf32>,
      tpu.vector_store_idx %arg7[%add3A_295, %rem3A_210, %broadcast_in_dim3A_2383], %get3A_2374 : memref<16x8x129xf32, #tpu.memory_space<vmem>>[vector<16xi32>, vector<16xi32>, vector<16xi32>], vector<16xf32>,
      tpu.vector_store_idx %arg7[%add3A_299, %rem3A_210, %broadcast_in_dim3A_2383], %get3A_2381 : memref<16x8x129xf32, #tpu.memory_space<vmem>>[vector<16xi32>, vector<16xi32>, vector<16xi32>], vector<16xf32>,
      %broadcast_in_dim3A_2412 = arith.constant 70 : i32
      %broadcast_in_dim3A_2413 = vector.broadcast %broadcast_in_dim3A_2412 : i32 to vector<16xi32>
      %add3A_2414 = arith.constant 70 : i32
      %add3A_2415 = arith.addi %mul3A_301, %add3A_2414 : i32
      %add3A_2416 = arith.constant 1 : i32
      %add3A_2417 = arith.addi %add3A_2415, %add3A_2416 : i32
      %get3A_2418 = arith.index_cast %add3A_2417 : i32 to index
      %get3A_2419 = arith.constant 0 : index
      %get3A_2420 = tpu.vector_load %arg6[%get3A_2418, %get3A_2419] {strides = array<i32>} : memref<768x64xf32, #tpu.memory_space<vmem>>, vector<16xf32>,
      %add3A_2421 = arith.constant 70 : i32
      %add3A_2422 = arith.addi %mul3A_301, %add3A_2421 : i32
      %add3A_2423 = arith.constant 1 : i32
      %add3A_2424 = arith.addi %add3A_2422, %add3A_2423 : i32
      %get3A_2425 = arith.index_cast %add3A_2424 : i32 to index
      %get3A_2426 = arith.constant 16 : index
      %get3A_2427 = tpu.vector_load %arg6[%get3A_2425, %get3A_2426] {strides = array<i32>} : memref<768x64xf32, #tpu.memory_space<vmem>>, vector<16xf32>,
      %add3A_2428 = arith.constant 70 : i32
      %add3A_2429 = arith.addi %mul3A_301, %add3A_2428 : i32
      %add3A_2430 = arith.constant 1 : i32
      %add3A_2431 = arith.addi %add3A_2429, %add3A_2430 : i32
      %get3A_2432 = arith.index_cast %add3A_2431 : i32 to index
      %get3A_2433 = arith.constant 32 : index
      %get3A_2434 = tpu.vector_load %arg6[%get3A_2432, %get3A_2433] {strides = array<i32>} : memref<768x64xf32, #tpu.memory_space<vmem>>, vector<16xf32>,
      %add3A_2435 = arith.constant 70 : i32
      %add3A_2436 = arith.addi %mul3A_301, %add3A_2435 : i32
      %add3A_2437 = arith.constant 1 : i32
      %add3A_2438 = arith.addi %add3A_2436, %add3A_2437 : i32
      %get3A_2439 = arith.index_cast %add3A_2438 : i32 to index
      %get3A_2440 = arith.constant 48 : index
      %get3A_2441 = tpu.vector_load %arg6[%get3A_2439, %get3A_2440] {strides = array<i32>} : memref<768x64xf32, #tpu.memory_space<vmem>>, vector<16xf32>,
      tpu.vector_store_idx %arg7[%add3A_287, %rem3A_210, %broadcast_in_dim3A_2413], %get3A_2390 : memref<16x8x129xf32, #tpu.memory_space<vmem>>[vector<16xi32>, vector<16xi32>, vector<16xi32>], vector<16xf32>,
      tpu.vector_store_idx %arg7[%add3A_291, %rem3A_210, %broadcast_in_dim3A_2413], %get3A_2397 : memref<16x8x129xf32, #tpu.memory_space<vmem>>[vector<16xi32>, vector<16xi32>, vector<16xi32>], vector<16xf32>,
      tpu.vector_store_idx %arg7[%add3A_295, %rem3A_210, %broadcast_in_dim3A_2413], %get3A_2404 : memref<16x8x129xf32, #tpu.memory_space<vmem>>[vector<16xi32>, vector<16xi32>, vector<16xi32>], vector<16xf32>,
      tpu.vector_store_idx %arg7[%add3A_299, %rem3A_210, %broadcast_in_dim3A_2413], %get3A_2411 : memref<16x8x129xf32, #tpu.memory_space<vmem>>[vector<16xi32>, vector<16xi32>, vector<16xi32>], vector<16xf32>,
      %broadcast_in_dim3A_2442 = arith.constant 71 : i32
      %broadcast_in_dim3A_2443 = vector.broadcast %broadcast_in_dim3A_2442 : i32 to vector<16xi32>
      %add3A_2444 = arith.constant 71 : i32
      %add3A_2445 = arith.addi %mul3A_301, %add3A_2444 : i32
      %add3A_2446 = arith.constant 1 : i32
      %add3A_2447 = arith.addi %add3A_2445, %add3A_2446 : i32
      %get3A_2448 = arith.index_cast %add3A_2447 : i32 to index
      %get3A_2449 = arith.constant 0 : index
      %get3A_2450 = tpu.vector_load %arg6[%get3A_2448, %get3A_2449] {strides = array<i32>} : memref<768x64xf32, #tpu.memory_space<vmem>>, vector<16xf32>,
      %add3A_2451 = arith.constant 71 : i32
      %add3A_2452 = arith.addi %mul3A_301, %add3A_2451 : i32
      %add3A_2453 = arith.constant 1 : i32
      %add3A_2454 = arith.addi %add3A_2452, %add3A_2453 : i32
      %get3A_2455 = arith.index_cast %add3A_2454 : i32 to index
      %get3A_2456 = arith.constant 16 : index
      %get3A_2457 = tpu.vector_load %arg6[%get3A_2455, %get3A_2456] {strides = array<i32>} : memref<768x64xf32, #tpu.memory_space<vmem>>, vector<16xf32>,
      %add3A_2458 = arith.constant 71 : i32
      %add3A_2459 = arith.addi %mul3A_301, %add3A_2458 : i32
      %add3A_2460 = arith.constant 1 : i32
      %add3A_2461 = arith.addi %add3A_2459, %add3A_2460 : i32
      %get3A_2462 = arith.index_cast %add3A_2461 : i32 to index
      %get3A_2463 = arith.constant 32 : index
      %get3A_2464 = tpu.vector_load %arg6[%get3A_2462, %get3A_2463] {strides = array<i32>} : memref<768x64xf32, #tpu.memory_space<vmem>>, vector<16xf32>,
      %add3A_2465 = arith.constant 71 : i32
      %add3A_2466 = arith.addi %mul3A_301, %add3A_2465 : i32
      %add3A_2467 = arith.constant 1 : i32
      %add3A_2468 = arith.addi %add3A_2466, %add3A_2467 : i32
      %get3A_2469 = arith.index_cast %add3A_2468 : i32 to index
      %get3A_2470 = arith.constant 48 : index
      %get3A_2471 = tpu.vector_load %arg6[%get3A_2469, %get3A_2470] {strides = array<i32>} : memref<768x64xf32, #tpu.memory_space<vmem>>, vector<16xf32>,
      tpu.vector_store_idx %arg7[%add3A_287, %rem3A_210, %broadcast_in_dim3A_2443], %get3A_2420 : memref<16x8x129xf32, #tpu.memory_space<vmem>>[vector<16xi32>, vector<16xi32>, vector<16xi32>], vector<16xf32>,
      tpu.vector_store_idx %arg7[%add3A_291, %rem3A_210, %broadcast_in_dim3A_2443], %get3A_2427 : memref<16x8x129xf32, #tpu.memory_space<vmem>>[vector<16xi32>, vector<16xi32>, vector<16xi32>], vector<16xf32>,
      tpu.vector_store_idx %arg7[%add3A_295, %rem3A_210, %broadcast_in_dim3A_2443], %get3A_2434 : memref<16x8x129xf32, #tpu.memory_space<vmem>>[vector<16xi32>, vector<16xi32>, vector<16xi32>], vector<16xf32>,
      tpu.vector_store_idx %arg7[%add3A_299, %rem3A_210, %broadcast_in_dim3A_2443], %get3A_2441 : memref<16x8x129xf32, #tpu.memory_space<vmem>>[vector<16xi32>, vector<16xi32>, vector<16xi32>], vector<16xf32>,
      %broadcast_in_dim3A_2472 = arith.constant 72 : i32
      %broadcast_in_dim3A_2473 = vector.broadcast %broadcast_in_dim3A_2472 : i32 to vector<16xi32>
      %add3A_2474 = arith.constant 72 : i32
      %add3A_2475 = arith.addi %mul3A_301, %add3A_2474 : i32
      %add3A_2476 = arith.constant 1 : i32
      %add3A_2477 = arith.addi %add3A_2475, %add3A_2476 : i32
      %get3A_2478 = arith.index_cast %add3A_2477 : i32 to index
      %get3A_2479 = arith.constant 0 : index
      %get3A_2480 = tpu.vector_load %arg6[%get3A_2478, %get3A_2479] {strides = array<i32>} : memref<768x64xf32, #tpu.memory_space<vmem>>, vector<16xf32>,
      %add3A_2481 = arith.constant 72 : i32
      %add3A_2482 = arith.addi %mul3A_301, %add3A_2481 : i32
      %add3A_2483 = arith.constant 1 : i32
      %add3A_2484 = arith.addi %add3A_2482, %add3A_2483 : i32
      %get3A_2485 = arith.index_cast %add3A_2484 : i32 to index
      %get3A_2486 = arith.constant 16 : index
      %get3A_2487 = tpu.vector_load %arg6[%get3A_2485, %get3A_2486] {strides = array<i32>} : memref<768x64xf32, #tpu.memory_space<vmem>>, vector<16xf32>,
      %add3A_2488 = arith.constant 72 : i32
      %add3A_2489 = arith.addi %mul3A_301, %add3A_2488 : i32
      %add3A_2490 = arith.constant 1 : i32
      %add3A_2491 = arith.addi %add3A_2489, %add3A_2490 : i32
      %get3A_2492 = arith.index_cast %add3A_2491 : i32 to index
      %get3A_2493 = arith.constant 32 : index
      %get3A_2494 = tpu.vector_load %arg6[%get3A_2492, %get3A_2493] {strides = array<i32>} : memref<768x64xf32, #tpu.memory_space<vmem>>, vector<16xf32>,
      %add3A_2495 = arith.constant 72 : i32
      %add3A_2496 = arith.addi %mul3A_301, %add3A_2495 : i32
      %add3A_2497 = arith.constant 1 : i32
      %add3A_2498 = arith.addi %add3A_2496, %add3A_2497 : i32
      %get3A_2499 = arith.index_cast %add3A_2498 : i32 to index
      %get3A_2500 = arith.constant 48 : index
      %get3A_2501 = tpu.vector_load %arg6[%get3A_2499, %get3A_2500] {strides = array<i32>} : memref<768x64xf32, #tpu.memory_space<vmem>>, vector<16xf32>,
      tpu.vector_store_idx %arg7[%add3A_287, %rem3A_210, %broadcast_in_dim3A_2473], %get3A_2450 : memref<16x8x129xf32, #tpu.memory_space<vmem>>[vector<16xi32>, vector<16xi32>, vector<16xi32>], vector<16xf32>,
      tpu.vector_store_idx %arg7[%add3A_291, %rem3A_210, %broadcast_in_dim3A_2473], %get3A_2457 : memref<16x8x129xf32, #tpu.memory_space<vmem>>[vector<16xi32>, vector<16xi32>, vector<16xi32>], vector<16xf32>,
      tpu.vector_store_idx %arg7[%add3A_295, %rem3A_210, %broadcast_in_dim3A_2473], %get3A_2464 : memref<16x8x129xf32, #tpu.memory_space<vmem>>[vector<16xi32>, vector<16xi32>, vector<16xi32>], vector<16xf32>,
      tpu.vector_store_idx %arg7[%add3A_299, %rem3A_210, %broadcast_in_dim3A_2473], %get3A_2471 : memref<16x8x129xf32, #tpu.memory_space<vmem>>[vector<16xi32>, vector<16xi32>, vector<16xi32>], vector<16xf32>,
      %broadcast_in_dim3A_2502 = arith.constant 73 : i32
      %broadcast_in_dim3A_2503 = vector.broadcast %broadcast_in_dim3A_2502 : i32 to vector<16xi32>
      %add3A_2504 = arith.constant 73 : i32
      %add3A_2505 = arith.addi %mul3A_301, %add3A_2504 : i32
      %add3A_2506 = arith.constant 1 : i32
      %add3A_2507 = arith.addi %add3A_2505, %add3A_2506 : i32
      %get3A_2508 = arith.index_cast %add3A_2507 : i32 to index
      %get3A_2509 = arith.constant 0 : index
      %get3A_2510 = tpu.vector_load %arg6[%get3A_2508, %get3A_2509] {strides = array<i32>} : memref<768x64xf32, #tpu.memory_space<vmem>>, vector<16xf32>,
      %add3A_2511 = arith.constant 73 : i32
      %add3A_2512 = arith.addi %mul3A_301, %add3A_2511 : i32
      %add3A_2513 = arith.constant 1 : i32
      %add3A_2514 = arith.addi %add3A_2512, %add3A_2513 : i32
      %get3A_2515 = arith.index_cast %add3A_2514 : i32 to index
      %get3A_2516 = arith.constant 16 : index
      %get3A_2517 = tpu.vector_load %arg6[%get3A_2515, %get3A_2516] {strides = array<i32>} : memref<768x64xf32, #tpu.memory_space<vmem>>, vector<16xf32>,
      %add3A_2518 = arith.constant 73 : i32
      %add3A_2519 = arith.addi %mul3A_301, %add3A_2518 : i32
      %add3A_2520 = arith.constant 1 : i32
      %add3A_2521 = arith.addi %add3A_2519, %add3A_2520 : i32
      %get3A_2522 = arith.index_cast %add3A_2521 : i32 to index
      %get3A_2523 = arith.constant 32 : index
      %get3A_2524 = tpu.vector_load %arg6[%get3A_2522, %get3A_2523] {strides = array<i32>} : memref<768x64xf32, #tpu.memory_space<vmem>>, vector<16xf32>,
      %add3A_2525 = arith.constant 73 : i32
      %add3A_2526 = arith.addi %mul3A_301, %add3A_2525 : i32
      %add3A_2527 = arith.constant 1 : i32
      %add3A_2528 = arith.addi %add3A_2526, %add3A_2527 : i32
      %get3A_2529 = arith.index_cast %add3A_2528 : i32 to index
      %get3A_2530 = arith.constant 48 : index
      %get3A_2531 = tpu.vector_load %arg6[%get3A_2529, %get3A_2530] {strides = array<i32>} : memref<768x64xf32, #tpu.memory_space<vmem>>, vector<16xf32>,
      tpu.vector_store_idx %arg7[%add3A_287, %rem3A_210, %broadcast_in_dim3A_2503], %get3A_2480 : memref<16x8x129xf32, #tpu.memory_space<vmem>>[vector<16xi32>, vector<16xi32>, vector<16xi32>], vector<16xf32>,
      tpu.vector_store_idx %arg7[%add3A_291, %rem3A_210, %broadcast_in_dim3A_2503], %get3A_2487 : memref<16x8x129xf32, #tpu.memory_space<vmem>>[vector<16xi32>, vector<16xi32>, vector<16xi32>], vector<16xf32>,
      tpu.vector_store_idx %arg7[%add3A_295, %rem3A_210, %broadcast_in_dim3A_2503], %get3A_2494 : memref<16x8x129xf32, #tpu.memory_space<vmem>>[vector<16xi32>, vector<16xi32>, vector<16xi32>], vector<16xf32>,
      tpu.vector_store_idx %arg7[%add3A_299, %rem3A_210, %broadcast_in_dim3A_2503], %get3A_2501 : memref<16x8x129xf32, #tpu.memory_space<vmem>>[vector<16xi32>, vector<16xi32>, vector<16xi32>], vector<16xf32>,
      %broadcast_in_dim3A_2532 = arith.constant 74 : i32
      %broadcast_in_dim3A_2533 = vector.broadcast %broadcast_in_dim3A_2532 : i32 to vector<16xi32>
      %add3A_2534 = arith.constant 74 : i32
      %add3A_2535 = arith.addi %mul3A_301, %add3A_2534 : i32
      %add3A_2536 = arith.constant 1 : i32
      %add3A_2537 = arith.addi %add3A_2535, %add3A_2536 : i32
      %get3A_2538 = arith.index_cast %add3A_2537 : i32 to index
      %get3A_2539 = arith.constant 0 : index
      %get3A_2540 = tpu.vector_load %arg6[%get3A_2538, %get3A_2539] {strides = array<i32>} : memref<768x64xf32, #tpu.memory_space<vmem>>, vector<16xf32>,
      %add3A_2541 = arith.constant 74 : i32
      %add3A_2542 = arith.addi %mul3A_301, %add3A_2541 : i32
      %add3A_2543 = arith.constant 1 : i32
      %add3A_2544 = arith.addi %add3A_2542, %add3A_2543 : i32
      %get3A_2545 = arith.index_cast %add3A_2544 : i32 to index
      %get3A_2546 = arith.constant 16 : index
      %get3A_2547 = tpu.vector_load %arg6[%get3A_2545, %get3A_2546] {strides = array<i32>} : memref<768x64xf32, #tpu.memory_space<vmem>>, vector<16xf32>,
      %add3A_2548 = arith.constant 74 : i32
      %add3A_2549 = arith.addi %mul3A_301, %add3A_2548 : i32
      %add3A_2550 = arith.constant 1 : i32
      %add3A_2551 = arith.addi %add3A_2549, %add3A_2550 : i32
      %get3A_2552 = arith.index_cast %add3A_2551 : i32 to index
      %get3A_2553 = arith.constant 32 : index
      %get3A_2554 = tpu.vector_load %arg6[%get3A_2552, %get3A_2553] {strides = array<i32>} : memref<768x64xf32, #tpu.memory_space<vmem>>, vector<16xf32>,
      %add3A_2555 = arith.constant 74 : i32
      %add3A_2556 = arith.addi %mul3A_301, %add3A_2555 : i32
      %add3A_2557 = arith.constant 1 : i32
      %add3A_2558 = arith.addi %add3A_2556, %add3A_2557 : i32
      %get3A_2559 = arith.index_cast %add3A_2558 : i32 to index
      %get3A_2560 = arith.constant 48 : index
      %get3A_2561 = tpu.vector_load %arg6[%get3A_2559, %get3A_2560] {strides = array<i32>} : memref<768x64xf32, #tpu.memory_space<vmem>>, vector<16xf32>,
      tpu.vector_store_idx %arg7[%add3A_287, %rem3A_210, %broadcast_in_dim3A_2533], %get3A_2510 : memref<16x8x129xf32, #tpu.memory_space<vmem>>[vector<16xi32>, vector<16xi32>, vector<16xi32>], vector<16xf32>,
      tpu.vector_store_idx %arg7[%add3A_291, %rem3A_210, %broadcast_in_dim3A_2533], %get3A_2517 : memref<16x8x129xf32, #tpu.memory_space<vmem>>[vector<16xi32>, vector<16xi32>, vector<16xi32>], vector<16xf32>,
      tpu.vector_store_idx %arg7[%add3A_295, %rem3A_210, %broadcast_in_dim3A_2533], %get3A_2524 : memref<16x8x129xf32, #tpu.memory_space<vmem>>[vector<16xi32>, vector<16xi32>, vector<16xi32>], vector<16xf32>,
      tpu.vector_store_idx %arg7[%add3A_299, %rem3A_210, %broadcast_in_dim3A_2533], %get3A_2531 : memref<16x8x129xf32, #tpu.memory_space<vmem>>[vector<16xi32>, vector<16xi32>, vector<16xi32>], vector<16xf32>,
      %broadcast_in_dim3A_2562 = arith.constant 75 : i32
      %broadcast_in_dim3A_2563 = vector.broadcast %broadcast_in_dim3A_2562 : i32 to vector<16xi32>
      %add3A_2564 = arith.constant 75 : i32
      %add3A_2565 = arith.addi %mul3A_301, %add3A_2564 : i32
      %add3A_2566 = arith.constant 1 : i32
      %add3A_2567 = arith.addi %add3A_2565, %add3A_2566 : i32
      %get3A_2568 = arith.index_cast %add3A_2567 : i32 to index
      %get3A_2569 = arith.constant 0 : index
      %get3A_2570 = tpu.vector_load %arg6[%get3A_2568, %get3A_2569] {strides = array<i32>} : memref<768x64xf32, #tpu.memory_space<vmem>>, vector<16xf32>,
      %add3A_2571 = arith.constant 75 : i32
      %add3A_2572 = arith.addi %mul3A_301, %add3A_2571 : i32
      %add3A_2573 = arith.constant 1 : i32
      %add3A_2574 = arith.addi %add3A_2572, %add3A_2573 : i32
      %get3A_2575 = arith.index_cast %add3A_2574 : i32 to index
      %get3A_2576 = arith.constant 16 : index
      %get3A_2577 = tpu.vector_load %arg6[%get3A_2575, %get3A_2576] {strides = array<i32>} : memref<768x64xf32, #tpu.memory_space<vmem>>, vector<16xf32>,
      %add3A_2578 = arith.constant 75 : i32
      %add3A_2579 = arith.addi %mul3A_301, %add3A_2578 : i32
      %add3A_2580 = arith.constant 1 : i32
      %add3A_2581 = arith.addi %add3A_2579, %add3A_2580 : i32
      %get3A_2582 = arith.index_cast %add3A_2581 : i32 to index
      %get3A_2583 = arith.constant 32 : index
      %get3A_2584 = tpu.vector_load %arg6[%get3A_2582, %get3A_2583] {strides = array<i32>} : memref<768x64xf32, #tpu.memory_space<vmem>>, vector<16xf32>,
      %add3A_2585 = arith.constant 75 : i32
      %add3A_2586 = arith.addi %mul3A_301, %add3A_2585 : i32
      %add3A_2587 = arith.constant 1 : i32
      %add3A_2588 = arith.addi %add3A_2586, %add3A_2587 : i32
      %get3A_2589 = arith.index_cast %add3A_2588 : i32 to index
      %get3A_2590 = arith.constant 48 : index
      %get3A_2591 = tpu.vector_load %arg6[%get3A_2589, %get3A_2590] {strides = array<i32>} : memref<768x64xf32, #tpu.memory_space<vmem>>, vector<16xf32>,
      tpu.vector_store_idx %arg7[%add3A_287, %rem3A_210, %broadcast_in_dim3A_2563], %get3A_2540 : memref<16x8x129xf32, #tpu.memory_space<vmem>>[vector<16xi32>, vector<16xi32>, vector<16xi32>], vector<16xf32>,
      tpu.vector_store_idx %arg7[%add3A_291, %rem3A_210, %broadcast_in_dim3A_2563], %get3A_2547 : memref<16x8x129xf32, #tpu.memory_space<vmem>>[vector<16xi32>, vector<16xi32>, vector<16xi32>], vector<16xf32>,
      tpu.vector_store_idx %arg7[%add3A_295, %rem3A_210, %broadcast_in_dim3A_2563], %get3A_2554 : memref<16x8x129xf32, #tpu.memory_space<vmem>>[vector<16xi32>, vector<16xi32>, vector<16xi32>], vector<16xf32>,
      tpu.vector_store_idx %arg7[%add3A_299, %rem3A_210, %broadcast_in_dim3A_2563], %get3A_2561 : memref<16x8x129xf32, #tpu.memory_space<vmem>>[vector<16xi32>, vector<16xi32>, vector<16xi32>], vector<16xf32>,
      %broadcast_in_dim3A_2592 = arith.constant 76 : i32
      %broadcast_in_dim3A_2593 = vector.broadcast %broadcast_in_dim3A_2592 : i32 to vector<16xi32>
      %add3A_2594 = arith.constant 76 : i32
      %add3A_2595 = arith.addi %mul3A_301, %add3A_2594 : i32
      %add3A_2596 = arith.constant 1 : i32
      %add3A_2597 = arith.addi %add3A_2595, %add3A_2596 : i32
      %get3A_2598 = arith.index_cast %add3A_2597 : i32 to index
      %get3A_2599 = arith.constant 0 : index
      %get3A_2600 = tpu.vector_load %arg6[%get3A_2598, %get3A_2599] {strides = array<i32>} : memref<768x64xf32, #tpu.memory_space<vmem>>, vector<16xf32>,
      %add3A_2601 = arith.constant 76 : i32
      %add3A_2602 = arith.addi %mul3A_301, %add3A_2601 : i32
      %add3A_2603 = arith.constant 1 : i32
      %add3A_2604 = arith.addi %add3A_2602, %add3A_2603 : i32
      %get3A_2605 = arith.index_cast %add3A_2604 : i32 to index
      %get3A_2606 = arith.constant 16 : index
      %get3A_2607 = tpu.vector_load %arg6[%get3A_2605, %get3A_2606] {strides = array<i32>} : memref<768x64xf32, #tpu.memory_space<vmem>>, vector<16xf32>,
      %add3A_2608 = arith.constant 76 : i32
      %add3A_2609 = arith.addi %mul3A_301, %add3A_2608 : i32
      %add3A_2610 = arith.constant 1 : i32
      %add3A_2611 = arith.addi %add3A_2609, %add3A_2610 : i32
      %get3A_2612 = arith.index_cast %add3A_2611 : i32 to index
      %get3A_2613 = arith.constant 32 : index
      %get3A_2614 = tpu.vector_load %arg6[%get3A_2612, %get3A_2613] {strides = array<i32>} : memref<768x64xf32, #tpu.memory_space<vmem>>, vector<16xf32>,
      %add3A_2615 = arith.constant 76 : i32
      %add3A_2616 = arith.addi %mul3A_301, %add3A_2615 : i32
      %add3A_2617 = arith.constant 1 : i32
      %add3A_2618 = arith.addi %add3A_2616, %add3A_2617 : i32
      %get3A_2619 = arith.index_cast %add3A_2618 : i32 to index
      %get3A_2620 = arith.constant 48 : index
      %get3A_2621 = tpu.vector_load %arg6[%get3A_2619, %get3A_2620] {strides = array<i32>} : memref<768x64xf32, #tpu.memory_space<vmem>>, vector<16xf32>,
      tpu.vector_store_idx %arg7[%add3A_287, %rem3A_210, %broadcast_in_dim3A_2593], %get3A_2570 : memref<16x8x129xf32, #tpu.memory_space<vmem>>[vector<16xi32>, vector<16xi32>, vector<16xi32>], vector<16xf32>,
      tpu.vector_store_idx %arg7[%add3A_291, %rem3A_210, %broadcast_in_dim3A_2593], %get3A_2577 : memref<16x8x129xf32, #tpu.memory_space<vmem>>[vector<16xi32>, vector<16xi32>, vector<16xi32>], vector<16xf32>,
      tpu.vector_store_idx %arg7[%add3A_295, %rem3A_210, %broadcast_in_dim3A_2593], %get3A_2584 : memref<16x8x129xf32, #tpu.memory_space<vmem>>[vector<16xi32>, vector<16xi32>, vector<16xi32>], vector<16xf32>,
      tpu.vector_store_idx %arg7[%add3A_299, %rem3A_210, %broadcast_in_dim3A_2593], %get3A_2591 : memref<16x8x129xf32, #tpu.memory_space<vmem>>[vector<16xi32>, vector<16xi32>, vector<16xi32>], vector<16xf32>,
      %broadcast_in_dim3A_2622 = arith.constant 77 : i32
      %broadcast_in_dim3A_2623 = vector.broadcast %broadcast_in_dim3A_2622 : i32 to vector<16xi32>
      %add3A_2624 = arith.constant 77 : i32
      %add3A_2625 = arith.addi %mul3A_301, %add3A_2624 : i32
      %add3A_2626 = arith.constant 1 : i32
      %add3A_2627 = arith.addi %add3A_2625, %add3A_2626 : i32
      %get3A_2628 = arith.index_cast %add3A_2627 : i32 to index
      %get3A_2629 = arith.constant 0 : index
      %get3A_2630 = tpu.vector_load %arg6[%get3A_2628, %get3A_2629] {strides = array<i32>} : memref<768x64xf32, #tpu.memory_space<vmem>>, vector<16xf32>,
      %add3A_2631 = arith.constant 77 : i32
      %add3A_2632 = arith.addi %mul3A_301, %add3A_2631 : i32
      %add3A_2633 = arith.constant 1 : i32
      %add3A_2634 = arith.addi %add3A_2632, %add3A_2633 : i32
      %get3A_2635 = arith.index_cast %add3A_2634 : i32 to index
      %get3A_2636 = arith.constant 16 : index
      %get3A_2637 = tpu.vector_load %arg6[%get3A_2635, %get3A_2636] {strides = array<i32>} : memref<768x64xf32, #tpu.memory_space<vmem>>, vector<16xf32>,
      %add3A_2638 = arith.constant 77 : i32
      %add3A_2639 = arith.addi %mul3A_301, %add3A_2638 : i32
      %add3A_2640 = arith.constant 1 : i32
      %add3A_2641 = arith.addi %add3A_2639, %add3A_2640 : i32
      %get3A_2642 = arith.index_cast %add3A_2641 : i32 to index
      %get3A_2643 = arith.constant 32 : index
      %get3A_2644 = tpu.vector_load %arg6[%get3A_2642, %get3A_2643] {strides = array<i32>} : memref<768x64xf32, #tpu.memory_space<vmem>>, vector<16xf32>,
      %add3A_2645 = arith.constant 77 : i32
      %add3A_2646 = arith.addi %mul3A_301, %add3A_2645 : i32
      %add3A_2647 = arith.constant 1 : i32
      %add3A_2648 = arith.addi %add3A_2646, %add3A_2647 : i32
      %get3A_2649 = arith.index_cast %add3A_2648 : i32 to index
      %get3A_2650 = arith.constant 48 : index
      %get3A_2651 = tpu.vector_load %arg6[%get3A_2649, %get3A_2650] {strides = array<i32>} : memref<768x64xf32, #tpu.memory_space<vmem>>, vector<16xf32>,
      tpu.vector_store_idx %arg7[%add3A_287, %rem3A_210, %broadcast_in_dim3A_2623], %get3A_2600 : memref<16x8x129xf32, #tpu.memory_space<vmem>>[vector<16xi32>, vector<16xi32>, vector<16xi32>], vector<16xf32>,
      tpu.vector_store_idx %arg7[%add3A_291, %rem3A_210, %broadcast_in_dim3A_2623], %get3A_2607 : memref<16x8x129xf32, #tpu.memory_space<vmem>>[vector<16xi32>, vector<16xi32>, vector<16xi32>], vector<16xf32>,
      tpu.vector_store_idx %arg7[%add3A_295, %rem3A_210, %broadcast_in_dim3A_2623], %get3A_2614 : memref<16x8x129xf32, #tpu.memory_space<vmem>>[vector<16xi32>, vector<16xi32>, vector<16xi32>], vector<16xf32>,
      tpu.vector_store_idx %arg7[%add3A_299, %rem3A_210, %broadcast_in_dim3A_2623], %get3A_2621 : memref<16x8x129xf32, #tpu.memory_space<vmem>>[vector<16xi32>, vector<16xi32>, vector<16xi32>], vector<16xf32>,
      %broadcast_in_dim3A_2652 = arith.constant 78 : i32
      %broadcast_in_dim3A_2653 = vector.broadcast %broadcast_in_dim3A_2652 : i32 to vector<16xi32>
      %add3A_2654 = arith.constant 78 : i32
      %add3A_2655 = arith.addi %mul3A_301, %add3A_2654 : i32
      %add3A_2656 = arith.constant 1 : i32
      %add3A_2657 = arith.addi %add3A_2655, %add3A_2656 : i32
      %get3A_2658 = arith.index_cast %add3A_2657 : i32 to index
      %get3A_2659 = arith.constant 0 : index
      %get3A_2660 = tpu.vector_load %arg6[%get3A_2658, %get3A_2659] {strides = array<i32>} : memref<768x64xf32, #tpu.memory_space<vmem>>, vector<16xf32>,
      %add3A_2661 = arith.constant 78 : i32
      %add3A_2662 = arith.addi %mul3A_301, %add3A_2661 : i32
      %add3A_2663 = arith.constant 1 : i32
      %add3A_2664 = arith.addi %add3A_2662, %add3A_2663 : i32
      %get3A_2665 = arith.index_cast %add3A_2664 : i32 to index
      %get3A_2666 = arith.constant 16 : index
      %get3A_2667 = tpu.vector_load %arg6[%get3A_2665, %get3A_2666] {strides = array<i32>} : memref<768x64xf32, #tpu.memory_space<vmem>>, vector<16xf32>,
      %add3A_2668 = arith.constant 78 : i32
      %add3A_2669 = arith.addi %mul3A_301, %add3A_2668 : i32
      %add3A_2670 = arith.constant 1 : i32
      %add3A_2671 = arith.addi %add3A_2669, %add3A_2670 : i32
      %get3A_2672 = arith.index_cast %add3A_2671 : i32 to index
      %get3A_2673 = arith.constant 32 : index
      %get3A_2674 = tpu.vector_load %arg6[%get3A_2672, %get3A_2673] {strides = array<i32>} : memref<768x64xf32, #tpu.memory_space<vmem>>, vector<16xf32>,
      %add3A_2675 = arith.constant 78 : i32
      %add3A_2676 = arith.addi %mul3A_301, %add3A_2675 : i32
      %add3A_2677 = arith.constant 1 : i32
      %add3A_2678 = arith.addi %add3A_2676, %add3A_2677 : i32
      %get3A_2679 = arith.index_cast %add3A_2678 : i32 to index
      %get3A_2680 = arith.constant 48 : index
      %get3A_2681 = tpu.vector_load %arg6[%get3A_2679, %get3A_2680] {strides = array<i32>} : memref<768x64xf32, #tpu.memory_space<vmem>>, vector<16xf32>,
      tpu.vector_store_idx %arg7[%add3A_287, %rem3A_210, %broadcast_in_dim3A_2653], %get3A_2630 : memref<16x8x129xf32, #tpu.memory_space<vmem>>[vector<16xi32>, vector<16xi32>, vector<16xi32>], vector<16xf32>,
      tpu.vector_store_idx %arg7[%add3A_291, %rem3A_210, %broadcast_in_dim3A_2653], %get3A_2637 : memref<16x8x129xf32, #tpu.memory_space<vmem>>[vector<16xi32>, vector<16xi32>, vector<16xi32>], vector<16xf32>,
      tpu.vector_store_idx %arg7[%add3A_295, %rem3A_210, %broadcast_in_dim3A_2653], %get3A_2644 : memref<16x8x129xf32, #tpu.memory_space<vmem>>[vector<16xi32>, vector<16xi32>, vector<16xi32>], vector<16xf32>,
      tpu.vector_store_idx %arg7[%add3A_299, %rem3A_210, %broadcast_in_dim3A_2653], %get3A_2651 : memref<16x8x129xf32, #tpu.memory_space<vmem>>[vector<16xi32>, vector<16xi32>, vector<16xi32>], vector<16xf32>,
      %broadcast_in_dim3A_2682 = arith.constant 79 : i32
      %broadcast_in_dim3A_2683 = vector.broadcast %broadcast_in_dim3A_2682 : i32 to vector<16xi32>
      %add3A_2684 = arith.constant 79 : i32
      %add3A_2685 = arith.addi %mul3A_301, %add3A_2684 : i32
      %add3A_2686 = arith.constant 1 : i32
      %add3A_2687 = arith.addi %add3A_2685, %add3A_2686 : i32
      %get3A_2688 = arith.index_cast %add3A_2687 : i32 to index
      %get3A_2689 = arith.constant 0 : index
      %get3A_2690 = tpu.vector_load %arg6[%get3A_2688, %get3A_2689] {strides = array<i32>} : memref<768x64xf32, #tpu.memory_space<vmem>>, vector<16xf32>,
      %add3A_2691 = arith.constant 79 : i32
      %add3A_2692 = arith.addi %mul3A_301, %add3A_2691 : i32
      %add3A_2693 = arith.constant 1 : i32
      %add3A_2694 = arith.addi %add3A_2692, %add3A_2693 : i32
      %get3A_2695 = arith.index_cast %add3A_2694 : i32 to index
      %get3A_2696 = arith.constant 16 : index
      %get3A_2697 = tpu.vector_load %arg6[%get3A_2695, %get3A_2696] {strides = array<i32>} : memref<768x64xf32, #tpu.memory_space<vmem>>, vector<16xf32>,
      %add3A_2698 = arith.constant 79 : i32
      %add3A_2699 = arith.addi %mul3A_301, %add3A_2698 : i32
      %add3A_2700 = arith.constant 1 : i32
      %add3A_2701 = arith.addi %add3A_2699, %add3A_2700 : i32
      %get3A_2702 = arith.index_cast %add3A_2701 : i32 to index
      %get3A_2703 = arith.constant 32 : index
      %get3A_2704 = tpu.vector_load %arg6[%get3A_2702, %get3A_2703] {strides = array<i32>} : memref<768x64xf32, #tpu.memory_space<vmem>>, vector<16xf32>,
      %add3A_2705 = arith.constant 79 : i32
      %add3A_2706 = arith.addi %mul3A_301, %add3A_2705 : i32
      %add3A_2707 = arith.constant 1 : i32
      %add3A_2708 = arith.addi %add3A_2706, %add3A_2707 : i32
      %get3A_2709 = arith.index_cast %add3A_2708 : i32 to index
      %get3A_2710 = arith.constant 48 : index
      %get3A_2711 = tpu.vector_load %arg6[%get3A_2709, %get3A_2710] {strides = array<i32>} : memref<768x64xf32, #tpu.memory_space<vmem>>, vector<16xf32>,
      tpu.vector_store_idx %arg7[%add3A_287, %rem3A_210, %broadcast_in_dim3A_2683], %get3A_2660 : memref<16x8x129xf32, #tpu.memory_space<vmem>>[vector<16xi32>, vector<16xi32>, vector<16xi32>], vector<16xf32>,
      tpu.vector_store_idx %arg7[%add3A_291, %rem3A_210, %broadcast_in_dim3A_2683], %get3A_2667 : memref<16x8x129xf32, #tpu.memory_space<vmem>>[vector<16xi32>, vector<16xi32>, vector<16xi32>], vector<16xf32>,
      tpu.vector_store_idx %arg7[%add3A_295, %rem3A_210, %broadcast_in_dim3A_2683], %get3A_2674 : memref<16x8x129xf32, #tpu.memory_space<vmem>>[vector<16xi32>, vector<16xi32>, vector<16xi32>], vector<16xf32>,
      tpu.vector_store_idx %arg7[%add3A_299, %rem3A_210, %broadcast_in_dim3A_2683], %get3A_2681 : memref<16x8x129xf32, #tpu.memory_space<vmem>>[vector<16xi32>, vector<16xi32>, vector<16xi32>], vector<16xf32>,
      %broadcast_in_dim3A_2712 = arith.constant 80 : i32
      %broadcast_in_dim3A_2713 = vector.broadcast %broadcast_in_dim3A_2712 : i32 to vector<16xi32>
      %add3A_2714 = arith.constant 80 : i32
      %add3A_2715 = arith.addi %mul3A_301, %add3A_2714 : i32
      %add3A_2716 = arith.constant 1 : i32
      %add3A_2717 = arith.addi %add3A_2715, %add3A_2716 : i32
      %get3A_2718 = arith.index_cast %add3A_2717 : i32 to index
      %get3A_2719 = arith.constant 0 : index
      %get3A_2720 = tpu.vector_load %arg6[%get3A_2718, %get3A_2719] {strides = array<i32>} : memref<768x64xf32, #tpu.memory_space<vmem>>, vector<16xf32>,
      %add3A_2721 = arith.constant 80 : i32
      %add3A_2722 = arith.addi %mul3A_301, %add3A_2721 : i32
      %add3A_2723 = arith.constant 1 : i32
      %add3A_2724 = arith.addi %add3A_2722, %add3A_2723 : i32
      %get3A_2725 = arith.index_cast %add3A_2724 : i32 to index
      %get3A_2726 = arith.constant 16 : index
      %get3A_2727 = tpu.vector_load %arg6[%get3A_2725, %get3A_2726] {strides = array<i32>} : memref<768x64xf32, #tpu.memory_space<vmem>>, vector<16xf32>,
      %add3A_2728 = arith.constant 80 : i32
      %add3A_2729 = arith.addi %mul3A_301, %add3A_2728 : i32
      %add3A_2730 = arith.constant 1 : i32
      %add3A_2731 = arith.addi %add3A_2729, %add3A_2730 : i32
      %get3A_2732 = arith.index_cast %add3A_2731 : i32 to index
      %get3A_2733 = arith.constant 32 : index
      %get3A_2734 = tpu.vector_load %arg6[%get3A_2732, %get3A_2733] {strides = array<i32>} : memref<768x64xf32, #tpu.memory_space<vmem>>, vector<16xf32>,
      %add3A_2735 = arith.constant 80 : i32
      %add3A_2736 = arith.addi %mul3A_301, %add3A_2735 : i32
      %add3A_2737 = arith.constant 1 : i32
      %add3A_2738 = arith.addi %add3A_2736, %add3A_2737 : i32
      %get3A_2739 = arith.index_cast %add3A_2738 : i32 to index
      %get3A_2740 = arith.constant 48 : index
      %get3A_2741 = tpu.vector_load %arg6[%get3A_2739, %get3A_2740] {strides = array<i32>} : memref<768x64xf32, #tpu.memory_space<vmem>>, vector<16xf32>,
      tpu.vector_store_idx %arg7[%add3A_287, %rem3A_210, %broadcast_in_dim3A_2713], %get3A_2690 : memref<16x8x129xf32, #tpu.memory_space<vmem>>[vector<16xi32>, vector<16xi32>, vector<16xi32>], vector<16xf32>,
      tpu.vector_store_idx %arg7[%add3A_291, %rem3A_210, %broadcast_in_dim3A_2713], %get3A_2697 : memref<16x8x129xf32, #tpu.memory_space<vmem>>[vector<16xi32>, vector<16xi32>, vector<16xi32>], vector<16xf32>,
      tpu.vector_store_idx %arg7[%add3A_295, %rem3A_210, %broadcast_in_dim3A_2713], %get3A_2704 : memref<16x8x129xf32, #tpu.memory_space<vmem>>[vector<16xi32>, vector<16xi32>, vector<16xi32>], vector<16xf32>,
      tpu.vector_store_idx %arg7[%add3A_299, %rem3A_210, %broadcast_in_dim3A_2713], %get3A_2711 : memref<16x8x129xf32, #tpu.memory_space<vmem>>[vector<16xi32>, vector<16xi32>, vector<16xi32>], vector<16xf32>,
      %broadcast_in_dim3A_2742 = arith.constant 81 : i32
      %broadcast_in_dim3A_2743 = vector.broadcast %broadcast_in_dim3A_2742 : i32 to vector<16xi32>
      %add3A_2744 = arith.constant 81 : i32
      %add3A_2745 = arith.addi %mul3A_301, %add3A_2744 : i32
      %add3A_2746 = arith.constant 1 : i32
      %add3A_2747 = arith.addi %add3A_2745, %add3A_2746 : i32
      %get3A_2748 = arith.index_cast %add3A_2747 : i32 to index
      %get3A_2749 = arith.constant 0 : index
      %get3A_2750 = tpu.vector_load %arg6[%get3A_2748, %get3A_2749] {strides = array<i32>} : memref<768x64xf32, #tpu.memory_space<vmem>>, vector<16xf32>,
      %add3A_2751 = arith.constant 81 : i32
      %add3A_2752 = arith.addi %mul3A_301, %add3A_2751 : i32
      %add3A_2753 = arith.constant 1 : i32
      %add3A_2754 = arith.addi %add3A_2752, %add3A_2753 : i32
      %get3A_2755 = arith.index_cast %add3A_2754 : i32 to index
      %get3A_2756 = arith.constant 16 : index
      %get3A_2757 = tpu.vector_load %arg6[%get3A_2755, %get3A_2756] {strides = array<i32>} : memref<768x64xf32, #tpu.memory_space<vmem>>, vector<16xf32>,
      %add3A_2758 = arith.constant 81 : i32
      %add3A_2759 = arith.addi %mul3A_301, %add3A_2758 : i32
      %add3A_2760 = arith.constant 1 : i32
      %add3A_2761 = arith.addi %add3A_2759, %add3A_2760 : i32
      %get3A_2762 = arith.index_cast %add3A_2761 : i32 to index
      %get3A_2763 = arith.constant 32 : index
      %get3A_2764 = tpu.vector_load %arg6[%get3A_2762, %get3A_2763] {strides = array<i32>} : memref<768x64xf32, #tpu.memory_space<vmem>>, vector<16xf32>,
      %add3A_2765 = arith.constant 81 : i32
      %add3A_2766 = arith.addi %mul3A_301, %add3A_2765 : i32
      %add3A_2767 = arith.constant 1 : i32
      %add3A_2768 = arith.addi %add3A_2766, %add3A_2767 : i32
      %get3A_2769 = arith.index_cast %add3A_2768 : i32 to index
      %get3A_2770 = arith.constant 48 : index
      %get3A_2771 = tpu.vector_load %arg6[%get3A_2769, %get3A_2770] {strides = array<i32>} : memref<768x64xf32, #tpu.memory_space<vmem>>, vector<16xf32>,
      tpu.vector_store_idx %arg7[%add3A_287, %rem3A_210, %broadcast_in_dim3A_2743], %get3A_2720 : memref<16x8x129xf32, #tpu.memory_space<vmem>>[vector<16xi32>, vector<16xi32>, vector<16xi32>], vector<16xf32>,
      tpu.vector_store_idx %arg7[%add3A_291, %rem3A_210, %broadcast_in_dim3A_2743], %get3A_2727 : memref<16x8x129xf32, #tpu.memory_space<vmem>>[vector<16xi32>, vector<16xi32>, vector<16xi32>], vector<16xf32>,
      tpu.vector_store_idx %arg7[%add3A_295, %rem3A_210, %broadcast_in_dim3A_2743], %get3A_2734 : memref<16x8x129xf32, #tpu.memory_space<vmem>>[vector<16xi32>, vector<16xi32>, vector<16xi32>], vector<16xf32>,
      tpu.vector_store_idx %arg7[%add3A_299, %rem3A_210, %broadcast_in_dim3A_2743], %get3A_2741 : memref<16x8x129xf32, #tpu.memory_space<vmem>>[vector<16xi32>, vector<16xi32>, vector<16xi32>], vector<16xf32>,
      %broadcast_in_dim3A_2772 = arith.constant 82 : i32
      %broadcast_in_dim3A_2773 = vector.broadcast %broadcast_in_dim3A_2772 : i32 to vector<16xi32>
      %add3A_2774 = arith.constant 82 : i32
      %add3A_2775 = arith.addi %mul3A_301, %add3A_2774 : i32
      %add3A_2776 = arith.constant 1 : i32
      %add3A_2777 = arith.addi %add3A_2775, %add3A_2776 : i32
      %get3A_2778 = arith.index_cast %add3A_2777 : i32 to index
      %get3A_2779 = arith.constant 0 : index
      %get3A_2780 = tpu.vector_load %arg6[%get3A_2778, %get3A_2779] {strides = array<i32>} : memref<768x64xf32, #tpu.memory_space<vmem>>, vector<16xf32>,
      %add3A_2781 = arith.constant 82 : i32
      %add3A_2782 = arith.addi %mul3A_301, %add3A_2781 : i32
      %add3A_2783 = arith.constant 1 : i32
      %add3A_2784 = arith.addi %add3A_2782, %add3A_2783 : i32
      %get3A_2785 = arith.index_cast %add3A_2784 : i32 to index
      %get3A_2786 = arith.constant 16 : index
      %get3A_2787 = tpu.vector_load %arg6[%get3A_2785, %get3A_2786] {strides = array<i32>} : memref<768x64xf32, #tpu.memory_space<vmem>>, vector<16xf32>,
      %add3A_2788 = arith.constant 82 : i32
      %add3A_2789 = arith.addi %mul3A_301, %add3A_2788 : i32
      %add3A_2790 = arith.constant 1 : i32
      %add3A_2791 = arith.addi %add3A_2789, %add3A_2790 : i32
      %get3A_2792 = arith.index_cast %add3A_2791 : i32 to index
      %get3A_2793 = arith.constant 32 : index
      %get3A_2794 = tpu.vector_load %arg6[%get3A_2792, %get3A_2793] {strides = array<i32>} : memref<768x64xf32, #tpu.memory_space<vmem>>, vector<16xf32>,
      %add3A_2795 = arith.constant 82 : i32
      %add3A_2796 = arith.addi %mul3A_301, %add3A_2795 : i32
      %add3A_2797 = arith.constant 1 : i32
      %add3A_2798 = arith.addi %add3A_2796, %add3A_2797 : i32
      %get3A_2799 = arith.index_cast %add3A_2798 : i32 to index
      %get3A_2800 = arith.constant 48 : index
      %get3A_2801 = tpu.vector_load %arg6[%get3A_2799, %get3A_2800] {strides = array<i32>} : memref<768x64xf32, #tpu.memory_space<vmem>>, vector<16xf32>,
      tpu.vector_store_idx %arg7[%add3A_287, %rem3A_210, %broadcast_in_dim3A_2773], %get3A_2750 : memref<16x8x129xf32, #tpu.memory_space<vmem>>[vector<16xi32>, vector<16xi32>, vector<16xi32>], vector<16xf32>,
      tpu.vector_store_idx %arg7[%add3A_291, %rem3A_210, %broadcast_in_dim3A_2773], %get3A_2757 : memref<16x8x129xf32, #tpu.memory_space<vmem>>[vector<16xi32>, vector<16xi32>, vector<16xi32>], vector<16xf32>,
      tpu.vector_store_idx %arg7[%add3A_295, %rem3A_210, %broadcast_in_dim3A_2773], %get3A_2764 : memref<16x8x129xf32, #tpu.memory_space<vmem>>[vector<16xi32>, vector<16xi32>, vector<16xi32>], vector<16xf32>,
      tpu.vector_store_idx %arg7[%add3A_299, %rem3A_210, %broadcast_in_dim3A_2773], %get3A_2771 : memref<16x8x129xf32, #tpu.memory_space<vmem>>[vector<16xi32>, vector<16xi32>, vector<16xi32>], vector<16xf32>,
      %broadcast_in_dim3A_2802 = arith.constant 83 : i32
      %broadcast_in_dim3A_2803 = vector.broadcast %broadcast_in_dim3A_2802 : i32 to vector<16xi32>
      %add3A_2804 = arith.constant 83 : i32
      %add3A_2805 = arith.addi %mul3A_301, %add3A_2804 : i32
      %add3A_2806 = arith.constant 1 : i32
      %add3A_2807 = arith.addi %add3A_2805, %add3A_2806 : i32
      %get3A_2808 = arith.index_cast %add3A_2807 : i32 to index
      %get3A_2809 = arith.constant 0 : index
      %get3A_2810 = tpu.vector_load %arg6[%get3A_2808, %get3A_2809] {strides = array<i32>} : memref<768x64xf32, #tpu.memory_space<vmem>>, vector<16xf32>,
      %add3A_2811 = arith.constant 83 : i32
      %add3A_2812 = arith.addi %mul3A_301, %add3A_2811 : i32
      %add3A_2813 = arith.constant 1 : i32
      %add3A_2814 = arith.addi %add3A_2812, %add3A_2813 : i32
      %get3A_2815 = arith.index_cast %add3A_2814 : i32 to index
      %get3A_2816 = arith.constant 16 : index
      %get3A_2817 = tpu.vector_load %arg6[%get3A_2815, %get3A_2816] {strides = array<i32>} : memref<768x64xf32, #tpu.memory_space<vmem>>, vector<16xf32>,
      %add3A_2818 = arith.constant 83 : i32
      %add3A_2819 = arith.addi %mul3A_301, %add3A_2818 : i32
      %add3A_2820 = arith.constant 1 : i32
      %add3A_2821 = arith.addi %add3A_2819, %add3A_2820 : i32
      %get3A_2822 = arith.index_cast %add3A_2821 : i32 to index
      %get3A_2823 = arith.constant 32 : index
      %get3A_2824 = tpu.vector_load %arg6[%get3A_2822, %get3A_2823] {strides = array<i32>} : memref<768x64xf32, #tpu.memory_space<vmem>>, vector<16xf32>,
      %add3A_2825 = arith.constant 83 : i32
      %add3A_2826 = arith.addi %mul3A_301, %add3A_2825 : i32
      %add3A_2827 = arith.constant 1 : i32
      %add3A_2828 = arith.addi %add3A_2826, %add3A_2827 : i32
      %get3A_2829 = arith.index_cast %add3A_2828 : i32 to index
      %get3A_2830 = arith.constant 48 : index
      %get3A_2831 = tpu.vector_load %arg6[%get3A_2829, %get3A_2830] {strides = array<i32>} : memref<768x64xf32, #tpu.memory_space<vmem>>, vector<16xf32>,
      tpu.vector_store_idx %arg7[%add3A_287, %rem3A_210, %broadcast_in_dim3A_2803], %get3A_2780 : memref<16x8x129xf32, #tpu.memory_space<vmem>>[vector<16xi32>, vector<16xi32>, vector<16xi32>], vector<16xf32>,
      tpu.vector_store_idx %arg7[%add3A_291, %rem3A_210, %broadcast_in_dim3A_2803], %get3A_2787 : memref<16x8x129xf32, #tpu.memory_space<vmem>>[vector<16xi32>, vector<16xi32>, vector<16xi32>], vector<16xf32>,
      tpu.vector_store_idx %arg7[%add3A_295, %rem3A_210, %broadcast_in_dim3A_2803], %get3A_2794 : memref<16x8x129xf32, #tpu.memory_space<vmem>>[vector<16xi32>, vector<16xi32>, vector<16xi32>], vector<16xf32>,
      tpu.vector_store_idx %arg7[%add3A_299, %rem3A_210, %broadcast_in_dim3A_2803], %get3A_2801 : memref<16x8x129xf32, #tpu.memory_space<vmem>>[vector<16xi32>, vector<16xi32>, vector<16xi32>], vector<16xf32>,
      %broadcast_in_dim3A_2832 = arith.constant 84 : i32
      %broadcast_in_dim3A_2833 = vector.broadcast %broadcast_in_dim3A_2832 : i32 to vector<16xi32>
      %add3A_2834 = arith.constant 84 : i32
      %add3A_2835 = arith.addi %mul3A_301, %add3A_2834 : i32
      %add3A_2836 = arith.constant 1 : i32
      %add3A_2837 = arith.addi %add3A_2835, %add3A_2836 : i32
      %get3A_2838 = arith.index_cast %add3A_2837 : i32 to index
      %get3A_2839 = arith.constant 0 : index
      %get3A_2840 = tpu.vector_load %arg6[%get3A_2838, %get3A_2839] {strides = array<i32>} : memref<768x64xf32, #tpu.memory_space<vmem>>, vector<16xf32>,
      %add3A_2841 = arith.constant 84 : i32
      %add3A_2842 = arith.addi %mul3A_301, %add3A_2841 : i32
      %add3A_2843 = arith.constant 1 : i32
      %add3A_2844 = arith.addi %add3A_2842, %add3A_2843 : i32
      %get3A_2845 = arith.index_cast %add3A_2844 : i32 to index
      %get3A_2846 = arith.constant 16 : index
      %get3A_2847 = tpu.vector_load %arg6[%get3A_2845, %get3A_2846] {strides = array<i32>} : memref<768x64xf32, #tpu.memory_space<vmem>>, vector<16xf32>,
      %add3A_2848 = arith.constant 84 : i32
      %add3A_2849 = arith.addi %mul3A_301, %add3A_2848 : i32
      %add3A_2850 = arith.constant 1 : i32
      %add3A_2851 = arith.addi %add3A_2849, %add3A_2850 : i32
      %get3A_2852 = arith.index_cast %add3A_2851 : i32 to index
      %get3A_2853 = arith.constant 32 : index
      %get3A_2854 = tpu.vector_load %arg6[%get3A_2852, %get3A_2853] {strides = array<i32>} : memref<768x64xf32, #tpu.memory_space<vmem>>, vector<16xf32>,
      %add3A_2855 = arith.constant 84 : i32
      %add3A_2856 = arith.addi %mul3A_301, %add3A_2855 : i32
      %add3A_2857 = arith.constant 1 : i32
      %add3A_2858 = arith.addi %add3A_2856, %add3A_2857 : i32
      %get3A_2859 = arith.index_cast %add3A_2858 : i32 to index
      %get3A_2860 = arith.constant 48 : index
      %get3A_2861 = tpu.vector_load %arg6[%get3A_2859, %get3A_2860] {strides = array<i32>} : memref<768x64xf32, #tpu.memory_space<vmem>>, vector<16xf32>,
      tpu.vector_store_idx %arg7[%add3A_287, %rem3A_210, %broadcast_in_dim3A_2833], %get3A_2810 : memref<16x8x129xf32, #tpu.memory_space<vmem>>[vector<16xi32>, vector<16xi32>, vector<16xi32>], vector<16xf32>,
      tpu.vector_store_idx %arg7[%add3A_291, %rem3A_210, %broadcast_in_dim3A_2833], %get3A_2817 : memref<16x8x129xf32, #tpu.memory_space<vmem>>[vector<16xi32>, vector<16xi32>, vector<16xi32>], vector<16xf32>,
      tpu.vector_store_idx %arg7[%add3A_295, %rem3A_210, %broadcast_in_dim3A_2833], %get3A_2824 : memref<16x8x129xf32, #tpu.memory_space<vmem>>[vector<16xi32>, vector<16xi32>, vector<16xi32>], vector<16xf32>,
      tpu.vector_store_idx %arg7[%add3A_299, %rem3A_210, %broadcast_in_dim3A_2833], %get3A_2831 : memref<16x8x129xf32, #tpu.memory_space<vmem>>[vector<16xi32>, vector<16xi32>, vector<16xi32>], vector<16xf32>,
      %broadcast_in_dim3A_2862 = arith.constant 85 : i32
      %broadcast_in_dim3A_2863 = vector.broadcast %broadcast_in_dim3A_2862 : i32 to vector<16xi32>
      %add3A_2864 = arith.constant 85 : i32
      %add3A_2865 = arith.addi %mul3A_301, %add3A_2864 : i32
      %add3A_2866 = arith.constant 1 : i32
      %add3A_2867 = arith.addi %add3A_2865, %add3A_2866 : i32
      %get3A_2868 = arith.index_cast %add3A_2867 : i32 to index
      %get3A_2869 = arith.constant 0 : index
      %get3A_2870 = tpu.vector_load %arg6[%get3A_2868, %get3A_2869] {strides = array<i32>} : memref<768x64xf32, #tpu.memory_space<vmem>>, vector<16xf32>,
      %add3A_2871 = arith.constant 85 : i32
      %add3A_2872 = arith.addi %mul3A_301, %add3A_2871 : i32
      %add3A_2873 = arith.constant 1 : i32
      %add3A_2874 = arith.addi %add3A_2872, %add3A_2873 : i32
      %get3A_2875 = arith.index_cast %add3A_2874 : i32 to index
      %get3A_2876 = arith.constant 16 : index
      %get3A_2877 = tpu.vector_load %arg6[%get3A_2875, %get3A_2876] {strides = array<i32>} : memref<768x64xf32, #tpu.memory_space<vmem>>, vector<16xf32>,
      %add3A_2878 = arith.constant 85 : i32
      %add3A_2879 = arith.addi %mul3A_301, %add3A_2878 : i32
      %add3A_2880 = arith.constant 1 : i32
      %add3A_2881 = arith.addi %add3A_2879, %add3A_2880 : i32
      %get3A_2882 = arith.index_cast %add3A_2881 : i32 to index
      %get3A_2883 = arith.constant 32 : index
      %get3A_2884 = tpu.vector_load %arg6[%get3A_2882, %get3A_2883] {strides = array<i32>} : memref<768x64xf32, #tpu.memory_space<vmem>>, vector<16xf32>,
      %add3A_2885 = arith.constant 85 : i32
      %add3A_2886 = arith.addi %mul3A_301, %add3A_2885 : i32
      %add3A_2887 = arith.constant 1 : i32
      %add3A_2888 = arith.addi %add3A_2886, %add3A_2887 : i32
      %get3A_2889 = arith.index_cast %add3A_2888 : i32 to index
      %get3A_2890 = arith.constant 48 : index
      %get3A_2891 = tpu.vector_load %arg6[%get3A_2889, %get3A_2890] {strides = array<i32>} : memref<768x64xf32, #tpu.memory_space<vmem>>, vector<16xf32>,
      tpu.vector_store_idx %arg7[%add3A_287, %rem3A_210, %broadcast_in_dim3A_2863], %get3A_2840 : memref<16x8x129xf32, #tpu.memory_space<vmem>>[vector<16xi32>, vector<16xi32>, vector<16xi32>], vector<16xf32>,
      tpu.vector_store_idx %arg7[%add3A_291, %rem3A_210, %broadcast_in_dim3A_2863], %get3A_2847 : memref<16x8x129xf32, #tpu.memory_space<vmem>>[vector<16xi32>, vector<16xi32>, vector<16xi32>], vector<16xf32>,
      tpu.vector_store_idx %arg7[%add3A_295, %rem3A_210, %broadcast_in_dim3A_2863], %get3A_2854 : memref<16x8x129xf32, #tpu.memory_space<vmem>>[vector<16xi32>, vector<16xi32>, vector<16xi32>], vector<16xf32>,
      tpu.vector_store_idx %arg7[%add3A_299, %rem3A_210, %broadcast_in_dim3A_2863], %get3A_2861 : memref<16x8x129xf32, #tpu.memory_space<vmem>>[vector<16xi32>, vector<16xi32>, vector<16xi32>], vector<16xf32>,
      %broadcast_in_dim3A_2892 = arith.constant 86 : i32
      %broadcast_in_dim3A_2893 = vector.broadcast %broadcast_in_dim3A_2892 : i32 to vector<16xi32>
      %add3A_2894 = arith.constant 86 : i32
      %add3A_2895 = arith.addi %mul3A_301, %add3A_2894 : i32
      %add3A_2896 = arith.constant 1 : i32
      %add3A_2897 = arith.addi %add3A_2895, %add3A_2896 : i32
      %get3A_2898 = arith.index_cast %add3A_2897 : i32 to index
      %get3A_2899 = arith.constant 0 : index
      %get3A_2900 = tpu.vector_load %arg6[%get3A_2898, %get3A_2899] {strides = array<i32>} : memref<768x64xf32, #tpu.memory_space<vmem>>, vector<16xf32>,
      %add3A_2901 = arith.constant 86 : i32
      %add3A_2902 = arith.addi %mul3A_301, %add3A_2901 : i32
      %add3A_2903 = arith.constant 1 : i32
      %add3A_2904 = arith.addi %add3A_2902, %add3A_2903 : i32
      %get3A_2905 = arith.index_cast %add3A_2904 : i32 to index
      %get3A_2906 = arith.constant 16 : index
      %get3A_2907 = tpu.vector_load %arg6[%get3A_2905, %get3A_2906] {strides = array<i32>} : memref<768x64xf32, #tpu.memory_space<vmem>>, vector<16xf32>,
      %add3A_2908 = arith.constant 86 : i32
      %add3A_2909 = arith.addi %mul3A_301, %add3A_2908 : i32
      %add3A_2910 = arith.constant 1 : i32
      %add3A_2911 = arith.addi %add3A_2909, %add3A_2910 : i32
      %get3A_2912 = arith.index_cast %add3A_2911 : i32 to index
      %get3A_2913 = arith.constant 32 : index
      %get3A_2914 = tpu.vector_load %arg6[%get3A_2912, %get3A_2913] {strides = array<i32>} : memref<768x64xf32, #tpu.memory_space<vmem>>, vector<16xf32>,
      %add3A_2915 = arith.constant 86 : i32
      %add3A_2916 = arith.addi %mul3A_301, %add3A_2915 : i32
      %add3A_2917 = arith.constant 1 : i32
      %add3A_2918 = arith.addi %add3A_2916, %add3A_2917 : i32
      %get3A_2919 = arith.index_cast %add3A_2918 : i32 to index
      %get3A_2920 = arith.constant 48 : index
      %get3A_2921 = tpu.vector_load %arg6[%get3A_2919, %get3A_2920] {strides = array<i32>} : memref<768x64xf32, #tpu.memory_space<vmem>>, vector<16xf32>,
      tpu.vector_store_idx %arg7[%add3A_287, %rem3A_210, %broadcast_in_dim3A_2893], %get3A_2870 : memref<16x8x129xf32, #tpu.memory_space<vmem>>[vector<16xi32>, vector<16xi32>, vector<16xi32>], vector<16xf32>,
      tpu.vector_store_idx %arg7[%add3A_291, %rem3A_210, %broadcast_in_dim3A_2893], %get3A_2877 : memref<16x8x129xf32, #tpu.memory_space<vmem>>[vector<16xi32>, vector<16xi32>, vector<16xi32>], vector<16xf32>,
      tpu.vector_store_idx %arg7[%add3A_295, %rem3A_210, %broadcast_in_dim3A_2893], %get3A_2884 : memref<16x8x129xf32, #tpu.memory_space<vmem>>[vector<16xi32>, vector<16xi32>, vector<16xi32>], vector<16xf32>,
      tpu.vector_store_idx %arg7[%add3A_299, %rem3A_210, %broadcast_in_dim3A_2893], %get3A_2891 : memref<16x8x129xf32, #tpu.memory_space<vmem>>[vector<16xi32>, vector<16xi32>, vector<16xi32>], vector<16xf32>,
      %broadcast_in_dim3A_2922 = arith.constant 87 : i32
      %broadcast_in_dim3A_2923 = vector.broadcast %broadcast_in_dim3A_2922 : i32 to vector<16xi32>
      %add3A_2924 = arith.constant 87 : i32
      %add3A_2925 = arith.addi %mul3A_301, %add3A_2924 : i32
      %add3A_2926 = arith.constant 1 : i32
      %add3A_2927 = arith.addi %add3A_2925, %add3A_2926 : i32
      %get3A_2928 = arith.index_cast %add3A_2927 : i32 to index
      %get3A_2929 = arith.constant 0 : index
      %get3A_2930 = tpu.vector_load %arg6[%get3A_2928, %get3A_2929] {strides = array<i32>} : memref<768x64xf32, #tpu.memory_space<vmem>>, vector<16xf32>,
      %add3A_2931 = arith.constant 87 : i32
      %add3A_2932 = arith.addi %mul3A_301, %add3A_2931 : i32
      %add3A_2933 = arith.constant 1 : i32
      %add3A_2934 = arith.addi %add3A_2932, %add3A_2933 : i32
      %get3A_2935 = arith.index_cast %add3A_2934 : i32 to index
      %get3A_2936 = arith.constant 16 : index
      %get3A_2937 = tpu.vector_load %arg6[%get3A_2935, %get3A_2936] {strides = array<i32>} : memref<768x64xf32, #tpu.memory_space<vmem>>, vector<16xf32>,
      %add3A_2938 = arith.constant 87 : i32
      %add3A_2939 = arith.addi %mul3A_301, %add3A_2938 : i32
      %add3A_2940 = arith.constant 1 : i32
      %add3A_2941 = arith.addi %add3A_2939, %add3A_2940 : i32
      %get3A_2942 = arith.index_cast %add3A_2941 : i32 to index
      %get3A_2943 = arith.constant 32 : index
      %get3A_2944 = tpu.vector_load %arg6[%get3A_2942, %get3A_2943] {strides = array<i32>} : memref<768x64xf32, #tpu.memory_space<vmem>>, vector<16xf32>,
      %add3A_2945 = arith.constant 87 : i32
      %add3A_2946 = arith.addi %mul3A_301, %add3A_2945 : i32
      %add3A_2947 = arith.constant 1 : i32
      %add3A_2948 = arith.addi %add3A_2946, %add3A_2947 : i32
      %get3A_2949 = arith.index_cast %add3A_2948 : i32 to index
      %get3A_2950 = arith.constant 48 : index
      %get3A_2951 = tpu.vector_load %arg6[%get3A_2949, %get3A_2950] {strides = array<i32>} : memref<768x64xf32, #tpu.memory_space<vmem>>, vector<16xf32>,
      tpu.vector_store_idx %arg7[%add3A_287, %rem3A_210, %broadcast_in_dim3A_2923], %get3A_2900 : memref<16x8x129xf32, #tpu.memory_space<vmem>>[vector<16xi32>, vector<16xi32>, vector<16xi32>], vector<16xf32>,
      tpu.vector_store_idx %arg7[%add3A_291, %rem3A_210, %broadcast_in_dim3A_2923], %get3A_2907 : memref<16x8x129xf32, #tpu.memory_space<vmem>>[vector<16xi32>, vector<16xi32>, vector<16xi32>], vector<16xf32>,
      tpu.vector_store_idx %arg7[%add3A_295, %rem3A_210, %broadcast_in_dim3A_2923], %get3A_2914 : memref<16x8x129xf32, #tpu.memory_space<vmem>>[vector<16xi32>, vector<16xi32>, vector<16xi32>], vector<16xf32>,
      tpu.vector_store_idx %arg7[%add3A_299, %rem3A_210, %broadcast_in_dim3A_2923], %get3A_2921 : memref<16x8x129xf32, #tpu.memory_space<vmem>>[vector<16xi32>, vector<16xi32>, vector<16xi32>], vector<16xf32>,
      %broadcast_in_dim3A_2952 = arith.constant 88 : i32
      %broadcast_in_dim3A_2953 = vector.broadcast %broadcast_in_dim3A_2952 : i32 to vector<16xi32>
      %add3A_2954 = arith.constant 88 : i32
      %add3A_2955 = arith.addi %mul3A_301, %add3A_2954 : i32
      %add3A_2956 = arith.constant 1 : i32
      %add3A_2957 = arith.addi %add3A_2955, %add3A_2956 : i32
      %get3A_2958 = arith.index_cast %add3A_2957 : i32 to index
      %get3A_2959 = arith.constant 0 : index
      %get3A_2960 = tpu.vector_load %arg6[%get3A_2958, %get3A_2959] {strides = array<i32>} : memref<768x64xf32, #tpu.memory_space<vmem>>, vector<16xf32>,
      %add3A_2961 = arith.constant 88 : i32
      %add3A_2962 = arith.addi %mul3A_301, %add3A_2961 : i32
      %add3A_2963 = arith.constant 1 : i32
      %add3A_2964 = arith.addi %add3A_2962, %add3A_2963 : i32
      %get3A_2965 = arith.index_cast %add3A_2964 : i32 to index
      %get3A_2966 = arith.constant 16 : index
      %get3A_2967 = tpu.vector_load %arg6[%get3A_2965, %get3A_2966] {strides = array<i32>} : memref<768x64xf32, #tpu.memory_space<vmem>>, vector<16xf32>,
      %add3A_2968 = arith.constant 88 : i32
      %add3A_2969 = arith.addi %mul3A_301, %add3A_2968 : i32
      %add3A_2970 = arith.constant 1 : i32
      %add3A_2971 = arith.addi %add3A_2969, %add3A_2970 : i32
      %get3A_2972 = arith.index_cast %add3A_2971 : i32 to index
      %get3A_2973 = arith.constant 32 : index
      %get3A_2974 = tpu.vector_load %arg6[%get3A_2972, %get3A_2973] {strides = array<i32>} : memref<768x64xf32, #tpu.memory_space<vmem>>, vector<16xf32>,
      %add3A_2975 = arith.constant 88 : i32
      %add3A_2976 = arith.addi %mul3A_301, %add3A_2975 : i32
      %add3A_2977 = arith.constant 1 : i32
      %add3A_2978 = arith.addi %add3A_2976, %add3A_2977 : i32
      %get3A_2979 = arith.index_cast %add3A_2978 : i32 to index
      %get3A_2980 = arith.constant 48 : index
      %get3A_2981 = tpu.vector_load %arg6[%get3A_2979, %get3A_2980] {strides = array<i32>} : memref<768x64xf32, #tpu.memory_space<vmem>>, vector<16xf32>,
      tpu.vector_store_idx %arg7[%add3A_287, %rem3A_210, %broadcast_in_dim3A_2953], %get3A_2930 : memref<16x8x129xf32, #tpu.memory_space<vmem>>[vector<16xi32>, vector<16xi32>, vector<16xi32>], vector<16xf32>,
      tpu.vector_store_idx %arg7[%add3A_291, %rem3A_210, %broadcast_in_dim3A_2953], %get3A_2937 : memref<16x8x129xf32, #tpu.memory_space<vmem>>[vector<16xi32>, vector<16xi32>, vector<16xi32>], vector<16xf32>,
      tpu.vector_store_idx %arg7[%add3A_295, %rem3A_210, %broadcast_in_dim3A_2953], %get3A_2944 : memref<16x8x129xf32, #tpu.memory_space<vmem>>[vector<16xi32>, vector<16xi32>, vector<16xi32>], vector<16xf32>,
      tpu.vector_store_idx %arg7[%add3A_299, %rem3A_210, %broadcast_in_dim3A_2953], %get3A_2951 : memref<16x8x129xf32, #tpu.memory_space<vmem>>[vector<16xi32>, vector<16xi32>, vector<16xi32>], vector<16xf32>,
      %broadcast_in_dim3A_2982 = arith.constant 89 : i32
      %broadcast_in_dim3A_2983 = vector.broadcast %broadcast_in_dim3A_2982 : i32 to vector<16xi32>
      %add3A_2984 = arith.constant 89 : i32
      %add3A_2985 = arith.addi %mul3A_301, %add3A_2984 : i32
      %add3A_2986 = arith.constant 1 : i32
      %add3A_2987 = arith.addi %add3A_2985, %add3A_2986 : i32
      %get3A_2988 = arith.index_cast %add3A_2987 : i32 to index
      %get3A_2989 = arith.constant 0 : index
      %get3A_2990 = tpu.vector_load %arg6[%get3A_2988, %get3A_2989] {strides = array<i32>} : memref<768x64xf32, #tpu.memory_space<vmem>>, vector<16xf32>,
      %add3A_2991 = arith.constant 89 : i32
      %add3A_2992 = arith.addi %mul3A_301, %add3A_2991 : i32
      %add3A_2993 = arith.constant 1 : i32
      %add3A_2994 = arith.addi %add3A_2992, %add3A_2993 : i32
      %get3A_2995 = arith.index_cast %add3A_2994 : i32 to index
      %get3A_2996 = arith.constant 16 : index
      %get3A_2997 = tpu.vector_load %arg6[%get3A_2995, %get3A_2996] {strides = array<i32>} : memref<768x64xf32, #tpu.memory_space<vmem>>, vector<16xf32>,
      %add3A_2998 = arith.constant 89 : i32
      %add3A_2999 = arith.addi %mul3A_301, %add3A_2998 : i32
      %add3A_3000 = arith.constant 1 : i32
      %add3A_3001 = arith.addi %add3A_2999, %add3A_3000 : i32
      %get3A_3002 = arith.index_cast %add3A_3001 : i32 to index
      %get3A_3003 = arith.constant 32 : index
      %get3A_3004 = tpu.vector_load %arg6[%get3A_3002, %get3A_3003] {strides = array<i32>} : memref<768x64xf32, #tpu.memory_space<vmem>>, vector<16xf32>,
      %add3A_3005 = arith.constant 89 : i32
      %add3A_3006 = arith.addi %mul3A_301, %add3A_3005 : i32
      %add3A_3007 = arith.constant 1 : i32
      %add3A_3008 = arith.addi %add3A_3006, %add3A_3007 : i32
      %get3A_3009 = arith.index_cast %add3A_3008 : i32 to index
      %get3A_3010 = arith.constant 48 : index
      %get3A_3011 = tpu.vector_load %arg6[%get3A_3009, %get3A_3010] {strides = array<i32>} : memref<768x64xf32, #tpu.memory_space<vmem>>, vector<16xf32>,
      tpu.vector_store_idx %arg7[%add3A_287, %rem3A_210, %broadcast_in_dim3A_2983], %get3A_2960 : memref<16x8x129xf32, #tpu.memory_space<vmem>>[vector<16xi32>, vector<16xi32>, vector<16xi32>], vector<16xf32>,
      tpu.vector_store_idx %arg7[%add3A_291, %rem3A_210, %broadcast_in_dim3A_2983], %get3A_2967 : memref<16x8x129xf32, #tpu.memory_space<vmem>>[vector<16xi32>, vector<16xi32>, vector<16xi32>], vector<16xf32>,
      tpu.vector_store_idx %arg7[%add3A_295, %rem3A_210, %broadcast_in_dim3A_2983], %get3A_2974 : memref<16x8x129xf32, #tpu.memory_space<vmem>>[vector<16xi32>, vector<16xi32>, vector<16xi32>], vector<16xf32>,
      tpu.vector_store_idx %arg7[%add3A_299, %rem3A_210, %broadcast_in_dim3A_2983], %get3A_2981 : memref<16x8x129xf32, #tpu.memory_space<vmem>>[vector<16xi32>, vector<16xi32>, vector<16xi32>], vector<16xf32>,
      %broadcast_in_dim3A_3012 = arith.constant 90 : i32
      %broadcast_in_dim3A_3013 = vector.broadcast %broadcast_in_dim3A_3012 : i32 to vector<16xi32>
      %add3A_3014 = arith.constant 90 : i32
      %add3A_3015 = arith.addi %mul3A_301, %add3A_3014 : i32
      %add3A_3016 = arith.constant 1 : i32
      %add3A_3017 = arith.addi %add3A_3015, %add3A_3016 : i32
      %get3A_3018 = arith.index_cast %add3A_3017 : i32 to index
      %get3A_3019 = arith.constant 0 : index
      %get3A_3020 = tpu.vector_load %arg6[%get3A_3018, %get3A_3019] {strides = array<i32>} : memref<768x64xf32, #tpu.memory_space<vmem>>, vector<16xf32>,
      %add3A_3021 = arith.constant 90 : i32
      %add3A_3022 = arith.addi %mul3A_301, %add3A_3021 : i32
      %add3A_3023 = arith.constant 1 : i32
      %add3A_3024 = arith.addi %add3A_3022, %add3A_3023 : i32
      %get3A_3025 = arith.index_cast %add3A_3024 : i32 to index
      %get3A_3026 = arith.constant 16 : index
      %get3A_3027 = tpu.vector_load %arg6[%get3A_3025, %get3A_3026] {strides = array<i32>} : memref<768x64xf32, #tpu.memory_space<vmem>>, vector<16xf32>,
      %add3A_3028 = arith.constant 90 : i32
      %add3A_3029 = arith.addi %mul3A_301, %add3A_3028 : i32
      %add3A_3030 = arith.constant 1 : i32
      %add3A_3031 = arith.addi %add3A_3029, %add3A_3030 : i32
      %get3A_3032 = arith.index_cast %add3A_3031 : i32 to index
      %get3A_3033 = arith.constant 32 : index
      %get3A_3034 = tpu.vector_load %arg6[%get3A_3032, %get3A_3033] {strides = array<i32>} : memref<768x64xf32, #tpu.memory_space<vmem>>, vector<16xf32>,
      %add3A_3035 = arith.constant 90 : i32
      %add3A_3036 = arith.addi %mul3A_301, %add3A_3035 : i32
      %add3A_3037 = arith.constant 1 : i32
      %add3A_3038 = arith.addi %add3A_3036, %add3A_3037 : i32
      %get3A_3039 = arith.index_cast %add3A_3038 : i32 to index
      %get3A_3040 = arith.constant 48 : index
      %get3A_3041 = tpu.vector_load %arg6[%get3A_3039, %get3A_3040] {strides = array<i32>} : memref<768x64xf32, #tpu.memory_space<vmem>>, vector<16xf32>,
      tpu.vector_store_idx %arg7[%add3A_287, %rem3A_210, %broadcast_in_dim3A_3013], %get3A_2990 : memref<16x8x129xf32, #tpu.memory_space<vmem>>[vector<16xi32>, vector<16xi32>, vector<16xi32>], vector<16xf32>,
      tpu.vector_store_idx %arg7[%add3A_291, %rem3A_210, %broadcast_in_dim3A_3013], %get3A_2997 : memref<16x8x129xf32, #tpu.memory_space<vmem>>[vector<16xi32>, vector<16xi32>, vector<16xi32>], vector<16xf32>,
      tpu.vector_store_idx %arg7[%add3A_295, %rem3A_210, %broadcast_in_dim3A_3013], %get3A_3004 : memref<16x8x129xf32, #tpu.memory_space<vmem>>[vector<16xi32>, vector<16xi32>, vector<16xi32>], vector<16xf32>,
      tpu.vector_store_idx %arg7[%add3A_299, %rem3A_210, %broadcast_in_dim3A_3013], %get3A_3011 : memref<16x8x129xf32, #tpu.memory_space<vmem>>[vector<16xi32>, vector<16xi32>, vector<16xi32>], vector<16xf32>,
      %broadcast_in_dim3A_3042 = arith.constant 91 : i32
      %broadcast_in_dim3A_3043 = vector.broadcast %broadcast_in_dim3A_3042 : i32 to vector<16xi32>
      %add3A_3044 = arith.constant 91 : i32
      %add3A_3045 = arith.addi %mul3A_301, %add3A_3044 : i32
      %add3A_3046 = arith.constant 1 : i32
      %add3A_3047 = arith.addi %add3A_3045, %add3A_3046 : i32
      %get3A_3048 = arith.index_cast %add3A_3047 : i32 to index
      %get3A_3049 = arith.constant 0 : index
      %get3A_3050 = tpu.vector_load %arg6[%get3A_3048, %get3A_3049] {strides = array<i32>} : memref<768x64xf32, #tpu.memory_space<vmem>>, vector<16xf32>,
      %add3A_3051 = arith.constant 91 : i32
      %add3A_3052 = arith.addi %mul3A_301, %add3A_3051 : i32
      %add3A_3053 = arith.constant 1 : i32
      %add3A_3054 = arith.addi %add3A_3052, %add3A_3053 : i32
      %get3A_3055 = arith.index_cast %add3A_3054 : i32 to index
      %get3A_3056 = arith.constant 16 : index
      %get3A_3057 = tpu.vector_load %arg6[%get3A_3055, %get3A_3056] {strides = array<i32>} : memref<768x64xf32, #tpu.memory_space<vmem>>, vector<16xf32>,
      %add3A_3058 = arith.constant 91 : i32
      %add3A_3059 = arith.addi %mul3A_301, %add3A_3058 : i32
      %add3A_3060 = arith.constant 1 : i32
      %add3A_3061 = arith.addi %add3A_3059, %add3A_3060 : i32
      %get3A_3062 = arith.index_cast %add3A_3061 : i32 to index
      %get3A_3063 = arith.constant 32 : index
      %get3A_3064 = tpu.vector_load %arg6[%get3A_3062, %get3A_3063] {strides = array<i32>} : memref<768x64xf32, #tpu.memory_space<vmem>>, vector<16xf32>,
      %add3A_3065 = arith.constant 91 : i32
      %add3A_3066 = arith.addi %mul3A_301, %add3A_3065 : i32
      %add3A_3067 = arith.constant 1 : i32
      %add3A_3068 = arith.addi %add3A_3066, %add3A_3067 : i32
      %get3A_3069 = arith.index_cast %add3A_3068 : i32 to index
      %get3A_3070 = arith.constant 48 : index
      %get3A_3071 = tpu.vector_load %arg6[%get3A_3069, %get3A_3070] {strides = array<i32>} : memref<768x64xf32, #tpu.memory_space<vmem>>, vector<16xf32>,
      tpu.vector_store_idx %arg7[%add3A_287, %rem3A_210, %broadcast_in_dim3A_3043], %get3A_3020 : memref<16x8x129xf32, #tpu.memory_space<vmem>>[vector<16xi32>, vector<16xi32>, vector<16xi32>], vector<16xf32>,
      tpu.vector_store_idx %arg7[%add3A_291, %rem3A_210, %broadcast_in_dim3A_3043], %get3A_3027 : memref<16x8x129xf32, #tpu.memory_space<vmem>>[vector<16xi32>, vector<16xi32>, vector<16xi32>], vector<16xf32>,
      tpu.vector_store_idx %arg7[%add3A_295, %rem3A_210, %broadcast_in_dim3A_3043], %get3A_3034 : memref<16x8x129xf32, #tpu.memory_space<vmem>>[vector<16xi32>, vector<16xi32>, vector<16xi32>], vector<16xf32>,
      tpu.vector_store_idx %arg7[%add3A_299, %rem3A_210, %broadcast_in_dim3A_3043], %get3A_3041 : memref<16x8x129xf32, #tpu.memory_space<vmem>>[vector<16xi32>, vector<16xi32>, vector<16xi32>], vector<16xf32>,
      %broadcast_in_dim3A_3072 = arith.constant 92 : i32
      %broadcast_in_dim3A_3073 = vector.broadcast %broadcast_in_dim3A_3072 : i32 to vector<16xi32>
      %add3A_3074 = arith.constant 92 : i32
      %add3A_3075 = arith.addi %mul3A_301, %add3A_3074 : i32
      %add3A_3076 = arith.constant 1 : i32
      %add3A_3077 = arith.addi %add3A_3075, %add3A_3076 : i32
      %get3A_3078 = arith.index_cast %add3A_3077 : i32 to index
      %get3A_3079 = arith.constant 0 : index
      %get3A_3080 = tpu.vector_load %arg6[%get3A_3078, %get3A_3079] {strides = array<i32>} : memref<768x64xf32, #tpu.memory_space<vmem>>, vector<16xf32>,
      %add3A_3081 = arith.constant 92 : i32
      %add3A_3082 = arith.addi %mul3A_301, %add3A_3081 : i32
      %add3A_3083 = arith.constant 1 : i32
      %add3A_3084 = arith.addi %add3A_3082, %add3A_3083 : i32
      %get3A_3085 = arith.index_cast %add3A_3084 : i32 to index
      %get3A_3086 = arith.constant 16 : index
      %get3A_3087 = tpu.vector_load %arg6[%get3A_3085, %get3A_3086] {strides = array<i32>} : memref<768x64xf32, #tpu.memory_space<vmem>>, vector<16xf32>,
      %add3A_3088 = arith.constant 92 : i32
      %add3A_3089 = arith.addi %mul3A_301, %add3A_3088 : i32
      %add3A_3090 = arith.constant 1 : i32
      %add3A_3091 = arith.addi %add3A_3089, %add3A_3090 : i32
      %get3A_3092 = arith.index_cast %add3A_3091 : i32 to index
      %get3A_3093 = arith.constant 32 : index
      %get3A_3094 = tpu.vector_load %arg6[%get3A_3092, %get3A_3093] {strides = array<i32>} : memref<768x64xf32, #tpu.memory_space<vmem>>, vector<16xf32>,
      %add3A_3095 = arith.constant 92 : i32
      %add3A_3096 = arith.addi %mul3A_301, %add3A_3095 : i32
      %add3A_3097 = arith.constant 1 : i32
      %add3A_3098 = arith.addi %add3A_3096, %add3A_3097 : i32
      %get3A_3099 = arith.index_cast %add3A_3098 : i32 to index
      %get3A_3100 = arith.constant 48 : index
      %get3A_3101 = tpu.vector_load %arg6[%get3A_3099, %get3A_3100] {strides = array<i32>} : memref<768x64xf32, #tpu.memory_space<vmem>>, vector<16xf32>,
      tpu.vector_store_idx %arg7[%add3A_287, %rem3A_210, %broadcast_in_dim3A_3073], %get3A_3050 : memref<16x8x129xf32, #tpu.memory_space<vmem>>[vector<16xi32>, vector<16xi32>, vector<16xi32>], vector<16xf32>,
      tpu.vector_store_idx %arg7[%add3A_291, %rem3A_210, %broadcast_in_dim3A_3073], %get3A_3057 : memref<16x8x129xf32, #tpu.memory_space<vmem>>[vector<16xi32>, vector<16xi32>, vector<16xi32>], vector<16xf32>,
      tpu.vector_store_idx %arg7[%add3A_295, %rem3A_210, %broadcast_in_dim3A_3073], %get3A_3064 : memref<16x8x129xf32, #tpu.memory_space<vmem>>[vector<16xi32>, vector<16xi32>, vector<16xi32>], vector<16xf32>,
      tpu.vector_store_idx %arg7[%add3A_299, %rem3A_210, %broadcast_in_dim3A_3073], %get3A_3071 : memref<16x8x129xf32, #tpu.memory_space<vmem>>[vector<16xi32>, vector<16xi32>, vector<16xi32>], vector<16xf32>,
      %broadcast_in_dim3A_3102 = arith.constant 93 : i32
      %broadcast_in_dim3A_3103 = vector.broadcast %broadcast_in_dim3A_3102 : i32 to vector<16xi32>
      %add3A_3104 = arith.constant 93 : i32
      %add3A_3105 = arith.addi %mul3A_301, %add3A_3104 : i32
      %add3A_3106 = arith.constant 1 : i32
      %add3A_3107 = arith.addi %add3A_3105, %add3A_3106 : i32
      %get3A_3108 = arith.index_cast %add3A_3107 : i32 to index
      %get3A_3109 = arith.constant 0 : index
      %get3A_3110 = tpu.vector_load %arg6[%get3A_3108, %get3A_3109] {strides = array<i32>} : memref<768x64xf32, #tpu.memory_space<vmem>>, vector<16xf32>,
      %add3A_3111 = arith.constant 93 : i32
      %add3A_3112 = arith.addi %mul3A_301, %add3A_3111 : i32
      %add3A_3113 = arith.constant 1 : i32
      %add3A_3114 = arith.addi %add3A_3112, %add3A_3113 : i32
      %get3A_3115 = arith.index_cast %add3A_3114 : i32 to index
      %get3A_3116 = arith.constant 16 : index
      %get3A_3117 = tpu.vector_load %arg6[%get3A_3115, %get3A_3116] {strides = array<i32>} : memref<768x64xf32, #tpu.memory_space<vmem>>, vector<16xf32>,
      %add3A_3118 = arith.constant 93 : i32
      %add3A_3119 = arith.addi %mul3A_301, %add3A_3118 : i32
      %add3A_3120 = arith.constant 1 : i32
      %add3A_3121 = arith.addi %add3A_3119, %add3A_3120 : i32
      %get3A_3122 = arith.index_cast %add3A_3121 : i32 to index
      %get3A_3123 = arith.constant 32 : index
      %get3A_3124 = tpu.vector_load %arg6[%get3A_3122, %get3A_3123] {strides = array<i32>} : memref<768x64xf32, #tpu.memory_space<vmem>>, vector<16xf32>,
      %add3A_3125 = arith.constant 93 : i32
      %add3A_3126 = arith.addi %mul3A_301, %add3A_3125 : i32
      %add3A_3127 = arith.constant 1 : i32
      %add3A_3128 = arith.addi %add3A_3126, %add3A_3127 : i32
      %get3A_3129 = arith.index_cast %add3A_3128 : i32 to index
      %get3A_3130 = arith.constant 48 : index
      %get3A_3131 = tpu.vector_load %arg6[%get3A_3129, %get3A_3130] {strides = array<i32>} : memref<768x64xf32, #tpu.memory_space<vmem>>, vector<16xf32>,
      tpu.vector_store_idx %arg7[%add3A_287, %rem3A_210, %broadcast_in_dim3A_3103], %get3A_3080 : memref<16x8x129xf32, #tpu.memory_space<vmem>>[vector<16xi32>, vector<16xi32>, vector<16xi32>], vector<16xf32>,
      tpu.vector_store_idx %arg7[%add3A_291, %rem3A_210, %broadcast_in_dim3A_3103], %get3A_3087 : memref<16x8x129xf32, #tpu.memory_space<vmem>>[vector<16xi32>, vector<16xi32>, vector<16xi32>], vector<16xf32>,
      tpu.vector_store_idx %arg7[%add3A_295, %rem3A_210, %broadcast_in_dim3A_3103], %get3A_3094 : memref<16x8x129xf32, #tpu.memory_space<vmem>>[vector<16xi32>, vector<16xi32>, vector<16xi32>], vector<16xf32>,
      tpu.vector_store_idx %arg7[%add3A_299, %rem3A_210, %broadcast_in_dim3A_3103], %get3A_3101 : memref<16x8x129xf32, #tpu.memory_space<vmem>>[vector<16xi32>, vector<16xi32>, vector<16xi32>], vector<16xf32>,
      %broadcast_in_dim3A_3132 = arith.constant 94 : i32
      %broadcast_in_dim3A_3133 = vector.broadcast %broadcast_in_dim3A_3132 : i32 to vector<16xi32>
      %add3A_3134 = arith.constant 94 : i32
      %add3A_3135 = arith.addi %mul3A_301, %add3A_3134 : i32
      %add3A_3136 = arith.constant 1 : i32
      %add3A_3137 = arith.addi %add3A_3135, %add3A_3136 : i32
      %get3A_3138 = arith.index_cast %add3A_3137 : i32 to index
      %get3A_3139 = arith.constant 0 : index
      %get3A_3140 = tpu.vector_load %arg6[%get3A_3138, %get3A_3139] {strides = array<i32>} : memref<768x64xf32, #tpu.memory_space<vmem>>, vector<16xf32>,
      %add3A_3141 = arith.constant 94 : i32
      %add3A_3142 = arith.addi %mul3A_301, %add3A_3141 : i32
      %add3A_3143 = arith.constant 1 : i32
      %add3A_3144 = arith.addi %add3A_3142, %add3A_3143 : i32
      %get3A_3145 = arith.index_cast %add3A_3144 : i32 to index
      %get3A_3146 = arith.constant 16 : index
      %get3A_3147 = tpu.vector_load %arg6[%get3A_3145, %get3A_3146] {strides = array<i32>} : memref<768x64xf32, #tpu.memory_space<vmem>>, vector<16xf32>,
      %add3A_3148 = arith.constant 94 : i32
      %add3A_3149 = arith.addi %mul3A_301, %add3A_3148 : i32
      %add3A_3150 = arith.constant 1 : i32
      %add3A_3151 = arith.addi %add3A_3149, %add3A_3150 : i32
      %get3A_3152 = arith.index_cast %add3A_3151 : i32 to index
      %get3A_3153 = arith.constant 32 : index
      %get3A_3154 = tpu.vector_load %arg6[%get3A_3152, %get3A_3153] {strides = array<i32>} : memref<768x64xf32, #tpu.memory_space<vmem>>, vector<16xf32>,
      %add3A_3155 = arith.constant 94 : i32
      %add3A_3156 = arith.addi %mul3A_301, %add3A_3155 : i32
      %add3A_3157 = arith.constant 1 : i32
      %add3A_3158 = arith.addi %add3A_3156, %add3A_3157 : i32
      %get3A_3159 = arith.index_cast %add3A_3158 : i32 to index
      %get3A_3160 = arith.constant 48 : index
      %get3A_3161 = tpu.vector_load %arg6[%get3A_3159, %get3A_3160] {strides = array<i32>} : memref<768x64xf32, #tpu.memory_space<vmem>>, vector<16xf32>,
      tpu.vector_store_idx %arg7[%add3A_287, %rem3A_210, %broadcast_in_dim3A_3133], %get3A_3110 : memref<16x8x129xf32, #tpu.memory_space<vmem>>[vector<16xi32>, vector<16xi32>, vector<16xi32>], vector<16xf32>,
      tpu.vector_store_idx %arg7[%add3A_291, %rem3A_210, %broadcast_in_dim3A_3133], %get3A_3117 : memref<16x8x129xf32, #tpu.memory_space<vmem>>[vector<16xi32>, vector<16xi32>, vector<16xi32>], vector<16xf32>,
      tpu.vector_store_idx %arg7[%add3A_295, %rem3A_210, %broadcast_in_dim3A_3133], %get3A_3124 : memref<16x8x129xf32, #tpu.memory_space<vmem>>[vector<16xi32>, vector<16xi32>, vector<16xi32>], vector<16xf32>,
      tpu.vector_store_idx %arg7[%add3A_299, %rem3A_210, %broadcast_in_dim3A_3133], %get3A_3131 : memref<16x8x129xf32, #tpu.memory_space<vmem>>[vector<16xi32>, vector<16xi32>, vector<16xi32>], vector<16xf32>,
      %broadcast_in_dim3A_3162 = arith.constant 95 : i32
      %broadcast_in_dim3A_3163 = vector.broadcast %broadcast_in_dim3A_3162 : i32 to vector<16xi32>
      %add3A_3164 = arith.constant 95 : i32
      %add3A_3165 = arith.addi %mul3A_301, %add3A_3164 : i32
      %add3A_3166 = arith.constant 1 : i32
      %add3A_3167 = arith.addi %add3A_3165, %add3A_3166 : i32
      %get3A_3168 = arith.index_cast %add3A_3167 : i32 to index
      %get3A_3169 = arith.constant 0 : index
      %get3A_3170 = tpu.vector_load %arg6[%get3A_3168, %get3A_3169] {strides = array<i32>} : memref<768x64xf32, #tpu.memory_space<vmem>>, vector<16xf32>,
      %add3A_3171 = arith.constant 95 : i32
      %add3A_3172 = arith.addi %mul3A_301, %add3A_3171 : i32
      %add3A_3173 = arith.constant 1 : i32
      %add3A_3174 = arith.addi %add3A_3172, %add3A_3173 : i32
      %get3A_3175 = arith.index_cast %add3A_3174 : i32 to index
      %get3A_3176 = arith.constant 16 : index
      %get3A_3177 = tpu.vector_load %arg6[%get3A_3175, %get3A_3176] {strides = array<i32>} : memref<768x64xf32, #tpu.memory_space<vmem>>, vector<16xf32>,
      %add3A_3178 = arith.constant 95 : i32
      %add3A_3179 = arith.addi %mul3A_301, %add3A_3178 : i32
      %add3A_3180 = arith.constant 1 : i32
      %add3A_3181 = arith.addi %add3A_3179, %add3A_3180 : i32
      %get3A_3182 = arith.index_cast %add3A_3181 : i32 to index
      %get3A_3183 = arith.constant 32 : index
      %get3A_3184 = tpu.vector_load %arg6[%get3A_3182, %get3A_3183] {strides = array<i32>} : memref<768x64xf32, #tpu.memory_space<vmem>>, vector<16xf32>,
      %add3A_3185 = arith.constant 95 : i32
      %add3A_3186 = arith.addi %mul3A_301, %add3A_3185 : i32
      %add3A_3187 = arith.constant 1 : i32
      %add3A_3188 = arith.addi %add3A_3186, %add3A_3187 : i32
      %get3A_3189 = arith.index_cast %add3A_3188 : i32 to index
      %get3A_3190 = arith.constant 48 : index
      %get3A_3191 = tpu.vector_load %arg6[%get3A_3189, %get3A_3190] {strides = array<i32>} : memref<768x64xf32, #tpu.memory_space<vmem>>, vector<16xf32>,
      tpu.vector_store_idx %arg7[%add3A_287, %rem3A_210, %broadcast_in_dim3A_3163], %get3A_3140 : memref<16x8x129xf32, #tpu.memory_space<vmem>>[vector<16xi32>, vector<16xi32>, vector<16xi32>], vector<16xf32>,
      tpu.vector_store_idx %arg7[%add3A_291, %rem3A_210, %broadcast_in_dim3A_3163], %get3A_3147 : memref<16x8x129xf32, #tpu.memory_space<vmem>>[vector<16xi32>, vector<16xi32>, vector<16xi32>], vector<16xf32>,
      tpu.vector_store_idx %arg7[%add3A_295, %rem3A_210, %broadcast_in_dim3A_3163], %get3A_3154 : memref<16x8x129xf32, #tpu.memory_space<vmem>>[vector<16xi32>, vector<16xi32>, vector<16xi32>], vector<16xf32>,
      tpu.vector_store_idx %arg7[%add3A_299, %rem3A_210, %broadcast_in_dim3A_3163], %get3A_3161 : memref<16x8x129xf32, #tpu.memory_space<vmem>>[vector<16xi32>, vector<16xi32>, vector<16xi32>], vector<16xf32>,
      %broadcast_in_dim3A_3192 = arith.constant 96 : i32
      %broadcast_in_dim3A_3193 = vector.broadcast %broadcast_in_dim3A_3192 : i32 to vector<16xi32>
      %add3A_3194 = arith.constant 96 : i32
      %add3A_3195 = arith.addi %mul3A_301, %add3A_3194 : i32
      %add3A_3196 = arith.constant 1 : i32
      %add3A_3197 = arith.addi %add3A_3195, %add3A_3196 : i32
      %get3A_3198 = arith.index_cast %add3A_3197 : i32 to index
      %get3A_3199 = arith.constant 0 : index
      %get3A_3200 = tpu.vector_load %arg6[%get3A_3198, %get3A_3199] {strides = array<i32>} : memref<768x64xf32, #tpu.memory_space<vmem>>, vector<16xf32>,
      %add3A_3201 = arith.constant 96 : i32
      %add3A_3202 = arith.addi %mul3A_301, %add3A_3201 : i32
      %add3A_3203 = arith.constant 1 : i32
      %add3A_3204 = arith.addi %add3A_3202, %add3A_3203 : i32
      %get3A_3205 = arith.index_cast %add3A_3204 : i32 to index
      %get3A_3206 = arith.constant 16 : index
      %get3A_3207 = tpu.vector_load %arg6[%get3A_3205, %get3A_3206] {strides = array<i32>} : memref<768x64xf32, #tpu.memory_space<vmem>>, vector<16xf32>,
      %add3A_3208 = arith.constant 96 : i32
      %add3A_3209 = arith.addi %mul3A_301, %add3A_3208 : i32
      %add3A_3210 = arith.constant 1 : i32
      %add3A_3211 = arith.addi %add3A_3209, %add3A_3210 : i32
      %get3A_3212 = arith.index_cast %add3A_3211 : i32 to index
      %get3A_3213 = arith.constant 32 : index
      %get3A_3214 = tpu.vector_load %arg6[%get3A_3212, %get3A_3213] {strides = array<i32>} : memref<768x64xf32, #tpu.memory_space<vmem>>, vector<16xf32>,
      %add3A_3215 = arith.constant 96 : i32
      %add3A_3216 = arith.addi %mul3A_301, %add3A_3215 : i32
      %add3A_3217 = arith.constant 1 : i32
      %add3A_3218 = arith.addi %add3A_3216, %add3A_3217 : i32
      %get3A_3219 = arith.index_cast %add3A_3218 : i32 to index
      %get3A_3220 = arith.constant 48 : index
      %get3A_3221 = tpu.vector_load %arg6[%get3A_3219, %get3A_3220] {strides = array<i32>} : memref<768x64xf32, #tpu.memory_space<vmem>>, vector<16xf32>,
      tpu.vector_store_idx %arg7[%add3A_287, %rem3A_210, %broadcast_in_dim3A_3193], %get3A_3170 : memref<16x8x129xf32, #tpu.memory_space<vmem>>[vector<16xi32>, vector<16xi32>, vector<16xi32>], vector<16xf32>,
      tpu.vector_store_idx %arg7[%add3A_291, %rem3A_210, %broadcast_in_dim3A_3193], %get3A_3177 : memref<16x8x129xf32, #tpu.memory_space<vmem>>[vector<16xi32>, vector<16xi32>, vector<16xi32>], vector<16xf32>,
      tpu.vector_store_idx %arg7[%add3A_295, %rem3A_210, %broadcast_in_dim3A_3193], %get3A_3184 : memref<16x8x129xf32, #tpu.memory_space<vmem>>[vector<16xi32>, vector<16xi32>, vector<16xi32>], vector<16xf32>,
      tpu.vector_store_idx %arg7[%add3A_299, %rem3A_210, %broadcast_in_dim3A_3193], %get3A_3191 : memref<16x8x129xf32, #tpu.memory_space<vmem>>[vector<16xi32>, vector<16xi32>, vector<16xi32>], vector<16xf32>,
      %broadcast_in_dim3A_3222 = arith.constant 97 : i32
      %broadcast_in_dim3A_3223 = vector.broadcast %broadcast_in_dim3A_3222 : i32 to vector<16xi32>
      %add3A_3224 = arith.constant 97 : i32
      %add3A_3225 = arith.addi %mul3A_301, %add3A_3224 : i32
      %add3A_3226 = arith.constant 1 : i32
      %add3A_3227 = arith.addi %add3A_3225, %add3A_3226 : i32
      %get3A_3228 = arith.index_cast %add3A_3227 : i32 to index
      %get3A_3229 = arith.constant 0 : index
      %get3A_3230 = tpu.vector_load %arg6[%get3A_3228, %get3A_3229] {strides = array<i32>} : memref<768x64xf32, #tpu.memory_space<vmem>>, vector<16xf32>,
      %add3A_3231 = arith.constant 97 : i32
      %add3A_3232 = arith.addi %mul3A_301, %add3A_3231 : i32
      %add3A_3233 = arith.constant 1 : i32
      %add3A_3234 = arith.addi %add3A_3232, %add3A_3233 : i32
      %get3A_3235 = arith.index_cast %add3A_3234 : i32 to index
      %get3A_3236 = arith.constant 16 : index
      %get3A_3237 = tpu.vector_load %arg6[%get3A_3235, %get3A_3236] {strides = array<i32>} : memref<768x64xf32, #tpu.memory_space<vmem>>, vector<16xf32>,
      %add3A_3238 = arith.constant 97 : i32
      %add3A_3239 = arith.addi %mul3A_301, %add3A_3238 : i32
      %add3A_3240 = arith.constant 1 : i32
      %add3A_3241 = arith.addi %add3A_3239, %add3A_3240 : i32
      %get3A_3242 = arith.index_cast %add3A_3241 : i32 to index
      %get3A_3243 = arith.constant 32 : index
      %get3A_3244 = tpu.vector_load %arg6[%get3A_3242, %get3A_3243] {strides = array<i32>} : memref<768x64xf32, #tpu.memory_space<vmem>>, vector<16xf32>,
      %add3A_3245 = arith.constant 97 : i32
      %add3A_3246 = arith.addi %mul3A_301, %add3A_3245 : i32
      %add3A_3247 = arith.constant 1 : i32
      %add3A_3248 = arith.addi %add3A_3246, %add3A_3247 : i32
      %get3A_3249 = arith.index_cast %add3A_3248 : i32 to index
      %get3A_3250 = arith.constant 48 : index
      %get3A_3251 = tpu.vector_load %arg6[%get3A_3249, %get3A_3250] {strides = array<i32>} : memref<768x64xf32, #tpu.memory_space<vmem>>, vector<16xf32>,
      tpu.vector_store_idx %arg7[%add3A_287, %rem3A_210, %broadcast_in_dim3A_3223], %get3A_3200 : memref<16x8x129xf32, #tpu.memory_space<vmem>>[vector<16xi32>, vector<16xi32>, vector<16xi32>], vector<16xf32>,
      tpu.vector_store_idx %arg7[%add3A_291, %rem3A_210, %broadcast_in_dim3A_3223], %get3A_3207 : memref<16x8x129xf32, #tpu.memory_space<vmem>>[vector<16xi32>, vector<16xi32>, vector<16xi32>], vector<16xf32>,
      tpu.vector_store_idx %arg7[%add3A_295, %rem3A_210, %broadcast_in_dim3A_3223], %get3A_3214 : memref<16x8x129xf32, #tpu.memory_space<vmem>>[vector<16xi32>, vector<16xi32>, vector<16xi32>], vector<16xf32>,
      tpu.vector_store_idx %arg7[%add3A_299, %rem3A_210, %broadcast_in_dim3A_3223], %get3A_3221 : memref<16x8x129xf32, #tpu.memory_space<vmem>>[vector<16xi32>, vector<16xi32>, vector<16xi32>], vector<16xf32>,
      %broadcast_in_dim3A_3252 = arith.constant 98 : i32
      %broadcast_in_dim3A_3253 = vector.broadcast %broadcast_in_dim3A_3252 : i32 to vector<16xi32>
      %add3A_3254 = arith.constant 98 : i32
      %add3A_3255 = arith.addi %mul3A_301, %add3A_3254 : i32
      %add3A_3256 = arith.constant 1 : i32
      %add3A_3257 = arith.addi %add3A_3255, %add3A_3256 : i32
      %get3A_3258 = arith.index_cast %add3A_3257 : i32 to index
      %get3A_3259 = arith.constant 0 : index
      %get3A_3260 = tpu.vector_load %arg6[%get3A_3258, %get3A_3259] {strides = array<i32>} : memref<768x64xf32, #tpu.memory_space<vmem>>, vector<16xf32>,
      %add3A_3261 = arith.constant 98 : i32
      %add3A_3262 = arith.addi %mul3A_301, %add3A_3261 : i32
      %add3A_3263 = arith.constant 1 : i32
      %add3A_3264 = arith.addi %add3A_3262, %add3A_3263 : i32
      %get3A_3265 = arith.index_cast %add3A_3264 : i32 to index
      %get3A_3266 = arith.constant 16 : index
      %get3A_3267 = tpu.vector_load %arg6[%get3A_3265, %get3A_3266] {strides = array<i32>} : memref<768x64xf32, #tpu.memory_space<vmem>>, vector<16xf32>,
      %add3A_3268 = arith.constant 98 : i32
      %add3A_3269 = arith.addi %mul3A_301, %add3A_3268 : i32
      %add3A_3270 = arith.constant 1 : i32
      %add3A_3271 = arith.addi %add3A_3269, %add3A_3270 : i32
      %get3A_3272 = arith.index_cast %add3A_3271 : i32 to index
      %get3A_3273 = arith.constant 32 : index
      %get3A_3274 = tpu.vector_load %arg6[%get3A_3272, %get3A_3273] {strides = array<i32>} : memref<768x64xf32, #tpu.memory_space<vmem>>, vector<16xf32>,
      %add3A_3275 = arith.constant 98 : i32
      %add3A_3276 = arith.addi %mul3A_301, %add3A_3275 : i32
      %add3A_3277 = arith.constant 1 : i32
      %add3A_3278 = arith.addi %add3A_3276, %add3A_3277 : i32
      %get3A_3279 = arith.index_cast %add3A_3278 : i32 to index
      %get3A_3280 = arith.constant 48 : index
      %get3A_3281 = tpu.vector_load %arg6[%get3A_3279, %get3A_3280] {strides = array<i32>} : memref<768x64xf32, #tpu.memory_space<vmem>>, vector<16xf32>,
      tpu.vector_store_idx %arg7[%add3A_287, %rem3A_210, %broadcast_in_dim3A_3253], %get3A_3230 : memref<16x8x129xf32, #tpu.memory_space<vmem>>[vector<16xi32>, vector<16xi32>, vector<16xi32>], vector<16xf32>,
      tpu.vector_store_idx %arg7[%add3A_291, %rem3A_210, %broadcast_in_dim3A_3253], %get3A_3237 : memref<16x8x129xf32, #tpu.memory_space<vmem>>[vector<16xi32>, vector<16xi32>, vector<16xi32>], vector<16xf32>,
      tpu.vector_store_idx %arg7[%add3A_295, %rem3A_210, %broadcast_in_dim3A_3253], %get3A_3244 : memref<16x8x129xf32, #tpu.memory_space<vmem>>[vector<16xi32>, vector<16xi32>, vector<16xi32>], vector<16xf32>,
      tpu.vector_store_idx %arg7[%add3A_299, %rem3A_210, %broadcast_in_dim3A_3253], %get3A_3251 : memref<16x8x129xf32, #tpu.memory_space<vmem>>[vector<16xi32>, vector<16xi32>, vector<16xi32>], vector<16xf32>,
      %broadcast_in_dim3A_3282 = arith.constant 99 : i32
      %broadcast_in_dim3A_3283 = vector.broadcast %broadcast_in_dim3A_3282 : i32 to vector<16xi32>
      %add3A_3284 = arith.constant 99 : i32
      %add3A_3285 = arith.addi %mul3A_301, %add3A_3284 : i32
      %add3A_3286 = arith.constant 1 : i32
      %add3A_3287 = arith.addi %add3A_3285, %add3A_3286 : i32
      %get3A_3288 = arith.index_cast %add3A_3287 : i32 to index
      %get3A_3289 = arith.constant 0 : index
      %get3A_3290 = tpu.vector_load %arg6[%get3A_3288, %get3A_3289] {strides = array<i32>} : memref<768x64xf32, #tpu.memory_space<vmem>>, vector<16xf32>,
      %add3A_3291 = arith.constant 99 : i32
      %add3A_3292 = arith.addi %mul3A_301, %add3A_3291 : i32
      %add3A_3293 = arith.constant 1 : i32
      %add3A_3294 = arith.addi %add3A_3292, %add3A_3293 : i32
      %get3A_3295 = arith.index_cast %add3A_3294 : i32 to index
      %get3A_3296 = arith.constant 16 : index
      %get3A_3297 = tpu.vector_load %arg6[%get3A_3295, %get3A_3296] {strides = array<i32>} : memref<768x64xf32, #tpu.memory_space<vmem>>, vector<16xf32>,
      %add3A_3298 = arith.constant 99 : i32
      %add3A_3299 = arith.addi %mul3A_301, %add3A_3298 : i32
      %add3A_3300 = arith.constant 1 : i32
      %add3A_3301 = arith.addi %add3A_3299, %add3A_3300 : i32
      %get3A_3302 = arith.index_cast %add3A_3301 : i32 to index
      %get3A_3303 = arith.constant 32 : index
      %get3A_3304 = tpu.vector_load %arg6[%get3A_3302, %get3A_3303] {strides = array<i32>} : memref<768x64xf32, #tpu.memory_space<vmem>>, vector<16xf32>,
      %add3A_3305 = arith.constant 99 : i32
      %add3A_3306 = arith.addi %mul3A_301, %add3A_3305 : i32
      %add3A_3307 = arith.constant 1 : i32
      %add3A_3308 = arith.addi %add3A_3306, %add3A_3307 : i32
      %get3A_3309 = arith.index_cast %add3A_3308 : i32 to index
      %get3A_3310 = arith.constant 48 : index
      %get3A_3311 = tpu.vector_load %arg6[%get3A_3309, %get3A_3310] {strides = array<i32>} : memref<768x64xf32, #tpu.memory_space<vmem>>, vector<16xf32>,
      tpu.vector_store_idx %arg7[%add3A_287, %rem3A_210, %broadcast_in_dim3A_3283], %get3A_3260 : memref<16x8x129xf32, #tpu.memory_space<vmem>>[vector<16xi32>, vector<16xi32>, vector<16xi32>], vector<16xf32>,
      tpu.vector_store_idx %arg7[%add3A_291, %rem3A_210, %broadcast_in_dim3A_3283], %get3A_3267 : memref<16x8x129xf32, #tpu.memory_space<vmem>>[vector<16xi32>, vector<16xi32>, vector<16xi32>], vector<16xf32>,
      tpu.vector_store_idx %arg7[%add3A_295, %rem3A_210, %broadcast_in_dim3A_3283], %get3A_3274 : memref<16x8x129xf32, #tpu.memory_space<vmem>>[vector<16xi32>, vector<16xi32>, vector<16xi32>], vector<16xf32>,
      tpu.vector_store_idx %arg7[%add3A_299, %rem3A_210, %broadcast_in_dim3A_3283], %get3A_3281 : memref<16x8x129xf32, #tpu.memory_space<vmem>>[vector<16xi32>, vector<16xi32>, vector<16xi32>], vector<16xf32>,
      %broadcast_in_dim3A_3312 = arith.constant 100 : i32
      %broadcast_in_dim3A_3313 = vector.broadcast %broadcast_in_dim3A_3312 : i32 to vector<16xi32>
      %add3A_3314 = arith.constant 100 : i32
      %add3A_3315 = arith.addi %mul3A_301, %add3A_3314 : i32
      %add3A_3316 = arith.constant 1 : i32
      %add3A_3317 = arith.addi %add3A_3315, %add3A_3316 : i32
      %get3A_3318 = arith.index_cast %add3A_3317 : i32 to index
      %get3A_3319 = arith.constant 0 : index
      %get3A_3320 = tpu.vector_load %arg6[%get3A_3318, %get3A_3319] {strides = array<i32>} : memref<768x64xf32, #tpu.memory_space<vmem>>, vector<16xf32>,
      %add3A_3321 = arith.constant 100 : i32
      %add3A_3322 = arith.addi %mul3A_301, %add3A_3321 : i32
      %add3A_3323 = arith.constant 1 : i32
      %add3A_3324 = arith.addi %add3A_3322, %add3A_3323 : i32
      %get3A_3325 = arith.index_cast %add3A_3324 : i32 to index
      %get3A_3326 = arith.constant 16 : index
      %get3A_3327 = tpu.vector_load %arg6[%get3A_3325, %get3A_3326] {strides = array<i32>} : memref<768x64xf32, #tpu.memory_space<vmem>>, vector<16xf32>,
      %add3A_3328 = arith.constant 100 : i32
      %add3A_3329 = arith.addi %mul3A_301, %add3A_3328 : i32
      %add3A_3330 = arith.constant 1 : i32
      %add3A_3331 = arith.addi %add3A_3329, %add3A_3330 : i32
      %get3A_3332 = arith.index_cast %add3A_3331 : i32 to index
      %get3A_3333 = arith.constant 32 : index
      %get3A_3334 = tpu.vector_load %arg6[%get3A_3332, %get3A_3333] {strides = array<i32>} : memref<768x64xf32, #tpu.memory_space<vmem>>, vector<16xf32>,
      %add3A_3335 = arith.constant 100 : i32
      %add3A_3336 = arith.addi %mul3A_301, %add3A_3335 : i32
      %add3A_3337 = arith.constant 1 : i32
      %add3A_3338 = arith.addi %add3A_3336, %add3A_3337 : i32
      %get3A_3339 = arith.index_cast %add3A_3338 : i32 to index
      %get3A_3340 = arith.constant 48 : index
      %get3A_3341 = tpu.vector_load %arg6[%get3A_3339, %get3A_3340] {strides = array<i32>} : memref<768x64xf32, #tpu.memory_space<vmem>>, vector<16xf32>,
      tpu.vector_store_idx %arg7[%add3A_287, %rem3A_210, %broadcast_in_dim3A_3313], %get3A_3290 : memref<16x8x129xf32, #tpu.memory_space<vmem>>[vector<16xi32>, vector<16xi32>, vector<16xi32>], vector<16xf32>,
      tpu.vector_store_idx %arg7[%add3A_291, %rem3A_210, %broadcast_in_dim3A_3313], %get3A_3297 : memref<16x8x129xf32, #tpu.memory_space<vmem>>[vector<16xi32>, vector<16xi32>, vector<16xi32>], vector<16xf32>,
      tpu.vector_store_idx %arg7[%add3A_295, %rem3A_210, %broadcast_in_dim3A_3313], %get3A_3304 : memref<16x8x129xf32, #tpu.memory_space<vmem>>[vector<16xi32>, vector<16xi32>, vector<16xi32>], vector<16xf32>,
      tpu.vector_store_idx %arg7[%add3A_299, %rem3A_210, %broadcast_in_dim3A_3313], %get3A_3311 : memref<16x8x129xf32, #tpu.memory_space<vmem>>[vector<16xi32>, vector<16xi32>, vector<16xi32>], vector<16xf32>,
      %broadcast_in_dim3A_3342 = arith.constant 101 : i32
      %broadcast_in_dim3A_3343 = vector.broadcast %broadcast_in_dim3A_3342 : i32 to vector<16xi32>
      %add3A_3344 = arith.constant 101 : i32
      %add3A_3345 = arith.addi %mul3A_301, %add3A_3344 : i32
      %add3A_3346 = arith.constant 1 : i32
      %add3A_3347 = arith.addi %add3A_3345, %add3A_3346 : i32
      %get3A_3348 = arith.index_cast %add3A_3347 : i32 to index
      %get3A_3349 = arith.constant 0 : index
      %get3A_3350 = tpu.vector_load %arg6[%get3A_3348, %get3A_3349] {strides = array<i32>} : memref<768x64xf32, #tpu.memory_space<vmem>>, vector<16xf32>,
      %add3A_3351 = arith.constant 101 : i32
      %add3A_3352 = arith.addi %mul3A_301, %add3A_3351 : i32
      %add3A_3353 = arith.constant 1 : i32
      %add3A_3354 = arith.addi %add3A_3352, %add3A_3353 : i32
      %get3A_3355 = arith.index_cast %add3A_3354 : i32 to index
      %get3A_3356 = arith.constant 16 : index
      %get3A_3357 = tpu.vector_load %arg6[%get3A_3355, %get3A_3356] {strides = array<i32>} : memref<768x64xf32, #tpu.memory_space<vmem>>, vector<16xf32>,
      %add3A_3358 = arith.constant 101 : i32
      %add3A_3359 = arith.addi %mul3A_301, %add3A_3358 : i32
      %add3A_3360 = arith.constant 1 : i32
      %add3A_3361 = arith.addi %add3A_3359, %add3A_3360 : i32
      %get3A_3362 = arith.index_cast %add3A_3361 : i32 to index
      %get3A_3363 = arith.constant 32 : index
      %get3A_3364 = tpu.vector_load %arg6[%get3A_3362, %get3A_3363] {strides = array<i32>} : memref<768x64xf32, #tpu.memory_space<vmem>>, vector<16xf32>,
      %add3A_3365 = arith.constant 101 : i32
      %add3A_3366 = arith.addi %mul3A_301, %add3A_3365 : i32
      %add3A_3367 = arith.constant 1 : i32
      %add3A_3368 = arith.addi %add3A_3366, %add3A_3367 : i32
      %get3A_3369 = arith.index_cast %add3A_3368 : i32 to index
      %get3A_3370 = arith.constant 48 : index
      %get3A_3371 = tpu.vector_load %arg6[%get3A_3369, %get3A_3370] {strides = array<i32>} : memref<768x64xf32, #tpu.memory_space<vmem>>, vector<16xf32>,
      tpu.vector_store_idx %arg7[%add3A_287, %rem3A_210, %broadcast_in_dim3A_3343], %get3A_3320 : memref<16x8x129xf32, #tpu.memory_space<vmem>>[vector<16xi32>, vector<16xi32>, vector<16xi32>], vector<16xf32>,
      tpu.vector_store_idx %arg7[%add3A_291, %rem3A_210, %broadcast_in_dim3A_3343], %get3A_3327 : memref<16x8x129xf32, #tpu.memory_space<vmem>>[vector<16xi32>, vector<16xi32>, vector<16xi32>], vector<16xf32>,
      tpu.vector_store_idx %arg7[%add3A_295, %rem3A_210, %broadcast_in_dim3A_3343], %get3A_3334 : memref<16x8x129xf32, #tpu.memory_space<vmem>>[vector<16xi32>, vector<16xi32>, vector<16xi32>], vector<16xf32>,
      tpu.vector_store_idx %arg7[%add3A_299, %rem3A_210, %broadcast_in_dim3A_3343], %get3A_3341 : memref<16x8x129xf32, #tpu.memory_space<vmem>>[vector<16xi32>, vector<16xi32>, vector<16xi32>], vector<16xf32>,
      %broadcast_in_dim3A_3372 = arith.constant 102 : i32
      %broadcast_in_dim3A_3373 = vector.broadcast %broadcast_in_dim3A_3372 : i32 to vector<16xi32>
      %add3A_3374 = arith.constant 102 : i32
      %add3A_3375 = arith.addi %mul3A_301, %add3A_3374 : i32
      %add3A_3376 = arith.constant 1 : i32
      %add3A_3377 = arith.addi %add3A_3375, %add3A_3376 : i32
      %get3A_3378 = arith.index_cast %add3A_3377 : i32 to index
      %get3A_3379 = arith.constant 0 : index
      %get3A_3380 = tpu.vector_load %arg6[%get3A_3378, %get3A_3379] {strides = array<i32>} : memref<768x64xf32, #tpu.memory_space<vmem>>, vector<16xf32>,
      %add3A_3381 = arith.constant 102 : i32
      %add3A_3382 = arith.addi %mul3A_301, %add3A_3381 : i32
      %add3A_3383 = arith.constant 1 : i32
      %add3A_3384 = arith.addi %add3A_3382, %add3A_3383 : i32
      %get3A_3385 = arith.index_cast %add3A_3384 : i32 to index
      %get3A_3386 = arith.constant 16 : index
      %get3A_3387 = tpu.vector_load %arg6[%get3A_3385, %get3A_3386] {strides = array<i32>} : memref<768x64xf32, #tpu.memory_space<vmem>>, vector<16xf32>,
      %add3A_3388 = arith.constant 102 : i32
      %add3A_3389 = arith.addi %mul3A_301, %add3A_3388 : i32
      %add3A_3390 = arith.constant 1 : i32
      %add3A_3391 = arith.addi %add3A_3389, %add3A_3390 : i32
      %get3A_3392 = arith.index_cast %add3A_3391 : i32 to index
      %get3A_3393 = arith.constant 32 : index
      %get3A_3394 = tpu.vector_load %arg6[%get3A_3392, %get3A_3393] {strides = array<i32>} : memref<768x64xf32, #tpu.memory_space<vmem>>, vector<16xf32>,
      %add3A_3395 = arith.constant 102 : i32
      %add3A_3396 = arith.addi %mul3A_301, %add3A_3395 : i32
      %add3A_3397 = arith.constant 1 : i32
      %add3A_3398 = arith.addi %add3A_3396, %add3A_3397 : i32
      %get3A_3399 = arith.index_cast %add3A_3398 : i32 to index
      %get3A_3400 = arith.constant 48 : index
      %get3A_3401 = tpu.vector_load %arg6[%get3A_3399, %get3A_3400] {strides = array<i32>} : memref<768x64xf32, #tpu.memory_space<vmem>>, vector<16xf32>,
      tpu.vector_store_idx %arg7[%add3A_287, %rem3A_210, %broadcast_in_dim3A_3373], %get3A_3350 : memref<16x8x129xf32, #tpu.memory_space<vmem>>[vector<16xi32>, vector<16xi32>, vector<16xi32>], vector<16xf32>,
      tpu.vector_store_idx %arg7[%add3A_291, %rem3A_210, %broadcast_in_dim3A_3373], %get3A_3357 : memref<16x8x129xf32, #tpu.memory_space<vmem>>[vector<16xi32>, vector<16xi32>, vector<16xi32>], vector<16xf32>,
      tpu.vector_store_idx %arg7[%add3A_295, %rem3A_210, %broadcast_in_dim3A_3373], %get3A_3364 : memref<16x8x129xf32, #tpu.memory_space<vmem>>[vector<16xi32>, vector<16xi32>, vector<16xi32>], vector<16xf32>,
      tpu.vector_store_idx %arg7[%add3A_299, %rem3A_210, %broadcast_in_dim3A_3373], %get3A_3371 : memref<16x8x129xf32, #tpu.memory_space<vmem>>[vector<16xi32>, vector<16xi32>, vector<16xi32>], vector<16xf32>,
      %broadcast_in_dim3A_3402 = arith.constant 103 : i32
      %broadcast_in_dim3A_3403 = vector.broadcast %broadcast_in_dim3A_3402 : i32 to vector<16xi32>
      %add3A_3404 = arith.constant 103 : i32
      %add3A_3405 = arith.addi %mul3A_301, %add3A_3404 : i32
      %add3A_3406 = arith.constant 1 : i32
      %add3A_3407 = arith.addi %add3A_3405, %add3A_3406 : i32
      %get3A_3408 = arith.index_cast %add3A_3407 : i32 to index
      %get3A_3409 = arith.constant 0 : index
      %get3A_3410 = tpu.vector_load %arg6[%get3A_3408, %get3A_3409] {strides = array<i32>} : memref<768x64xf32, #tpu.memory_space<vmem>>, vector<16xf32>,
      %add3A_3411 = arith.constant 103 : i32
      %add3A_3412 = arith.addi %mul3A_301, %add3A_3411 : i32
      %add3A_3413 = arith.constant 1 : i32
      %add3A_3414 = arith.addi %add3A_3412, %add3A_3413 : i32
      %get3A_3415 = arith.index_cast %add3A_3414 : i32 to index
      %get3A_3416 = arith.constant 16 : index
      %get3A_3417 = tpu.vector_load %arg6[%get3A_3415, %get3A_3416] {strides = array<i32>} : memref<768x64xf32, #tpu.memory_space<vmem>>, vector<16xf32>,
      %add3A_3418 = arith.constant 103 : i32
      %add3A_3419 = arith.addi %mul3A_301, %add3A_3418 : i32
      %add3A_3420 = arith.constant 1 : i32
      %add3A_3421 = arith.addi %add3A_3419, %add3A_3420 : i32
      %get3A_3422 = arith.index_cast %add3A_3421 : i32 to index
      %get3A_3423 = arith.constant 32 : index
      %get3A_3424 = tpu.vector_load %arg6[%get3A_3422, %get3A_3423] {strides = array<i32>} : memref<768x64xf32, #tpu.memory_space<vmem>>, vector<16xf32>,
      %add3A_3425 = arith.constant 103 : i32
      %add3A_3426 = arith.addi %mul3A_301, %add3A_3425 : i32
      %add3A_3427 = arith.constant 1 : i32
      %add3A_3428 = arith.addi %add3A_3426, %add3A_3427 : i32
      %get3A_3429 = arith.index_cast %add3A_3428 : i32 to index
      %get3A_3430 = arith.constant 48 : index
      %get3A_3431 = tpu.vector_load %arg6[%get3A_3429, %get3A_3430] {strides = array<i32>} : memref<768x64xf32, #tpu.memory_space<vmem>>, vector<16xf32>,
      tpu.vector_store_idx %arg7[%add3A_287, %rem3A_210, %broadcast_in_dim3A_3403], %get3A_3380 : memref<16x8x129xf32, #tpu.memory_space<vmem>>[vector<16xi32>, vector<16xi32>, vector<16xi32>], vector<16xf32>,
      tpu.vector_store_idx %arg7[%add3A_291, %rem3A_210, %broadcast_in_dim3A_3403], %get3A_3387 : memref<16x8x129xf32, #tpu.memory_space<vmem>>[vector<16xi32>, vector<16xi32>, vector<16xi32>], vector<16xf32>,
      tpu.vector_store_idx %arg7[%add3A_295, %rem3A_210, %broadcast_in_dim3A_3403], %get3A_3394 : memref<16x8x129xf32, #tpu.memory_space<vmem>>[vector<16xi32>, vector<16xi32>, vector<16xi32>], vector<16xf32>,
      tpu.vector_store_idx %arg7[%add3A_299, %rem3A_210, %broadcast_in_dim3A_3403], %get3A_3401 : memref<16x8x129xf32, #tpu.memory_space<vmem>>[vector<16xi32>, vector<16xi32>, vector<16xi32>], vector<16xf32>,
      %broadcast_in_dim3A_3432 = arith.constant 104 : i32
      %broadcast_in_dim3A_3433 = vector.broadcast %broadcast_in_dim3A_3432 : i32 to vector<16xi32>
      %add3A_3434 = arith.constant 104 : i32
      %add3A_3435 = arith.addi %mul3A_301, %add3A_3434 : i32
      %add3A_3436 = arith.constant 1 : i32
      %add3A_3437 = arith.addi %add3A_3435, %add3A_3436 : i32
      %get3A_3438 = arith.index_cast %add3A_3437 : i32 to index
      %get3A_3439 = arith.constant 0 : index
      %get3A_3440 = tpu.vector_load %arg6[%get3A_3438, %get3A_3439] {strides = array<i32>} : memref<768x64xf32, #tpu.memory_space<vmem>>, vector<16xf32>,
      %add3A_3441 = arith.constant 104 : i32
      %add3A_3442 = arith.addi %mul3A_301, %add3A_3441 : i32
      %add3A_3443 = arith.constant 1 : i32
      %add3A_3444 = arith.addi %add3A_3442, %add3A_3443 : i32
      %get3A_3445 = arith.index_cast %add3A_3444 : i32 to index
      %get3A_3446 = arith.constant 16 : index
      %get3A_3447 = tpu.vector_load %arg6[%get3A_3445, %get3A_3446] {strides = array<i32>} : memref<768x64xf32, #tpu.memory_space<vmem>>, vector<16xf32>,
      %add3A_3448 = arith.constant 104 : i32
      %add3A_3449 = arith.addi %mul3A_301, %add3A_3448 : i32
      %add3A_3450 = arith.constant 1 : i32
      %add3A_3451 = arith.addi %add3A_3449, %add3A_3450 : i32
      %get3A_3452 = arith.index_cast %add3A_3451 : i32 to index
      %get3A_3453 = arith.constant 32 : index
      %get3A_3454 = tpu.vector_load %arg6[%get3A_3452, %get3A_3453] {strides = array<i32>} : memref<768x64xf32, #tpu.memory_space<vmem>>, vector<16xf32>,
      %add3A_3455 = arith.constant 104 : i32
      %add3A_3456 = arith.addi %mul3A_301, %add3A_3455 : i32
      %add3A_3457 = arith.constant 1 : i32
      %add3A_3458 = arith.addi %add3A_3456, %add3A_3457 : i32
      %get3A_3459 = arith.index_cast %add3A_3458 : i32 to index
      %get3A_3460 = arith.constant 48 : index
      %get3A_3461 = tpu.vector_load %arg6[%get3A_3459, %get3A_3460] {strides = array<i32>} : memref<768x64xf32, #tpu.memory_space<vmem>>, vector<16xf32>,
      tpu.vector_store_idx %arg7[%add3A_287, %rem3A_210, %broadcast_in_dim3A_3433], %get3A_3410 : memref<16x8x129xf32, #tpu.memory_space<vmem>>[vector<16xi32>, vector<16xi32>, vector<16xi32>], vector<16xf32>,
      tpu.vector_store_idx %arg7[%add3A_291, %rem3A_210, %broadcast_in_dim3A_3433], %get3A_3417 : memref<16x8x129xf32, #tpu.memory_space<vmem>>[vector<16xi32>, vector<16xi32>, vector<16xi32>], vector<16xf32>,
      tpu.vector_store_idx %arg7[%add3A_295, %rem3A_210, %broadcast_in_dim3A_3433], %get3A_3424 : memref<16x8x129xf32, #tpu.memory_space<vmem>>[vector<16xi32>, vector<16xi32>, vector<16xi32>], vector<16xf32>,
      tpu.vector_store_idx %arg7[%add3A_299, %rem3A_210, %broadcast_in_dim3A_3433], %get3A_3431 : memref<16x8x129xf32, #tpu.memory_space<vmem>>[vector<16xi32>, vector<16xi32>, vector<16xi32>], vector<16xf32>,
      %broadcast_in_dim3A_3462 = arith.constant 105 : i32
      %broadcast_in_dim3A_3463 = vector.broadcast %broadcast_in_dim3A_3462 : i32 to vector<16xi32>
      %add3A_3464 = arith.constant 105 : i32
      %add3A_3465 = arith.addi %mul3A_301, %add3A_3464 : i32
      %add3A_3466 = arith.constant 1 : i32
      %add3A_3467 = arith.addi %add3A_3465, %add3A_3466 : i32
      %get3A_3468 = arith.index_cast %add3A_3467 : i32 to index
      %get3A_3469 = arith.constant 0 : index
      %get3A_3470 = tpu.vector_load %arg6[%get3A_3468, %get3A_3469] {strides = array<i32>} : memref<768x64xf32, #tpu.memory_space<vmem>>, vector<16xf32>,
      %add3A_3471 = arith.constant 105 : i32
      %add3A_3472 = arith.addi %mul3A_301, %add3A_3471 : i32
      %add3A_3473 = arith.constant 1 : i32
      %add3A_3474 = arith.addi %add3A_3472, %add3A_3473 : i32
      %get3A_3475 = arith.index_cast %add3A_3474 : i32 to index
      %get3A_3476 = arith.constant 16 : index
      %get3A_3477 = tpu.vector_load %arg6[%get3A_3475, %get3A_3476] {strides = array<i32>} : memref<768x64xf32, #tpu.memory_space<vmem>>, vector<16xf32>,
      %add3A_3478 = arith.constant 105 : i32
      %add3A_3479 = arith.addi %mul3A_301, %add3A_3478 : i32
      %add3A_3480 = arith.constant 1 : i32
      %add3A_3481 = arith.addi %add3A_3479, %add3A_3480 : i32
      %get3A_3482 = arith.index_cast %add3A_3481 : i32 to index
      %get3A_3483 = arith.constant 32 : index
      %get3A_3484 = tpu.vector_load %arg6[%get3A_3482, %get3A_3483] {strides = array<i32>} : memref<768x64xf32, #tpu.memory_space<vmem>>, vector<16xf32>,
      %add3A_3485 = arith.constant 105 : i32
      %add3A_3486 = arith.addi %mul3A_301, %add3A_3485 : i32
      %add3A_3487 = arith.constant 1 : i32
      %add3A_3488 = arith.addi %add3A_3486, %add3A_3487 : i32
      %get3A_3489 = arith.index_cast %add3A_3488 : i32 to index
      %get3A_3490 = arith.constant 48 : index
      %get3A_3491 = tpu.vector_load %arg6[%get3A_3489, %get3A_3490] {strides = array<i32>} : memref<768x64xf32, #tpu.memory_space<vmem>>, vector<16xf32>,
      tpu.vector_store_idx %arg7[%add3A_287, %rem3A_210, %broadcast_in_dim3A_3463], %get3A_3440 : memref<16x8x129xf32, #tpu.memory_space<vmem>>[vector<16xi32>, vector<16xi32>, vector<16xi32>], vector<16xf32>,
      tpu.vector_store_idx %arg7[%add3A_291, %rem3A_210, %broadcast_in_dim3A_3463], %get3A_3447 : memref<16x8x129xf32, #tpu.memory_space<vmem>>[vector<16xi32>, vector<16xi32>, vector<16xi32>], vector<16xf32>,
      tpu.vector_store_idx %arg7[%add3A_295, %rem3A_210, %broadcast_in_dim3A_3463], %get3A_3454 : memref<16x8x129xf32, #tpu.memory_space<vmem>>[vector<16xi32>, vector<16xi32>, vector<16xi32>], vector<16xf32>,
      tpu.vector_store_idx %arg7[%add3A_299, %rem3A_210, %broadcast_in_dim3A_3463], %get3A_3461 : memref<16x8x129xf32, #tpu.memory_space<vmem>>[vector<16xi32>, vector<16xi32>, vector<16xi32>], vector<16xf32>,
      %broadcast_in_dim3A_3492 = arith.constant 106 : i32
      %broadcast_in_dim3A_3493 = vector.broadcast %broadcast_in_dim3A_3492 : i32 to vector<16xi32>
      %add3A_3494 = arith.constant 106 : i32
      %add3A_3495 = arith.addi %mul3A_301, %add3A_3494 : i32
      %add3A_3496 = arith.constant 1 : i32
      %add3A_3497 = arith.addi %add3A_3495, %add3A_3496 : i32
      %get3A_3498 = arith.index_cast %add3A_3497 : i32 to index
      %get3A_3499 = arith.constant 0 : index
      %get3A_3500 = tpu.vector_load %arg6[%get3A_3498, %get3A_3499] {strides = array<i32>} : memref<768x64xf32, #tpu.memory_space<vmem>>, vector<16xf32>,
      %add3A_3501 = arith.constant 106 : i32
      %add3A_3502 = arith.addi %mul3A_301, %add3A_3501 : i32
      %add3A_3503 = arith.constant 1 : i32
      %add3A_3504 = arith.addi %add3A_3502, %add3A_3503 : i32
      %get3A_3505 = arith.index_cast %add3A_3504 : i32 to index
      %get3A_3506 = arith.constant 16 : index
      %get3A_3507 = tpu.vector_load %arg6[%get3A_3505, %get3A_3506] {strides = array<i32>} : memref<768x64xf32, #tpu.memory_space<vmem>>, vector<16xf32>,
      %add3A_3508 = arith.constant 106 : i32
      %add3A_3509 = arith.addi %mul3A_301, %add3A_3508 : i32
      %add3A_3510 = arith.constant 1 : i32
      %add3A_3511 = arith.addi %add3A_3509, %add3A_3510 : i32
      %get3A_3512 = arith.index_cast %add3A_3511 : i32 to index
      %get3A_3513 = arith.constant 32 : index
      %get3A_3514 = tpu.vector_load %arg6[%get3A_3512, %get3A_3513] {strides = array<i32>} : memref<768x64xf32, #tpu.memory_space<vmem>>, vector<16xf32>,
      %add3A_3515 = arith.constant 106 : i32
      %add3A_3516 = arith.addi %mul3A_301, %add3A_3515 : i32
      %add3A_3517 = arith.constant 1 : i32
      %add3A_3518 = arith.addi %add3A_3516, %add3A_3517 : i32
      %get3A_3519 = arith.index_cast %add3A_3518 : i32 to index
      %get3A_3520 = arith.constant 48 : index
      %get3A_3521 = tpu.vector_load %arg6[%get3A_3519, %get3A_3520] {strides = array<i32>} : memref<768x64xf32, #tpu.memory_space<vmem>>, vector<16xf32>,
      tpu.vector_store_idx %arg7[%add3A_287, %rem3A_210, %broadcast_in_dim3A_3493], %get3A_3470 : memref<16x8x129xf32, #tpu.memory_space<vmem>>[vector<16xi32>, vector<16xi32>, vector<16xi32>], vector<16xf32>,
      tpu.vector_store_idx %arg7[%add3A_291, %rem3A_210, %broadcast_in_dim3A_3493], %get3A_3477 : memref<16x8x129xf32, #tpu.memory_space<vmem>>[vector<16xi32>, vector<16xi32>, vector<16xi32>], vector<16xf32>,
      tpu.vector_store_idx %arg7[%add3A_295, %rem3A_210, %broadcast_in_dim3A_3493], %get3A_3484 : memref<16x8x129xf32, #tpu.memory_space<vmem>>[vector<16xi32>, vector<16xi32>, vector<16xi32>], vector<16xf32>,
      tpu.vector_store_idx %arg7[%add3A_299, %rem3A_210, %broadcast_in_dim3A_3493], %get3A_3491 : memref<16x8x129xf32, #tpu.memory_space<vmem>>[vector<16xi32>, vector<16xi32>, vector<16xi32>], vector<16xf32>,
      %broadcast_in_dim3A_3522 = arith.constant 107 : i32
      %broadcast_in_dim3A_3523 = vector.broadcast %broadcast_in_dim3A_3522 : i32 to vector<16xi32>
      %add3A_3524 = arith.constant 107 : i32
      %add3A_3525 = arith.addi %mul3A_301, %add3A_3524 : i32
      %add3A_3526 = arith.constant 1 : i32
      %add3A_3527 = arith.addi %add3A_3525, %add3A_3526 : i32
      %get3A_3528 = arith.index_cast %add3A_3527 : i32 to index
      %get3A_3529 = arith.constant 0 : index
      %get3A_3530 = tpu.vector_load %arg6[%get3A_3528, %get3A_3529] {strides = array<i32>} : memref<768x64xf32, #tpu.memory_space<vmem>>, vector<16xf32>,
      %add3A_3531 = arith.constant 107 : i32
      %add3A_3532 = arith.addi %mul3A_301, %add3A_3531 : i32
      %add3A_3533 = arith.constant 1 : i32
      %add3A_3534 = arith.addi %add3A_3532, %add3A_3533 : i32
      %get3A_3535 = arith.index_cast %add3A_3534 : i32 to index
      %get3A_3536 = arith.constant 16 : index
      %get3A_3537 = tpu.vector_load %arg6[%get3A_3535, %get3A_3536] {strides = array<i32>} : memref<768x64xf32, #tpu.memory_space<vmem>>, vector<16xf32>,
      %add3A_3538 = arith.constant 107 : i32
      %add3A_3539 = arith.addi %mul3A_301, %add3A_3538 : i32
      %add3A_3540 = arith.constant 1 : i32
      %add3A_3541 = arith.addi %add3A_3539, %add3A_3540 : i32
      %get3A_3542 = arith.index_cast %add3A_3541 : i32 to index
      %get3A_3543 = arith.constant 32 : index
      %get3A_3544 = tpu.vector_load %arg6[%get3A_3542, %get3A_3543] {strides = array<i32>} : memref<768x64xf32, #tpu.memory_space<vmem>>, vector<16xf32>,
      %add3A_3545 = arith.constant 107 : i32
      %add3A_3546 = arith.addi %mul3A_301, %add3A_3545 : i32
      %add3A_3547 = arith.constant 1 : i32
      %add3A_3548 = arith.addi %add3A_3546, %add3A_3547 : i32
      %get3A_3549 = arith.index_cast %add3A_3548 : i32 to index
      %get3A_3550 = arith.constant 48 : index
      %get3A_3551 = tpu.vector_load %arg6[%get3A_3549, %get3A_3550] {strides = array<i32>} : memref<768x64xf32, #tpu.memory_space<vmem>>, vector<16xf32>,
      tpu.vector_store_idx %arg7[%add3A_287, %rem3A_210, %broadcast_in_dim3A_3523], %get3A_3500 : memref<16x8x129xf32, #tpu.memory_space<vmem>>[vector<16xi32>, vector<16xi32>, vector<16xi32>], vector<16xf32>,
      tpu.vector_store_idx %arg7[%add3A_291, %rem3A_210, %broadcast_in_dim3A_3523], %get3A_3507 : memref<16x8x129xf32, #tpu.memory_space<vmem>>[vector<16xi32>, vector<16xi32>, vector<16xi32>], vector<16xf32>,
      tpu.vector_store_idx %arg7[%add3A_295, %rem3A_210, %broadcast_in_dim3A_3523], %get3A_3514 : memref<16x8x129xf32, #tpu.memory_space<vmem>>[vector<16xi32>, vector<16xi32>, vector<16xi32>], vector<16xf32>,
      tpu.vector_store_idx %arg7[%add3A_299, %rem3A_210, %broadcast_in_dim3A_3523], %get3A_3521 : memref<16x8x129xf32, #tpu.memory_space<vmem>>[vector<16xi32>, vector<16xi32>, vector<16xi32>], vector<16xf32>,
      %broadcast_in_dim3A_3552 = arith.constant 108 : i32
      %broadcast_in_dim3A_3553 = vector.broadcast %broadcast_in_dim3A_3552 : i32 to vector<16xi32>
      %add3A_3554 = arith.constant 108 : i32
      %add3A_3555 = arith.addi %mul3A_301, %add3A_3554 : i32
      %add3A_3556 = arith.constant 1 : i32
      %add3A_3557 = arith.addi %add3A_3555, %add3A_3556 : i32
      %get3A_3558 = arith.index_cast %add3A_3557 : i32 to index
      %get3A_3559 = arith.constant 0 : index
      %get3A_3560 = tpu.vector_load %arg6[%get3A_3558, %get3A_3559] {strides = array<i32>} : memref<768x64xf32, #tpu.memory_space<vmem>>, vector<16xf32>,
      %add3A_3561 = arith.constant 108 : i32
      %add3A_3562 = arith.addi %mul3A_301, %add3A_3561 : i32
      %add3A_3563 = arith.constant 1 : i32
      %add3A_3564 = arith.addi %add3A_3562, %add3A_3563 : i32
      %get3A_3565 = arith.index_cast %add3A_3564 : i32 to index
      %get3A_3566 = arith.constant 16 : index
      %get3A_3567 = tpu.vector_load %arg6[%get3A_3565, %get3A_3566] {strides = array<i32>} : memref<768x64xf32, #tpu.memory_space<vmem>>, vector<16xf32>,
      %add3A_3568 = arith.constant 108 : i32
      %add3A_3569 = arith.addi %mul3A_301, %add3A_3568 : i32
      %add3A_3570 = arith.constant 1 : i32
      %add3A_3571 = arith.addi %add3A_3569, %add3A_3570 : i32
      %get3A_3572 = arith.index_cast %add3A_3571 : i32 to index
      %get3A_3573 = arith.constant 32 : index
      %get3A_3574 = tpu.vector_load %arg6[%get3A_3572, %get3A_3573] {strides = array<i32>} : memref<768x64xf32, #tpu.memory_space<vmem>>, vector<16xf32>,
      %add3A_3575 = arith.constant 108 : i32
      %add3A_3576 = arith.addi %mul3A_301, %add3A_3575 : i32
      %add3A_3577 = arith.constant 1 : i32
      %add3A_3578 = arith.addi %add3A_3576, %add3A_3577 : i32
      %get3A_3579 = arith.index_cast %add3A_3578 : i32 to index
      %get3A_3580 = arith.constant 48 : index
      %get3A_3581 = tpu.vector_load %arg6[%get3A_3579, %get3A_3580] {strides = array<i32>} : memref<768x64xf32, #tpu.memory_space<vmem>>, vector<16xf32>,
      tpu.vector_store_idx %arg7[%add3A_287, %rem3A_210, %broadcast_in_dim3A_3553], %get3A_3530 : memref<16x8x129xf32, #tpu.memory_space<vmem>>[vector<16xi32>, vector<16xi32>, vector<16xi32>], vector<16xf32>,
      tpu.vector_store_idx %arg7[%add3A_291, %rem3A_210, %broadcast_in_dim3A_3553], %get3A_3537 : memref<16x8x129xf32, #tpu.memory_space<vmem>>[vector<16xi32>, vector<16xi32>, vector<16xi32>], vector<16xf32>,
      tpu.vector_store_idx %arg7[%add3A_295, %rem3A_210, %broadcast_in_dim3A_3553], %get3A_3544 : memref<16x8x129xf32, #tpu.memory_space<vmem>>[vector<16xi32>, vector<16xi32>, vector<16xi32>], vector<16xf32>,
      tpu.vector_store_idx %arg7[%add3A_299, %rem3A_210, %broadcast_in_dim3A_3553], %get3A_3551 : memref<16x8x129xf32, #tpu.memory_space<vmem>>[vector<16xi32>, vector<16xi32>, vector<16xi32>], vector<16xf32>,
      %broadcast_in_dim3A_3582 = arith.constant 109 : i32
      %broadcast_in_dim3A_3583 = vector.broadcast %broadcast_in_dim3A_3582 : i32 to vector<16xi32>
      %add3A_3584 = arith.constant 109 : i32
      %add3A_3585 = arith.addi %mul3A_301, %add3A_3584 : i32
      %add3A_3586 = arith.constant 1 : i32
      %add3A_3587 = arith.addi %add3A_3585, %add3A_3586 : i32
      %get3A_3588 = arith.index_cast %add3A_3587 : i32 to index
      %get3A_3589 = arith.constant 0 : index
      %get3A_3590 = tpu.vector_load %arg6[%get3A_3588, %get3A_3589] {strides = array<i32>} : memref<768x64xf32, #tpu.memory_space<vmem>>, vector<16xf32>,
      %add3A_3591 = arith.constant 109 : i32
      %add3A_3592 = arith.addi %mul3A_301, %add3A_3591 : i32
      %add3A_3593 = arith.constant 1 : i32
      %add3A_3594 = arith.addi %add3A_3592, %add3A_3593 : i32
      %get3A_3595 = arith.index_cast %add3A_3594 : i32 to index
      %get3A_3596 = arith.constant 16 : index
      %get3A_3597 = tpu.vector_load %arg6[%get3A_3595, %get3A_3596] {strides = array<i32>} : memref<768x64xf32, #tpu.memory_space<vmem>>, vector<16xf32>,
      %add3A_3598 = arith.constant 109 : i32
      %add3A_3599 = arith.addi %mul3A_301, %add3A_3598 : i32
      %add3A_3600 = arith.constant 1 : i32
      %add3A_3601 = arith.addi %add3A_3599, %add3A_3600 : i32
      %get3A_3602 = arith.index_cast %add3A_3601 : i32 to index
      %get3A_3603 = arith.constant 32 : index
      %get3A_3604 = tpu.vector_load %arg6[%get3A_3602, %get3A_3603] {strides = array<i32>} : memref<768x64xf32, #tpu.memory_space<vmem>>, vector<16xf32>,
      %add3A_3605 = arith.constant 109 : i32
      %add3A_3606 = arith.addi %mul3A_301, %add3A_3605 : i32
      %add3A_3607 = arith.constant 1 : i32
      %add3A_3608 = arith.addi %add3A_3606, %add3A_3607 : i32
      %get3A_3609 = arith.index_cast %add3A_3608 : i32 to index
      %get3A_3610 = arith.constant 48 : index
      %get3A_3611 = tpu.vector_load %arg6[%get3A_3609, %get3A_3610] {strides = array<i32>} : memref<768x64xf32, #tpu.memory_space<vmem>>, vector<16xf32>,
      tpu.vector_store_idx %arg7[%add3A_287, %rem3A_210, %broadcast_in_dim3A_3583], %get3A_3560 : memref<16x8x129xf32, #tpu.memory_space<vmem>>[vector<16xi32>, vector<16xi32>, vector<16xi32>], vector<16xf32>,
      tpu.vector_store_idx %arg7[%add3A_291, %rem3A_210, %broadcast_in_dim3A_3583], %get3A_3567 : memref<16x8x129xf32, #tpu.memory_space<vmem>>[vector<16xi32>, vector<16xi32>, vector<16xi32>], vector<16xf32>,
      tpu.vector_store_idx %arg7[%add3A_295, %rem3A_210, %broadcast_in_dim3A_3583], %get3A_3574 : memref<16x8x129xf32, #tpu.memory_space<vmem>>[vector<16xi32>, vector<16xi32>, vector<16xi32>], vector<16xf32>,
      tpu.vector_store_idx %arg7[%add3A_299, %rem3A_210, %broadcast_in_dim3A_3583], %get3A_3581 : memref<16x8x129xf32, #tpu.memory_space<vmem>>[vector<16xi32>, vector<16xi32>, vector<16xi32>], vector<16xf32>,
      %broadcast_in_dim3A_3612 = arith.constant 110 : i32
      %broadcast_in_dim3A_3613 = vector.broadcast %broadcast_in_dim3A_3612 : i32 to vector<16xi32>
      %add3A_3614 = arith.constant 110 : i32
      %add3A_3615 = arith.addi %mul3A_301, %add3A_3614 : i32
      %add3A_3616 = arith.constant 1 : i32
      %add3A_3617 = arith.addi %add3A_3615, %add3A_3616 : i32
      %get3A_3618 = arith.index_cast %add3A_3617 : i32 to index
      %get3A_3619 = arith.constant 0 : index
      %get3A_3620 = tpu.vector_load %arg6[%get3A_3618, %get3A_3619] {strides = array<i32>} : memref<768x64xf32, #tpu.memory_space<vmem>>, vector<16xf32>,
      %add3A_3621 = arith.constant 110 : i32
      %add3A_3622 = arith.addi %mul3A_301, %add3A_3621 : i32
      %add3A_3623 = arith.constant 1 : i32
      %add3A_3624 = arith.addi %add3A_3622, %add3A_3623 : i32
      %get3A_3625 = arith.index_cast %add3A_3624 : i32 to index
      %get3A_3626 = arith.constant 16 : index
      %get3A_3627 = tpu.vector_load %arg6[%get3A_3625, %get3A_3626] {strides = array<i32>} : memref<768x64xf32, #tpu.memory_space<vmem>>, vector<16xf32>,
      %add3A_3628 = arith.constant 110 : i32
      %add3A_3629 = arith.addi %mul3A_301, %add3A_3628 : i32
      %add3A_3630 = arith.constant 1 : i32
      %add3A_3631 = arith.addi %add3A_3629, %add3A_3630 : i32
      %get3A_3632 = arith.index_cast %add3A_3631 : i32 to index
      %get3A_3633 = arith.constant 32 : index
      %get3A_3634 = tpu.vector_load %arg6[%get3A_3632, %get3A_3633] {strides = array<i32>} : memref<768x64xf32, #tpu.memory_space<vmem>>, vector<16xf32>,
      %add3A_3635 = arith.constant 110 : i32
      %add3A_3636 = arith.addi %mul3A_301, %add3A_3635 : i32
      %add3A_3637 = arith.constant 1 : i32
      %add3A_3638 = arith.addi %add3A_3636, %add3A_3637 : i32
      %get3A_3639 = arith.index_cast %add3A_3638 : i32 to index
      %get3A_3640 = arith.constant 48 : index
      %get3A_3641 = tpu.vector_load %arg6[%get3A_3639, %get3A_3640] {strides = array<i32>} : memref<768x64xf32, #tpu.memory_space<vmem>>, vector<16xf32>,
      tpu.vector_store_idx %arg7[%add3A_287, %rem3A_210, %broadcast_in_dim3A_3613], %get3A_3590 : memref<16x8x129xf32, #tpu.memory_space<vmem>>[vector<16xi32>, vector<16xi32>, vector<16xi32>], vector<16xf32>,
      tpu.vector_store_idx %arg7[%add3A_291, %rem3A_210, %broadcast_in_dim3A_3613], %get3A_3597 : memref<16x8x129xf32, #tpu.memory_space<vmem>>[vector<16xi32>, vector<16xi32>, vector<16xi32>], vector<16xf32>,
      tpu.vector_store_idx %arg7[%add3A_295, %rem3A_210, %broadcast_in_dim3A_3613], %get3A_3604 : memref<16x8x129xf32, #tpu.memory_space<vmem>>[vector<16xi32>, vector<16xi32>, vector<16xi32>], vector<16xf32>,
      tpu.vector_store_idx %arg7[%add3A_299, %rem3A_210, %broadcast_in_dim3A_3613], %get3A_3611 : memref<16x8x129xf32, #tpu.memory_space<vmem>>[vector<16xi32>, vector<16xi32>, vector<16xi32>], vector<16xf32>,
      %broadcast_in_dim3A_3642 = arith.constant 111 : i32
      %broadcast_in_dim3A_3643 = vector.broadcast %broadcast_in_dim3A_3642 : i32 to vector<16xi32>
      %add3A_3644 = arith.constant 111 : i32
      %add3A_3645 = arith.addi %mul3A_301, %add3A_3644 : i32
      %add3A_3646 = arith.constant 1 : i32
      %add3A_3647 = arith.addi %add3A_3645, %add3A_3646 : i32
      %get3A_3648 = arith.index_cast %add3A_3647 : i32 to index
      %get3A_3649 = arith.constant 0 : index
      %get3A_3650 = tpu.vector_load %arg6[%get3A_3648, %get3A_3649] {strides = array<i32>} : memref<768x64xf32, #tpu.memory_space<vmem>>, vector<16xf32>,
      %add3A_3651 = arith.constant 111 : i32
      %add3A_3652 = arith.addi %mul3A_301, %add3A_3651 : i32
      %add3A_3653 = arith.constant 1 : i32
      %add3A_3654 = arith.addi %add3A_3652, %add3A_3653 : i32
      %get3A_3655 = arith.index_cast %add3A_3654 : i32 to index
      %get3A_3656 = arith.constant 16 : index
      %get3A_3657 = tpu.vector_load %arg6[%get3A_3655, %get3A_3656] {strides = array<i32>} : memref<768x64xf32, #tpu.memory_space<vmem>>, vector<16xf32>,
      %add3A_3658 = arith.constant 111 : i32
      %add3A_3659 = arith.addi %mul3A_301, %add3A_3658 : i32
      %add3A_3660 = arith.constant 1 : i32
      %add3A_3661 = arith.addi %add3A_3659, %add3A_3660 : i32
      %get3A_3662 = arith.index_cast %add3A_3661 : i32 to index
      %get3A_3663 = arith.constant 32 : index
      %get3A_3664 = tpu.vector_load %arg6[%get3A_3662, %get3A_3663] {strides = array<i32>} : memref<768x64xf32, #tpu.memory_space<vmem>>, vector<16xf32>,
      %add3A_3665 = arith.constant 111 : i32
      %add3A_3666 = arith.addi %mul3A_301, %add3A_3665 : i32
      %add3A_3667 = arith.constant 1 : i32
      %add3A_3668 = arith.addi %add3A_3666, %add3A_3667 : i32
      %get3A_3669 = arith.index_cast %add3A_3668 : i32 to index
      %get3A_3670 = arith.constant 48 : index
      %get3A_3671 = tpu.vector_load %arg6[%get3A_3669, %get3A_3670] {strides = array<i32>} : memref<768x64xf32, #tpu.memory_space<vmem>>, vector<16xf32>,
      tpu.vector_store_idx %arg7[%add3A_287, %rem3A_210, %broadcast_in_dim3A_3643], %get3A_3620 : memref<16x8x129xf32, #tpu.memory_space<vmem>>[vector<16xi32>, vector<16xi32>, vector<16xi32>], vector<16xf32>,
      tpu.vector_store_idx %arg7[%add3A_291, %rem3A_210, %broadcast_in_dim3A_3643], %get3A_3627 : memref<16x8x129xf32, #tpu.memory_space<vmem>>[vector<16xi32>, vector<16xi32>, vector<16xi32>], vector<16xf32>,
      tpu.vector_store_idx %arg7[%add3A_295, %rem3A_210, %broadcast_in_dim3A_3643], %get3A_3634 : memref<16x8x129xf32, #tpu.memory_space<vmem>>[vector<16xi32>, vector<16xi32>, vector<16xi32>], vector<16xf32>,
      tpu.vector_store_idx %arg7[%add3A_299, %rem3A_210, %broadcast_in_dim3A_3643], %get3A_3641 : memref<16x8x129xf32, #tpu.memory_space<vmem>>[vector<16xi32>, vector<16xi32>, vector<16xi32>], vector<16xf32>,
      %broadcast_in_dim3A_3672 = arith.constant 112 : i32
      %broadcast_in_dim3A_3673 = vector.broadcast %broadcast_in_dim3A_3672 : i32 to vector<16xi32>
      %add3A_3674 = arith.constant 112 : i32
      %add3A_3675 = arith.addi %mul3A_301, %add3A_3674 : i32
      %add3A_3676 = arith.constant 1 : i32
      %add3A_3677 = arith.addi %add3A_3675, %add3A_3676 : i32
      %get3A_3678 = arith.index_cast %add3A_3677 : i32 to index
      %get3A_3679 = arith.constant 0 : index
      %get3A_3680 = tpu.vector_load %arg6[%get3A_3678, %get3A_3679] {strides = array<i32>} : memref<768x64xf32, #tpu.memory_space<vmem>>, vector<16xf32>,
      %add3A_3681 = arith.constant 112 : i32
      %add3A_3682 = arith.addi %mul3A_301, %add3A_3681 : i32
      %add3A_3683 = arith.constant 1 : i32
      %add3A_3684 = arith.addi %add3A_3682, %add3A_3683 : i32
      %get3A_3685 = arith.index_cast %add3A_3684 : i32 to index
      %get3A_3686 = arith.constant 16 : index
      %get3A_3687 = tpu.vector_load %arg6[%get3A_3685, %get3A_3686] {strides = array<i32>} : memref<768x64xf32, #tpu.memory_space<vmem>>, vector<16xf32>,
      %add3A_3688 = arith.constant 112 : i32
      %add3A_3689 = arith.addi %mul3A_301, %add3A_3688 : i32
      %add3A_3690 = arith.constant 1 : i32
      %add3A_3691 = arith.addi %add3A_3689, %add3A_3690 : i32
      %get3A_3692 = arith.index_cast %add3A_3691 : i32 to index
      %get3A_3693 = arith.constant 32 : index
      %get3A_3694 = tpu.vector_load %arg6[%get3A_3692, %get3A_3693] {strides = array<i32>} : memref<768x64xf32, #tpu.memory_space<vmem>>, vector<16xf32>,
      %add3A_3695 = arith.constant 112 : i32
      %add3A_3696 = arith.addi %mul3A_301, %add3A_3695 : i32
      %add3A_3697 = arith.constant 1 : i32
      %add3A_3698 = arith.addi %add3A_3696, %add3A_3697 : i32
      %get3A_3699 = arith.index_cast %add3A_3698 : i32 to index
      %get3A_3700 = arith.constant 48 : index
      %get3A_3701 = tpu.vector_load %arg6[%get3A_3699, %get3A_3700] {strides = array<i32>} : memref<768x64xf32, #tpu.memory_space<vmem>>, vector<16xf32>,
      tpu.vector_store_idx %arg7[%add3A_287, %rem3A_210, %broadcast_in_dim3A_3673], %get3A_3650 : memref<16x8x129xf32, #tpu.memory_space<vmem>>[vector<16xi32>, vector<16xi32>, vector<16xi32>], vector<16xf32>,
      tpu.vector_store_idx %arg7[%add3A_291, %rem3A_210, %broadcast_in_dim3A_3673], %get3A_3657 : memref<16x8x129xf32, #tpu.memory_space<vmem>>[vector<16xi32>, vector<16xi32>, vector<16xi32>], vector<16xf32>,
      tpu.vector_store_idx %arg7[%add3A_295, %rem3A_210, %broadcast_in_dim3A_3673], %get3A_3664 : memref<16x8x129xf32, #tpu.memory_space<vmem>>[vector<16xi32>, vector<16xi32>, vector<16xi32>], vector<16xf32>,
      tpu.vector_store_idx %arg7[%add3A_299, %rem3A_210, %broadcast_in_dim3A_3673], %get3A_3671 : memref<16x8x129xf32, #tpu.memory_space<vmem>>[vector<16xi32>, vector<16xi32>, vector<16xi32>], vector<16xf32>,
      %broadcast_in_dim3A_3702 = arith.constant 113 : i32
      %broadcast_in_dim3A_3703 = vector.broadcast %broadcast_in_dim3A_3702 : i32 to vector<16xi32>
      %add3A_3704 = arith.constant 113 : i32
      %add3A_3705 = arith.addi %mul3A_301, %add3A_3704 : i32
      %add3A_3706 = arith.constant 1 : i32
      %add3A_3707 = arith.addi %add3A_3705, %add3A_3706 : i32
      %get3A_3708 = arith.index_cast %add3A_3707 : i32 to index
      %get3A_3709 = arith.constant 0 : index
      %get3A_3710 = tpu.vector_load %arg6[%get3A_3708, %get3A_3709] {strides = array<i32>} : memref<768x64xf32, #tpu.memory_space<vmem>>, vector<16xf32>,
      %add3A_3711 = arith.constant 113 : i32
      %add3A_3712 = arith.addi %mul3A_301, %add3A_3711 : i32
      %add3A_3713 = arith.constant 1 : i32
      %add3A_3714 = arith.addi %add3A_3712, %add3A_3713 : i32
      %get3A_3715 = arith.index_cast %add3A_3714 : i32 to index
      %get3A_3716 = arith.constant 16 : index
      %get3A_3717 = tpu.vector_load %arg6[%get3A_3715, %get3A_3716] {strides = array<i32>} : memref<768x64xf32, #tpu.memory_space<vmem>>, vector<16xf32>,
      %add3A_3718 = arith.constant 113 : i32
      %add3A_3719 = arith.addi %mul3A_301, %add3A_3718 : i32
      %add3A_3720 = arith.constant 1 : i32
      %add3A_3721 = arith.addi %add3A_3719, %add3A_3720 : i32
      %get3A_3722 = arith.index_cast %add3A_3721 : i32 to index
      %get3A_3723 = arith.constant 32 : index
      %get3A_3724 = tpu.vector_load %arg6[%get3A_3722, %get3A_3723] {strides = array<i32>} : memref<768x64xf32, #tpu.memory_space<vmem>>, vector<16xf32>,
      %add3A_3725 = arith.constant 113 : i32
      %add3A_3726 = arith.addi %mul3A_301, %add3A_3725 : i32
      %add3A_3727 = arith.constant 1 : i32
      %add3A_3728 = arith.addi %add3A_3726, %add3A_3727 : i32
      %get3A_3729 = arith.index_cast %add3A_3728 : i32 to index
      %get3A_3730 = arith.constant 48 : index
      %get3A_3731 = tpu.vector_load %arg6[%get3A_3729, %get3A_3730] {strides = array<i32>} : memref<768x64xf32, #tpu.memory_space<vmem>>, vector<16xf32>,
      tpu.vector_store_idx %arg7[%add3A_287, %rem3A_210, %broadcast_in_dim3A_3703], %get3A_3680 : memref<16x8x129xf32, #tpu.memory_space<vmem>>[vector<16xi32>, vector<16xi32>, vector<16xi32>], vector<16xf32>,
      tpu.vector_store_idx %arg7[%add3A_291, %rem3A_210, %broadcast_in_dim3A_3703], %get3A_3687 : memref<16x8x129xf32, #tpu.memory_space<vmem>>[vector<16xi32>, vector<16xi32>, vector<16xi32>], vector<16xf32>,
      tpu.vector_store_idx %arg7[%add3A_295, %rem3A_210, %broadcast_in_dim3A_3703], %get3A_3694 : memref<16x8x129xf32, #tpu.memory_space<vmem>>[vector<16xi32>, vector<16xi32>, vector<16xi32>], vector<16xf32>,
      tpu.vector_store_idx %arg7[%add3A_299, %rem3A_210, %broadcast_in_dim3A_3703], %get3A_3701 : memref<16x8x129xf32, #tpu.memory_space<vmem>>[vector<16xi32>, vector<16xi32>, vector<16xi32>], vector<16xf32>,
      %broadcast_in_dim3A_3732 = arith.constant 114 : i32
      %broadcast_in_dim3A_3733 = vector.broadcast %broadcast_in_dim3A_3732 : i32 to vector<16xi32>
      %add3A_3734 = arith.constant 114 : i32
      %add3A_3735 = arith.addi %mul3A_301, %add3A_3734 : i32
      %add3A_3736 = arith.constant 1 : i32
      %add3A_3737 = arith.addi %add3A_3735, %add3A_3736 : i32
      %get3A_3738 = arith.index_cast %add3A_3737 : i32 to index
      %get3A_3739 = arith.constant 0 : index
      %get3A_3740 = tpu.vector_load %arg6[%get3A_3738, %get3A_3739] {strides = array<i32>} : memref<768x64xf32, #tpu.memory_space<vmem>>, vector<16xf32>,
      %add3A_3741 = arith.constant 114 : i32
      %add3A_3742 = arith.addi %mul3A_301, %add3A_3741 : i32
      %add3A_3743 = arith.constant 1 : i32
      %add3A_3744 = arith.addi %add3A_3742, %add3A_3743 : i32
      %get3A_3745 = arith.index_cast %add3A_3744 : i32 to index
      %get3A_3746 = arith.constant 16 : index
      %get3A_3747 = tpu.vector_load %arg6[%get3A_3745, %get3A_3746] {strides = array<i32>} : memref<768x64xf32, #tpu.memory_space<vmem>>, vector<16xf32>,
      %add3A_3748 = arith.constant 114 : i32
      %add3A_3749 = arith.addi %mul3A_301, %add3A_3748 : i32
      %add3A_3750 = arith.constant 1 : i32
      %add3A_3751 = arith.addi %add3A_3749, %add3A_3750 : i32
      %get3A_3752 = arith.index_cast %add3A_3751 : i32 to index
      %get3A_3753 = arith.constant 32 : index
      %get3A_3754 = tpu.vector_load %arg6[%get3A_3752, %get3A_3753] {strides = array<i32>} : memref<768x64xf32, #tpu.memory_space<vmem>>, vector<16xf32>,
      %add3A_3755 = arith.constant 114 : i32
      %add3A_3756 = arith.addi %mul3A_301, %add3A_3755 : i32
      %add3A_3757 = arith.constant 1 : i32
      %add3A_3758 = arith.addi %add3A_3756, %add3A_3757 : i32
      %get3A_3759 = arith.index_cast %add3A_3758 : i32 to index
      %get3A_3760 = arith.constant 48 : index
      %get3A_3761 = tpu.vector_load %arg6[%get3A_3759, %get3A_3760] {strides = array<i32>} : memref<768x64xf32, #tpu.memory_space<vmem>>, vector<16xf32>,
      tpu.vector_store_idx %arg7[%add3A_287, %rem3A_210, %broadcast_in_dim3A_3733], %get3A_3710 : memref<16x8x129xf32, #tpu.memory_space<vmem>>[vector<16xi32>, vector<16xi32>, vector<16xi32>], vector<16xf32>,
      tpu.vector_store_idx %arg7[%add3A_291, %rem3A_210, %broadcast_in_dim3A_3733], %get3A_3717 : memref<16x8x129xf32, #tpu.memory_space<vmem>>[vector<16xi32>, vector<16xi32>, vector<16xi32>], vector<16xf32>,
      tpu.vector_store_idx %arg7[%add3A_295, %rem3A_210, %broadcast_in_dim3A_3733], %get3A_3724 : memref<16x8x129xf32, #tpu.memory_space<vmem>>[vector<16xi32>, vector<16xi32>, vector<16xi32>], vector<16xf32>,
      tpu.vector_store_idx %arg7[%add3A_299, %rem3A_210, %broadcast_in_dim3A_3733], %get3A_3731 : memref<16x8x129xf32, #tpu.memory_space<vmem>>[vector<16xi32>, vector<16xi32>, vector<16xi32>], vector<16xf32>,
      %broadcast_in_dim3A_3762 = arith.constant 115 : i32
      %broadcast_in_dim3A_3763 = vector.broadcast %broadcast_in_dim3A_3762 : i32 to vector<16xi32>
      %add3A_3764 = arith.constant 115 : i32
      %add3A_3765 = arith.addi %mul3A_301, %add3A_3764 : i32
      %add3A_3766 = arith.constant 1 : i32
      %add3A_3767 = arith.addi %add3A_3765, %add3A_3766 : i32
      %get3A_3768 = arith.index_cast %add3A_3767 : i32 to index
      %get3A_3769 = arith.constant 0 : index
      %get3A_3770 = tpu.vector_load %arg6[%get3A_3768, %get3A_3769] {strides = array<i32>} : memref<768x64xf32, #tpu.memory_space<vmem>>, vector<16xf32>,
      %add3A_3771 = arith.constant 115 : i32
      %add3A_3772 = arith.addi %mul3A_301, %add3A_3771 : i32
      %add3A_3773 = arith.constant 1 : i32
      %add3A_3774 = arith.addi %add3A_3772, %add3A_3773 : i32
      %get3A_3775 = arith.index_cast %add3A_3774 : i32 to index
      %get3A_3776 = arith.constant 16 : index
      %get3A_3777 = tpu.vector_load %arg6[%get3A_3775, %get3A_3776] {strides = array<i32>} : memref<768x64xf32, #tpu.memory_space<vmem>>, vector<16xf32>,
      %add3A_3778 = arith.constant 115 : i32
      %add3A_3779 = arith.addi %mul3A_301, %add3A_3778 : i32
      %add3A_3780 = arith.constant 1 : i32
      %add3A_3781 = arith.addi %add3A_3779, %add3A_3780 : i32
      %get3A_3782 = arith.index_cast %add3A_3781 : i32 to index
      %get3A_3783 = arith.constant 32 : index
      %get3A_3784 = tpu.vector_load %arg6[%get3A_3782, %get3A_3783] {strides = array<i32>} : memref<768x64xf32, #tpu.memory_space<vmem>>, vector<16xf32>,
      %add3A_3785 = arith.constant 115 : i32
      %add3A_3786 = arith.addi %mul3A_301, %add3A_3785 : i32
      %add3A_3787 = arith.constant 1 : i32
      %add3A_3788 = arith.addi %add3A_3786, %add3A_3787 : i32
      %get3A_3789 = arith.index_cast %add3A_3788 : i32 to index
      %get3A_3790 = arith.constant 48 : index
      %get3A_3791 = tpu.vector_load %arg6[%get3A_3789, %get3A_3790] {strides = array<i32>} : memref<768x64xf32, #tpu.memory_space<vmem>>, vector<16xf32>,
      tpu.vector_store_idx %arg7[%add3A_287, %rem3A_210, %broadcast_in_dim3A_3763], %get3A_3740 : memref<16x8x129xf32, #tpu.memory_space<vmem>>[vector<16xi32>, vector<16xi32>, vector<16xi32>], vector<16xf32>,
      tpu.vector_store_idx %arg7[%add3A_291, %rem3A_210, %broadcast_in_dim3A_3763], %get3A_3747 : memref<16x8x129xf32, #tpu.memory_space<vmem>>[vector<16xi32>, vector<16xi32>, vector<16xi32>], vector<16xf32>,
      tpu.vector_store_idx %arg7[%add3A_295, %rem3A_210, %broadcast_in_dim3A_3763], %get3A_3754 : memref<16x8x129xf32, #tpu.memory_space<vmem>>[vector<16xi32>, vector<16xi32>, vector<16xi32>], vector<16xf32>,
      tpu.vector_store_idx %arg7[%add3A_299, %rem3A_210, %broadcast_in_dim3A_3763], %get3A_3761 : memref<16x8x129xf32, #tpu.memory_space<vmem>>[vector<16xi32>, vector<16xi32>, vector<16xi32>], vector<16xf32>,
      %broadcast_in_dim3A_3792 = arith.constant 116 : i32
      %broadcast_in_dim3A_3793 = vector.broadcast %broadcast_in_dim3A_3792 : i32 to vector<16xi32>
      %add3A_3794 = arith.constant 116 : i32
      %add3A_3795 = arith.addi %mul3A_301, %add3A_3794 : i32
      %add3A_3796 = arith.constant 1 : i32
      %add3A_3797 = arith.addi %add3A_3795, %add3A_3796 : i32
      %get3A_3798 = arith.index_cast %add3A_3797 : i32 to index
      %get3A_3799 = arith.constant 0 : index
      %get3A_3800 = tpu.vector_load %arg6[%get3A_3798, %get3A_3799] {strides = array<i32>} : memref<768x64xf32, #tpu.memory_space<vmem>>, vector<16xf32>,
      %add3A_3801 = arith.constant 116 : i32
      %add3A_3802 = arith.addi %mul3A_301, %add3A_3801 : i32
      %add3A_3803 = arith.constant 1 : i32
      %add3A_3804 = arith.addi %add3A_3802, %add3A_3803 : i32
      %get3A_3805 = arith.index_cast %add3A_3804 : i32 to index
      %get3A_3806 = arith.constant 16 : index
      %get3A_3807 = tpu.vector_load %arg6[%get3A_3805, %get3A_3806] {strides = array<i32>} : memref<768x64xf32, #tpu.memory_space<vmem>>, vector<16xf32>,
      %add3A_3808 = arith.constant 116 : i32
      %add3A_3809 = arith.addi %mul3A_301, %add3A_3808 : i32
      %add3A_3810 = arith.constant 1 : i32
      %add3A_3811 = arith.addi %add3A_3809, %add3A_3810 : i32
      %get3A_3812 = arith.index_cast %add3A_3811 : i32 to index
      %get3A_3813 = arith.constant 32 : index
      %get3A_3814 = tpu.vector_load %arg6[%get3A_3812, %get3A_3813] {strides = array<i32>} : memref<768x64xf32, #tpu.memory_space<vmem>>, vector<16xf32>,
      %add3A_3815 = arith.constant 116 : i32
      %add3A_3816 = arith.addi %mul3A_301, %add3A_3815 : i32
      %add3A_3817 = arith.constant 1 : i32
      %add3A_3818 = arith.addi %add3A_3816, %add3A_3817 : i32
      %get3A_3819 = arith.index_cast %add3A_3818 : i32 to index
      %get3A_3820 = arith.constant 48 : index
      %get3A_3821 = tpu.vector_load %arg6[%get3A_3819, %get3A_3820] {strides = array<i32>} : memref<768x64xf32, #tpu.memory_space<vmem>>, vector<16xf32>,
      tpu.vector_store_idx %arg7[%add3A_287, %rem3A_210, %broadcast_in_dim3A_3793], %get3A_3770 : memref<16x8x129xf32, #tpu.memory_space<vmem>>[vector<16xi32>, vector<16xi32>, vector<16xi32>], vector<16xf32>,
      tpu.vector_store_idx %arg7[%add3A_291, %rem3A_210, %broadcast_in_dim3A_3793], %get3A_3777 : memref<16x8x129xf32, #tpu.memory_space<vmem>>[vector<16xi32>, vector<16xi32>, vector<16xi32>], vector<16xf32>,
      tpu.vector_store_idx %arg7[%add3A_295, %rem3A_210, %broadcast_in_dim3A_3793], %get3A_3784 : memref<16x8x129xf32, #tpu.memory_space<vmem>>[vector<16xi32>, vector<16xi32>, vector<16xi32>], vector<16xf32>,
      tpu.vector_store_idx %arg7[%add3A_299, %rem3A_210, %broadcast_in_dim3A_3793], %get3A_3791 : memref<16x8x129xf32, #tpu.memory_space<vmem>>[vector<16xi32>, vector<16xi32>, vector<16xi32>], vector<16xf32>,
      %broadcast_in_dim3A_3822 = arith.constant 117 : i32
      %broadcast_in_dim3A_3823 = vector.broadcast %broadcast_in_dim3A_3822 : i32 to vector<16xi32>
      %add3A_3824 = arith.constant 117 : i32
      %add3A_3825 = arith.addi %mul3A_301, %add3A_3824 : i32
      %add3A_3826 = arith.constant 1 : i32
      %add3A_3827 = arith.addi %add3A_3825, %add3A_3826 : i32
      %get3A_3828 = arith.index_cast %add3A_3827 : i32 to index
      %get3A_3829 = arith.constant 0 : index
      %get3A_3830 = tpu.vector_load %arg6[%get3A_3828, %get3A_3829] {strides = array<i32>} : memref<768x64xf32, #tpu.memory_space<vmem>>, vector<16xf32>,
      %add3A_3831 = arith.constant 117 : i32
      %add3A_3832 = arith.addi %mul3A_301, %add3A_3831 : i32
      %add3A_3833 = arith.constant 1 : i32
      %add3A_3834 = arith.addi %add3A_3832, %add3A_3833 : i32
      %get3A_3835 = arith.index_cast %add3A_3834 : i32 to index
      %get3A_3836 = arith.constant 16 : index
      %get3A_3837 = tpu.vector_load %arg6[%get3A_3835, %get3A_3836] {strides = array<i32>} : memref<768x64xf32, #tpu.memory_space<vmem>>, vector<16xf32>,
      %add3A_3838 = arith.constant 117 : i32
      %add3A_3839 = arith.addi %mul3A_301, %add3A_3838 : i32
      %add3A_3840 = arith.constant 1 : i32
      %add3A_3841 = arith.addi %add3A_3839, %add3A_3840 : i32
      %get3A_3842 = arith.index_cast %add3A_3841 : i32 to index
      %get3A_3843 = arith.constant 32 : index
      %get3A_3844 = tpu.vector_load %arg6[%get3A_3842, %get3A_3843] {strides = array<i32>} : memref<768x64xf32, #tpu.memory_space<vmem>>, vector<16xf32>,
      %add3A_3845 = arith.constant 117 : i32
      %add3A_3846 = arith.addi %mul3A_301, %add3A_3845 : i32
      %add3A_3847 = arith.constant 1 : i32
      %add3A_3848 = arith.addi %add3A_3846, %add3A_3847 : i32
      %get3A_3849 = arith.index_cast %add3A_3848 : i32 to index
      %get3A_3850 = arith.constant 48 : index
      %get3A_3851 = tpu.vector_load %arg6[%get3A_3849, %get3A_3850] {strides = array<i32>} : memref<768x64xf32, #tpu.memory_space<vmem>>, vector<16xf32>,
      tpu.vector_store_idx %arg7[%add3A_287, %rem3A_210, %broadcast_in_dim3A_3823], %get3A_3800 : memref<16x8x129xf32, #tpu.memory_space<vmem>>[vector<16xi32>, vector<16xi32>, vector<16xi32>], vector<16xf32>,
      tpu.vector_store_idx %arg7[%add3A_291, %rem3A_210, %broadcast_in_dim3A_3823], %get3A_3807 : memref<16x8x129xf32, #tpu.memory_space<vmem>>[vector<16xi32>, vector<16xi32>, vector<16xi32>], vector<16xf32>,
      tpu.vector_store_idx %arg7[%add3A_295, %rem3A_210, %broadcast_in_dim3A_3823], %get3A_3814 : memref<16x8x129xf32, #tpu.memory_space<vmem>>[vector<16xi32>, vector<16xi32>, vector<16xi32>], vector<16xf32>,
      tpu.vector_store_idx %arg7[%add3A_299, %rem3A_210, %broadcast_in_dim3A_3823], %get3A_3821 : memref<16x8x129xf32, #tpu.memory_space<vmem>>[vector<16xi32>, vector<16xi32>, vector<16xi32>], vector<16xf32>,
      %broadcast_in_dim3A_3852 = arith.constant 118 : i32
      %broadcast_in_dim3A_3853 = vector.broadcast %broadcast_in_dim3A_3852 : i32 to vector<16xi32>
      %add3A_3854 = arith.constant 118 : i32
      %add3A_3855 = arith.addi %mul3A_301, %add3A_3854 : i32
      %add3A_3856 = arith.constant 1 : i32
      %add3A_3857 = arith.addi %add3A_3855, %add3A_3856 : i32
      %get3A_3858 = arith.index_cast %add3A_3857 : i32 to index
      %get3A_3859 = arith.constant 0 : index
      %get3A_3860 = tpu.vector_load %arg6[%get3A_3858, %get3A_3859] {strides = array<i32>} : memref<768x64xf32, #tpu.memory_space<vmem>>, vector<16xf32>,
      %add3A_3861 = arith.constant 118 : i32
      %add3A_3862 = arith.addi %mul3A_301, %add3A_3861 : i32
      %add3A_3863 = arith.constant 1 : i32
      %add3A_3864 = arith.addi %add3A_3862, %add3A_3863 : i32
      %get3A_3865 = arith.index_cast %add3A_3864 : i32 to index
      %get3A_3866 = arith.constant 16 : index
      %get3A_3867 = tpu.vector_load %arg6[%get3A_3865, %get3A_3866] {strides = array<i32>} : memref<768x64xf32, #tpu.memory_space<vmem>>, vector<16xf32>,
      %add3A_3868 = arith.constant 118 : i32
      %add3A_3869 = arith.addi %mul3A_301, %add3A_3868 : i32
      %add3A_3870 = arith.constant 1 : i32
      %add3A_3871 = arith.addi %add3A_3869, %add3A_3870 : i32
      %get3A_3872 = arith.index_cast %add3A_3871 : i32 to index
      %get3A_3873 = arith.constant 32 : index
      %get3A_3874 = tpu.vector_load %arg6[%get3A_3872, %get3A_3873] {strides = array<i32>} : memref<768x64xf32, #tpu.memory_space<vmem>>, vector<16xf32>,
      %add3A_3875 = arith.constant 118 : i32
      %add3A_3876 = arith.addi %mul3A_301, %add3A_3875 : i32
      %add3A_3877 = arith.constant 1 : i32
      %add3A_3878 = arith.addi %add3A_3876, %add3A_3877 : i32
      %get3A_3879 = arith.index_cast %add3A_3878 : i32 to index
      %get3A_3880 = arith.constant 48 : index
      %get3A_3881 = tpu.vector_load %arg6[%get3A_3879, %get3A_3880] {strides = array<i32>} : memref<768x64xf32, #tpu.memory_space<vmem>>, vector<16xf32>,
      tpu.vector_store_idx %arg7[%add3A_287, %rem3A_210, %broadcast_in_dim3A_3853], %get3A_3830 : memref<16x8x129xf32, #tpu.memory_space<vmem>>[vector<16xi32>, vector<16xi32>, vector<16xi32>], vector<16xf32>,
      tpu.vector_store_idx %arg7[%add3A_291, %rem3A_210, %broadcast_in_dim3A_3853], %get3A_3837 : memref<16x8x129xf32, #tpu.memory_space<vmem>>[vector<16xi32>, vector<16xi32>, vector<16xi32>], vector<16xf32>,
      tpu.vector_store_idx %arg7[%add3A_295, %rem3A_210, %broadcast_in_dim3A_3853], %get3A_3844 : memref<16x8x129xf32, #tpu.memory_space<vmem>>[vector<16xi32>, vector<16xi32>, vector<16xi32>], vector<16xf32>,
      tpu.vector_store_idx %arg7[%add3A_299, %rem3A_210, %broadcast_in_dim3A_3853], %get3A_3851 : memref<16x8x129xf32, #tpu.memory_space<vmem>>[vector<16xi32>, vector<16xi32>, vector<16xi32>], vector<16xf32>,
      %broadcast_in_dim3A_3882 = arith.constant 119 : i32
      %broadcast_in_dim3A_3883 = vector.broadcast %broadcast_in_dim3A_3882 : i32 to vector<16xi32>
      %add3A_3884 = arith.constant 119 : i32
      %add3A_3885 = arith.addi %mul3A_301, %add3A_3884 : i32
      %add3A_3886 = arith.constant 1 : i32
      %add3A_3887 = arith.addi %add3A_3885, %add3A_3886 : i32
      %get3A_3888 = arith.index_cast %add3A_3887 : i32 to index
      %get3A_3889 = arith.constant 0 : index
      %get3A_3890 = tpu.vector_load %arg6[%get3A_3888, %get3A_3889] {strides = array<i32>} : memref<768x64xf32, #tpu.memory_space<vmem>>, vector<16xf32>,
      %add3A_3891 = arith.constant 119 : i32
      %add3A_3892 = arith.addi %mul3A_301, %add3A_3891 : i32
      %add3A_3893 = arith.constant 1 : i32
      %add3A_3894 = arith.addi %add3A_3892, %add3A_3893 : i32
      %get3A_3895 = arith.index_cast %add3A_3894 : i32 to index
      %get3A_3896 = arith.constant 16 : index
      %get3A_3897 = tpu.vector_load %arg6[%get3A_3895, %get3A_3896] {strides = array<i32>} : memref<768x64xf32, #tpu.memory_space<vmem>>, vector<16xf32>,
      %add3A_3898 = arith.constant 119 : i32
      %add3A_3899 = arith.addi %mul3A_301, %add3A_3898 : i32
      %add3A_3900 = arith.constant 1 : i32
      %add3A_3901 = arith.addi %add3A_3899, %add3A_3900 : i32
      %get3A_3902 = arith.index_cast %add3A_3901 : i32 to index
      %get3A_3903 = arith.constant 32 : index
      %get3A_3904 = tpu.vector_load %arg6[%get3A_3902, %get3A_3903] {strides = array<i32>} : memref<768x64xf32, #tpu.memory_space<vmem>>, vector<16xf32>,
      %add3A_3905 = arith.constant 119 : i32
      %add3A_3906 = arith.addi %mul3A_301, %add3A_3905 : i32
      %add3A_3907 = arith.constant 1 : i32
      %add3A_3908 = arith.addi %add3A_3906, %add3A_3907 : i32
      %get3A_3909 = arith.index_cast %add3A_3908 : i32 to index
      %get3A_3910 = arith.constant 48 : index
      %get3A_3911 = tpu.vector_load %arg6[%get3A_3909, %get3A_3910] {strides = array<i32>} : memref<768x64xf32, #tpu.memory_space<vmem>>, vector<16xf32>,
      tpu.vector_store_idx %arg7[%add3A_287, %rem3A_210, %broadcast_in_dim3A_3883], %get3A_3860 : memref<16x8x129xf32, #tpu.memory_space<vmem>>[vector<16xi32>, vector<16xi32>, vector<16xi32>], vector<16xf32>,
      tpu.vector_store_idx %arg7[%add3A_291, %rem3A_210, %broadcast_in_dim3A_3883], %get3A_3867 : memref<16x8x129xf32, #tpu.memory_space<vmem>>[vector<16xi32>, vector<16xi32>, vector<16xi32>], vector<16xf32>,
      tpu.vector_store_idx %arg7[%add3A_295, %rem3A_210, %broadcast_in_dim3A_3883], %get3A_3874 : memref<16x8x129xf32, #tpu.memory_space<vmem>>[vector<16xi32>, vector<16xi32>, vector<16xi32>], vector<16xf32>,
      tpu.vector_store_idx %arg7[%add3A_299, %rem3A_210, %broadcast_in_dim3A_3883], %get3A_3881 : memref<16x8x129xf32, #tpu.memory_space<vmem>>[vector<16xi32>, vector<16xi32>, vector<16xi32>], vector<16xf32>,
      %broadcast_in_dim3A_3912 = arith.constant 120 : i32
      %broadcast_in_dim3A_3913 = vector.broadcast %broadcast_in_dim3A_3912 : i32 to vector<16xi32>
      %add3A_3914 = arith.constant 120 : i32
      %add3A_3915 = arith.addi %mul3A_301, %add3A_3914 : i32
      %add3A_3916 = arith.constant 1 : i32
      %add3A_3917 = arith.addi %add3A_3915, %add3A_3916 : i32
      %get3A_3918 = arith.index_cast %add3A_3917 : i32 to index
      %get3A_3919 = arith.constant 0 : index
      %get3A_3920 = tpu.vector_load %arg6[%get3A_3918, %get3A_3919] {strides = array<i32>} : memref<768x64xf32, #tpu.memory_space<vmem>>, vector<16xf32>,
      %add3A_3921 = arith.constant 120 : i32
      %add3A_3922 = arith.addi %mul3A_301, %add3A_3921 : i32
      %add3A_3923 = arith.constant 1 : i32
      %add3A_3924 = arith.addi %add3A_3922, %add3A_3923 : i32
      %get3A_3925 = arith.index_cast %add3A_3924 : i32 to index
      %get3A_3926 = arith.constant 16 : index
      %get3A_3927 = tpu.vector_load %arg6[%get3A_3925, %get3A_3926] {strides = array<i32>} : memref<768x64xf32, #tpu.memory_space<vmem>>, vector<16xf32>,
      %add3A_3928 = arith.constant 120 : i32
      %add3A_3929 = arith.addi %mul3A_301, %add3A_3928 : i32
      %add3A_3930 = arith.constant 1 : i32
      %add3A_3931 = arith.addi %add3A_3929, %add3A_3930 : i32
      %get3A_3932 = arith.index_cast %add3A_3931 : i32 to index
      %get3A_3933 = arith.constant 32 : index
      %get3A_3934 = tpu.vector_load %arg6[%get3A_3932, %get3A_3933] {strides = array<i32>} : memref<768x64xf32, #tpu.memory_space<vmem>>, vector<16xf32>,
      %add3A_3935 = arith.constant 120 : i32
      %add3A_3936 = arith.addi %mul3A_301, %add3A_3935 : i32
      %add3A_3937 = arith.constant 1 : i32
      %add3A_3938 = arith.addi %add3A_3936, %add3A_3937 : i32
      %get3A_3939 = arith.index_cast %add3A_3938 : i32 to index
      %get3A_3940 = arith.constant 48 : index
      %get3A_3941 = tpu.vector_load %arg6[%get3A_3939, %get3A_3940] {strides = array<i32>} : memref<768x64xf32, #tpu.memory_space<vmem>>, vector<16xf32>,
      tpu.vector_store_idx %arg7[%add3A_287, %rem3A_210, %broadcast_in_dim3A_3913], %get3A_3890 : memref<16x8x129xf32, #tpu.memory_space<vmem>>[vector<16xi32>, vector<16xi32>, vector<16xi32>], vector<16xf32>,
      tpu.vector_store_idx %arg7[%add3A_291, %rem3A_210, %broadcast_in_dim3A_3913], %get3A_3897 : memref<16x8x129xf32, #tpu.memory_space<vmem>>[vector<16xi32>, vector<16xi32>, vector<16xi32>], vector<16xf32>,
      tpu.vector_store_idx %arg7[%add3A_295, %rem3A_210, %broadcast_in_dim3A_3913], %get3A_3904 : memref<16x8x129xf32, #tpu.memory_space<vmem>>[vector<16xi32>, vector<16xi32>, vector<16xi32>], vector<16xf32>,
      tpu.vector_store_idx %arg7[%add3A_299, %rem3A_210, %broadcast_in_dim3A_3913], %get3A_3911 : memref<16x8x129xf32, #tpu.memory_space<vmem>>[vector<16xi32>, vector<16xi32>, vector<16xi32>], vector<16xf32>,
      %broadcast_in_dim3A_3942 = arith.constant 121 : i32
      %broadcast_in_dim3A_3943 = vector.broadcast %broadcast_in_dim3A_3942 : i32 to vector<16xi32>
      %add3A_3944 = arith.constant 121 : i32
      %add3A_3945 = arith.addi %mul3A_301, %add3A_3944 : i32
      %add3A_3946 = arith.constant 1 : i32
      %add3A_3947 = arith.addi %add3A_3945, %add3A_3946 : i32
      %get3A_3948 = arith.index_cast %add3A_3947 : i32 to index
      %get3A_3949 = arith.constant 0 : index
      %get3A_3950 = tpu.vector_load %arg6[%get3A_3948, %get3A_3949] {strides = array<i32>} : memref<768x64xf32, #tpu.memory_space<vmem>>, vector<16xf32>,
      %add3A_3951 = arith.constant 121 : i32
      %add3A_3952 = arith.addi %mul3A_301, %add3A_3951 : i32
      %add3A_3953 = arith.constant 1 : i32
      %add3A_3954 = arith.addi %add3A_3952, %add3A_3953 : i32
      %get3A_3955 = arith.index_cast %add3A_3954 : i32 to index
      %get3A_3956 = arith.constant 16 : index
      %get3A_3957 = tpu.vector_load %arg6[%get3A_3955, %get3A_3956] {strides = array<i32>} : memref<768x64xf32, #tpu.memory_space<vmem>>, vector<16xf32>,
      %add3A_3958 = arith.constant 121 : i32
      %add3A_3959 = arith.addi %mul3A_301, %add3A_3958 : i32
      %add3A_3960 = arith.constant 1 : i32
      %add3A_3961 = arith.addi %add3A_3959, %add3A_3960 : i32
      %get3A_3962 = arith.index_cast %add3A_3961 : i32 to index
      %get3A_3963 = arith.constant 32 : index
      %get3A_3964 = tpu.vector_load %arg6[%get3A_3962, %get3A_3963] {strides = array<i32>} : memref<768x64xf32, #tpu.memory_space<vmem>>, vector<16xf32>,
      %add3A_3965 = arith.constant 121 : i32
      %add3A_3966 = arith.addi %mul3A_301, %add3A_3965 : i32
      %add3A_3967 = arith.constant 1 : i32
      %add3A_3968 = arith.addi %add3A_3966, %add3A_3967 : i32
      %get3A_3969 = arith.index_cast %add3A_3968 : i32 to index
      %get3A_3970 = arith.constant 48 : index
      %get3A_3971 = tpu.vector_load %arg6[%get3A_3969, %get3A_3970] {strides = array<i32>} : memref<768x64xf32, #tpu.memory_space<vmem>>, vector<16xf32>,
      tpu.vector_store_idx %arg7[%add3A_287, %rem3A_210, %broadcast_in_dim3A_3943], %get3A_3920 : memref<16x8x129xf32, #tpu.memory_space<vmem>>[vector<16xi32>, vector<16xi32>, vector<16xi32>], vector<16xf32>,
      tpu.vector_store_idx %arg7[%add3A_291, %rem3A_210, %broadcast_in_dim3A_3943], %get3A_3927 : memref<16x8x129xf32, #tpu.memory_space<vmem>>[vector<16xi32>, vector<16xi32>, vector<16xi32>], vector<16xf32>,
      tpu.vector_store_idx %arg7[%add3A_295, %rem3A_210, %broadcast_in_dim3A_3943], %get3A_3934 : memref<16x8x129xf32, #tpu.memory_space<vmem>>[vector<16xi32>, vector<16xi32>, vector<16xi32>], vector<16xf32>,
      tpu.vector_store_idx %arg7[%add3A_299, %rem3A_210, %broadcast_in_dim3A_3943], %get3A_3941 : memref<16x8x129xf32, #tpu.memory_space<vmem>>[vector<16xi32>, vector<16xi32>, vector<16xi32>], vector<16xf32>,
      %broadcast_in_dim3A_3972 = arith.constant 122 : i32
      %broadcast_in_dim3A_3973 = vector.broadcast %broadcast_in_dim3A_3972 : i32 to vector<16xi32>
      %add3A_3974 = arith.constant 122 : i32
      %add3A_3975 = arith.addi %mul3A_301, %add3A_3974 : i32
      %add3A_3976 = arith.constant 1 : i32
      %add3A_3977 = arith.addi %add3A_3975, %add3A_3976 : i32
      %get3A_3978 = arith.index_cast %add3A_3977 : i32 to index
      %get3A_3979 = arith.constant 0 : index
      %get3A_3980 = tpu.vector_load %arg6[%get3A_3978, %get3A_3979] {strides = array<i32>} : memref<768x64xf32, #tpu.memory_space<vmem>>, vector<16xf32>,
      %add3A_3981 = arith.constant 122 : i32
      %add3A_3982 = arith.addi %mul3A_301, %add3A_3981 : i32
      %add3A_3983 = arith.constant 1 : i32
      %add3A_3984 = arith.addi %add3A_3982, %add3A_3983 : i32
      %get3A_3985 = arith.index_cast %add3A_3984 : i32 to index
      %get3A_3986 = arith.constant 16 : index
      %get3A_3987 = tpu.vector_load %arg6[%get3A_3985, %get3A_3986] {strides = array<i32>} : memref<768x64xf32, #tpu.memory_space<vmem>>, vector<16xf32>,
      %add3A_3988 = arith.constant 122 : i32
      %add3A_3989 = arith.addi %mul3A_301, %add3A_3988 : i32
      %add3A_3990 = arith.constant 1 : i32
      %add3A_3991 = arith.addi %add3A_3989, %add3A_3990 : i32
      %get3A_3992 = arith.index_cast %add3A_3991 : i32 to index
      %get3A_3993 = arith.constant 32 : index
      %get3A_3994 = tpu.vector_load %arg6[%get3A_3992, %get3A_3993] {strides = array<i32>} : memref<768x64xf32, #tpu.memory_space<vmem>>, vector<16xf32>,
      %add3A_3995 = arith.constant 122 : i32
      %add3A_3996 = arith.addi %mul3A_301, %add3A_3995 : i32
      %add3A_3997 = arith.constant 1 : i32
      %add3A_3998 = arith.addi %add3A_3996, %add3A_3997 : i32
      %get3A_3999 = arith.index_cast %add3A_3998 : i32 to index
      %get3A_4000 = arith.constant 48 : index
      %get3A_4001 = tpu.vector_load %arg6[%get3A_3999, %get3A_4000] {strides = array<i32>} : memref<768x64xf32, #tpu.memory_space<vmem>>, vector<16xf32>,
      tpu.vector_store_idx %arg7[%add3A_287, %rem3A_210, %broadcast_in_dim3A_3973], %get3A_3950 : memref<16x8x129xf32, #tpu.memory_space<vmem>>[vector<16xi32>, vector<16xi32>, vector<16xi32>], vector<16xf32>,
      tpu.vector_store_idx %arg7[%add3A_291, %rem3A_210, %broadcast_in_dim3A_3973], %get3A_3957 : memref<16x8x129xf32, #tpu.memory_space<vmem>>[vector<16xi32>, vector<16xi32>, vector<16xi32>], vector<16xf32>,
      tpu.vector_store_idx %arg7[%add3A_295, %rem3A_210, %broadcast_in_dim3A_3973], %get3A_3964 : memref<16x8x129xf32, #tpu.memory_space<vmem>>[vector<16xi32>, vector<16xi32>, vector<16xi32>], vector<16xf32>,
      tpu.vector_store_idx %arg7[%add3A_299, %rem3A_210, %broadcast_in_dim3A_3973], %get3A_3971 : memref<16x8x129xf32, #tpu.memory_space<vmem>>[vector<16xi32>, vector<16xi32>, vector<16xi32>], vector<16xf32>,
      %broadcast_in_dim3A_4002 = arith.constant 123 : i32
      %broadcast_in_dim3A_4003 = vector.broadcast %broadcast_in_dim3A_4002 : i32 to vector<16xi32>
      %add3A_4004 = arith.constant 123 : i32
      %add3A_4005 = arith.addi %mul3A_301, %add3A_4004 : i32
      %add3A_4006 = arith.constant 1 : i32
      %add3A_4007 = arith.addi %add3A_4005, %add3A_4006 : i32
      %get3A_4008 = arith.index_cast %add3A_4007 : i32 to index
      %get3A_4009 = arith.constant 0 : index
      %get3A_4010 = tpu.vector_load %arg6[%get3A_4008, %get3A_4009] {strides = array<i32>} : memref<768x64xf32, #tpu.memory_space<vmem>>, vector<16xf32>,
      %add3A_4011 = arith.constant 123 : i32
      %add3A_4012 = arith.addi %mul3A_301, %add3A_4011 : i32
      %add3A_4013 = arith.constant 1 : i32
      %add3A_4014 = arith.addi %add3A_4012, %add3A_4013 : i32
      %get3A_4015 = arith.index_cast %add3A_4014 : i32 to index
      %get3A_4016 = arith.constant 16 : index
      %get3A_4017 = tpu.vector_load %arg6[%get3A_4015, %get3A_4016] {strides = array<i32>} : memref<768x64xf32, #tpu.memory_space<vmem>>, vector<16xf32>,
      %add3A_4018 = arith.constant 123 : i32
      %add3A_4019 = arith.addi %mul3A_301, %add3A_4018 : i32
      %add3A_4020 = arith.constant 1 : i32
      %add3A_4021 = arith.addi %add3A_4019, %add3A_4020 : i32
      %get3A_4022 = arith.index_cast %add3A_4021 : i32 to index
      %get3A_4023 = arith.constant 32 : index
      %get3A_4024 = tpu.vector_load %arg6[%get3A_4022, %get3A_4023] {strides = array<i32>} : memref<768x64xf32, #tpu.memory_space<vmem>>, vector<16xf32>,
      %add3A_4025 = arith.constant 123 : i32
      %add3A_4026 = arith.addi %mul3A_301, %add3A_4025 : i32
      %add3A_4027 = arith.constant 1 : i32
      %add3A_4028 = arith.addi %add3A_4026, %add3A_4027 : i32
      %get3A_4029 = arith.index_cast %add3A_4028 : i32 to index
      %get3A_4030 = arith.constant 48 : index
      %get3A_4031 = tpu.vector_load %arg6[%get3A_4029, %get3A_4030] {strides = array<i32>} : memref<768x64xf32, #tpu.memory_space<vmem>>, vector<16xf32>,
      tpu.vector_store_idx %arg7[%add3A_287, %rem3A_210, %broadcast_in_dim3A_4003], %get3A_3980 : memref<16x8x129xf32, #tpu.memory_space<vmem>>[vector<16xi32>, vector<16xi32>, vector<16xi32>], vector<16xf32>,
      tpu.vector_store_idx %arg7[%add3A_291, %rem3A_210, %broadcast_in_dim3A_4003], %get3A_3987 : memref<16x8x129xf32, #tpu.memory_space<vmem>>[vector<16xi32>, vector<16xi32>, vector<16xi32>], vector<16xf32>,
      tpu.vector_store_idx %arg7[%add3A_295, %rem3A_210, %broadcast_in_dim3A_4003], %get3A_3994 : memref<16x8x129xf32, #tpu.memory_space<vmem>>[vector<16xi32>, vector<16xi32>, vector<16xi32>], vector<16xf32>,
      tpu.vector_store_idx %arg7[%add3A_299, %rem3A_210, %broadcast_in_dim3A_4003], %get3A_4001 : memref<16x8x129xf32, #tpu.memory_space<vmem>>[vector<16xi32>, vector<16xi32>, vector<16xi32>], vector<16xf32>,
      %broadcast_in_dim3A_4032 = arith.constant 124 : i32
      %broadcast_in_dim3A_4033 = vector.broadcast %broadcast_in_dim3A_4032 : i32 to vector<16xi32>
      %add3A_4034 = arith.constant 124 : i32
      %add3A_4035 = arith.addi %mul3A_301, %add3A_4034 : i32
      %add3A_4036 = arith.constant 1 : i32
      %add3A_4037 = arith.addi %add3A_4035, %add3A_4036 : i32
      %get3A_4038 = arith.index_cast %add3A_4037 : i32 to index
      %get3A_4039 = arith.constant 0 : index
      %get3A_4040 = tpu.vector_load %arg6[%get3A_4038, %get3A_4039] {strides = array<i32>} : memref<768x64xf32, #tpu.memory_space<vmem>>, vector<16xf32>,
      %add3A_4041 = arith.constant 124 : i32
      %add3A_4042 = arith.addi %mul3A_301, %add3A_4041 : i32
      %add3A_4043 = arith.constant 1 : i32
      %add3A_4044 = arith.addi %add3A_4042, %add3A_4043 : i32
      %get3A_4045 = arith.index_cast %add3A_4044 : i32 to index
      %get3A_4046 = arith.constant 16 : index
      %get3A_4047 = tpu.vector_load %arg6[%get3A_4045, %get3A_4046] {strides = array<i32>} : memref<768x64xf32, #tpu.memory_space<vmem>>, vector<16xf32>,
      %add3A_4048 = arith.constant 124 : i32
      %add3A_4049 = arith.addi %mul3A_301, %add3A_4048 : i32
      %add3A_4050 = arith.constant 1 : i32
      %add3A_4051 = arith.addi %add3A_4049, %add3A_4050 : i32
      %get3A_4052 = arith.index_cast %add3A_4051 : i32 to index
      %get3A_4053 = arith.constant 32 : index
      %get3A_4054 = tpu.vector_load %arg6[%get3A_4052, %get3A_4053] {strides = array<i32>} : memref<768x64xf32, #tpu.memory_space<vmem>>, vector<16xf32>,
      %add3A_4055 = arith.constant 124 : i32
      %add3A_4056 = arith.addi %mul3A_301, %add3A_4055 : i32
      %add3A_4057 = arith.constant 1 : i32
      %add3A_4058 = arith.addi %add3A_4056, %add3A_4057 : i32
      %get3A_4059 = arith.index_cast %add3A_4058 : i32 to index
      %get3A_4060 = arith.constant 48 : index
      %get3A_4061 = tpu.vector_load %arg6[%get3A_4059, %get3A_4060] {strides = array<i32>} : memref<768x64xf32, #tpu.memory_space<vmem>>, vector<16xf32>,
      tpu.vector_store_idx %arg7[%add3A_287, %rem3A_210, %broadcast_in_dim3A_4033], %get3A_4010 : memref<16x8x129xf32, #tpu.memory_space<vmem>>[vector<16xi32>, vector<16xi32>, vector<16xi32>], vector<16xf32>,
      tpu.vector_store_idx %arg7[%add3A_291, %rem3A_210, %broadcast_in_dim3A_4033], %get3A_4017 : memref<16x8x129xf32, #tpu.memory_space<vmem>>[vector<16xi32>, vector<16xi32>, vector<16xi32>], vector<16xf32>,
      tpu.vector_store_idx %arg7[%add3A_295, %rem3A_210, %broadcast_in_dim3A_4033], %get3A_4024 : memref<16x8x129xf32, #tpu.memory_space<vmem>>[vector<16xi32>, vector<16xi32>, vector<16xi32>], vector<16xf32>,
      tpu.vector_store_idx %arg7[%add3A_299, %rem3A_210, %broadcast_in_dim3A_4033], %get3A_4031 : memref<16x8x129xf32, #tpu.memory_space<vmem>>[vector<16xi32>, vector<16xi32>, vector<16xi32>], vector<16xf32>,
      %broadcast_in_dim3A_4062 = arith.constant 125 : i32
      %broadcast_in_dim3A_4063 = vector.broadcast %broadcast_in_dim3A_4062 : i32 to vector<16xi32>
      %add3A_4064 = arith.constant 125 : i32
      %add3A_4065 = arith.addi %mul3A_301, %add3A_4064 : i32
      %add3A_4066 = arith.constant 1 : i32
      %add3A_4067 = arith.addi %add3A_4065, %add3A_4066 : i32
      %get3A_4068 = arith.index_cast %add3A_4067 : i32 to index
      %get3A_4069 = arith.constant 0 : index
      %get3A_4070 = tpu.vector_load %arg6[%get3A_4068, %get3A_4069] {strides = array<i32>} : memref<768x64xf32, #tpu.memory_space<vmem>>, vector<16xf32>,
      %add3A_4071 = arith.constant 125 : i32
      %add3A_4072 = arith.addi %mul3A_301, %add3A_4071 : i32
      %add3A_4073 = arith.constant 1 : i32
      %add3A_4074 = arith.addi %add3A_4072, %add3A_4073 : i32
      %get3A_4075 = arith.index_cast %add3A_4074 : i32 to index
      %get3A_4076 = arith.constant 16 : index
      %get3A_4077 = tpu.vector_load %arg6[%get3A_4075, %get3A_4076] {strides = array<i32>} : memref<768x64xf32, #tpu.memory_space<vmem>>, vector<16xf32>,
      %add3A_4078 = arith.constant 125 : i32
      %add3A_4079 = arith.addi %mul3A_301, %add3A_4078 : i32
      %add3A_4080 = arith.constant 1 : i32
      %add3A_4081 = arith.addi %add3A_4079, %add3A_4080 : i32
      %get3A_4082 = arith.index_cast %add3A_4081 : i32 to index
      %get3A_4083 = arith.constant 32 : index
      %get3A_4084 = tpu.vector_load %arg6[%get3A_4082, %get3A_4083] {strides = array<i32>} : memref<768x64xf32, #tpu.memory_space<vmem>>, vector<16xf32>,
      %add3A_4085 = arith.constant 125 : i32
      %add3A_4086 = arith.addi %mul3A_301, %add3A_4085 : i32
      %add3A_4087 = arith.constant 1 : i32
      %add3A_4088 = arith.addi %add3A_4086, %add3A_4087 : i32
      %get3A_4089 = arith.index_cast %add3A_4088 : i32 to index
      %get3A_4090 = arith.constant 48 : index
      %get3A_4091 = tpu.vector_load %arg6[%get3A_4089, %get3A_4090] {strides = array<i32>} : memref<768x64xf32, #tpu.memory_space<vmem>>, vector<16xf32>,
      tpu.vector_store_idx %arg7[%add3A_287, %rem3A_210, %broadcast_in_dim3A_4063], %get3A_4040 : memref<16x8x129xf32, #tpu.memory_space<vmem>>[vector<16xi32>, vector<16xi32>, vector<16xi32>], vector<16xf32>,
      tpu.vector_store_idx %arg7[%add3A_291, %rem3A_210, %broadcast_in_dim3A_4063], %get3A_4047 : memref<16x8x129xf32, #tpu.memory_space<vmem>>[vector<16xi32>, vector<16xi32>, vector<16xi32>], vector<16xf32>,
      tpu.vector_store_idx %arg7[%add3A_295, %rem3A_210, %broadcast_in_dim3A_4063], %get3A_4054 : memref<16x8x129xf32, #tpu.memory_space<vmem>>[vector<16xi32>, vector<16xi32>, vector<16xi32>], vector<16xf32>,
      tpu.vector_store_idx %arg7[%add3A_299, %rem3A_210, %broadcast_in_dim3A_4063], %get3A_4061 : memref<16x8x129xf32, #tpu.memory_space<vmem>>[vector<16xi32>, vector<16xi32>, vector<16xi32>], vector<16xf32>,
      %broadcast_in_dim3A_4092 = arith.constant 126 : i32
      %broadcast_in_dim3A_4093 = vector.broadcast %broadcast_in_dim3A_4092 : i32 to vector<16xi32>
      %add3A_4094 = arith.constant 126 : i32
      %add3A_4095 = arith.addi %mul3A_301, %add3A_4094 : i32
      %add3A_4096 = arith.constant 1 : i32
      %add3A_4097 = arith.addi %add3A_4095, %add3A_4096 : i32
      %get3A_4098 = arith.index_cast %add3A_4097 : i32 to index
      %get3A_4099 = arith.constant 0 : index
      %get3A_4100 = tpu.vector_load %arg6[%get3A_4098, %get3A_4099] {strides = array<i32>} : memref<768x64xf32, #tpu.memory_space<vmem>>, vector<16xf32>,
      %add3A_4101 = arith.constant 126 : i32
      %add3A_4102 = arith.addi %mul3A_301, %add3A_4101 : i32
      %add3A_4103 = arith.constant 1 : i32
      %add3A_4104 = arith.addi %add3A_4102, %add3A_4103 : i32
      %get3A_4105 = arith.index_cast %add3A_4104 : i32 to index
      %get3A_4106 = arith.constant 16 : index
      %get3A_4107 = tpu.vector_load %arg6[%get3A_4105, %get3A_4106] {strides = array<i32>} : memref<768x64xf32, #tpu.memory_space<vmem>>, vector<16xf32>,
      %add3A_4108 = arith.constant 126 : i32
      %add3A_4109 = arith.addi %mul3A_301, %add3A_4108 : i32
      %add3A_4110 = arith.constant 1 : i32
      %add3A_4111 = arith.addi %add3A_4109, %add3A_4110 : i32
      %get3A_4112 = arith.index_cast %add3A_4111 : i32 to index
      %get3A_4113 = arith.constant 32 : index
      %get3A_4114 = tpu.vector_load %arg6[%get3A_4112, %get3A_4113] {strides = array<i32>} : memref<768x64xf32, #tpu.memory_space<vmem>>, vector<16xf32>,
      %add3A_4115 = arith.constant 126 : i32
      %add3A_4116 = arith.addi %mul3A_301, %add3A_4115 : i32
      %add3A_4117 = arith.constant 1 : i32
      %add3A_4118 = arith.addi %add3A_4116, %add3A_4117 : i32
      %get3A_4119 = arith.index_cast %add3A_4118 : i32 to index
      %get3A_4120 = arith.constant 48 : index
      %get3A_4121 = tpu.vector_load %arg6[%get3A_4119, %get3A_4120] {strides = array<i32>} : memref<768x64xf32, #tpu.memory_space<vmem>>, vector<16xf32>,
      tpu.vector_store_idx %arg7[%add3A_287, %rem3A_210, %broadcast_in_dim3A_4093], %get3A_4070 : memref<16x8x129xf32, #tpu.memory_space<vmem>>[vector<16xi32>, vector<16xi32>, vector<16xi32>], vector<16xf32>,
      tpu.vector_store_idx %arg7[%add3A_291, %rem3A_210, %broadcast_in_dim3A_4093], %get3A_4077 : memref<16x8x129xf32, #tpu.memory_space<vmem>>[vector<16xi32>, vector<16xi32>, vector<16xi32>], vector<16xf32>,
      tpu.vector_store_idx %arg7[%add3A_295, %rem3A_210, %broadcast_in_dim3A_4093], %get3A_4084 : memref<16x8x129xf32, #tpu.memory_space<vmem>>[vector<16xi32>, vector<16xi32>, vector<16xi32>], vector<16xf32>,
      tpu.vector_store_idx %arg7[%add3A_299, %rem3A_210, %broadcast_in_dim3A_4093], %get3A_4091 : memref<16x8x129xf32, #tpu.memory_space<vmem>>[vector<16xi32>, vector<16xi32>, vector<16xi32>], vector<16xf32>,
      %broadcast_in_dim3A_4122 = arith.constant 127 : i32
      %broadcast_in_dim3A_4123 = vector.broadcast %broadcast_in_dim3A_4122 : i32 to vector<16xi32>
      tpu.vector_store_idx %arg7[%add3A_287, %rem3A_210, %broadcast_in_dim3A_4123], %get3A_4100 : memref<16x8x129xf32, #tpu.memory_space<vmem>>[vector<16xi32>, vector<16xi32>, vector<16xi32>], vector<16xf32>,
      tpu.vector_store_idx %arg7[%add3A_291, %rem3A_210, %broadcast_in_dim3A_4123], %get3A_4107 : memref<16x8x129xf32, #tpu.memory_space<vmem>>[vector<16xi32>, vector<16xi32>, vector<16xi32>], vector<16xf32>,
      tpu.vector_store_idx %arg7[%add3A_295, %rem3A_210, %broadcast_in_dim3A_4123], %get3A_4114 : memref<16x8x129xf32, #tpu.memory_space<vmem>>[vector<16xi32>, vector<16xi32>, vector<16xi32>], vector<16xf32>,
      tpu.vector_store_idx %arg7[%add3A_299, %rem3A_210, %broadcast_in_dim3A_4123], %get3A_4121 : memref<16x8x129xf32, #tpu.memory_space<vmem>>[vector<16xi32>, vector<16xi32>, vector<16xi32>], vector<16xf32>,
      %add3A_4124 = arith.addi %mul3A_2, %scan3A_262 : i32
      %jit3A_4125 = arith.constant 128 : i32
      %div3A_4126 = arith.divsi %add3A_4124, %jit3A_4125 : i32
      %sign3A_4127 = arith.constant 0 : i32
      %sign3A_4128 = arith.cmpi sgt, %add3A_4124, %sign3A_4127 : i32
      %sign3A_4129 = arith.extui %sign3A_4128 : i1 to i32
      %sign3A_4130 = arith.constant 0 : i32
      %sign3A_4131 = arith.cmpi slt, %add3A_4124, %sign3A_4130 : i32
      %sign3A_4132 = arith.extui %sign3A_4131 : i1 to i32
      %sign3A_4133 = arith.subi %sign3A_4129, %sign3A_4132 : i32
      %sign3A_4134 = arith.constant 0 : i32
      %sign3A_4135 = arith.cmpi sgt, %jit3A_4125, %sign3A_4134 : i32
      %sign3A_4136 = arith.extui %sign3A_4135 : i1 to i32
      %sign3A_4137 = arith.constant 0 : i32
      %sign3A_4138 = arith.cmpi slt, %jit3A_4125, %sign3A_4137 : i32
      %sign3A_4139 = arith.extui %sign3A_4138 : i1 to i32
      %sign3A_4140 = arith.subi %sign3A_4136, %sign3A_4139 : i32
      %ne3A_4141 = arith.cmpi ne, %sign3A_4133, %sign3A_4140 : i32
      %rem3A_4142 = arith.remsi %add3A_4124, %jit3A_4125 : i32
      %ne3A_4143 = arith.constant 0 : i32
      %ne3A_4144 = arith.cmpi ne, %rem3A_4142, %ne3A_4143 : i32
      %and3A_4145 = arith.andi %ne3A_4141, %ne3A_4144 : i1
      %sub3A_4146 = arith.constant 1 : i32
      %sub3A_4147 = arith.subi %div3A_4126, %sub3A_4146 : i32
      %select_n3A_4148 = arith.select %and3A_4145, %sub3A_4147, %div3A_4126 : i32
      %rem3A_4149 = arith.constant 128 : i32
      %rem3A_4150 = arith.remsi %add3A_4124, %rem3A_4149 : i32
      %mul3A_4151 = arith.constant 8 : i32
      %mul3A_4152 = arith.muli %rem3A_267, %mul3A_4151 : i32
      %dma_start3A_4153 = arith.constant 0 : i32
      %dma_start3A_4154 = arith.constant 0 : i32
      %dma_start3A_4155 = tpu.memref_slice %arg7[%mul3A_4152, %dma_start3A_4153, %dma_start3A_4154] : memref<16x8x129xf32, #tpu.memory_space<vmem>> -> memref<8x8x128xf32, #tpu.memory_space<vmem>>
      %dma_start3A_4156 = arith.constant 0 : i32
      %dma_start3A_4157 = arith.constant 0 : i32
      %dma_start3A_4158 = arith.constant 0 : i32
      %dma_start3A_4159 = tpu.memref_slice %arg4[%select_n3A_4148, %dma_start3A_4156, %rem3A_4150, %dma_start3A_4157, %dma_start3A_4158] : memref<50x8x128x8x128xf32, #tpu.memory_space<hbm>> -> memref<1x8x1x8x128xf32, #tpu.memory_space<hbm>>
      %dma_start3A_4160 = tpu.memref_squeeze %dma_start3A_4159 : memref<1x8x1x8x128xf32, #tpu.memory_space<hbm>> -> memref<8x8x128xf32, #tpu.memory_space<hbm>>
      %dma_start3A_4161 = tpu.memref_slice %arg9[%rem3A_267] : memref<2x!tpu.dma_semaphore, #tpu.memory_space<semaphore_mem>> -> memref<1x!tpu.dma_semaphore, #tpu.memory_space<semaphore_mem>>
      %dma_start3A_4162 = tpu.memref_squeeze %dma_start3A_4161 : memref<1x!tpu.dma_semaphore, #tpu.memory_space<semaphore_mem>> -> memref<!tpu.dma_semaphore, #tpu.memory_space<semaphore_mem>>
      %dma_start3A_4163 = arith.constant 0 : i32
      %dma_start3A_4164 = arith.constant 0 : i32
      %dma_start3A_4165 = arith.constant 0 : i32
      %dma_start3A_4166 = tpu.memref_slice %arg4[%select_n3A_4148, %dma_start3A_4163, %rem3A_4150, %dma_start3A_4164, %dma_start3A_4165] : memref<50x8x128x8x128xf32, #tpu.memory_space<hbm>> -> memref<1x8x1x8x128xf32, #tpu.memory_space<hbm>>
      %dma_start3A_4167 = tpu.memref_squeeze %dma_start3A_4166 : memref<1x8x1x8x128xf32, #tpu.memory_space<hbm>> -> memref<8x8x128xf32, #tpu.memory_space<hbm>>
      %dma_start3A_4168 = arith.constant 0 : i32
      %dma_start3A_4169 = arith.constant 0 : i32
      %dma_start3A_4170 = tpu.memref_slice %arg7[%mul3A_4152, %dma_start3A_4168, %dma_start3A_4169] : memref<16x8x129xf32, #tpu.memory_space<vmem>> -> memref<8x8x128xf32, #tpu.memory_space<vmem>>
      tpu.enqueue_dma source(%dma_start3A_4170 : memref<8x8x128xf32, #tpu.memory_space<vmem>>) target(%dma_start3A_4167 : memref<8x8x128xf32, #tpu.memory_space<hbm>>) target_semaphore(%dma_start3A_4162 : memref<!tpu.dma_semaphore, #tpu.memory_space<semaphore_mem>>)
      %add3A_4171 = arith.constant 6 : i32
      %add3A_4172 = arith.addi %scan3A_262, %add3A_4171 : i32
      %lt3A = arith.constant 200 : i32
      %lt3A_4173 = arith.cmpi slt, %add3A_4172, %lt3A : i32
      %convert_element_type3A_4174 = arith.extui %lt3A_4173 : i1 to i32
      %cond3A_4175 = arith.constant 0 : i32
      %cond3A_4176 = arith.cmpi ne, %convert_element_type3A_4174, %cond3A_4175 : i32
      scf.if %cond3A_4176 {
        %add3A_4178 = arith.constant 6 : i32
        %add3A_4179 = arith.addi %scan3A_262, %add3A_4178 : i32
        %mul3A_4180 = arith.constant 128 : i32
        %mul3A_4181 = arith.muli %rem3A_265, %mul3A_4180 : i32
        %dma_start3A_4182 = arith.constant 0 : i32
        %dma_start3A_4183 = tpu.memref_slice %arg6[%mul3A_4181, %dma_start3A_4182] : memref<768x64xf32, #tpu.memory_space<vmem>> -> memref<128x64xf32, #tpu.memory_space<vmem>>
        %dma_start3A_4184 = arith.constant 0 : i32
        %dma_start3A_4185 = tpu.memref_slice %arg5[%add3A_4179, %dma_start3A_4184] : memref<200x128xi32, #tpu.memory_space<vmem>> -> memref<1x128xi32, #tpu.memory_space<vmem>>
        %dma_start3A_4186 = tpu.memref_squeeze %dma_start3A_4185 : memref<1x128xi32, #tpu.memory_space<vmem>> -> memref<128xi32, #tpu.memory_space<vmem>>
        %dma_start3A_4187 = arith.constant 0 : i32
        %dma_start3A_4188 = arith.constant 0 : i32
        %dma_start3A_4189 = tpu.memref_slice %arg3[%dma_start3A_4187, %dma_start3A_4188] : memref<1000000x64xf32, #tpu.memory_space<hbm>> -> memref<1000000x64xf32, #tpu.memory_space<hbm>>
        %dma_start3A_4190 = tpu.memref_slice %arg8[%rem3A_265] : memref<6x!tpu.dma_semaphore, #tpu.memory_space<semaphore_mem>> -> memref<1x!tpu.dma_semaphore, #tpu.memory_space<semaphore_mem>>
        %dma_start3A_4191 = tpu.memref_squeeze %dma_start3A_4190 : memref<1x!tpu.dma_semaphore, #tpu.memory_space<semaphore_mem>> -> memref<!tpu.dma_semaphore, #tpu.memory_space<semaphore_mem>>
        tpu.enqueue_indirect_dma source(%dma_start3A_4189 : memref<1000000x64xf32, #tpu.memory_space<hbm>>) target(%dma_start3A_4183 : memref<128x64xf32, #tpu.memory_space<vmem>>) offsets(%dma_start3A_4186 : memref<128xi32, #tpu.memory_space<vmem>>) semaphore(%dma_start3A_4191 : memref<!tpu.dma_semaphore, #tpu.memory_space<semaphore_mem>>)
      } else {
      }
      %scan3A_4177 = arith.constant 0 : i32
      scf.yield %scan3A_4177 : i32
    }
    %scan3A_216 = arith.constant 200 : i32
    %dma_wait3A = arith.constant 0 : i32
    %dma_wait3A_217 = arith.constant 0 : i32
    %dma_wait3A_218 = arith.constant 0 : i32
    %dma_wait3A_219 = arith.constant 0 : i32
    %dma_wait3A_220 = arith.constant 0 : i32
    %dma_wait3A_221 = arith.constant 0 : i32
    %dma_wait3A_222 = tpu.memref_slice %arg7[%dma_wait3A_219, %dma_wait3A_220, %dma_wait3A_221] : memref<16x8x129xf32, #tpu.memory_space<vmem>> -> memref<8x8x128xf32, #tpu.memory_space<vmem>>
    %dma_wait3A_223 = arith.constant 0 : i32
    %dma_wait3A_224 = arith.constant 0 : i32
    %dma_wait3A_225 = arith.constant 0 : i32
    %dma_wait3A_226 = tpu.memref_slice %arg4[%dma_wait3A, %dma_wait3A_223, %dma_wait3A_217, %dma_wait3A_224, %dma_wait3A_225] : memref<50x8x128x8x128xf32, #tpu.memory_space<hbm>> -> memref<1x8x1x8x128xf32, #tpu.memory_space<hbm>>
    %dma_wait3A_227 = tpu.memref_squeeze %dma_wait3A_226 : memref<1x8x1x8x128xf32, #tpu.memory_space<hbm>> -> memref<8x8x128xf32, #tpu.memory_space<hbm>>
    %dma_wait3A_228 = tpu.memref_slice %arg9[%dma_wait3A_218] : memref<2x!tpu.dma_semaphore, #tpu.memory_space<semaphore_mem>> -> memref<1x!tpu.dma_semaphore, #tpu.memory_space<semaphore_mem>>
    %dma_wait3A_229 = tpu.memref_squeeze %dma_wait3A_228 : memref<1x!tpu.dma_semaphore, #tpu.memory_space<semaphore_mem>> -> memref<!tpu.dma_semaphore, #tpu.memory_space<semaphore_mem>>
    %dma_wait3A_230 = arith.constant 0 : i32
    %dma_wait3A_231 = arith.constant 0 : i32
    %dma_wait3A_232 = arith.constant 0 : i32
    %dma_wait3A_233 = tpu.memref_slice %arg4[%dma_wait3A, %dma_wait3A_230, %dma_wait3A_217, %dma_wait3A_231, %dma_wait3A_232] : memref<50x8x128x8x128xf32, #tpu.memory_space<hbm>> -> memref<1x8x1x8x128xf32, #tpu.memory_space<hbm>>
    %dma_wait3A_234 = tpu.memref_squeeze %dma_wait3A_233 : memref<1x8x1x8x128xf32, #tpu.memory_space<hbm>> -> memref<8x8x128xf32, #tpu.memory_space<hbm>>
    %dma_wait3A_235 = arith.constant 0 : i32
    %dma_wait3A_236 = arith.constant 0 : i32
    %dma_wait3A_237 = arith.constant 0 : i32
    %dma_wait3A_238 = tpu.memref_slice %arg7[%dma_wait3A_235, %dma_wait3A_236, %dma_wait3A_237] : memref<16x8x129xf32, #tpu.memory_space<vmem>> -> memref<8x8x128xf32, #tpu.memory_space<vmem>>
    tpu.wait_dma2 semaphore(%dma_wait3A_229 : memref<!tpu.dma_semaphore, #tpu.memory_space<semaphore_mem>>) src(%dma_wait3A_238 : memref<8x8x128xf32, #tpu.memory_space<vmem>>) dst(%dma_wait3A_234 : memref<8x8x128xf32, #tpu.memory_space<hbm>>)
    %dma_wait3A_239 = arith.constant 0 : i32
    %dma_wait3A_240 = arith.constant 0 : i32
    %dma_wait3A_241 = arith.constant 1 : i32
    %dma_wait3A_242 = arith.constant 8 : i32
    %dma_wait3A_243 = arith.constant 0 : i32
    %dma_wait3A_244 = arith.constant 0 : i32
    %dma_wait3A_245 = tpu.memref_slice %arg7[%dma_wait3A_242, %dma_wait3A_243, %dma_wait3A_244] : memref<16x8x129xf32, #tpu.memory_space<vmem>> -> memref<8x8x128xf32, #tpu.memory_space<vmem>>
    %dma_wait3A_246 = arith.constant 0 : i32
    %dma_wait3A_247 = arith.constant 0 : i32
    %dma_wait3A_248 = arith.constant 0 : i32
    %dma_wait3A_249 = tpu.memref_slice %arg4[%dma_wait3A_239, %dma_wait3A_246, %dma_wait3A_240, %dma_wait3A_247, %dma_wait3A_248] : memref<50x8x128x8x128xf32, #tpu.memory_space<hbm>> -> memref<1x8x1x8x128xf32, #tpu.memory_space<hbm>>
    %dma_wait3A_250 = tpu.memref_squeeze %dma_wait3A_249 : memref<1x8x1x8x128xf32, #tpu.memory_space<hbm>> -> memref<8x8x128xf32, #tpu.memory_space<hbm>>
    %dma_wait3A_251 = tpu.memref_slice %arg9[%dma_wait3A_241] : memref<2x!tpu.dma_semaphore, #tpu.memory_space<semaphore_mem>> -> memref<1x!tpu.dma_semaphore, #tpu.memory_space<semaphore_mem>>
    %dma_wait3A_252 = tpu.memref_squeeze %dma_wait3A_251 : memref<1x!tpu.dma_semaphore, #tpu.memory_space<semaphore_mem>> -> memref<!tpu.dma_semaphore, #tpu.memory_space<semaphore_mem>>
    %dma_wait3A_253 = arith.constant 0 : i32
    %dma_wait3A_254 = arith.constant 0 : i32
    %dma_wait3A_255 = arith.constant 0 : i32
    %dma_wait3A_256 = tpu.memref_slice %arg4[%dma_wait3A_239, %dma_wait3A_253, %dma_wait3A_240, %dma_wait3A_254, %dma_wait3A_255] : memref<50x8x128x8x128xf32, #tpu.memory_space<hbm>> -> memref<1x8x1x8x128xf32, #tpu.memory_space<hbm>>
    %dma_wait3A_257 = tpu.memref_squeeze %dma_wait3A_256 : memref<1x8x1x8x128xf32, #tpu.memory_space<hbm>> -> memref<8x8x128xf32, #tpu.memory_space<hbm>>
    %dma_wait3A_258 = arith.constant 8 : i32
    %dma_wait3A_259 = arith.constant 0 : i32
    %dma_wait3A_260 = arith.constant 0 : i32
    %dma_wait3A_261 = tpu.memref_slice %arg7[%dma_wait3A_258, %dma_wait3A_259, %dma_wait3A_260] : memref<16x8x129xf32, #tpu.memory_space<vmem>> -> memref<8x8x128xf32, #tpu.memory_space<vmem>>
    tpu.wait_dma2 semaphore(%dma_wait3A_252 : memref<!tpu.dma_semaphore, #tpu.memory_space<semaphore_mem>>) src(%dma_wait3A_261 : memref<8x8x128xf32, #tpu.memory_space<vmem>>) dst(%dma_wait3A_257 : memref<8x8x128xf32, #tpu.memory_space<hbm>>)
    return
  }
}

</mosaic_0001>

<sc_bundles>
// kernel: kernel.3.cloned.1.call-start
scs
__scs_entry_jumppad:
0x0: {  	(pc) =	sbr.rel $0x88, $3  }
0x1: {  	(tag) =	ssettag $0x0;
	lr =	simm.s32 $0x1  }
0x2: {  	[smem:$0x3F9F] =	sst lr;
	_ =	strace $0xD0000000  }
0x3: {  	_ = 	snop  }
0x4: {  	_ = 	snop  }
0x5: {  	_ = 	snop  }
0x6: {  	_ = 	snop  }
0x7: {  	_ = 	snop  }
__scs_overlays_trampoline_lowered:
0x8: {  	[smem:$0x3FAE] =	sst s0  }
0x9: {  	[smem:$0x3FAF] =	sst s1  }
0xa: {  	[smem:$0x3FB0] =	sst s2  }
0xb: {  	[smem:$0x3FB1] =	sst s3  }
0xc: {  	[smem:$0x3FB2] =	sst s4  }
0xd: {  	[smem:$0x3FB3] =	sst s5  }
0xe: {  	[smem:$0x3FB4] =	sst s6  }
0xf: {  	[smem:$0x3FB5] =	sst s7  }
0x10: {  	[smem:$0x3FB6] =	sst s8  }
0x11: {  	[smem:$0x3FB7] =	sst s9;
	s0 =	simm.s32 @!p0 $0x0  }
0x12: {  	s1 =	sld [smem:$0x3F9D];
	s0 =	simm.s32 @p0 $0x1  }
0x13: {  	[smem:$0x3FB8] =	sst s0;
	s0 =	simm.s32 @!p1 $0x0  }
0x14: {  	s2 =	sld [smem:$0x3F9C];
	s0 =	simm.s32 @p1 $0x1  }
0x15: {  	[smem:$0x3FB9] =	sst s0;
	s0 =	simm.s32 @!p2 $0x0  }
0x16: {  	s3 =	sld [smem:$0x3FDB];
	s0 =	simm.s32 @p2 $0x1  }
0x17: {  	s4 =	simm.s32 $0x1BF5;
	[smem:$0x3FBB] =	sst s0  }
0x18: {  	s0 =	sld [smem:$0x3F9E];
	_ =	swait.ge [sflag:s4], $0x0  }
0x19: {  	s7 =	sld [smem:$0x3F9F]  }
0x1a: {  	s8 =	sadd.s32 $0xFFFFE003, lr  }
0x1b: {  	s9 =	sadd.s32 $0xFFFFFEF7, lr;
	s5 =	simm.s32 $0xFFFFFFFF;
	p2 =	slt.u32 s8, $0xFFFFF086  }
0x1c: {  	p1 =	slt.u32 s9, $0xF7A;
	s5 =	simm.s32 @!p2 $0x0  }
0x1d: {  	s5 =	simm.s32 @p1 $0x1;
	p0 =	seq.s32 s7, s2  }
0x1e: {  	s7 =	smul.u32 @!p0 $0xF7A, s2;
	p2 =	seq.s32 @!p0 s5, $0x0  }
0x1f: {  	s9 =	smul.u32 $0xF7A, s1;
	s8 =	simm.s32 @!p0 $0x1BF5;
	p2 =	por !p2, p0  }
0x20: {  	[sflag:s8] =	ssyncset.s32 @!p0 $0xFFFFF086;
	s6 =	sadd.s32 @!p0 s3, s7;
	s7 =	simm.s32 @!p0 $0x108  }
0x21: {  	s3 =	sadd.s32 s3, s9;
	s6 =	sadd.s32 @!p0 $0x88, s6;
	s7 =	simm.s32 @p2 $0x1082  }
0x22: {  	[simem:s7], [sflag:s8] =	dma.local @!p0 [hbm:s6], $0xF7A  }
0x23: {  	s9 =	sor.u32 $0xD0000000, s2;
	s6 =	simm.s32 $0x108;
	_ =	swait.ge @!p0 [sflag:s8], $0x0  }
0x24: {  	s3 =	sadd.s32 $0x88, s3;
	s6 =	simm.s32 @!p1 $0x1082;
	[sflag:s4] =	ssyncset.s32 $0xFFFFF086  }
0x25: {  	[simem:s6], [sflag:s4] =	dma.local [hbm:s3], $0xF7A  }
0x26: {  	[smem:$0x3F9F] =	sst s1;
	(tag) =	ssettag s2;
	_ =	strace s9  }
0x27: {  	s1 =	sld [smem:$0x3FAF]  }
0x28: {  	s2 =	sld [smem:$0x3FB0]  }
0x29: {  	s4 =	sld [smem:$0x3FB2]  }
0x2a: {  	p0 =	seq.s32 s5, $0x0;
	s5 =	sld [smem:$0x3FB3]  }
0x2b: {  	s6 =	sld [smem:$0x3FB4]  }
0x2c: {  	s7 =	sld [smem:$0x3FB5]  }
0x2d: {  	s3 =	simm.s32 $0x108;
	s8 =	sld [smem:$0x3FB6]  }
0x2e: {  	s3 =	simm.s32 @!p0 $0x1082;
	s9 =	sld [smem:$0x3FB7]  }
0x2f: {  	lr =	sadd.s32 s0, s3;
	s0 =	sld [smem:$0x3FAE]  }
0x30: {  	s3 =	sld [smem:$0x3FB1]  }
0x31: {  	[smem:$0x3FBA] =	sst s10  }
0x32: {  	s10 =	sld [smem:$0x3FB8];
	_ =	sdelay $0x3  }
0x33: {  	p0 =	seq.s32 s10, $0x1;
	s10 =	sld [smem:$0x3FBA];
	_ =	sdelay $0x3  }
0x34: {  	[smem:$0x3FBA] =	sst s10  }
0x35: {  	s10 =	sld [smem:$0x3FB9];
	_ =	sdelay $0x3  }
0x36: {  	p1 =	seq.s32 s10, $0x1;
	s10 =	sld [smem:$0x3FBA];
	_ =	sdelay $0x3  }
0x37: {  	[smem:$0x3FBA] =	sst s10  }
0x38: {  	s10 =	sld [smem:$0x3FBB]  }
0x39: {  	_ = 	snop;
	(pc) =	sbr.ind lr, $3  }
0x3a: {  	_ = 	snop  }
0x3b: {  	_ = 	snop  }
0x3c: {  	p2 =	seq.s32 s10, $0x1;
	s10 =	sld [smem:$0x3FBA]  }
0x3d: {  	_ =	shalt  }
0x3e: {  	_ =	shalt  }
0x3f: {  	_ =	shalt  }
0x40: {  	_ =	shalt  }
0x41: {  	_ =	shalt  }
0x42: {  	_ =	shalt  }
0x43: {  	_ =	shalt  }
0x44: {  	_ =	shalt  }
0x45: {  	_ =	shalt  }
0x46: {  	_ =	shalt  }
0x47: {  	_ =	shalt  }
0x48: {  	_ =	shalt  }
0x49: {  	_ =	shalt  }
0x4a: {  	_ =	shalt  }
0x4b: {  	_ =	shalt  }
0x4c: {  	_ =	shalt  }
0x4d: {  	_ =	shalt  }
0x4e: {  	_ =	shalt  }
0x4f: {  	_ =	shalt  }
0x50: {  	_ =	shalt  }
0x51: {  	_ =	shalt  }
0x52: {  	_ =	shalt  }
0x53: {  	_ =	shalt  }
0x54: {  	_ =	shalt  }
0x55: {  	_ =	shalt  }
0x56: {  	_ =	shalt  }
0x57: {  	_ =	shalt  }
0x58: {  	_ =	shalt  }
0x59: {  	_ =	shalt  }
0x5a: {  	_ =	shalt  }
0x5b: {  	_ =	shalt  }
0x5c: {  	_ =	shalt  }
0x5d: {  	_ =	shalt  }
0x5e: {  	_ =	shalt  }
0x5f: {  	_ =	shalt  }
0x60: {  	_ =	shalt  }
0x61: {  	_ =	shalt  }
0x62: {  	_ =	shalt  }
0x63: {  	_ =	shalt  }
0x64: {  	_ =	shalt  }
0x65: {  	_ =	shalt  }
0x66: {  	_ =	shalt  }
0x67: {  	_ =	shalt  }
0x68: {  	_ =	shalt  }
0x69: {  	_ =	shalt  }
0x6a: {  	_ =	shalt  }
0x6b: {  	_ =	shalt  }
0x6c: {  	_ =	shalt  }
0x6d: {  	_ =	shalt  }
0x6e: {  	_ =	shalt  }
0x6f: {  	_ =	shalt  }
0x70: {  	_ =	shalt  }
0x71: {  	_ =	shalt  }
0x72: {  	_ =	shalt  }
0x73: {  	_ =	shalt  }
0x74: {  	_ =	shalt  }
0x75: {  	_ =	shalt  }
0x76: {  	_ =	shalt  }
0x77: {  	_ =	shalt  }
0x78: {  	_ =	shalt  }
0x79: {  	_ =	shalt  }
0x7a: {  	_ =	shalt  }
0x7b: {  	_ =	shalt  }
0x7c: {  	_ =	shalt  }
0x7d: {  	_ =	shalt  }
0x7e: {  	_ =	shalt  }
0x7f: {  	_ =	shalt  }
0x80: {  	_ =	shalt  }
0x81: {  	_ =	shalt  }
0x82: {  	_ =	shalt  }
0x83: {  	_ =	shalt  }
0x84: {  	_ =	shalt  }
0x85: {  	_ =	shalt  }
0x86: {  	_ =	shalt  }
0x87: {  	_ =	shalt  }
.Lfunc_end0:
.L_simem_size_0:
called_computation_lowered:
.L_overlay_start_0:
0x88: {  	s2 =	sld [smem:$0x3FD9]  }
0x89: {  	s3 =	sld [smem:$0x3FFE];
	_ =	sdelay $0x1  }
0x8a: {  	s1 =	srdreg.scid  }
0x8b: {  	s0 =	sand.u32 $0x1, s1  }
0x8c: {  	s17 =	sshll.u32 s0, $0xA;
	s2 =	sadd.s32 s3, s2  }
0x8d: {  	s2 =	sadd.s32 s2, s17  }
0x8e: {  	[smem:$0x3FC6] =	sst s2  }
0x8f: {  	_ = 	snop  }
0x90: {  	s2 =	sld [smem:$0x3FD0];
	(tm) =	ssettm $0x1  }
0x91: {  	s18 =	sld [smem:$0x3FFB];
	_ =	sdelay $0x3  }
0x92: {  	_ =	strace s18  }
0x93: {  	s3 =	sld [smem:$0x3FFC];
	_ =	sdelay $0x3  }
0x94: {  	_ =	strace s3  }
0x95: {  	s3 =	sld [smem:$0x3FFD];
	_ =	sdelay $0x3  }
0x96: {  	_ =	strace s3  }
0x97: {  	_ =	strace $0x8FFFFFFF  }
0x98: {  	s19 =	sld [smem:$0x3FDB];
	_ =	sdelay $0x1  }
0x99: {  	s4 =	simm.s32 $_scs_section_size  }
0x9a: {  	s5 =	simm.s32 $_size__tile_overlayer_lowered;
	s6 =	simm.s32 $_tile_overlayer_lowered  }
0x9b: {  	s22 =	simm.s32 $0x1BFF;
	s21 =	sshll.u32 s6, $0x1;
	s3 =	sadd.s32 s4, s19  }
0x9c: {  	s7 =	simm.s32 $0x0;
	s20 =	sshll.u32 s5, $0x1;
	s5 =	sadd.s32 s21, s3  }
0x9d: {  	[timem:s7], [sflag:s22] =	dma.local [hbm:s5], s20  }
0x9e: {  	_ =	swait.ge [sflag:s22], s20  }
0x9f: {  	s4 =	ssub.s32 $0x0, s20;
	[sflag:s22] =	ssyncset.done $0x0  }
0xa0: {  	[sflag:s22] =	ssyncadd.s32 s4;
	_ =	sdelay $0x1  }
0xa1: {  	s23 =	simm.s32 $0x1B8B  }
0xa2: {  	_ =	swait.ge [sflag:s23], $0x1  }
0xa3: {  	[sflag:s23] =	ssyncset.done $0x0  }
0xa4: {  	s25 =	simm.s32 $0x1B8E;
	s24 =	sld [smem:$0x3FFE];
	[sflag:s23] =	ssyncadd.s32 $0xFFFFFFFF  }
0xa5: {  	s26 =	simm.s32 $execute0_lowered;
	[smem:$0x3FD2] =	sst s25  }
0xa6: {  	s5 =	sshll.u32 s26, $0x1;
	_ =	strace $0x80000046;
	[dreg:$0x1] =	wrdreg $0xFFFFFFFF  }
0xa7: {  	s28 =	simm.s32 $_size_execute0_lowered;
	s3 =	sadd.s32 s3, s5;
	[dreg:$0x0] =	wrdreg $0x0  }
0xa8: {  	s5 =	sshll.u32 s28, $0x1;
	[dreg:$0x2] =	wrdreg s3  }
0xa9: {  	[dreg:$0x3] =	wrdreg s5  }
0xaa: {  	[dreg:$0x4] =	wrdreg $0xC0  }
0xab: {  	_ =	task [dreg:s7], $0x5FFFF  }
0xac: {  	[dreg:$0x1] =	wrdreg $0xFFFFFFFF  }
0xad: {  	[dreg:$0x0] =	wrdreg $0x60  }
0xae: {  	[dreg:$0x2] =	wrdreg s24  }
0xaf: {  	[dreg:$0x3] =	wrdreg s2  }
0xb0: {  	[dreg:$0x4] =	wrdreg $0x9  }
0xb1: {  	_ =	task.clear_ibuf [dreg:s7], $0x5FFFF;
	_ =	strace $0x90000046  }
0xb2: {  	s29 =	simm.s32 $0x9;
	_ =	strace $0x80000048  }
0xb3: {  	_ =	swait.ge [sflag:s29], $0x1  }
0xb4: {  	[sflag:s29] =	ssyncadd.s32 $0xFFFFFFFF  }
0xb5: {  	_ =	strace $0x90000048  }
0xb6: {  	_ =	sfence  }
0xb7: {  	s30 =	sld [smem:$0x0];
	_ =	sdelay $0x2  }
0xb8: {  	s31 =	sshll.u32 s1, $0xD;
	s1 =	sshrl.u32 s1, $0x2  }
0xb9: {  	s3 =	sand.u32 $0x4000, s31;
	s1 =	sadd.s32 s1, s30  }
0xba: {  	s0 =	sor.u32 s3, s0;
	s1 =	sshll.u32 s1, $0x11  }
0xbb: {  	s0 =	sor.u32 s1, s0  }
0xbc: {  	s0 =	sadd.s32 $0x8F2B, s0  }
0xbd: {  	[sflag:s0] =	ssyncadd.remote.s32 $0x1  }
0xbe: {  	_ =	sfence.sel $0xFFFF  }
0xbf: {  	[dreg:$0x0] =	wrdreg $0xFFFFFFFF;
	(pc) =	sbr.abs _section_cstart, $3  }
0xc0: {  	[dreg:$0x1] =	wrdreg $0xFFFFFFFF  }
0xc1: {  	_ =	task.clear_ibuf [dreg:s7], $0x2FFFF;
	_ =	strace $0x9FFFFFFF  }
0xc2: {  	(tm) =	ssettm $0x7FFFFFFF  }
0xc3: {  	_ =	shalt  }
tec
execute0_lowered:
.L_overlay_start_1:
0x0: {  	(tag) =	ssettag $0x1  }
0x1: {  	v0 =	vlaneseq.u32  }
0x2: {  	v0 =	vmul.u32 $0x88, v0;
	_ =	sdelay $0x1  }
0x3: {  	v1 =	vadd.s32 $0x880, v0;
	v16 =	vor.u32 $0x4, v0;
	v17 =	vadd.s32 $0x884, v0  }
0x4: {  	v18 =	vadd.s32 $0x1104, v0;
	v19 =	vadd.s32 $0x1984, v0;
	v20 =	vor.u32 $0x5, v0  }
0x5: {  	v21 =	vadd.s32 $0x885, v0;
	v22 =	vadd.s32 $0x1105, v0;
	v23 =	vadd.s32 $0x1985, v0  }
0x6: {  	v24 =	vor.u32 $0x6, v0;
	v25 =	vadd.s32 $0x886, v0;
	v26 =	vadd.s32 $0x1106, v0  }
0x7: {  	v27 =	vadd.s32 $0x1986, v0;
	v28 =	vor.u32 $0x7, v0;
	v29 =	vadd.s32 $0x887, v0  }
0x8: {  	v30 =	vadd.s32 $0x1107, v0;
	v31 =	vadd.s32 $0x1987, v0;
	[tilespmem:$0x1FF10] =	vst v1;
	v1 =	vadd.s32 $0x1100, v0  }
0x9: {  	v32 =	vadd.s32 $0x8, v0;
	v33 =	vadd.s32 $0x888, v0;
	[tilespmem:$0x1FF20] =	vst v1;
	v1 =	vadd.s32 $0x1980, v0  }
0xa: {  	v34 =	vadd.s32 $0x1108, v0;
	v35 =	vadd.s32 $0x1988, v0;
	[tilespmem:$0x1FF30] =	vst v1;
	v1 =	vor.u32 $0x1, v0  }
0xb: {  	v36 =	vadd.s32 $0x9, v0;
	v37 =	vadd.s32 $0x889, v0;
	[tilespmem:$0x1FF40] =	vst v1;
	v1 =	vadd.s32 $0x881, v0  }
0xc: {  	s0 =	srdreg.scid;
	v38 =	vadd.s32 $0x1109, v0;
	v39 =	vadd.s32 $0x1989, v0;
	[tilespmem:$0x1FF50] =	vst v1;
	v1 =	vadd.s32 $0x1101, v0  }
0xd: {  	s2 =	stileid.u32;
	s1 =	rddreg [dreg:$0x0];
	v40 =	vadd.s32 $0xA, v0;
	v41 =	vadd.s32 $0x88A, v0;
	[tilespmem:$0x1FF60] =	vst v1;
	v1 =	vadd.s32 $0x1981, v0  }
0xe: {  	s8 =	simm.s32 $0x9;
	s13 =	simm.s32 $0xA400;
	s14 =	simm.s32 $0x180;
	v42 =	vadd.s32 $0x110A, v0;
	v43 =	vadd.s32 $0x198A, v0;
	[tilespmem:$0x1FF70] =	vst v1;
	v1 =	vor.u32 $0x2, v0  }
0xf: {  	s9 =	simm.s32 $0x80;
	s15 =	simm.s32 $0xC400;
	s16 =	simm.s32 $0x200;
	v44 =	vadd.s32 $0xB, v0;
	v45 =	vadd.s32 $0x88B, v0;
	[tilespmem:$0x1FF80] =	vst v1;
	v1 =	vadd.s32 $0x882, v0  }
0x10: {  	s12 =	simm.s32 $0x100;
	s17 =	simm.s32 $0xE400;
	s18 =	simm.s32 $0x280;
	v46 =	vadd.s32 $0x110B, v0;
	v47 =	vadd.s32 $0x198B, v0;
	[tilespmem:$0x1FF90] =	vst v1;
	v1 =	vadd.s32 $0x1102, v0  }
0x11: {  	s19 =	simm.s32 $0x10400;
	s20 =	simm.s32 $0x12400;
	s21 =	simm.s32 $0x7;
	v48 =	vadd.s32 $0xC, v0;
	v49 =	vadd.s32 $0x88C, v0;
	[tilespmem:$0x1FFA0] =	vst v1;
	v1 =	vadd.s32 $0x1982, v0  }
0x12: {  	s22 =	simm.s32 $0x8;
	s0 =	sand.u32 $0x1, s0;
	s3 =	sshll.u32 s2, $0x1;
	v50 =	vadd.s32 $0x110C, v0;
	v51 =	vadd.s32 $0x198C, v0;
	[tilespmem:$0x1FFB0] =	vst v1;
	v1 =	vor.u32 $0x3, v0  }
0x13: {  	s23 =	simm.s32 $0x0;
	s2 =	rddreg [dreg:$0x1];
	s5 =	sor.u32 s0, s3;
	v52 =	vadd.s32 $0xD, v0;
	v53 =	vadd.s32 $0x88D, v0;
	[tilespmem:$0x1FFC0] =	vst v1;
	v1 =	vadd.s32 $0x883, v0  }
0x14: {  	s3 =	simm.s32 $0x0;
	s0 =	ssub.s32 $0x2, s0;
	s4 =	smul.u32 $0xC80, s5;
	v54 =	vadd.s32 $0x110D, v0;
	v55 =	vadd.s32 $0x198D, v0;
	[tilespmem:$0x1FFD0] =	vst v1;
	v1 =	vadd.s32 $0x1103, v0  }
0x15: {  	[smem:$0x7FF] =	sst s3;
	s7 =	sshrl.u32 s0, $0x1;
	s5 =	smul.u32 $0xC8, s5;
	v56 =	vadd.s32 $0xE, v0;
	v57 =	vadd.s32 $0x88E, v0;
	[tilespmem:$0x1FFE0] =	vst v1;
	v1 =	vadd.s32 $0x1983, v0  }
0x16: {  	v58 =	vadd.s32 $0x110E, v0;
	v59 =	vadd.s32 $0x198E, v0;
	v60 =	vadd.s32 $0xF, v0;
	s0 =	ssub.s32 s0, s7;
	s6 =	sadd.s32 s4, s1;
	s4 =	sadd.s32 $0xF42A00, s1;
	[tilespmem:$0x1FFF0] =	vst v1  }
0x17: {  	v61 =	vadd.s32 $0x88F, v0;
	v62 =	vadd.s32 $0x110F, v0;
	v63 =	vadd.s32 $0x198F, v0;
	s7 =	smax.u32 s0, $0x1;
	s6 =	sadd.s32 $0x600, s6;
	_ =	strace $0x80000047  }
.LBB2_1:
0x18: {  	[tilespmem:s3], [sflag:$0x9] =	stream.linear.gather [hbm4b:s6+s3], $0x6400, $0x38;
	[tilespmem:$0x16800] =	vst v63  }
0x19: {  	_ =	swait.ge [sflag:s8], $0x6400  }
0x1a: {  	[sflag:s8] =	ssyncset.done $0x0  }
0x1b: {  	s0 =	simm.s32 $0x6400;
	[sflag:s8] =	ssyncadd.s32 $0xFFFF9C00  }
0x1c: {  	[tilespmem:s0], [sflag:$0x1] =	stream.indirect.gather [hbm4b:s4+s9], $0x40, s3, s9, $0xb8;
	[tilespmem:$0x16800] =	vst v63  }
0x1d: {  	s31 =	simm.s32 $0x8400  }
0x1e: {  	[tilespmem:s31], [sflag:$0x2] =	stream.indirect.gather [hbm4b:s4+s9], $0x40, s9, s9, $0xb8;
	[tilespmem:$0x16800] =	vst v63  }
0x1f: {  	_ = 	snop  }
0x20: {  	[tilespmem:s13], [sflag:$0x3] =	stream.indirect.gather [hbm4b:s4+s9], $0x40, s12, s9, $0xb8;
	[tilespmem:$0x16800] =	vst v63  }
0x21: {  	_ = 	snop  }
0x22: {  	[tilespmem:s15], [sflag:$0x4] =	stream.indirect.gather [hbm4b:s4+s9], $0x40, s14, s9, $0xb8;
	[tilespmem:$0x16800] =	vst v63  }
0x23: {  	_ = 	snop  }
0x24: {  	[tilespmem:s17], [sflag:$0x5] =	stream.indirect.gather [hbm4b:s4+s9], $0x40, s16, s9, $0xb8;
	[tilespmem:$0x16800] =	vst v63  }
0x25: {  	p0 =	por $0x0, $0x0;
	s24 =	simm.s32 $0x0  }
0x26: {  	[tilespmem:s19], [sflag:$0x6] =	stream.indirect.gather [hbm4b:s4+s9], $0x40, s18, s9, $0xb8;
	[tilespmem:$0x16800] =	vst v63  }
.LBB2_2:
0x27: {  	s0 =	smul.u32 $0xAB, s24;
	_ =	sdelay $0x1  }
0x28: {  	s0 =	sshrl.u32 s0, $0xA  }
0x29: {  	s0 =	sand.u32 $0x3F, s0  }
0x2a: {  	s0 =	smul.u32 $0x6, s0;
	_ =	sdelay $0x1  }
0x2b: {  	s0 =	ssub.s32 s24, s0  }
0x2c: {  	s0 =	sand.u32 $0xFF, s0  }
0x2d: {  	s25 =	sadd.s32 $0x1, s0  }
0x2e: {  	_ =	swait.ge [sflag:s25], $0x2000  }
0x2f: {  	s28 =	sand.u32 $0x1, s24;
	p1 =	slt.u32 s24, $0x2;
	[sflag:s25] =	ssyncset.done $0x0  }
0x30: {  	s1 =	sadd.s32 @!p1 $0x7, s28;
	[sflag:s25] =	ssyncadd.s32 $0xFFFFE000  }
0x31: {  	s10 =	sshll.u32 s28, $0x3;
	_ =	swait.ge @!p1 [sflag:s1], $0x2000  }
0x32: {  	v1 =	vmov s10;
	v8 =	vld [tilespmem:$0x1FF10]  }
0x33: {  	v1 =	vmul.u32 $0x440, v1;
	[sflag:s1] =	ssyncset.done @!p1 $0x0;
	v10 =	vld [tilespmem:$0x1FF20]  }
0x34: {  	s26 =	sshll.u32 s0, $0xD;
	v12 =	vld [tilespmem:$0x1FF30];
	[sflag:s1] =	ssyncadd.s32 @!p1 $0xFFFFE000  }
0x35: {  	v1 =	vbroadcast v1, $0x0;
	v2 =	vld [tilespmem:s26+$0x6400]  }
0x36: {  	v3 =	vld [tilespmem:s26+$0x6410]  }
0x37: {  	v6 =	vadd.s32 v0, v1;
	v4 =	vld [tilespmem:s26+$0x6420]  }
0x38: {  	v5 =	vld [tilespmem:s26+$0x6430];
	v8 =	vadd.s32 v8, v1  }
0x39: {  	v7 =	vld [tilespmem:s26+$0x6440];
	v10 =	vadd.s32 v10, v1  }
0x3a: {  	v9 =	vld [tilespmem:s26+$0x6450];
	v12 =	vadd.s32 v12, v1  }
0x3b: {  	v11 =	vld [tilespmem:s26+$0x6460]  }
0x3c: {  	v13 =	vld [tilespmem:s26+$0x6470];
	[tilespmem:v6+s20+$0x0] =	vst.idx.msk $0xffff, v2  }
0x3d: {  	v2 =	vld [tilespmem:$0x1FF40];
	[tilespmem:v8+s20+$0x0] =	vst.idx.msk $0xffff, v3  }
0x3e: {  	[tilespmem:v10+s20+$0x0] =	vst.idx.msk $0xffff, v4;
	v10 =	vld [tilespmem:$0x1FF50]  }
0x3f: {  	[tilespmem:v12+s20+$0x0] =	vst.idx.msk $0xffff, v5;
	v12 =	vld [tilespmem:$0x1FF60]  }
0x40: {  	v14 =	vld [tilespmem:$0x1FF70];
	_ =	sdelay $0x1  }
0x41: {  	v2 =	vadd.s32 v2, v1  }
0x42: {  	v4 =	vadd.s32 v10, v1  }
0x43: {  	v3 =	vld [tilespmem:s26+$0x6480];
	v6 =	vadd.s32 v12, v1  }
0x44: {  	v5 =	vld [tilespmem:s26+$0x6490];
	v10 =	vadd.s32 v14, v1  }
0x45: {  	v8 =	vld [tilespmem:s26+$0x64A0]  }
0x46: {  	v12 =	vld [tilespmem:s26+$0x64B0];
	[tilespmem:v2+s20+$0x0] =	vst.idx.msk $0xffff, v7  }
0x47: {  	v2 =	vld [tilespmem:$0x1FF80];
	[tilespmem:v4+s20+$0x0] =	vst.idx.msk $0xffff, v9  }
0x48: {  	[tilespmem:v6+s20+$0x0] =	vst.idx.msk $0xffff, v11;
	v11 =	vld [tilespmem:$0x1FF90]  }
0x49: {  	[tilespmem:v10+s20+$0x0] =	vst.idx.msk $0xffff, v13;
	v13 =	vld [tilespmem:$0x1FFA0]  }
0x4a: {  	v14 =	vld [tilespmem:$0x1FFB0];
	_ =	sdelay $0x1  }
0x4b: {  	v2 =	vadd.s32 v2, v1  }
0x4c: {  	v6 =	vadd.s32 v11, v1  }
0x4d: {  	v4 =	vld [tilespmem:s26+$0x64C0];
	v9 =	vadd.s32 v13, v1  }
0x4e: {  	v7 =	vld [tilespmem:s26+$0x64D0];
	v11 =	vadd.s32 v14, v1  }
0x4f: {  	v10 =	vld [tilespmem:s26+$0x64E0]  }
0x50: {  	v13 =	vld [tilespmem:s26+$0x64F0];
	[tilespmem:v2+s20+$0x0] =	vst.idx.msk $0xffff, v3  }
0x51: {  	[tilespmem:v6+s20+$0x0] =	vst.idx.msk $0xffff, v5  }
0x52: {  	v2 =	vld [tilespmem:$0x1FFC0];
	[tilespmem:v9+s20+$0x0] =	vst.idx.msk $0xffff, v8  }
0x53: {  	[tilespmem:v11+s20+$0x0] =	vst.idx.msk $0xffff, v12;
	v11 =	vld [tilespmem:$0x1FFD0]  }
0x54: {  	v12 =	vld [tilespmem:$0x1FFE0]  }
0x55: {  	v14 =	vld [tilespmem:$0x1FFF0];
	_ =	sdelay $0x1  }
0x56: {  	v2 =	vadd.s32 v2, v1  }
0x57: {  	v5 =	vadd.s32 v11, v1  }
0x58: {  	v3 =	vld [tilespmem:s26+$0x6500];
	v8 =	vadd.s32 v12, v1  }
0x59: {  	v6 =	vld [tilespmem:s26+$0x6510];
	v11 =	vadd.s32 v14, v1  }
0x5a: {  	v9 =	vld [tilespmem:s26+$0x6520]  }
0x5b: {  	v12 =	vld [tilespmem:s26+$0x6530];
	[tilespmem:v2+s20+$0x0] =	vst.idx.msk $0xffff, v4  }
0x5c: {  	[tilespmem:v5+s20+$0x0] =	vst.idx.msk $0xffff, v7  }
0x5d: {  	v2 =	vadd.s32 v16, v1;
	[tilespmem:v8+s20+$0x0] =	vst.idx.msk $0xffff, v10  }
0x5e: {  	v5 =	vadd.s32 v17, v1;
	[tilespmem:v11+s20+$0x0] =	vst.idx.msk $0xffff, v13  }
0x5f: {  	v8 =	vadd.s32 v18, v1;
	v4 =	vld [tilespmem:s26+$0x6540]  }
0x60: {  	v11 =	vadd.s32 v19, v1;
	v7 =	vld [tilespmem:s26+$0x6550]  }
0x61: {  	v10 =	vld [tilespmem:s26+$0x6560]  }
0x62: {  	v13 =	vld [tilespmem:s26+$0x6570];
	[tilespmem:v2+s20+$0x0] =	vst.idx.msk $0xffff, v3  }
0x63: {  	[tilespmem:v5+s20+$0x0] =	vst.idx.msk $0xffff, v6  }
0x64: {  	v2 =	vadd.s32 v20, v1;
	[tilespmem:v8+s20+$0x0] =	vst.idx.msk $0xffff, v9  }
0x65: {  	v5 =	vadd.s32 v21, v1;
	[tilespmem:v11+s20+$0x0] =	vst.idx.msk $0xffff, v12  }
0x66: {  	v8 =	vadd.s32 v22, v1;
	v3 =	vld [tilespmem:s26+$0x6580]  }
0x67: {  	v11 =	vadd.s32 v23, v1;
	v6 =	vld [tilespmem:s26+$0x6590]  }
0x68: {  	v9 =	vld [tilespmem:s26+$0x65A0]  }
0x69: {  	v12 =	vld [tilespmem:s26+$0x65B0];
	[tilespmem:v2+s20+$0x0] =	vst.idx.msk $0xffff, v4  }
0x6a: {  	[tilespmem:v5+s20+$0x0] =	vst.idx.msk $0xffff, v7  }
0x6b: {  	v2 =	vadd.s32 v24, v1;
	[tilespmem:v8+s20+$0x0] =	vst.idx.msk $0xffff, v10  }
0x6c: {  	v5 =	vadd.s32 v25, v1;
	[tilespmem:v11+s20+$0x0] =	vst.idx.msk $0xffff, v13  }
0x6d: {  	v8 =	vadd.s32 v26, v1;
	v4 =	vld [tilespmem:s26+$0x65C0]  }
0x6e: {  	v11 =	vadd.s32 v27, v1;
	v7 =	vld [tilespmem:s26+$0x65D0]  }
0x6f: {  	v10 =	vld [tilespmem:s26+$0x65E0]  }
0x70: {  	v13 =	vld [tilespmem:s26+$0x65F0];
	[tilespmem:v2+s20+$0x0] =	vst.idx.msk $0xffff, v3  }
0x71: {  	[tilespmem:v5+s20+$0x0] =	vst.idx.msk $0xffff, v6  }
0x72: {  	v2 =	vadd.s32 v28, v1;
	[tilespmem:v8+s20+$0x0] =	vst.idx.msk $0xffff, v9  }
0x73: {  	v5 =	vadd.s32 v29, v1;
	[tilespmem:v11+s20+$0x0] =	vst.idx.msk $0xffff, v12  }
0x74: {  	v8 =	vadd.s32 v30, v1;
	v3 =	vld [tilespmem:s26+$0x6600]  }
0x75: {  	v11 =	vadd.s32 v31, v1;
	v6 =	vld [tilespmem:s26+$0x6610]  }
0x76: {  	v9 =	vld [tilespmem:s26+$0x6620]  }
0x77: {  	v12 =	vld [tilespmem:s26+$0x6630];
	[tilespmem:v2+s20+$0x0] =	vst.idx.msk $0xffff, v4  }
0x78: {  	[tilespmem:v5+s20+$0x0] =	vst.idx.msk $0xffff, v7  }
0x79: {  	v2 =	vadd.s32 v32, v1;
	[tilespmem:v8+s20+$0x0] =	vst.idx.msk $0xffff, v10  }
0x7a: {  	v5 =	vadd.s32 v33, v1;
	[tilespmem:v11+s20+$0x0] =	vst.idx.msk $0xffff, v13  }
0x7b: {  	v8 =	vadd.s32 v34, v1;
	v4 =	vld [tilespmem:s26+$0x6640]  }
0x7c: {  	v11 =	vadd.s32 v35, v1;
	v7 =	vld [tilespmem:s26+$0x6650]  }
0x7d: {  	v10 =	vld [tilespmem:s26+$0x6660]  }
0x7e: {  	v13 =	vld [tilespmem:s26+$0x6670];
	[tilespmem:v2+s20+$0x0] =	vst.idx.msk $0xffff, v3  }
0x7f: {  	[tilespmem:v5+s20+$0x0] =	vst.idx.msk $0xffff, v6  }
0x80: {  	v2 =	vadd.s32 v36, v1;
	[tilespmem:v8+s20+$0x0] =	vst.idx.msk $0xffff, v9  }
0x81: {  	v5 =	vadd.s32 v37, v1;
	[tilespmem:v11+s20+$0x0] =	vst.idx.msk $0xffff, v12  }
0x82: {  	v8 =	vadd.s32 v38, v1;
	v3 =	vld [tilespmem:s26+$0x6680]  }
0x83: {  	v11 =	vadd.s32 v39, v1;
	v6 =	vld [tilespmem:s26+$0x6690]  }
0x84: {  	v9 =	vld [tilespmem:s26+$0x66A0]  }
0x85: {  	v12 =	vld [tilespmem:s26+$0x66B0];
	[tilespmem:v2+s20+$0x0] =	vst.idx.msk $0xffff, v4  }
0x86: {  	[tilespmem:v5+s20+$0x0] =	vst.idx.msk $0xffff, v7  }
0x87: {  	v2 =	vadd.s32 v40, v1;
	[tilespmem:v8+s20+$0x0] =	vst.idx.msk $0xffff, v10  }
0x88: {  	v5 =	vadd.s32 v41, v1;
	[tilespmem:v11+s20+$0x0] =	vst.idx.msk $0xffff, v13  }
0x89: {  	v8 =	vadd.s32 v42, v1;
	v4 =	vld [tilespmem:s26+$0x66C0]  }
0x8a: {  	v11 =	vadd.s32 v43, v1;
	v7 =	vld [tilespmem:s26+$0x66D0]  }
0x8b: {  	v10 =	vld [tilespmem:s26+$0x66E0]  }
0x8c: {  	v13 =	vld [tilespmem:s26+$0x66F0];
	[tilespmem:v2+s20+$0x0] =	vst.idx.msk $0xffff, v3  }
0x8d: {  	[tilespmem:v5+s20+$0x0] =	vst.idx.msk $0xffff, v6  }
0x8e: {  	v2 =	vadd.s32 v44, v1;
	[tilespmem:v8+s20+$0x0] =	vst.idx.msk $0xffff, v9  }
0x8f: {  	v5 =	vadd.s32 v45, v1;
	[tilespmem:v11+s20+$0x0] =	vst.idx.msk $0xffff, v12  }
0x90: {  	v8 =	vadd.s32 v46, v1;
	v3 =	vld [tilespmem:s26+$0x6700]  }
0x91: {  	v11 =	vadd.s32 v47, v1;
	v6 =	vld [tilespmem:s26+$0x6710]  }
0x92: {  	v9 =	vld [tilespmem:s26+$0x6720]  }
0x93: {  	v12 =	vld [tilespmem:s26+$0x6730];
	[tilespmem:v2+s20+$0x0] =	vst.idx.msk $0xffff, v4  }
0x94: {  	[tilespmem:v5+s20+$0x0] =	vst.idx.msk $0xffff, v7  }
0x95: {  	v2 =	vadd.s32 v48, v1;
	[tilespmem:v8+s20+$0x0] =	vst.idx.msk $0xffff, v10  }
0x96: {  	v5 =	vadd.s32 v49, v1;
	[tilespmem:v11+s20+$0x0] =	vst.idx.msk $0xffff, v13  }
0x97: {  	v8 =	vadd.s32 v50, v1;
	v4 =	vld [tilespmem:s26+$0x6740]  }
0x98: {  	v11 =	vadd.s32 v51, v1;
	v7 =	vld [tilespmem:s26+$0x6750]  }
0x99: {  	v10 =	vld [tilespmem:s26+$0x6760]  }
0x9a: {  	v13 =	vld [tilespmem:s26+$0x6770];
	[tilespmem:v2+s20+$0x0] =	vst.idx.msk $0xffff, v3  }
0x9b: {  	[tilespmem:v5+s20+$0x0] =	vst.idx.msk $0xffff, v6  }
0x9c: {  	v2 =	vadd.s32 v52, v1;
	[tilespmem:v8+s20+$0x0] =	vst.idx.msk $0xffff, v9  }
0x9d: {  	v5 =	vadd.s32 v53, v1;
	[tilespmem:v11+s20+$0x0] =	vst.idx.msk $0xffff, v12  }
0x9e: {  	v8 =	vadd.s32 v54, v1;
	v3 =	vld [tilespmem:s26+$0x6780]  }
0x9f: {  	v11 =	vadd.s32 v55, v1;
	v6 =	vld [tilespmem:s26+$0x6790]  }
0xa0: {  	v9 =	vld [tilespmem:s26+$0x67A0]  }
0xa1: {  	v12 =	vld [tilespmem:s26+$0x67B0];
	[tilespmem:v2+s20+$0x0] =	vst.idx.msk $0xffff, v4  }
0xa2: {  	[tilespmem:v5+s20+$0x0] =	vst.idx.msk $0xffff, v7  }
0xa3: {  	v2 =	vadd.s32 v56, v1;
	[tilespmem:v8+s20+$0x0] =	vst.idx.msk $0xffff, v10  }
0xa4: {  	v5 =	vadd.s32 v57, v1;
	[tilespmem:v11+s20+$0x0] =	vst.idx.msk $0xffff, v13  }
0xa5: {  	v8 =	vadd.s32 v58, v1;
	v4 =	vld [tilespmem:s26+$0x67C0]  }
0xa6: {  	v11 =	vadd.s32 v59, v1;
	v7 =	vld [tilespmem:s26+$0x67D0]  }
0xa7: {  	v10 =	vld [tilespmem:s26+$0x67E0]  }
0xa8: {  	v13 =	vld [tilespmem:s26+$0x67F0];
	[tilespmem:v2+s20+$0x0] =	vst.idx.msk $0xffff, v3  }
0xa9: {  	[tilespmem:v5+s20+$0x0] =	vst.idx.msk $0xffff, v6  }
0xaa: {  	v2 =	vadd.s32 v60, v1;
	[tilespmem:v8+s20+$0x0] =	vst.idx.msk $0xffff, v9  }
0xab: {  	v5 =	vadd.s32 v61, v1;
	[tilespmem:v11+s20+$0x0] =	vst.idx.msk $0xffff, v12  }
0xac: {  	v8 =	vadd.s32 v62, v1;
	v3 =	vld [tilespmem:s26+$0x6800]  }
0xad: {  	v11 =	vadd.s32 v63, v1;
	v6 =	vld [tilespmem:s26+$0x6810]  }
0xae: {  	v9 =	vld [tilespmem:s26+$0x6820]  }
0xaf: {  	v12 =	vld [tilespmem:s26+$0x6830];
	[tilespmem:v2+s20+$0x0] =	vst.idx.msk $0xffff, v4  }
0xb0: {  	[tilespmem:v5+s20+$0x0] =	vst.idx.msk $0xffff, v7  }
0xb1: {  	v2 =	vadd.s32 $0x10, v0;
	[tilespmem:v8+s20+$0x0] =	vst.idx.msk $0xffff, v10  }
0xb2: {  	v2 =	vadd.s32 v2, v1;
	[tilespmem:v11+s20+$0x0] =	vst.idx.msk $0xffff, v13;
	v11 =	vadd.s32 $0x890, v0  }
0xb3: {  	v13 =	vadd.s32 $0x1110, v0;
	v4 =	vadd.s32 v11, v1  }
0xb4: {  	v14 =	vadd.s32 $0x1990, v0;
	v5 =	vld [tilespmem:s26+$0x6840];
	v7 =	vadd.s32 v13, v1  }
0xb5: {  	v10 =	vadd.s32 v14, v1;
	v8 =	vld [tilespmem:s26+$0x6850]  }
0xb6: {  	v11 =	vld [tilespmem:s26+$0x6860]  }
0xb7: {  	v13 =	vld [tilespmem:s26+$0x6870];
	[tilespmem:v2+s20+$0x0] =	vst.idx.msk $0xffff, v3  }
0xb8: {  	v2 =	vadd.s32 $0x11, v0;
	[tilespmem:v4+s20+$0x0] =	vst.idx.msk $0xffff, v6  }
0xb9: {  	v3 =	vadd.s32 $0x891, v0;
	v2 =	vadd.s32 v2, v1;
	[tilespmem:v7+s20+$0x0] =	vst.idx.msk $0xffff, v9  }
0xba: {  	v3 =	vadd.s32 v3, v1;
	[tilespmem:v10+s20+$0x0] =	vst.idx.msk $0xffff, v12;
	v10 =	vadd.s32 $0x1111, v0  }
0xbb: {  	v12 =	vadd.s32 $0x1991, v0;
	v4 =	vld [tilespmem:s26+$0x6880];
	v6 =	vadd.s32 v10, v1  }
0xbc: {  	v7 =	vld [tilespmem:s26+$0x6890];
	v9 =	vadd.s32 v12, v1  }
0xbd: {  	v10 =	vld [tilespmem:s26+$0x68A0]  }
0xbe: {  	v12 =	vld [tilespmem:s26+$0x68B0];
	[tilespmem:v2+s20+$0x0] =	vst.idx.msk $0xffff, v5  }
0xbf: {  	v2 =	vadd.s32 $0x12, v0;
	[tilespmem:v3+s20+$0x0] =	vst.idx.msk $0xffff, v8  }
0xc0: {  	v2 =	vadd.s32 v2, v1;
	v3 =	vadd.s32 $0x892, v0;
	[tilespmem:v6+s20+$0x0] =	vst.idx.msk $0xffff, v11  }
0xc1: {  	v3 =	vadd.s32 v3, v1;
	[tilespmem:v9+s20+$0x0] =	vst.idx.msk $0xffff, v13;
	v13 =	vadd.s32 $0x1112, v0  }
0xc2: {  	v14 =	vadd.s32 $0x1992, v0;
	v5 =	vld [tilespmem:s26+$0x68C0];
	v6 =	vadd.s32 v13, v1  }
0xc3: {  	v9 =	vadd.s32 v14, v1;
	v8 =	vld [tilespmem:s26+$0x68D0]  }
0xc4: {  	v11 =	vld [tilespmem:s26+$0x68E0]  }
0xc5: {  	v13 =	vld [tilespmem:s26+$0x68F0];
	[tilespmem:v2+s20+$0x0] =	vst.idx.msk $0xffff, v4  }
0xc6: {  	v2 =	vadd.s32 $0x13, v0;
	[tilespmem:v3+s20+$0x0] =	vst.idx.msk $0xffff, v7  }
0xc7: {  	v2 =	vadd.s32 v2, v1;
	v3 =	vadd.s32 $0x893, v0;
	[tilespmem:v6+s20+$0x0] =	vst.idx.msk $0xffff, v10  }
0xc8: {  	v3 =	vadd.s32 v3, v1;
	v10 =	vadd.s32 $0x1113, v0;
	[tilespmem:v9+s20+$0x0] =	vst.idx.msk $0xffff, v12  }
0xc9: {  	v6 =	vadd.s32 v10, v1;
	v12 =	vadd.s32 $0x1993, v0;
	v4 =	vld [tilespmem:s26+$0x6900]  }
0xca: {  	v7 =	vld [tilespmem:s26+$0x6910];
	v9 =	vadd.s32 v12, v1  }
0xcb: {  	v10 =	vld [tilespmem:s26+$0x6920]  }
0xcc: {  	v12 =	vld [tilespmem:s26+$0x6930];
	[tilespmem:v2+s20+$0x0] =	vst.idx.msk $0xffff, v5  }
0xcd: {  	v2 =	vadd.s32 $0x14, v0;
	[tilespmem:v3+s20+$0x0] =	vst.idx.msk $0xffff, v8  }
0xce: {  	v2 =	vadd.s32 v2, v1;
	v3 =	vadd.s32 $0x894, v0;
	[tilespmem:v6+s20+$0x0] =	vst.idx.msk $0xffff, v11  }
0xcf: {  	v3 =	vadd.s32 v3, v1;
	[tilespmem:v9+s20+$0x0] =	vst.idx.msk $0xffff, v13;
	v13 =	vadd.s32 $0x1114, v0  }
0xd0: {  	v14 =	vadd.s32 $0x1994, v0;
	v5 =	vld [tilespmem:s26+$0x6940];
	v6 =	vadd.s32 v13, v1  }
0xd1: {  	v9 =	vadd.s32 v14, v1;
	v8 =	vld [tilespmem:s26+$0x6950]  }
0xd2: {  	v11 =	vld [tilespmem:s26+$0x6960]  }
0xd3: {  	v13 =	vld [tilespmem:s26+$0x6970];
	[tilespmem:v2+s20+$0x0] =	vst.idx.msk $0xffff, v4  }
0xd4: {  	v2 =	vadd.s32 $0x15, v0;
	[tilespmem:v3+s20+$0x0] =	vst.idx.msk $0xffff, v7  }
0xd5: {  	v2 =	vadd.s32 v2, v1;
	v3 =	vadd.s32 $0x895, v0;
	[tilespmem:v6+s20+$0x0] =	vst.idx.msk $0xffff, v10  }
0xd6: {  	v3 =	vadd.s32 v3, v1;
	v10 =	vadd.s32 $0x1115, v0;
	[tilespmem:v9+s20+$0x0] =	vst.idx.msk $0xffff, v12  }
0xd7: {  	v6 =	vadd.s32 v10, v1;
	v12 =	vadd.s32 $0x1995, v0;
	v4 =	vld [tilespmem:s26+$0x6980]  }
0xd8: {  	v7 =	vld [tilespmem:s26+$0x6990];
	v9 =	vadd.s32 v12, v1  }
0xd9: {  	v10 =	vld [tilespmem:s26+$0x69A0]  }
0xda: {  	v12 =	vld [tilespmem:s26+$0x69B0];
	[tilespmem:v2+s20+$0x0] =	vst.idx.msk $0xffff, v5  }
0xdb: {  	v2 =	vadd.s32 $0x16, v0;
	[tilespmem:v3+s20+$0x0] =	vst.idx.msk $0xffff, v8  }
0xdc: {  	v2 =	vadd.s32 v2, v1;
	v3 =	vadd.s32 $0x896, v0;
	[tilespmem:v6+s20+$0x0] =	vst.idx.msk $0xffff, v11  }
0xdd: {  	v3 =	vadd.s32 v3, v1;
	[tilespmem:v9+s20+$0x0] =	vst.idx.msk $0xffff, v13;
	v13 =	vadd.s32 $0x1116, v0  }
0xde: {  	v14 =	vadd.s32 $0x1996, v0;
	v5 =	vld [tilespmem:s26+$0x69C0];
	v6 =	vadd.s32 v13, v1  }
0xdf: {  	v9 =	vadd.s32 v14, v1;
	v8 =	vld [tilespmem:s26+$0x69D0]  }
0xe0: {  	v11 =	vld [tilespmem:s26+$0x69E0]  }
0xe1: {  	v13 =	vld [tilespmem:s26+$0x69F0];
	[tilespmem:v2+s20+$0x0] =	vst.idx.msk $0xffff, v4  }
0xe2: {  	v2 =	vadd.s32 $0x17, v0;
	[tilespmem:v3+s20+$0x0] =	vst.idx.msk $0xffff, v7  }
0xe3: {  	v2 =	vadd.s32 v2, v1;
	v3 =	vadd.s32 $0x897, v0;
	[tilespmem:v6+s20+$0x0] =	vst.idx.msk $0xffff, v10  }
0xe4: {  	v3 =	vadd.s32 v3, v1;
	v10 =	vadd.s32 $0x1117, v0;
	[tilespmem:v9+s20+$0x0] =	vst.idx.msk $0xffff, v12  }
0xe5: {  	v6 =	vadd.s32 v10, v1;
	v12 =	vadd.s32 $0x1997, v0;
	v4 =	vld [tilespmem:s26+$0x6A00]  }
0xe6: {  	v7 =	vld [tilespmem:s26+$0x6A10];
	v9 =	vadd.s32 v12, v1  }
0xe7: {  	v10 =	vld [tilespmem:s26+$0x6A20]  }
0xe8: {  	v12 =	vld [tilespmem:s26+$0x6A30];
	[tilespmem:v2+s20+$0x0] =	vst.idx.msk $0xffff, v5  }
0xe9: {  	v2 =	vadd.s32 $0x18, v0;
	[tilespmem:v3+s20+$0x0] =	vst.idx.msk $0xffff, v8  }
0xea: {  	v2 =	vadd.s32 v2, v1;
	v3 =	vadd.s32 $0x898, v0;
	[tilespmem:v6+s20+$0x0] =	vst.idx.msk $0xffff, v11  }
0xeb: {  	v3 =	vadd.s32 v3, v1;
	[tilespmem:v9+s20+$0x0] =	vst.idx.msk $0xffff, v13;
	v13 =	vadd.s32 $0x1118, v0  }
0xec: {  	v14 =	vadd.s32 $0x1998, v0;
	v5 =	vld [tilespmem:s26+$0x6A40];
	v6 =	vadd.s32 v13, v1  }
0xed: {  	v9 =	vadd.s32 v14, v1;
	v8 =	vld [tilespmem:s26+$0x6A50]  }
0xee: {  	v11 =	vld [tilespmem:s26+$0x6A60]  }
0xef: {  	v13 =	vld [tilespmem:s26+$0x6A70];
	[tilespmem:v2+s20+$0x0] =	vst.idx.msk $0xffff, v4  }
0xf0: {  	v2 =	vadd.s32 $0x19, v0;
	[tilespmem:v3+s20+$0x0] =	vst.idx.msk $0xffff, v7  }
0xf1: {  	v2 =	vadd.s32 v2, v1;
	v3 =	vadd.s32 $0x899, v0;
	[tilespmem:v6+s20+$0x0] =	vst.idx.msk $0xffff, v10  }
0xf2: {  	v3 =	vadd.s32 v3, v1;
	v10 =	vadd.s32 $0x1119, v0;
	[tilespmem:v9+s20+$0x0] =	vst.idx.msk $0xffff, v12  }
0xf3: {  	v6 =	vadd.s32 v10, v1;
	v12 =	vadd.s32 $0x1999, v0;
	v4 =	vld [tilespmem:s26+$0x6A80]  }
0xf4: {  	v7 =	vld [tilespmem:s26+$0x6A90];
	v9 =	vadd.s32 v12, v1  }
0xf5: {  	v10 =	vld [tilespmem:s26+$0x6AA0]  }
0xf6: {  	v12 =	vld [tilespmem:s26+$0x6AB0];
	[tilespmem:v2+s20+$0x0] =	vst.idx.msk $0xffff, v5  }
0xf7: {  	v2 =	vadd.s32 $0x1A, v0;
	[tilespmem:v3+s20+$0x0] =	vst.idx.msk $0xffff, v8  }
0xf8: {  	v2 =	vadd.s32 v2, v1;
	v3 =	vadd.s32 $0x89A, v0;
	[tilespmem:v6+s20+$0x0] =	vst.idx.msk $0xffff, v11  }
0xf9: {  	v3 =	vadd.s32 v3, v1;
	[tilespmem:v9+s20+$0x0] =	vst.idx.msk $0xffff, v13;
	v13 =	vadd.s32 $0x111A, v0  }
0xfa: {  	v14 =	vadd.s32 $0x199A, v0;
	v5 =	vld [tilespmem:s26+$0x6AC0];
	v6 =	vadd.s32 v13, v1  }
0xfb: {  	v9 =	vadd.s32 v14, v1;
	v8 =	vld [tilespmem:s26+$0x6AD0]  }
0xfc: {  	v11 =	vld [tilespmem:s26+$0x6AE0]  }
0xfd: {  	v13 =	vld [tilespmem:s26+$0x6AF0];
	[tilespmem:v2+s20+$0x0] =	vst.idx.msk $0xffff, v4  }
0xfe: {  	v2 =	vadd.s32 $0x1B, v0;
	[tilespmem:v3+s20+$0x0] =	vst.idx.msk $0xffff, v7  }
0xff: {  	v2 =	vadd.s32 v2, v1;
	v3 =	vadd.s32 $0x89B, v0;
	[tilespmem:v6+s20+$0x0] =	vst.idx.msk $0xffff, v10  }
0x100: {  	v3 =	vadd.s32 v3, v1;
	v10 =	vadd.s32 $0x111B, v0;
	[tilespmem:v9+s20+$0x0] =	vst.idx.msk $0xffff, v12  }
0x101: {  	v6 =	vadd.s32 v10, v1;
	v12 =	vadd.s32 $0x199B, v0;
	v4 =	vld [tilespmem:s26+$0x6B00]  }
0x102: {  	v7 =	vld [tilespmem:s26+$0x6B10];
	v9 =	vadd.s32 v12, v1  }
0x103: {  	v10 =	vld [tilespmem:s26+$0x6B20]  }
0x104: {  	v12 =	vld [tilespmem:s26+$0x6B30];
	[tilespmem:v2+s20+$0x0] =	vst.idx.msk $0xffff, v5  }
0x105: {  	v2 =	vadd.s32 $0x1C, v0;
	[tilespmem:v3+s20+$0x0] =	vst.idx.msk $0xffff, v8  }
0x106: {  	v2 =	vadd.s32 v2, v1;
	v3 =	vadd.s32 $0x89C, v0;
	[tilespmem:v6+s20+$0x0] =	vst.idx.msk $0xffff, v11  }
0x107: {  	v3 =	vadd.s32 v3, v1;
	[tilespmem:v9+s20+$0x0] =	vst.idx.msk $0xffff, v13;
	v13 =	vadd.s32 $0x111C, v0  }
0x108: {  	v14 =	vadd.s32 $0x199C, v0;
	v5 =	vld [tilespmem:s26+$0x6B40];
	v6 =	vadd.s32 v13, v1  }
0x109: {  	v9 =	vadd.s32 v14, v1;
	v8 =	vld [tilespmem:s26+$0x6B50]  }
0x10a: {  	v11 =	vld [tilespmem:s26+$0x6B60]  }
0x10b: {  	v13 =	vld [tilespmem:s26+$0x6B70];
	[tilespmem:v2+s20+$0x0] =	vst.idx.msk $0xffff, v4  }
0x10c: {  	v2 =	vadd.s32 $0x1D, v0;
	[tilespmem:v3+s20+$0x0] =	vst.idx.msk $0xffff, v7  }
0x10d: {  	v2 =	vadd.s32 v2, v1;
	v3 =	vadd.s32 $0x89D, v0;
	[tilespmem:v6+s20+$0x0] =	vst.idx.msk $0xffff, v10  }
0x10e: {  	v3 =	vadd.s32 v3, v1;
	v10 =	vadd.s32 $0x111D, v0;
	[tilespmem:v9+s20+$0x0] =	vst.idx.msk $0xffff, v12  }
0x10f: {  	v6 =	vadd.s32 v10, v1;
	v12 =	vadd.s32 $0x199D, v0;
	v4 =	vld [tilespmem:s26+$0x6B80]  }
0x110: {  	v7 =	vld [tilespmem:s26+$0x6B90];
	v9 =	vadd.s32 v12, v1  }
0x111: {  	v10 =	vld [tilespmem:s26+$0x6BA0]  }
0x112: {  	v12 =	vld [tilespmem:s26+$0x6BB0];
	[tilespmem:v2+s20+$0x0] =	vst.idx.msk $0xffff, v5  }
0x113: {  	v2 =	vadd.s32 $0x1E, v0;
	[tilespmem:v3+s20+$0x0] =	vst.idx.msk $0xffff, v8  }
0x114: {  	v2 =	vadd.s32 v2, v1;
	v3 =	vadd.s32 $0x89E, v0;
	[tilespmem:v6+s20+$0x0] =	vst.idx.msk $0xffff, v11  }
0x115: {  	v3 =	vadd.s32 v3, v1;
	[tilespmem:v9+s20+$0x0] =	vst.idx.msk $0xffff, v13;
	v13 =	vadd.s32 $0x111E, v0  }
0x116: {  	v14 =	vadd.s32 $0x199E, v0;
	v5 =	vld [tilespmem:s26+$0x6BC0];
	v6 =	vadd.s32 v13, v1  }
0x117: {  	v9 =	vadd.s32 v14, v1;
	v8 =	vld [tilespmem:s26+$0x6BD0]  }
0x118: {  	v11 =	vld [tilespmem:s26+$0x6BE0]  }
0x119: {  	v13 =	vld [tilespmem:s26+$0x6BF0];
	[tilespmem:v2+s20+$0x0] =	vst.idx.msk $0xffff, v4  }
0x11a: {  	v2 =	vadd.s32 $0x1F, v0;
	[tilespmem:v3+s20+$0x0] =	vst.idx.msk $0xffff, v7  }
0x11b: {  	v2 =	vadd.s32 v2, v1;
	v3 =	vadd.s32 $0x89F, v0;
	[tilespmem:v6+s20+$0x0] =	vst.idx.msk $0xffff, v10  }
0x11c: {  	v3 =	vadd.s32 v3, v1;
	v10 =	vadd.s32 $0x111F, v0;
	[tilespmem:v9+s20+$0x0] =	vst.idx.msk $0xffff, v12  }
0x11d: {  	v6 =	vadd.s32 v10, v1;
	v12 =	vadd.s32 $0x199F, v0;
	v4 =	vld [tilespmem:s26+$0x6C00]  }
0x11e: {  	v7 =	vld [tilespmem:s26+$0x6C10];
	v9 =	vadd.s32 v12, v1  }
0x11f: {  	v10 =	vld [tilespmem:s26+$0x6C20]  }
0x120: {  	v12 =	vld [tilespmem:s26+$0x6C30];
	[tilespmem:v2+s20+$0x0] =	vst.idx.msk $0xffff, v5  }
0x121: {  	v2 =	vadd.s32 $0x20, v0;
	[tilespmem:v3+s20+$0x0] =	vst.idx.msk $0xffff, v8  }
0x122: {  	v2 =	vadd.s32 v2, v1;
	v3 =	vadd.s32 $0x8A0, v0;
	[tilespmem:v6+s20+$0x0] =	vst.idx.msk $0xffff, v11  }
0x123: {  	v3 =	vadd.s32 v3, v1;
	[tilespmem:v9+s20+$0x0] =	vst.idx.msk $0xffff, v13;
	v13 =	vadd.s32 $0x1120, v0  }
0x124: {  	v14 =	vadd.s32 $0x19A0, v0;
	v5 =	vld [tilespmem:s26+$0x6C40];
	v6 =	vadd.s32 v13, v1  }
0x125: {  	v9 =	vadd.s32 v14, v1;
	v8 =	vld [tilespmem:s26+$0x6C50]  }
0x126: {  	v11 =	vld [tilespmem:s26+$0x6C60]  }
0x127: {  	v13 =	vld [tilespmem:s26+$0x6C70];
	[tilespmem:v2+s20+$0x0] =	vst.idx.msk $0xffff, v4  }
0x128: {  	v2 =	vadd.s32 $0x21, v0;
	[tilespmem:v3+s20+$0x0] =	vst.idx.msk $0xffff, v7  }
0x129: {  	v2 =	vadd.s32 v2, v1;
	v3 =	vadd.s32 $0x8A1, v0;
	[tilespmem:v6+s20+$0x0] =	vst.idx.msk $0xffff, v10  }
0x12a: {  	v3 =	vadd.s32 v3, v1;
	v10 =	vadd.s32 $0x1121, v0;
	[tilespmem:v9+s20+$0x0] =	vst.idx.msk $0xffff, v12  }
0x12b: {  	v6 =	vadd.s32 v10, v1;
	v12 =	vadd.s32 $0x19A1, v0;
	v4 =	vld [tilespmem:s26+$0x6C80]  }
0x12c: {  	v7 =	vld [tilespmem:s26+$0x6C90];
	v9 =	vadd.s32 v12, v1  }
0x12d: {  	v10 =	vld [tilespmem:s26+$0x6CA0]  }
0x12e: {  	v12 =	vld [tilespmem:s26+$0x6CB0];
	[tilespmem:v2+s20+$0x0] =	vst.idx.msk $0xffff, v5  }
0x12f: {  	v2 =	vadd.s32 $0x22, v0;
	[tilespmem:v3+s20+$0x0] =	vst.idx.msk $0xffff, v8  }
0x130: {  	v2 =	vadd.s32 v2, v1;
	v3 =	vadd.s32 $0x8A2, v0;
	[tilespmem:v6+s20+$0x0] =	vst.idx.msk $0xffff, v11  }
0x131: {  	v3 =	vadd.s32 v3, v1;
	[tilespmem:v9+s20+$0x0] =	vst.idx.msk $0xffff, v13;
	v13 =	vadd.s32 $0x1122, v0  }
0x132: {  	v14 =	vadd.s32 $0x19A2, v0;
	v5 =	vld [tilespmem:s26+$0x6CC0];
	v6 =	vadd.s32 v13, v1  }
0x133: {  	v9 =	vadd.s32 v14, v1;
	v8 =	vld [tilespmem:s26+$0x6CD0]  }
0x134: {  	v11 =	vld [tilespmem:s26+$0x6CE0]  }
0x135: {  	v13 =	vld [tilespmem:s26+$0x6CF0];
	[tilespmem:v2+s20+$0x0] =	vst.idx.msk $0xffff, v4  }
0x136: {  	v2 =	vadd.s32 $0x23, v0;
	[tilespmem:v3+s20+$0x0] =	vst.idx.msk $0xffff, v7  }
0x137: {  	v2 =	vadd.s32 v2, v1;
	v3 =	vadd.s32 $0x8A3, v0;
	[tilespmem:v6+s20+$0x0] =	vst.idx.msk $0xffff, v10  }
0x138: {  	v3 =	vadd.s32 v3, v1;
	v10 =	vadd.s32 $0x1123, v0;
	[tilespmem:v9+s20+$0x0] =	vst.idx.msk $0xffff, v12  }
0x139: {  	v6 =	vadd.s32 v10, v1;
	v12 =	vadd.s32 $0x19A3, v0;
	v4 =	vld [tilespmem:s26+$0x6D00]  }
0x13a: {  	v7 =	vld [tilespmem:s26+$0x6D10];
	v9 =	vadd.s32 v12, v1  }
0x13b: {  	v10 =	vld [tilespmem:s26+$0x6D20]  }
0x13c: {  	v12 =	vld [tilespmem:s26+$0x6D30];
	[tilespmem:v2+s20+$0x0] =	vst.idx.msk $0xffff, v5  }
0x13d: {  	v2 =	vadd.s32 $0x24, v0;
	[tilespmem:v3+s20+$0x0] =	vst.idx.msk $0xffff, v8  }
0x13e: {  	v2 =	vadd.s32 v2, v1;
	v3 =	vadd.s32 $0x8A4, v0;
	[tilespmem:v6+s20+$0x0] =	vst.idx.msk $0xffff, v11  }
0x13f: {  	v3 =	vadd.s32 v3, v1;
	[tilespmem:v9+s20+$0x0] =	vst.idx.msk $0xffff, v13;
	v13 =	vadd.s32 $0x1124, v0  }
0x140: {  	v14 =	vadd.s32 $0x19A4, v0;
	v5 =	vld [tilespmem:s26+$0x6D40];
	v6 =	vadd.s32 v13, v1  }
0x141: {  	v9 =	vadd.s32 v14, v1;
	v8 =	vld [tilespmem:s26+$0x6D50]  }
0x142: {  	v11 =	vld [tilespmem:s26+$0x6D60]  }
0x143: {  	v13 =	vld [tilespmem:s26+$0x6D70];
	[tilespmem:v2+s20+$0x0] =	vst.idx.msk $0xffff, v4  }
0x144: {  	v2 =	vadd.s32 $0x25, v0;
	[tilespmem:v3+s20+$0x0] =	vst.idx.msk $0xffff, v7  }
0x145: {  	v2 =	vadd.s32 v2, v1;
	v3 =	vadd.s32 $0x8A5, v0;
	[tilespmem:v6+s20+$0x0] =	vst.idx.msk $0xffff, v10  }
0x146: {  	v3 =	vadd.s32 v3, v1;
	v10 =	vadd.s32 $0x1125, v0;
	[tilespmem:v9+s20+$0x0] =	vst.idx.msk $0xffff, v12  }
0x147: {  	v6 =	vadd.s32 v10, v1;
	v12 =	vadd.s32 $0x19A5, v0;
	v4 =	vld [tilespmem:s26+$0x6D80]  }
0x148: {  	v7 =	vld [tilespmem:s26+$0x6D90];
	v9 =	vadd.s32 v12, v1  }
0x149: {  	v10 =	vld [tilespmem:s26+$0x6DA0]  }
0x14a: {  	v12 =	vld [tilespmem:s26+$0x6DB0];
	[tilespmem:v2+s20+$0x0] =	vst.idx.msk $0xffff, v5  }
0x14b: {  	v2 =	vadd.s32 $0x26, v0;
	[tilespmem:v3+s20+$0x0] =	vst.idx.msk $0xffff, v8  }
0x14c: {  	v2 =	vadd.s32 v2, v1;
	v3 =	vadd.s32 $0x8A6, v0;
	[tilespmem:v6+s20+$0x0] =	vst.idx.msk $0xffff, v11  }
0x14d: {  	v3 =	vadd.s32 v3, v1;
	[tilespmem:v9+s20+$0x0] =	vst.idx.msk $0xffff, v13;
	v13 =	vadd.s32 $0x1126, v0  }
0x14e: {  	v14 =	vadd.s32 $0x19A6, v0;
	v5 =	vld [tilespmem:s26+$0x6DC0];
	v6 =	vadd.s32 v13, v1  }
0x14f: {  	v9 =	vadd.s32 v14, v1;
	v8 =	vld [tilespmem:s26+$0x6DD0]  }
0x150: {  	v11 =	vld [tilespmem:s26+$0x6DE0]  }
0x151: {  	v13 =	vld [tilespmem:s26+$0x6DF0];
	[tilespmem:v2+s20+$0x0] =	vst.idx.msk $0xffff, v4  }
0x152: {  	v2 =	vadd.s32 $0x27, v0;
	[tilespmem:v3+s20+$0x0] =	vst.idx.msk $0xffff, v7  }
0x153: {  	v2 =	vadd.s32 v2, v1;
	v3 =	vadd.s32 $0x8A7, v0;
	[tilespmem:v6+s20+$0x0] =	vst.idx.msk $0xffff, v10  }
0x154: {  	v3 =	vadd.s32 v3, v1;
	v10 =	vadd.s32 $0x1127, v0;
	[tilespmem:v9+s20+$0x0] =	vst.idx.msk $0xffff, v12  }
0x155: {  	v6 =	vadd.s32 v10, v1;
	v12 =	vadd.s32 $0x19A7, v0;
	v4 =	vld [tilespmem:s26+$0x6E00]  }
0x156: {  	v7 =	vld [tilespmem:s26+$0x6E10];
	v9 =	vadd.s32 v12, v1  }
0x157: {  	v10 =	vld [tilespmem:s26+$0x6E20]  }
0x158: {  	v12 =	vld [tilespmem:s26+$0x6E30];
	[tilespmem:v2+s20+$0x0] =	vst.idx.msk $0xffff, v5  }
0x159: {  	v2 =	vadd.s32 $0x28, v0;
	[tilespmem:v3+s20+$0x0] =	vst.idx.msk $0xffff, v8  }
0x15a: {  	v2 =	vadd.s32 v2, v1;
	v3 =	vadd.s32 $0x8A8, v0;
	[tilespmem:v6+s20+$0x0] =	vst.idx.msk $0xffff, v11  }
0x15b: {  	v3 =	vadd.s32 v3, v1;
	[tilespmem:v9+s20+$0x0] =	vst.idx.msk $0xffff, v13;
	v13 =	vadd.s32 $0x1128, v0  }
0x15c: {  	v14 =	vadd.s32 $0x19A8, v0;
	v5 =	vld [tilespmem:s26+$0x6E40];
	v6 =	vadd.s32 v13, v1  }
0x15d: {  	v9 =	vadd.s32 v14, v1;
	v8 =	vld [tilespmem:s26+$0x6E50]  }
0x15e: {  	v11 =	vld [tilespmem:s26+$0x6E60]  }
0x15f: {  	v13 =	vld [tilespmem:s26+$0x6E70];
	[tilespmem:v2+s20+$0x0] =	vst.idx.msk $0xffff, v4  }
0x160: {  	v2 =	vadd.s32 $0x29, v0;
	[tilespmem:v3+s20+$0x0] =	vst.idx.msk $0xffff, v7  }
0x161: {  	v2 =	vadd.s32 v2, v1;
	v3 =	vadd.s32 $0x8A9, v0;
	[tilespmem:v6+s20+$0x0] =	vst.idx.msk $0xffff, v10  }
0x162: {  	v3 =	vadd.s32 v3, v1;
	v10 =	vadd.s32 $0x1129, v0;
	[tilespmem:v9+s20+$0x0] =	vst.idx.msk $0xffff, v12  }
0x163: {  	v6 =	vadd.s32 v10, v1;
	v12 =	vadd.s32 $0x19A9, v0;
	v4 =	vld [tilespmem:s26+$0x6E80]  }
0x164: {  	v7 =	vld [tilespmem:s26+$0x6E90];
	v9 =	vadd.s32 v12, v1  }
0x165: {  	v10 =	vld [tilespmem:s26+$0x6EA0]  }
0x166: {  	v12 =	vld [tilespmem:s26+$0x6EB0];
	[tilespmem:v2+s20+$0x0] =	vst.idx.msk $0xffff, v5  }
0x167: {  	v2 =	vadd.s32 $0x2A, v0;
	[tilespmem:v3+s20+$0x0] =	vst.idx.msk $0xffff, v8  }
0x168: {  	v2 =	vadd.s32 v2, v1;
	v3 =	vadd.s32 $0x8AA, v0;
	[tilespmem:v6+s20+$0x0] =	vst.idx.msk $0xffff, v11  }
0x169: {  	v3 =	vadd.s32 v3, v1;
	[tilespmem:v9+s20+$0x0] =	vst.idx.msk $0xffff, v13;
	v13 =	vadd.s32 $0x112A, v0  }
0x16a: {  	v14 =	vadd.s32 $0x19AA, v0;
	v5 =	vld [tilespmem:s26+$0x6EC0];
	v6 =	vadd.s32 v13, v1  }
0x16b: {  	v9 =	vadd.s32 v14, v1;
	v8 =	vld [tilespmem:s26+$0x6ED0]  }
0x16c: {  	v11 =	vld [tilespmem:s26+$0x6EE0]  }
0x16d: {  	v13 =	vld [tilespmem:s26+$0x6EF0];
	[tilespmem:v2+s20+$0x0] =	vst.idx.msk $0xffff, v4  }
0x16e: {  	v2 =	vadd.s32 $0x2B, v0;
	[tilespmem:v3+s20+$0x0] =	vst.idx.msk $0xffff, v7  }
0x16f: {  	v2 =	vadd.s32 v2, v1;
	v3 =	vadd.s32 $0x8AB, v0;
	[tilespmem:v6+s20+$0x0] =	vst.idx.msk $0xffff, v10  }
0x170: {  	v3 =	vadd.s32 v3, v1;
	v10 =	vadd.s32 $0x112B, v0;
	[tilespmem:v9+s20+$0x0] =	vst.idx.msk $0xffff, v12  }
0x171: {  	v6 =	vadd.s32 v10, v1;
	v12 =	vadd.s32 $0x19AB, v0;
	v4 =	vld [tilespmem:s26+$0x6F00]  }
0x172: {  	v7 =	vld [tilespmem:s26+$0x6F10];
	v9 =	vadd.s32 v12, v1  }
0x173: {  	v10 =	vld [tilespmem:s26+$0x6F20]  }
0x174: {  	v12 =	vld [tilespmem:s26+$0x6F30];
	[tilespmem:v2+s20+$0x0] =	vst.idx.msk $0xffff, v5  }
0x175: {  	v2 =	vadd.s32 $0x2C, v0;
	[tilespmem:v3+s20+$0x0] =	vst.idx.msk $0xffff, v8  }
0x176: {  	v2 =	vadd.s32 v2, v1;
	v3 =	vadd.s32 $0x8AC, v0;
	[tilespmem:v6+s20+$0x0] =	vst.idx.msk $0xffff, v11  }
0x177: {  	v3 =	vadd.s32 v3, v1;
	[tilespmem:v9+s20+$0x0] =	vst.idx.msk $0xffff, v13;
	v13 =	vadd.s32 $0x112C, v0  }
0x178: {  	v14 =	vadd.s32 $0x19AC, v0;
	v5 =	vld [tilespmem:s26+$0x6F40];
	v6 =	vadd.s32 v13, v1  }
0x179: {  	v9 =	vadd.s32 v14, v1;
	v8 =	vld [tilespmem:s26+$0x6F50]  }
0x17a: {  	v11 =	vld [tilespmem:s26+$0x6F60]  }
0x17b: {  	v13 =	vld [tilespmem:s26+$0x6F70];
	[tilespmem:v2+s20+$0x0] =	vst.idx.msk $0xffff, v4  }
0x17c: {  	v2 =	vadd.s32 $0x2D, v0;
	[tilespmem:v3+s20+$0x0] =	vst.idx.msk $0xffff, v7  }
0x17d: {  	v2 =	vadd.s32 v2, v1;
	v3 =	vadd.s32 $0x8AD, v0;
	[tilespmem:v6+s20+$0x0] =	vst.idx.msk $0xffff, v10  }
0x17e: {  	v3 =	vadd.s32 v3, v1;
	v10 =	vadd.s32 $0x112D, v0;
	[tilespmem:v9+s20+$0x0] =	vst.idx.msk $0xffff, v12  }
0x17f: {  	v6 =	vadd.s32 v10, v1;
	v12 =	vadd.s32 $0x19AD, v0;
	v4 =	vld [tilespmem:s26+$0x6F80]  }
0x180: {  	v7 =	vld [tilespmem:s26+$0x6F90];
	v9 =	vadd.s32 v12, v1  }
0x181: {  	v10 =	vld [tilespmem:s26+$0x6FA0]  }
0x182: {  	v12 =	vld [tilespmem:s26+$0x6FB0];
	[tilespmem:v2+s20+$0x0] =	vst.idx.msk $0xffff, v5  }
0x183: {  	v2 =	vadd.s32 $0x2E, v0;
	[tilespmem:v3+s20+$0x0] =	vst.idx.msk $0xffff, v8  }
0x184: {  	v2 =	vadd.s32 v2, v1;
	v3 =	vadd.s32 $0x8AE, v0;
	[tilespmem:v6+s20+$0x0] =	vst.idx.msk $0xffff, v11  }
0x185: {  	v3 =	vadd.s32 v3, v1;
	[tilespmem:v9+s20+$0x0] =	vst.idx.msk $0xffff, v13;
	v13 =	vadd.s32 $0x112E, v0  }
0x186: {  	v14 =	vadd.s32 $0x19AE, v0;
	v5 =	vld [tilespmem:s26+$0x6FC0];
	v6 =	vadd.s32 v13, v1  }
0x187: {  	v9 =	vadd.s32 v14, v1;
	v8 =	vld [tilespmem:s26+$0x6FD0]  }
0x188: {  	v11 =	vld [tilespmem:s26+$0x6FE0]  }
0x189: {  	v13 =	vld [tilespmem:s26+$0x6FF0];
	[tilespmem:v2+s20+$0x0] =	vst.idx.msk $0xffff, v4  }
0x18a: {  	v2 =	vadd.s32 $0x2F, v0;
	[tilespmem:v3+s20+$0x0] =	vst.idx.msk $0xffff, v7  }
0x18b: {  	v2 =	vadd.s32 v2, v1;
	v3 =	vadd.s32 $0x8AF, v0;
	[tilespmem:v6+s20+$0x0] =	vst.idx.msk $0xffff, v10  }
0x18c: {  	v3 =	vadd.s32 v3, v1;
	v10 =	vadd.s32 $0x112F, v0;
	[tilespmem:v9+s20+$0x0] =	vst.idx.msk $0xffff, v12  }
0x18d: {  	v6 =	vadd.s32 v10, v1;
	v12 =	vadd.s32 $0x19AF, v0;
	v4 =	vld [tilespmem:s26+$0x7000]  }
0x18e: {  	v7 =	vld [tilespmem:s26+$0x7010];
	v9 =	vadd.s32 v12, v1  }
0x18f: {  	v10 =	vld [tilespmem:s26+$0x7020]  }
0x190: {  	v12 =	vld [tilespmem:s26+$0x7030];
	[tilespmem:v2+s20+$0x0] =	vst.idx.msk $0xffff, v5  }
0x191: {  	v2 =	vadd.s32 $0x30, v0;
	[tilespmem:v3+s20+$0x0] =	vst.idx.msk $0xffff, v8  }
0x192: {  	v2 =	vadd.s32 v2, v1;
	v3 =	vadd.s32 $0x8B0, v0;
	[tilespmem:v6+s20+$0x0] =	vst.idx.msk $0xffff, v11  }
0x193: {  	v3 =	vadd.s32 v3, v1;
	[tilespmem:v9+s20+$0x0] =	vst.idx.msk $0xffff, v13;
	v13 =	vadd.s32 $0x1130, v0  }
0x194: {  	v14 =	vadd.s32 $0x19B0, v0;
	v5 =	vld [tilespmem:s26+$0x7040];
	v6 =	vadd.s32 v13, v1  }
0x195: {  	v9 =	vadd.s32 v14, v1;
	v8 =	vld [tilespmem:s26+$0x7050]  }
0x196: {  	v11 =	vld [tilespmem:s26+$0x7060]  }
0x197: {  	v13 =	vld [tilespmem:s26+$0x7070];
	[tilespmem:v2+s20+$0x0] =	vst.idx.msk $0xffff, v4  }
0x198: {  	v2 =	vadd.s32 $0x31, v0;
	[tilespmem:v3+s20+$0x0] =	vst.idx.msk $0xffff, v7  }
0x199: {  	v2 =	vadd.s32 v2, v1;
	v3 =	vadd.s32 $0x8B1, v0;
	[tilespmem:v6+s20+$0x0] =	vst.idx.msk $0xffff, v10  }
0x19a: {  	v3 =	vadd.s32 v3, v1;
	v10 =	vadd.s32 $0x1131, v0;
	[tilespmem:v9+s20+$0x0] =	vst.idx.msk $0xffff, v12  }
0x19b: {  	v6 =	vadd.s32 v10, v1;
	v12 =	vadd.s32 $0x19B1, v0;
	v4 =	vld [tilespmem:s26+$0x7080]  }
0x19c: {  	v7 =	vld [tilespmem:s26+$0x7090];
	v9 =	vadd.s32 v12, v1  }
0x19d: {  	v10 =	vld [tilespmem:s26+$0x70A0]  }
0x19e: {  	v12 =	vld [tilespmem:s26+$0x70B0];
	[tilespmem:v2+s20+$0x0] =	vst.idx.msk $0xffff, v5  }
0x19f: {  	v2 =	vadd.s32 $0x32, v0;
	[tilespmem:v3+s20+$0x0] =	vst.idx.msk $0xffff, v8  }
0x1a0: {  	v2 =	vadd.s32 v2, v1;
	v3 =	vadd.s32 $0x8B2, v0;
	[tilespmem:v6+s20+$0x0] =	vst.idx.msk $0xffff, v11  }
0x1a1: {  	v3 =	vadd.s32 v3, v1;
	[tilespmem:v9+s20+$0x0] =	vst.idx.msk $0xffff, v13;
	v13 =	vadd.s32 $0x1132, v0  }
0x1a2: {  	v14 =	vadd.s32 $0x19B2, v0;
	v5 =	vld [tilespmem:s26+$0x70C0];
	v6 =	vadd.s32 v13, v1  }
0x1a3: {  	v9 =	vadd.s32 v14, v1;
	v8 =	vld [tilespmem:s26+$0x70D0]  }
0x1a4: {  	v11 =	vld [tilespmem:s26+$0x70E0]  }
0x1a5: {  	v13 =	vld [tilespmem:s26+$0x70F0];
	[tilespmem:v2+s20+$0x0] =	vst.idx.msk $0xffff, v4  }
0x1a6: {  	v2 =	vadd.s32 $0x33, v0;
	[tilespmem:v3+s20+$0x0] =	vst.idx.msk $0xffff, v7  }
0x1a7: {  	v2 =	vadd.s32 v2, v1;
	v3 =	vadd.s32 $0x8B3, v0;
	[tilespmem:v6+s20+$0x0] =	vst.idx.msk $0xffff, v10  }
0x1a8: {  	v3 =	vadd.s32 v3, v1;
	v10 =	vadd.s32 $0x1133, v0;
	[tilespmem:v9+s20+$0x0] =	vst.idx.msk $0xffff, v12  }
0x1a9: {  	v6 =	vadd.s32 v10, v1;
	v12 =	vadd.s32 $0x19B3, v0;
	v4 =	vld [tilespmem:s26+$0x7100]  }
0x1aa: {  	v7 =	vld [tilespmem:s26+$0x7110];
	v9 =	vadd.s32 v12, v1  }
0x1ab: {  	v10 =	vld [tilespmem:s26+$0x7120]  }
0x1ac: {  	v12 =	vld [tilespmem:s26+$0x7130];
	[tilespmem:v2+s20+$0x0] =	vst.idx.msk $0xffff, v5  }
0x1ad: {  	v2 =	vadd.s32 $0x34, v0;
	[tilespmem:v3+s20+$0x0] =	vst.idx.msk $0xffff, v8  }
0x1ae: {  	v2 =	vadd.s32 v2, v1;
	v3 =	vadd.s32 $0x8B4, v0;
	[tilespmem:v6+s20+$0x0] =	vst.idx.msk $0xffff, v11  }
0x1af: {  	v3 =	vadd.s32 v3, v1;
	[tilespmem:v9+s20+$0x0] =	vst.idx.msk $0xffff, v13;
	v13 =	vadd.s32 $0x1134, v0  }
0x1b0: {  	v14 =	vadd.s32 $0x19B4, v0;
	v5 =	vld [tilespmem:s26+$0x7140];
	v6 =	vadd.s32 v13, v1  }
0x1b1: {  	v9 =	vadd.s32 v14, v1;
	v8 =	vld [tilespmem:s26+$0x7150]  }
0x1b2: {  	v11 =	vld [tilespmem:s26+$0x7160]  }
0x1b3: {  	v13 =	vld [tilespmem:s26+$0x7170];
	[tilespmem:v2+s20+$0x0] =	vst.idx.msk $0xffff, v4  }
0x1b4: {  	v2 =	vadd.s32 $0x35, v0;
	[tilespmem:v3+s20+$0x0] =	vst.idx.msk $0xffff, v7  }
0x1b5: {  	v2 =	vadd.s32 v2, v1;
	v3 =	vadd.s32 $0x8B5, v0;
	[tilespmem:v6+s20+$0x0] =	vst.idx.msk $0xffff, v10  }
0x1b6: {  	v3 =	vadd.s32 v3, v1;
	v10 =	vadd.s32 $0x1135, v0;
	[tilespmem:v9+s20+$0x0] =	vst.idx.msk $0xffff, v12  }
0x1b7: {  	v6 =	vadd.s32 v10, v1;
	v12 =	vadd.s32 $0x19B5, v0;
	v4 =	vld [tilespmem:s26+$0x7180]  }
0x1b8: {  	v7 =	vld [tilespmem:s26+$0x7190];
	v9 =	vadd.s32 v12, v1  }
0x1b9: {  	v10 =	vld [tilespmem:s26+$0x71A0]  }
0x1ba: {  	v12 =	vld [tilespmem:s26+$0x71B0];
	[tilespmem:v2+s20+$0x0] =	vst.idx.msk $0xffff, v5  }
0x1bb: {  	v2 =	vadd.s32 $0x36, v0;
	[tilespmem:v3+s20+$0x0] =	vst.idx.msk $0xffff, v8  }
0x1bc: {  	v2 =	vadd.s32 v2, v1;
	v3 =	vadd.s32 $0x8B6, v0;
	[tilespmem:v6+s20+$0x0] =	vst.idx.msk $0xffff, v11  }
0x1bd: {  	v3 =	vadd.s32 v3, v1;
	[tilespmem:v9+s20+$0x0] =	vst.idx.msk $0xffff, v13;
	v13 =	vadd.s32 $0x1136, v0  }
0x1be: {  	v14 =	vadd.s32 $0x19B6, v0;
	v5 =	vld [tilespmem:s26+$0x71C0];
	v6 =	vadd.s32 v13, v1  }
0x1bf: {  	v9 =	vadd.s32 v14, v1;
	v8 =	vld [tilespmem:s26+$0x71D0]  }
0x1c0: {  	v11 =	vld [tilespmem:s26+$0x71E0]  }
0x1c1: {  	v13 =	vld [tilespmem:s26+$0x71F0];
	[tilespmem:v2+s20+$0x0] =	vst.idx.msk $0xffff, v4  }
0x1c2: {  	v2 =	vadd.s32 $0x37, v0;
	[tilespmem:v3+s20+$0x0] =	vst.idx.msk $0xffff, v7  }
0x1c3: {  	v2 =	vadd.s32 v2, v1;
	v3 =	vadd.s32 $0x8B7, v0;
	[tilespmem:v6+s20+$0x0] =	vst.idx.msk $0xffff, v10  }
0x1c4: {  	v3 =	vadd.s32 v3, v1;
	v10 =	vadd.s32 $0x1137, v0;
	[tilespmem:v9+s20+$0x0] =	vst.idx.msk $0xffff, v12  }
0x1c5: {  	v6 =	vadd.s32 v10, v1;
	v12 =	vadd.s32 $0x19B7, v0;
	v4 =	vld [tilespmem:s26+$0x7200]  }
0x1c6: {  	v7 =	vld [tilespmem:s26+$0x7210];
	v9 =	vadd.s32 v12, v1  }
0x1c7: {  	v10 =	vld [tilespmem:s26+$0x7220]  }
0x1c8: {  	v12 =	vld [tilespmem:s26+$0x7230];
	[tilespmem:v2+s20+$0x0] =	vst.idx.msk $0xffff, v5  }
0x1c9: {  	v2 =	vadd.s32 $0x38, v0;
	[tilespmem:v3+s20+$0x0] =	vst.idx.msk $0xffff, v8  }
0x1ca: {  	v2 =	vadd.s32 v2, v1;
	v3 =	vadd.s32 $0x8B8, v0;
	[tilespmem:v6+s20+$0x0] =	vst.idx.msk $0xffff, v11  }
0x1cb: {  	v3 =	vadd.s32 v3, v1;
	[tilespmem:v9+s20+$0x0] =	vst.idx.msk $0xffff, v13;
	v13 =	vadd.s32 $0x1138, v0  }
0x1cc: {  	v14 =	vadd.s32 $0x19B8, v0;
	v5 =	vld [tilespmem:s26+$0x7240];
	v6 =	vadd.s32 v13, v1  }
0x1cd: {  	v9 =	vadd.s32 v14, v1;
	v8 =	vld [tilespmem:s26+$0x7250]  }
0x1ce: {  	v11 =	vld [tilespmem:s26+$0x7260]  }
0x1cf: {  	v13 =	vld [tilespmem:s26+$0x7270];
	[tilespmem:v2+s20+$0x0] =	vst.idx.msk $0xffff, v4  }
0x1d0: {  	v2 =	vadd.s32 $0x39, v0;
	[tilespmem:v3+s20+$0x0] =	vst.idx.msk $0xffff, v7  }
0x1d1: {  	v2 =	vadd.s32 v2, v1;
	v3 =	vadd.s32 $0x8B9, v0;
	[tilespmem:v6+s20+$0x0] =	vst.idx.msk $0xffff, v10  }
0x1d2: {  	v3 =	vadd.s32 v3, v1;
	v10 =	vadd.s32 $0x1139, v0;
	[tilespmem:v9+s20+$0x0] =	vst.idx.msk $0xffff, v12  }
0x1d3: {  	v6 =	vadd.s32 v10, v1;
	v12 =	vadd.s32 $0x19B9, v0;
	v4 =	vld [tilespmem:s26+$0x7280]  }
0x1d4: {  	v7 =	vld [tilespmem:s26+$0x7290];
	v9 =	vadd.s32 v12, v1  }
0x1d5: {  	v10 =	vld [tilespmem:s26+$0x72A0]  }
0x1d6: {  	v12 =	vld [tilespmem:s26+$0x72B0];
	[tilespmem:v2+s20+$0x0] =	vst.idx.msk $0xffff, v5  }
0x1d7: {  	v2 =	vadd.s32 $0x3A, v0;
	[tilespmem:v3+s20+$0x0] =	vst.idx.msk $0xffff, v8  }
0x1d8: {  	v2 =	vadd.s32 v2, v1;
	v3 =	vadd.s32 $0x8BA, v0;
	[tilespmem:v6+s20+$0x0] =	vst.idx.msk $0xffff, v11  }
0x1d9: {  	v3 =	vadd.s32 v3, v1;
	[tilespmem:v9+s20+$0x0] =	vst.idx.msk $0xffff, v13;
	v13 =	vadd.s32 $0x113A, v0  }
0x1da: {  	v14 =	vadd.s32 $0x19BA, v0;
	v5 =	vld [tilespmem:s26+$0x72C0];
	v6 =	vadd.s32 v13, v1  }
0x1db: {  	v9 =	vadd.s32 v14, v1;
	v8 =	vld [tilespmem:s26+$0x72D0]  }
0x1dc: {  	v11 =	vld [tilespmem:s26+$0x72E0]  }
0x1dd: {  	v13 =	vld [tilespmem:s26+$0x72F0];
	[tilespmem:v2+s20+$0x0] =	vst.idx.msk $0xffff, v4  }
0x1de: {  	v2 =	vadd.s32 $0x3B, v0;
	[tilespmem:v3+s20+$0x0] =	vst.idx.msk $0xffff, v7  }
0x1df: {  	v2 =	vadd.s32 v2, v1;
	v3 =	vadd.s32 $0x8BB, v0;
	[tilespmem:v6+s20+$0x0] =	vst.idx.msk $0xffff, v10  }
0x1e0: {  	v3 =	vadd.s32 v3, v1;
	v10 =	vadd.s32 $0x113B, v0;
	[tilespmem:v9+s20+$0x0] =	vst.idx.msk $0xffff, v12  }
0x1e1: {  	v6 =	vadd.s32 v10, v1;
	v12 =	vadd.s32 $0x19BB, v0;
	v4 =	vld [tilespmem:s26+$0x7300]  }
0x1e2: {  	v7 =	vld [tilespmem:s26+$0x7310];
	v9 =	vadd.s32 v12, v1  }
0x1e3: {  	v10 =	vld [tilespmem:s26+$0x7320]  }
0x1e4: {  	v12 =	vld [tilespmem:s26+$0x7330];
	[tilespmem:v2+s20+$0x0] =	vst.idx.msk $0xffff, v5  }
0x1e5: {  	v2 =	vadd.s32 $0x3C, v0;
	[tilespmem:v3+s20+$0x0] =	vst.idx.msk $0xffff, v8  }
0x1e6: {  	v2 =	vadd.s32 v2, v1;
	v3 =	vadd.s32 $0x8BC, v0;
	[tilespmem:v6+s20+$0x0] =	vst.idx.msk $0xffff, v11  }
0x1e7: {  	v3 =	vadd.s32 v3, v1;
	[tilespmem:v9+s20+$0x0] =	vst.idx.msk $0xffff, v13;
	v13 =	vadd.s32 $0x113C, v0  }
0x1e8: {  	v14 =	vadd.s32 $0x19BC, v0;
	v5 =	vld [tilespmem:s26+$0x7340];
	v6 =	vadd.s32 v13, v1  }
0x1e9: {  	v9 =	vadd.s32 v14, v1;
	v8 =	vld [tilespmem:s26+$0x7350]  }
0x1ea: {  	v11 =	vld [tilespmem:s26+$0x7360]  }
0x1eb: {  	v13 =	vld [tilespmem:s26+$0x7370];
	[tilespmem:v2+s20+$0x0] =	vst.idx.msk $0xffff, v4  }
0x1ec: {  	v2 =	vadd.s32 $0x3D, v0;
	[tilespmem:v3+s20+$0x0] =	vst.idx.msk $0xffff, v7  }
0x1ed: {  	v2 =	vadd.s32 v2, v1;
	v3 =	vadd.s32 $0x8BD, v0;
	[tilespmem:v6+s20+$0x0] =	vst.idx.msk $0xffff, v10  }
0x1ee: {  	v3 =	vadd.s32 v3, v1;
	v10 =	vadd.s32 $0x113D, v0;
	[tilespmem:v9+s20+$0x0] =	vst.idx.msk $0xffff, v12  }
0x1ef: {  	v6 =	vadd.s32 v10, v1;
	v12 =	vadd.s32 $0x19BD, v0;
	v4 =	vld [tilespmem:s26+$0x7380]  }
0x1f0: {  	v7 =	vld [tilespmem:s26+$0x7390];
	v9 =	vadd.s32 v12, v1  }
0x1f1: {  	v10 =	vld [tilespmem:s26+$0x73A0]  }
0x1f2: {  	v12 =	vld [tilespmem:s26+$0x73B0];
	[tilespmem:v2+s20+$0x0] =	vst.idx.msk $0xffff, v5  }
0x1f3: {  	v2 =	vadd.s32 $0x3E, v0;
	[tilespmem:v3+s20+$0x0] =	vst.idx.msk $0xffff, v8  }
0x1f4: {  	v2 =	vadd.s32 v2, v1;
	v3 =	vadd.s32 $0x8BE, v0;
	[tilespmem:v6+s20+$0x0] =	vst.idx.msk $0xffff, v11  }
0x1f5: {  	v3 =	vadd.s32 v3, v1;
	[tilespmem:v9+s20+$0x0] =	vst.idx.msk $0xffff, v13;
	v13 =	vadd.s32 $0x113E, v0  }
0x1f6: {  	v14 =	vadd.s32 $0x19BE, v0;
	v5 =	vld [tilespmem:s26+$0x73C0];
	v6 =	vadd.s32 v13, v1  }
0x1f7: {  	v9 =	vadd.s32 v14, v1;
	v8 =	vld [tilespmem:s26+$0x73D0]  }
0x1f8: {  	v11 =	vld [tilespmem:s26+$0x73E0]  }
0x1f9: {  	v13 =	vld [tilespmem:s26+$0x73F0];
	[tilespmem:v2+s20+$0x0] =	vst.idx.msk $0xffff, v4  }
0x1fa: {  	v2 =	vadd.s32 $0x3F, v0;
	[tilespmem:v3+s20+$0x0] =	vst.idx.msk $0xffff, v7  }
0x1fb: {  	v2 =	vadd.s32 v2, v1;
	v3 =	vadd.s32 $0x8BF, v0;
	[tilespmem:v6+s20+$0x0] =	vst.idx.msk $0xffff, v10  }
0x1fc: {  	v3 =	vadd.s32 v3, v1;
	v10 =	vadd.s32 $0x113F, v0;
	[tilespmem:v9+s20+$0x0] =	vst.idx.msk $0xffff, v12  }
0x1fd: {  	v6 =	vadd.s32 v10, v1;
	v12 =	vadd.s32 $0x19BF, v0;
	v4 =	vld [tilespmem:s26+$0x7400]  }
0x1fe: {  	v7 =	vld [tilespmem:s26+$0x7410];
	v9 =	vadd.s32 v12, v1  }
0x1ff: {  	v10 =	vld [tilespmem:s26+$0x7420]  }
0x200: {  	v12 =	vld [tilespmem:s26+$0x7430];
	[tilespmem:v2+s20+$0x0] =	vst.idx.msk $0xffff, v5  }
0x201: {  	v2 =	vadd.s32 $0x40, v0;
	[tilespmem:v3+s20+$0x0] =	vst.idx.msk $0xffff, v8  }
0x202: {  	v2 =	vadd.s32 v2, v1;
	v3 =	vadd.s32 $0x8C0, v0;
	[tilespmem:v6+s20+$0x0] =	vst.idx.msk $0xffff, v11  }
0x203: {  	v3 =	vadd.s32 v3, v1;
	[tilespmem:v9+s20+$0x0] =	vst.idx.msk $0xffff, v13;
	v13 =	vadd.s32 $0x1140, v0  }
0x204: {  	v14 =	vadd.s32 $0x19C0, v0;
	v5 =	vld [tilespmem:s26+$0x7440];
	v6 =	vadd.s32 v13, v1  }
0x205: {  	v9 =	vadd.s32 v14, v1;
	v8 =	vld [tilespmem:s26+$0x7450]  }
0x206: {  	v11 =	vld [tilespmem:s26+$0x7460]  }
0x207: {  	v13 =	vld [tilespmem:s26+$0x7470];
	[tilespmem:v2+s20+$0x0] =	vst.idx.msk $0xffff, v4  }
0x208: {  	v2 =	vadd.s32 $0x41, v0;
	[tilespmem:v3+s20+$0x0] =	vst.idx.msk $0xffff, v7  }
0x209: {  	v2 =	vadd.s32 v2, v1;
	v3 =	vadd.s32 $0x8C1, v0;
	[tilespmem:v6+s20+$0x0] =	vst.idx.msk $0xffff, v10  }
0x20a: {  	v3 =	vadd.s32 v3, v1;
	v10 =	vadd.s32 $0x1141, v0;
	[tilespmem:v9+s20+$0x0] =	vst.idx.msk $0xffff, v12  }
0x20b: {  	v6 =	vadd.s32 v10, v1;
	v12 =	vadd.s32 $0x19C1, v0;
	v4 =	vld [tilespmem:s26+$0x7480]  }
0x20c: {  	v7 =	vld [tilespmem:s26+$0x7490];
	v9 =	vadd.s32 v12, v1  }
0x20d: {  	v10 =	vld [tilespmem:s26+$0x74A0]  }
0x20e: {  	v12 =	vld [tilespmem:s26+$0x74B0];
	[tilespmem:v2+s20+$0x0] =	vst.idx.msk $0xffff, v5  }
0x20f: {  	v2 =	vadd.s32 $0x42, v0;
	[tilespmem:v3+s20+$0x0] =	vst.idx.msk $0xffff, v8  }
0x210: {  	v2 =	vadd.s32 v2, v1;
	v3 =	vadd.s32 $0x8C2, v0;
	[tilespmem:v6+s20+$0x0] =	vst.idx.msk $0xffff, v11  }
0x211: {  	v3 =	vadd.s32 v3, v1;
	[tilespmem:v9+s20+$0x0] =	vst.idx.msk $0xffff, v13;
	v13 =	vadd.s32 $0x1142, v0  }
0x212: {  	v14 =	vadd.s32 $0x19C2, v0;
	v5 =	vld [tilespmem:s26+$0x74C0];
	v6 =	vadd.s32 v13, v1  }
0x213: {  	v9 =	vadd.s32 v14, v1;
	v8 =	vld [tilespmem:s26+$0x74D0]  }
0x214: {  	v11 =	vld [tilespmem:s26+$0x74E0]  }
0x215: {  	v13 =	vld [tilespmem:s26+$0x74F0];
	[tilespmem:v2+s20+$0x0] =	vst.idx.msk $0xffff, v4  }
0x216: {  	v2 =	vadd.s32 $0x43, v0;
	[tilespmem:v3+s20+$0x0] =	vst.idx.msk $0xffff, v7  }
0x217: {  	v2 =	vadd.s32 v2, v1;
	v3 =	vadd.s32 $0x8C3, v0;
	[tilespmem:v6+s20+$0x0] =	vst.idx.msk $0xffff, v10  }
0x218: {  	v3 =	vadd.s32 v3, v1;
	v10 =	vadd.s32 $0x1143, v0;
	[tilespmem:v9+s20+$0x0] =	vst.idx.msk $0xffff, v12  }
0x219: {  	v6 =	vadd.s32 v10, v1;
	v12 =	vadd.s32 $0x19C3, v0;
	v4 =	vld [tilespmem:s26+$0x7500]  }
0x21a: {  	v7 =	vld [tilespmem:s26+$0x7510];
	v9 =	vadd.s32 v12, v1  }
0x21b: {  	v10 =	vld [tilespmem:s26+$0x7520]  }
0x21c: {  	v12 =	vld [tilespmem:s26+$0x7530];
	[tilespmem:v2+s20+$0x0] =	vst.idx.msk $0xffff, v5  }
0x21d: {  	v2 =	vadd.s32 $0x44, v0;
	[tilespmem:v3+s20+$0x0] =	vst.idx.msk $0xffff, v8  }
0x21e: {  	v2 =	vadd.s32 v2, v1;
	v3 =	vadd.s32 $0x8C4, v0;
	[tilespmem:v6+s20+$0x0] =	vst.idx.msk $0xffff, v11  }
0x21f: {  	v3 =	vadd.s32 v3, v1;
	[tilespmem:v9+s20+$0x0] =	vst.idx.msk $0xffff, v13;
	v13 =	vadd.s32 $0x1144, v0  }
0x220: {  	v14 =	vadd.s32 $0x19C4, v0;
	v5 =	vld [tilespmem:s26+$0x7540];
	v6 =	vadd.s32 v13, v1  }
0x221: {  	v9 =	vadd.s32 v14, v1;
	v8 =	vld [tilespmem:s26+$0x7550]  }
0x222: {  	v11 =	vld [tilespmem:s26+$0x7560]  }
0x223: {  	v13 =	vld [tilespmem:s26+$0x7570];
	[tilespmem:v2+s20+$0x0] =	vst.idx.msk $0xffff, v4  }
0x224: {  	v2 =	vadd.s32 $0x45, v0;
	[tilespmem:v3+s20+$0x0] =	vst.idx.msk $0xffff, v7  }
0x225: {  	v2 =	vadd.s32 v2, v1;
	v3 =	vadd.s32 $0x8C5, v0;
	[tilespmem:v6+s20+$0x0] =	vst.idx.msk $0xffff, v10  }
0x226: {  	v3 =	vadd.s32 v3, v1;
	v10 =	vadd.s32 $0x1145, v0;
	[tilespmem:v9+s20+$0x0] =	vst.idx.msk $0xffff, v12  }
0x227: {  	v6 =	vadd.s32 v10, v1;
	v12 =	vadd.s32 $0x19C5, v0;
	v4 =	vld [tilespmem:s26+$0x7580]  }
0x228: {  	v7 =	vld [tilespmem:s26+$0x7590];
	v9 =	vadd.s32 v12, v1  }
0x229: {  	v10 =	vld [tilespmem:s26+$0x75A0]  }
0x22a: {  	v12 =	vld [tilespmem:s26+$0x75B0];
	[tilespmem:v2+s20+$0x0] =	vst.idx.msk $0xffff, v5  }
0x22b: {  	v2 =	vadd.s32 $0x46, v0;
	[tilespmem:v3+s20+$0x0] =	vst.idx.msk $0xffff, v8  }
0x22c: {  	v2 =	vadd.s32 v2, v1;
	v3 =	vadd.s32 $0x8C6, v0;
	[tilespmem:v6+s20+$0x0] =	vst.idx.msk $0xffff, v11  }
0x22d: {  	v3 =	vadd.s32 v3, v1;
	[tilespmem:v9+s20+$0x0] =	vst.idx.msk $0xffff, v13;
	v13 =	vadd.s32 $0x1146, v0  }
0x22e: {  	v14 =	vadd.s32 $0x19C6, v0;
	v5 =	vld [tilespmem:s26+$0x75C0];
	v6 =	vadd.s32 v13, v1  }
0x22f: {  	v9 =	vadd.s32 v14, v1;
	v8 =	vld [tilespmem:s26+$0x75D0]  }
0x230: {  	v11 =	vld [tilespmem:s26+$0x75E0]  }
0x231: {  	v13 =	vld [tilespmem:s26+$0x75F0];
	[tilespmem:v2+s20+$0x0] =	vst.idx.msk $0xffff, v4  }
0x232: {  	v2 =	vadd.s32 $0x47, v0;
	[tilespmem:v3+s20+$0x0] =	vst.idx.msk $0xffff, v7  }
0x233: {  	v2 =	vadd.s32 v2, v1;
	v3 =	vadd.s32 $0x8C7, v0;
	[tilespmem:v6+s20+$0x0] =	vst.idx.msk $0xffff, v10  }
0x234: {  	v3 =	vadd.s32 v3, v1;
	v10 =	vadd.s32 $0x1147, v0;
	[tilespmem:v9+s20+$0x0] =	vst.idx.msk $0xffff, v12  }
0x235: {  	v6 =	vadd.s32 v10, v1;
	v12 =	vadd.s32 $0x19C7, v0;
	v4 =	vld [tilespmem:s26+$0x7600]  }
0x236: {  	v7 =	vld [tilespmem:s26+$0x7610];
	v9 =	vadd.s32 v12, v1  }
0x237: {  	v10 =	vld [tilespmem:s26+$0x7620]  }
0x238: {  	v12 =	vld [tilespmem:s26+$0x7630];
	[tilespmem:v2+s20+$0x0] =	vst.idx.msk $0xffff, v5  }
0x239: {  	v2 =	vadd.s32 $0x48, v0;
	[tilespmem:v3+s20+$0x0] =	vst.idx.msk $0xffff, v8  }
0x23a: {  	v2 =	vadd.s32 v2, v1;
	v3 =	vadd.s32 $0x8C8, v0;
	[tilespmem:v6+s20+$0x0] =	vst.idx.msk $0xffff, v11  }
0x23b: {  	v3 =	vadd.s32 v3, v1;
	[tilespmem:v9+s20+$0x0] =	vst.idx.msk $0xffff, v13;
	v13 =	vadd.s32 $0x1148, v0  }
0x23c: {  	v14 =	vadd.s32 $0x19C8, v0;
	v5 =	vld [tilespmem:s26+$0x7640];
	v6 =	vadd.s32 v13, v1  }
0x23d: {  	v9 =	vadd.s32 v14, v1;
	v8 =	vld [tilespmem:s26+$0x7650]  }
0x23e: {  	v11 =	vld [tilespmem:s26+$0x7660]  }
0x23f: {  	v13 =	vld [tilespmem:s26+$0x7670];
	[tilespmem:v2+s20+$0x0] =	vst.idx.msk $0xffff, v4  }
0x240: {  	v2 =	vadd.s32 $0x49, v0;
	[tilespmem:v3+s20+$0x0] =	vst.idx.msk $0xffff, v7  }
0x241: {  	v2 =	vadd.s32 v2, v1;
	v3 =	vadd.s32 $0x8C9, v0;
	[tilespmem:v6+s20+$0x0] =	vst.idx.msk $0xffff, v10  }
0x242: {  	v3 =	vadd.s32 v3, v1;
	v10 =	vadd.s32 $0x1149, v0;
	[tilespmem:v9+s20+$0x0] =	vst.idx.msk $0xffff, v12  }
0x243: {  	v6 =	vadd.s32 v10, v1;
	v12 =	vadd.s32 $0x19C9, v0;
	v4 =	vld [tilespmem:s26+$0x7680]  }
0x244: {  	v7 =	vld [tilespmem:s26+$0x7690];
	v9 =	vadd.s32 v12, v1  }
0x245: {  	v10 =	vld [tilespmem:s26+$0x76A0]  }
0x246: {  	v12 =	vld [tilespmem:s26+$0x76B0];
	[tilespmem:v2+s20+$0x0] =	vst.idx.msk $0xffff, v5  }
0x247: {  	v2 =	vadd.s32 $0x4A, v0;
	[tilespmem:v3+s20+$0x0] =	vst.idx.msk $0xffff, v8  }
0x248: {  	v2 =	vadd.s32 v2, v1;
	v3 =	vadd.s32 $0x8CA, v0;
	[tilespmem:v6+s20+$0x0] =	vst.idx.msk $0xffff, v11  }
0x249: {  	v3 =	vadd.s32 v3, v1;
	[tilespmem:v9+s20+$0x0] =	vst.idx.msk $0xffff, v13;
	v13 =	vadd.s32 $0x114A, v0  }
0x24a: {  	v14 =	vadd.s32 $0x19CA, v0;
	v5 =	vld [tilespmem:s26+$0x76C0];
	v6 =	vadd.s32 v13, v1  }
0x24b: {  	v9 =	vadd.s32 v14, v1;
	v8 =	vld [tilespmem:s26+$0x76D0]  }
0x24c: {  	v11 =	vld [tilespmem:s26+$0x76E0]  }
0x24d: {  	v13 =	vld [tilespmem:s26+$0x76F0];
	[tilespmem:v2+s20+$0x0] =	vst.idx.msk $0xffff, v4  }
0x24e: {  	v2 =	vadd.s32 $0x4B, v0;
	[tilespmem:v3+s20+$0x0] =	vst.idx.msk $0xffff, v7  }
0x24f: {  	v2 =	vadd.s32 v2, v1;
	v3 =	vadd.s32 $0x8CB, v0;
	[tilespmem:v6+s20+$0x0] =	vst.idx.msk $0xffff, v10  }
0x250: {  	v3 =	vadd.s32 v3, v1;
	v10 =	vadd.s32 $0x114B, v0;
	[tilespmem:v9+s20+$0x0] =	vst.idx.msk $0xffff, v12  }
0x251: {  	v6 =	vadd.s32 v10, v1;
	v12 =	vadd.s32 $0x19CB, v0;
	v4 =	vld [tilespmem:s26+$0x7700]  }
0x252: {  	v7 =	vld [tilespmem:s26+$0x7710];
	v9 =	vadd.s32 v12, v1  }
0x253: {  	v10 =	vld [tilespmem:s26+$0x7720]  }
0x254: {  	v12 =	vld [tilespmem:s26+$0x7730];
	[tilespmem:v2+s20+$0x0] =	vst.idx.msk $0xffff, v5  }
0x255: {  	v2 =	vadd.s32 $0x4C, v0;
	[tilespmem:v3+s20+$0x0] =	vst.idx.msk $0xffff, v8  }
0x256: {  	v2 =	vadd.s32 v2, v1;
	v3 =	vadd.s32 $0x8CC, v0;
	[tilespmem:v6+s20+$0x0] =	vst.idx.msk $0xffff, v11  }
0x257: {  	v3 =	vadd.s32 v3, v1;
	[tilespmem:v9+s20+$0x0] =	vst.idx.msk $0xffff, v13;
	v13 =	vadd.s32 $0x114C, v0  }
0x258: {  	v14 =	vadd.s32 $0x19CC, v0;
	v5 =	vld [tilespmem:s26+$0x7740];
	v6 =	vadd.s32 v13, v1  }
0x259: {  	v9 =	vadd.s32 v14, v1;
	v8 =	vld [tilespmem:s26+$0x7750]  }
0x25a: {  	v11 =	vld [tilespmem:s26+$0x7760]  }
0x25b: {  	v13 =	vld [tilespmem:s26+$0x7770];
	[tilespmem:v2+s20+$0x0] =	vst.idx.msk $0xffff, v4  }
0x25c: {  	v2 =	vadd.s32 $0x4D, v0;
	[tilespmem:v3+s20+$0x0] =	vst.idx.msk $0xffff, v7  }
0x25d: {  	v2 =	vadd.s32 v2, v1;
	v3 =	vadd.s32 $0x8CD, v0;
	[tilespmem:v6+s20+$0x0] =	vst.idx.msk $0xffff, v10  }
0x25e: {  	v3 =	vadd.s32 v3, v1;
	v10 =	vadd.s32 $0x114D, v0;
	[tilespmem:v9+s20+$0x0] =	vst.idx.msk $0xffff, v12  }
0x25f: {  	v6 =	vadd.s32 v10, v1;
	v12 =	vadd.s32 $0x19CD, v0;
	v4 =	vld [tilespmem:s26+$0x7780]  }
0x260: {  	v7 =	vld [tilespmem:s26+$0x7790];
	v9 =	vadd.s32 v12, v1  }
0x261: {  	v10 =	vld [tilespmem:s26+$0x77A0]  }
0x262: {  	v12 =	vld [tilespmem:s26+$0x77B0];
	[tilespmem:v2+s20+$0x0] =	vst.idx.msk $0xffff, v5  }
0x263: {  	v2 =	vadd.s32 $0x4E, v0;
	[tilespmem:v3+s20+$0x0] =	vst.idx.msk $0xffff, v8  }
0x264: {  	v2 =	vadd.s32 v2, v1;
	v3 =	vadd.s32 $0x8CE, v0;
	[tilespmem:v6+s20+$0x0] =	vst.idx.msk $0xffff, v11  }
0x265: {  	v3 =	vadd.s32 v3, v1;
	[tilespmem:v9+s20+$0x0] =	vst.idx.msk $0xffff, v13;
	v13 =	vadd.s32 $0x114E, v0  }
0x266: {  	v14 =	vadd.s32 $0x19CE, v0;
	v5 =	vld [tilespmem:s26+$0x77C0];
	v6 =	vadd.s32 v13, v1  }
0x267: {  	v9 =	vadd.s32 v14, v1;
	v8 =	vld [tilespmem:s26+$0x77D0]  }
0x268: {  	v11 =	vld [tilespmem:s26+$0x77E0]  }
0x269: {  	v13 =	vld [tilespmem:s26+$0x77F0];
	[tilespmem:v2+s20+$0x0] =	vst.idx.msk $0xffff, v4  }
0x26a: {  	v2 =	vadd.s32 $0x4F, v0;
	[tilespmem:v3+s20+$0x0] =	vst.idx.msk $0xffff, v7  }
0x26b: {  	v2 =	vadd.s32 v2, v1;
	v3 =	vadd.s32 $0x8CF, v0;
	[tilespmem:v6+s20+$0x0] =	vst.idx.msk $0xffff, v10  }
0x26c: {  	v3 =	vadd.s32 v3, v1;
	v10 =	vadd.s32 $0x114F, v0;
	[tilespmem:v9+s20+$0x0] =	vst.idx.msk $0xffff, v12  }
0x26d: {  	v6 =	vadd.s32 v10, v1;
	v12 =	vadd.s32 $0x19CF, v0;
	v4 =	vld [tilespmem:s26+$0x7800]  }
0x26e: {  	v7 =	vld [tilespmem:s26+$0x7810];
	v9 =	vadd.s32 v12, v1  }
0x26f: {  	v10 =	vld [tilespmem:s26+$0x7820]  }
0x270: {  	v12 =	vld [tilespmem:s26+$0x7830];
	[tilespmem:v2+s20+$0x0] =	vst.idx.msk $0xffff, v5  }
0x271: {  	v2 =	vadd.s32 $0x50, v0;
	[tilespmem:v3+s20+$0x0] =	vst.idx.msk $0xffff, v8  }
0x272: {  	v2 =	vadd.s32 v2, v1;
	v3 =	vadd.s32 $0x8D0, v0;
	[tilespmem:v6+s20+$0x0] =	vst.idx.msk $0xffff, v11  }
0x273: {  	v3 =	vadd.s32 v3, v1;
	[tilespmem:v9+s20+$0x0] =	vst.idx.msk $0xffff, v13;
	v13 =	vadd.s32 $0x1150, v0  }
0x274: {  	v14 =	vadd.s32 $0x19D0, v0;
	v5 =	vld [tilespmem:s26+$0x7840];
	v6 =	vadd.s32 v13, v1  }
0x275: {  	v9 =	vadd.s32 v14, v1;
	v8 =	vld [tilespmem:s26+$0x7850]  }
0x276: {  	v11 =	vld [tilespmem:s26+$0x7860]  }
0x277: {  	v13 =	vld [tilespmem:s26+$0x7870];
	[tilespmem:v2+s20+$0x0] =	vst.idx.msk $0xffff, v4  }
0x278: {  	v2 =	vadd.s32 $0x51, v0;
	[tilespmem:v3+s20+$0x0] =	vst.idx.msk $0xffff, v7  }
0x279: {  	v2 =	vadd.s32 v2, v1;
	v3 =	vadd.s32 $0x8D1, v0;
	[tilespmem:v6+s20+$0x0] =	vst.idx.msk $0xffff, v10  }
0x27a: {  	v3 =	vadd.s32 v3, v1;
	v10 =	vadd.s32 $0x1151, v0;
	[tilespmem:v9+s20+$0x0] =	vst.idx.msk $0xffff, v12  }
0x27b: {  	v6 =	vadd.s32 v10, v1;
	v12 =	vadd.s32 $0x19D1, v0;
	v4 =	vld [tilespmem:s26+$0x7880]  }
0x27c: {  	v7 =	vld [tilespmem:s26+$0x7890];
	v9 =	vadd.s32 v12, v1  }
0x27d: {  	v10 =	vld [tilespmem:s26+$0x78A0]  }
0x27e: {  	v12 =	vld [tilespmem:s26+$0x78B0];
	[tilespmem:v2+s20+$0x0] =	vst.idx.msk $0xffff, v5  }
0x27f: {  	v2 =	vadd.s32 $0x52, v0;
	[tilespmem:v3+s20+$0x0] =	vst.idx.msk $0xffff, v8  }
0x280: {  	v2 =	vadd.s32 v2, v1;
	v3 =	vadd.s32 $0x8D2, v0;
	[tilespmem:v6+s20+$0x0] =	vst.idx.msk $0xffff, v11  }
0x281: {  	v3 =	vadd.s32 v3, v1;
	[tilespmem:v9+s20+$0x0] =	vst.idx.msk $0xffff, v13;
	v13 =	vadd.s32 $0x1152, v0  }
0x282: {  	v14 =	vadd.s32 $0x19D2, v0;
	v5 =	vld [tilespmem:s26+$0x78C0];
	v6 =	vadd.s32 v13, v1  }
0x283: {  	v9 =	vadd.s32 v14, v1;
	v8 =	vld [tilespmem:s26+$0x78D0]  }
0x284: {  	v11 =	vld [tilespmem:s26+$0x78E0]  }
0x285: {  	v13 =	vld [tilespmem:s26+$0x78F0];
	[tilespmem:v2+s20+$0x0] =	vst.idx.msk $0xffff, v4  }
0x286: {  	v2 =	vadd.s32 $0x53, v0;
	[tilespmem:v3+s20+$0x0] =	vst.idx.msk $0xffff, v7  }
0x287: {  	v2 =	vadd.s32 v2, v1;
	v3 =	vadd.s32 $0x8D3, v0;
	[tilespmem:v6+s20+$0x0] =	vst.idx.msk $0xffff, v10  }
0x288: {  	v3 =	vadd.s32 v3, v1;
	v10 =	vadd.s32 $0x1153, v0;
	[tilespmem:v9+s20+$0x0] =	vst.idx.msk $0xffff, v12  }
0x289: {  	v6 =	vadd.s32 v10, v1;
	v12 =	vadd.s32 $0x19D3, v0;
	v4 =	vld [tilespmem:s26+$0x7900]  }
0x28a: {  	v7 =	vld [tilespmem:s26+$0x7910];
	v9 =	vadd.s32 v12, v1  }
0x28b: {  	v10 =	vld [tilespmem:s26+$0x7920]  }
0x28c: {  	v12 =	vld [tilespmem:s26+$0x7930];
	[tilespmem:v2+s20+$0x0] =	vst.idx.msk $0xffff, v5  }
0x28d: {  	v2 =	vadd.s32 $0x54, v0;
	[tilespmem:v3+s20+$0x0] =	vst.idx.msk $0xffff, v8  }
0x28e: {  	v2 =	vadd.s32 v2, v1;
	v3 =	vadd.s32 $0x8D4, v0;
	[tilespmem:v6+s20+$0x0] =	vst.idx.msk $0xffff, v11  }
0x28f: {  	v3 =	vadd.s32 v3, v1;
	[tilespmem:v9+s20+$0x0] =	vst.idx.msk $0xffff, v13;
	v13 =	vadd.s32 $0x1154, v0  }
0x290: {  	v14 =	vadd.s32 $0x19D4, v0;
	v5 =	vld [tilespmem:s26+$0x7940];
	v6 =	vadd.s32 v13, v1  }
0x291: {  	v9 =	vadd.s32 v14, v1;
	v8 =	vld [tilespmem:s26+$0x7950]  }
0x292: {  	v11 =	vld [tilespmem:s26+$0x7960]  }
0x293: {  	v13 =	vld [tilespmem:s26+$0x7970];
	[tilespmem:v2+s20+$0x0] =	vst.idx.msk $0xffff, v4  }
0x294: {  	v2 =	vadd.s32 $0x55, v0;
	[tilespmem:v3+s20+$0x0] =	vst.idx.msk $0xffff, v7  }
0x295: {  	v2 =	vadd.s32 v2, v1;
	v3 =	vadd.s32 $0x8D5, v0;
	[tilespmem:v6+s20+$0x0] =	vst.idx.msk $0xffff, v10  }
0x296: {  	v3 =	vadd.s32 v3, v1;
	v10 =	vadd.s32 $0x1155, v0;
	[tilespmem:v9+s20+$0x0] =	vst.idx.msk $0xffff, v12  }
0x297: {  	v6 =	vadd.s32 v10, v1;
	v12 =	vadd.s32 $0x19D5, v0;
	v4 =	vld [tilespmem:s26+$0x7980]  }
0x298: {  	v7 =	vld [tilespmem:s26+$0x7990];
	v9 =	vadd.s32 v12, v1  }
0x299: {  	v10 =	vld [tilespmem:s26+$0x79A0]  }
0x29a: {  	v12 =	vld [tilespmem:s26+$0x79B0];
	[tilespmem:v2+s20+$0x0] =	vst.idx.msk $0xffff, v5  }
0x29b: {  	v2 =	vadd.s32 $0x56, v0;
	[tilespmem:v3+s20+$0x0] =	vst.idx.msk $0xffff, v8  }
0x29c: {  	v2 =	vadd.s32 v2, v1;
	v3 =	vadd.s32 $0x8D6, v0;
	[tilespmem:v6+s20+$0x0] =	vst.idx.msk $0xffff, v11  }
0x29d: {  	v3 =	vadd.s32 v3, v1;
	[tilespmem:v9+s20+$0x0] =	vst.idx.msk $0xffff, v13;
	v13 =	vadd.s32 $0x1156, v0  }
0x29e: {  	v14 =	vadd.s32 $0x19D6, v0;
	v5 =	vld [tilespmem:s26+$0x79C0];
	v6 =	vadd.s32 v13, v1  }
0x29f: {  	v9 =	vadd.s32 v14, v1;
	v8 =	vld [tilespmem:s26+$0x79D0]  }
0x2a0: {  	v11 =	vld [tilespmem:s26+$0x79E0]  }
0x2a1: {  	v13 =	vld [tilespmem:s26+$0x79F0];
	[tilespmem:v2+s20+$0x0] =	vst.idx.msk $0xffff, v4  }
0x2a2: {  	v2 =	vadd.s32 $0x57, v0;
	[tilespmem:v3+s20+$0x0] =	vst.idx.msk $0xffff, v7  }
0x2a3: {  	v2 =	vadd.s32 v2, v1;
	v3 =	vadd.s32 $0x8D7, v0;
	[tilespmem:v6+s20+$0x0] =	vst.idx.msk $0xffff, v10  }
0x2a4: {  	v3 =	vadd.s32 v3, v1;
	v10 =	vadd.s32 $0x1157, v0;
	[tilespmem:v9+s20+$0x0] =	vst.idx.msk $0xffff, v12  }
0x2a5: {  	v6 =	vadd.s32 v10, v1;
	v12 =	vadd.s32 $0x19D7, v0;
	v4 =	vld [tilespmem:s26+$0x7A00]  }
0x2a6: {  	v7 =	vld [tilespmem:s26+$0x7A10];
	v9 =	vadd.s32 v12, v1  }
0x2a7: {  	v10 =	vld [tilespmem:s26+$0x7A20]  }
0x2a8: {  	v12 =	vld [tilespmem:s26+$0x7A30];
	[tilespmem:v2+s20+$0x0] =	vst.idx.msk $0xffff, v5  }
0x2a9: {  	v2 =	vadd.s32 $0x58, v0;
	[tilespmem:v3+s20+$0x0] =	vst.idx.msk $0xffff, v8  }
0x2aa: {  	v2 =	vadd.s32 v2, v1;
	v3 =	vadd.s32 $0x8D8, v0;
	[tilespmem:v6+s20+$0x0] =	vst.idx.msk $0xffff, v11  }
0x2ab: {  	v3 =	vadd.s32 v3, v1;
	[tilespmem:v9+s20+$0x0] =	vst.idx.msk $0xffff, v13;
	v13 =	vadd.s32 $0x1158, v0  }
0x2ac: {  	v14 =	vadd.s32 $0x19D8, v0;
	v5 =	vld [tilespmem:s26+$0x7A40];
	v6 =	vadd.s32 v13, v1  }
0x2ad: {  	v9 =	vadd.s32 v14, v1;
	v8 =	vld [tilespmem:s26+$0x7A50]  }
0x2ae: {  	v11 =	vld [tilespmem:s26+$0x7A60]  }
0x2af: {  	v13 =	vld [tilespmem:s26+$0x7A70];
	[tilespmem:v2+s20+$0x0] =	vst.idx.msk $0xffff, v4  }
0x2b0: {  	v2 =	vadd.s32 $0x59, v0;
	[tilespmem:v3+s20+$0x0] =	vst.idx.msk $0xffff, v7  }
0x2b1: {  	v2 =	vadd.s32 v2, v1;
	v3 =	vadd.s32 $0x8D9, v0;
	[tilespmem:v6+s20+$0x0] =	vst.idx.msk $0xffff, v10  }
0x2b2: {  	v3 =	vadd.s32 v3, v1;
	v10 =	vadd.s32 $0x1159, v0;
	[tilespmem:v9+s20+$0x0] =	vst.idx.msk $0xffff, v12  }
0x2b3: {  	v6 =	vadd.s32 v10, v1;
	v12 =	vadd.s32 $0x19D9, v0;
	v4 =	vld [tilespmem:s26+$0x7A80]  }
0x2b4: {  	v7 =	vld [tilespmem:s26+$0x7A90];
	v9 =	vadd.s32 v12, v1  }
0x2b5: {  	v10 =	vld [tilespmem:s26+$0x7AA0]  }
0x2b6: {  	v12 =	vld [tilespmem:s26+$0x7AB0];
	[tilespmem:v2+s20+$0x0] =	vst.idx.msk $0xffff, v5  }
0x2b7: {  	v2 =	vadd.s32 $0x5A, v0;
	[tilespmem:v3+s20+$0x0] =	vst.idx.msk $0xffff, v8  }
0x2b8: {  	v2 =	vadd.s32 v2, v1;
	v3 =	vadd.s32 $0x8DA, v0;
	[tilespmem:v6+s20+$0x0] =	vst.idx.msk $0xffff, v11  }
0x2b9: {  	v3 =	vadd.s32 v3, v1;
	[tilespmem:v9+s20+$0x0] =	vst.idx.msk $0xffff, v13;
	v13 =	vadd.s32 $0x115A, v0  }
0x2ba: {  	v14 =	vadd.s32 $0x19DA, v0;
	v5 =	vld [tilespmem:s26+$0x7AC0];
	v6 =	vadd.s32 v13, v1  }
0x2bb: {  	v9 =	vadd.s32 v14, v1;
	v8 =	vld [tilespmem:s26+$0x7AD0]  }
0x2bc: {  	v11 =	vld [tilespmem:s26+$0x7AE0]  }
0x2bd: {  	v13 =	vld [tilespmem:s26+$0x7AF0];
	[tilespmem:v2+s20+$0x0] =	vst.idx.msk $0xffff, v4  }
0x2be: {  	v2 =	vadd.s32 $0x5B, v0;
	[tilespmem:v3+s20+$0x0] =	vst.idx.msk $0xffff, v7  }
0x2bf: {  	v2 =	vadd.s32 v2, v1;
	v3 =	vadd.s32 $0x8DB, v0;
	[tilespmem:v6+s20+$0x0] =	vst.idx.msk $0xffff, v10  }
0x2c0: {  	v3 =	vadd.s32 v3, v1;
	v10 =	vadd.s32 $0x115B, v0;
	[tilespmem:v9+s20+$0x0] =	vst.idx.msk $0xffff, v12  }
0x2c1: {  	v6 =	vadd.s32 v10, v1;
	v12 =	vadd.s32 $0x19DB, v0;
	v4 =	vld [tilespmem:s26+$0x7B00]  }
0x2c2: {  	v7 =	vld [tilespmem:s26+$0x7B10];
	v9 =	vadd.s32 v12, v1  }
0x2c3: {  	v10 =	vld [tilespmem:s26+$0x7B20]  }
0x2c4: {  	v12 =	vld [tilespmem:s26+$0x7B30];
	[tilespmem:v2+s20+$0x0] =	vst.idx.msk $0xffff, v5  }
0x2c5: {  	v2 =	vadd.s32 $0x5C, v0;
	[tilespmem:v3+s20+$0x0] =	vst.idx.msk $0xffff, v8  }
0x2c6: {  	v2 =	vadd.s32 v2, v1;
	v3 =	vadd.s32 $0x8DC, v0;
	[tilespmem:v6+s20+$0x0] =	vst.idx.msk $0xffff, v11  }
0x2c7: {  	v3 =	vadd.s32 v3, v1;
	[tilespmem:v9+s20+$0x0] =	vst.idx.msk $0xffff, v13;
	v13 =	vadd.s32 $0x115C, v0  }
0x2c8: {  	v14 =	vadd.s32 $0x19DC, v0;
	v5 =	vld [tilespmem:s26+$0x7B40];
	v6 =	vadd.s32 v13, v1  }
0x2c9: {  	v9 =	vadd.s32 v14, v1;
	v8 =	vld [tilespmem:s26+$0x7B50]  }
0x2ca: {  	v11 =	vld [tilespmem:s26+$0x7B60]  }
0x2cb: {  	v13 =	vld [tilespmem:s26+$0x7B70];
	[tilespmem:v2+s20+$0x0] =	vst.idx.msk $0xffff, v4  }
0x2cc: {  	v2 =	vadd.s32 $0x5D, v0;
	[tilespmem:v3+s20+$0x0] =	vst.idx.msk $0xffff, v7  }
0x2cd: {  	v2 =	vadd.s32 v2, v1;
	v3 =	vadd.s32 $0x8DD, v0;
	[tilespmem:v6+s20+$0x0] =	vst.idx.msk $0xffff, v10  }
0x2ce: {  	v3 =	vadd.s32 v3, v1;
	v10 =	vadd.s32 $0x115D, v0;
	[tilespmem:v9+s20+$0x0] =	vst.idx.msk $0xffff, v12  }
0x2cf: {  	v6 =	vadd.s32 v10, v1;
	v12 =	vadd.s32 $0x19DD, v0;
	v4 =	vld [tilespmem:s26+$0x7B80]  }
0x2d0: {  	v7 =	vld [tilespmem:s26+$0x7B90];
	v9 =	vadd.s32 v12, v1  }
0x2d1: {  	v10 =	vld [tilespmem:s26+$0x7BA0]  }
0x2d2: {  	v12 =	vld [tilespmem:s26+$0x7BB0];
	[tilespmem:v2+s20+$0x0] =	vst.idx.msk $0xffff, v5  }
0x2d3: {  	v2 =	vadd.s32 $0x5E, v0;
	[tilespmem:v3+s20+$0x0] =	vst.idx.msk $0xffff, v8  }
0x2d4: {  	v2 =	vadd.s32 v2, v1;
	v3 =	vadd.s32 $0x8DE, v0;
	[tilespmem:v6+s20+$0x0] =	vst.idx.msk $0xffff, v11  }
0x2d5: {  	v3 =	vadd.s32 v3, v1;
	[tilespmem:v9+s20+$0x0] =	vst.idx.msk $0xffff, v13;
	v13 =	vadd.s32 $0x115E, v0  }
0x2d6: {  	v14 =	vadd.s32 $0x19DE, v0;
	v5 =	vld [tilespmem:s26+$0x7BC0];
	v6 =	vadd.s32 v13, v1  }
0x2d7: {  	v9 =	vadd.s32 v14, v1;
	v8 =	vld [tilespmem:s26+$0x7BD0]  }
0x2d8: {  	v11 =	vld [tilespmem:s26+$0x7BE0]  }
0x2d9: {  	v13 =	vld [tilespmem:s26+$0x7BF0];
	[tilespmem:v2+s20+$0x0] =	vst.idx.msk $0xffff, v4  }
0x2da: {  	v2 =	vadd.s32 $0x5F, v0;
	[tilespmem:v3+s20+$0x0] =	vst.idx.msk $0xffff, v7  }
0x2db: {  	v2 =	vadd.s32 v2, v1;
	v3 =	vadd.s32 $0x8DF, v0;
	[tilespmem:v6+s20+$0x0] =	vst.idx.msk $0xffff, v10  }
0x2dc: {  	v3 =	vadd.s32 v3, v1;
	v10 =	vadd.s32 $0x115F, v0;
	[tilespmem:v9+s20+$0x0] =	vst.idx.msk $0xffff, v12  }
0x2dd: {  	v6 =	vadd.s32 v10, v1;
	v12 =	vadd.s32 $0x19DF, v0;
	v4 =	vld [tilespmem:s26+$0x7C00]  }
0x2de: {  	v7 =	vld [tilespmem:s26+$0x7C10];
	v9 =	vadd.s32 v12, v1  }
0x2df: {  	v10 =	vld [tilespmem:s26+$0x7C20]  }
0x2e0: {  	v12 =	vld [tilespmem:s26+$0x7C30];
	[tilespmem:v2+s20+$0x0] =	vst.idx.msk $0xffff, v5  }
0x2e1: {  	v2 =	vadd.s32 $0x60, v0;
	[tilespmem:v3+s20+$0x0] =	vst.idx.msk $0xffff, v8  }
0x2e2: {  	v2 =	vadd.s32 v2, v1;
	v3 =	vadd.s32 $0x8E0, v0;
	[tilespmem:v6+s20+$0x0] =	vst.idx.msk $0xffff, v11  }
0x2e3: {  	v3 =	vadd.s32 v3, v1;
	[tilespmem:v9+s20+$0x0] =	vst.idx.msk $0xffff, v13;
	v13 =	vadd.s32 $0x1160, v0  }
0x2e4: {  	v14 =	vadd.s32 $0x19E0, v0;
	v5 =	vld [tilespmem:s26+$0x7C40];
	v6 =	vadd.s32 v13, v1  }
0x2e5: {  	v9 =	vadd.s32 v14, v1;
	v8 =	vld [tilespmem:s26+$0x7C50]  }
0x2e6: {  	v11 =	vld [tilespmem:s26+$0x7C60]  }
0x2e7: {  	v13 =	vld [tilespmem:s26+$0x7C70];
	[tilespmem:v2+s20+$0x0] =	vst.idx.msk $0xffff, v4  }
0x2e8: {  	v2 =	vadd.s32 $0x61, v0;
	[tilespmem:v3+s20+$0x0] =	vst.idx.msk $0xffff, v7  }
0x2e9: {  	v2 =	vadd.s32 v2, v1;
	v3 =	vadd.s32 $0x8E1, v0;
	[tilespmem:v6+s20+$0x0] =	vst.idx.msk $0xffff, v10  }
0x2ea: {  	v3 =	vadd.s32 v3, v1;
	v10 =	vadd.s32 $0x1161, v0;
	[tilespmem:v9+s20+$0x0] =	vst.idx.msk $0xffff, v12  }
0x2eb: {  	v6 =	vadd.s32 v10, v1;
	v12 =	vadd.s32 $0x19E1, v0;
	v4 =	vld [tilespmem:s26+$0x7C80]  }
0x2ec: {  	v7 =	vld [tilespmem:s26+$0x7C90];
	v9 =	vadd.s32 v12, v1  }
0x2ed: {  	v10 =	vld [tilespmem:s26+$0x7CA0]  }
0x2ee: {  	v12 =	vld [tilespmem:s26+$0x7CB0];
	[tilespmem:v2+s20+$0x0] =	vst.idx.msk $0xffff, v5  }
0x2ef: {  	v2 =	vadd.s32 $0x62, v0;
	[tilespmem:v3+s20+$0x0] =	vst.idx.msk $0xffff, v8  }
0x2f0: {  	v2 =	vadd.s32 v2, v1;
	v3 =	vadd.s32 $0x8E2, v0;
	[tilespmem:v6+s20+$0x0] =	vst.idx.msk $0xffff, v11  }
0x2f1: {  	v3 =	vadd.s32 v3, v1;
	[tilespmem:v9+s20+$0x0] =	vst.idx.msk $0xffff, v13;
	v13 =	vadd.s32 $0x1162, v0  }
0x2f2: {  	v14 =	vadd.s32 $0x19E2, v0;
	v5 =	vld [tilespmem:s26+$0x7CC0];
	v6 =	vadd.s32 v13, v1  }
0x2f3: {  	v9 =	vadd.s32 v14, v1;
	v8 =	vld [tilespmem:s26+$0x7CD0]  }
0x2f4: {  	v11 =	vld [tilespmem:s26+$0x7CE0]  }
0x2f5: {  	v13 =	vld [tilespmem:s26+$0x7CF0];
	[tilespmem:v2+s20+$0x0] =	vst.idx.msk $0xffff, v4  }
0x2f6: {  	v2 =	vadd.s32 $0x63, v0;
	[tilespmem:v3+s20+$0x0] =	vst.idx.msk $0xffff, v7  }
0x2f7: {  	v2 =	vadd.s32 v2, v1;
	v3 =	vadd.s32 $0x8E3, v0;
	[tilespmem:v6+s20+$0x0] =	vst.idx.msk $0xffff, v10  }
0x2f8: {  	v3 =	vadd.s32 v3, v1;
	v10 =	vadd.s32 $0x1163, v0;
	[tilespmem:v9+s20+$0x0] =	vst.idx.msk $0xffff, v12  }
0x2f9: {  	v6 =	vadd.s32 v10, v1;
	v12 =	vadd.s32 $0x19E3, v0;
	v4 =	vld [tilespmem:s26+$0x7D00]  }
0x2fa: {  	v7 =	vld [tilespmem:s26+$0x7D10];
	v9 =	vadd.s32 v12, v1  }
0x2fb: {  	v10 =	vld [tilespmem:s26+$0x7D20]  }
0x2fc: {  	v12 =	vld [tilespmem:s26+$0x7D30];
	[tilespmem:v2+s20+$0x0] =	vst.idx.msk $0xffff, v5  }
0x2fd: {  	v2 =	vadd.s32 $0x64, v0;
	[tilespmem:v3+s20+$0x0] =	vst.idx.msk $0xffff, v8  }
0x2fe: {  	v2 =	vadd.s32 v2, v1;
	v3 =	vadd.s32 $0x8E4, v0;
	[tilespmem:v6+s20+$0x0] =	vst.idx.msk $0xffff, v11  }
0x2ff: {  	v3 =	vadd.s32 v3, v1;
	[tilespmem:v9+s20+$0x0] =	vst.idx.msk $0xffff, v13;
	v13 =	vadd.s32 $0x1164, v0  }
0x300: {  	v14 =	vadd.s32 $0x19E4, v0;
	v5 =	vld [tilespmem:s26+$0x7D40];
	v6 =	vadd.s32 v13, v1  }
0x301: {  	v9 =	vadd.s32 v14, v1;
	v8 =	vld [tilespmem:s26+$0x7D50]  }
0x302: {  	v11 =	vld [tilespmem:s26+$0x7D60]  }
0x303: {  	v13 =	vld [tilespmem:s26+$0x7D70];
	[tilespmem:v2+s20+$0x0] =	vst.idx.msk $0xffff, v4  }
0x304: {  	v2 =	vadd.s32 $0x65, v0;
	[tilespmem:v3+s20+$0x0] =	vst.idx.msk $0xffff, v7  }
0x305: {  	v2 =	vadd.s32 v2, v1;
	v3 =	vadd.s32 $0x8E5, v0;
	[tilespmem:v6+s20+$0x0] =	vst.idx.msk $0xffff, v10  }
0x306: {  	v3 =	vadd.s32 v3, v1;
	v10 =	vadd.s32 $0x1165, v0;
	[tilespmem:v9+s20+$0x0] =	vst.idx.msk $0xffff, v12  }
0x307: {  	v6 =	vadd.s32 v10, v1;
	v12 =	vadd.s32 $0x19E5, v0;
	v4 =	vld [tilespmem:s26+$0x7D80]  }
0x308: {  	v7 =	vld [tilespmem:s26+$0x7D90];
	v9 =	vadd.s32 v12, v1  }
0x309: {  	v10 =	vld [tilespmem:s26+$0x7DA0]  }
0x30a: {  	v12 =	vld [tilespmem:s26+$0x7DB0];
	[tilespmem:v2+s20+$0x0] =	vst.idx.msk $0xffff, v5  }
0x30b: {  	v2 =	vadd.s32 $0x66, v0;
	[tilespmem:v3+s20+$0x0] =	vst.idx.msk $0xffff, v8  }
0x30c: {  	v2 =	vadd.s32 v2, v1;
	v3 =	vadd.s32 $0x8E6, v0;
	[tilespmem:v6+s20+$0x0] =	vst.idx.msk $0xffff, v11  }
0x30d: {  	v3 =	vadd.s32 v3, v1;
	[tilespmem:v9+s20+$0x0] =	vst.idx.msk $0xffff, v13;
	v13 =	vadd.s32 $0x1166, v0  }
0x30e: {  	v14 =	vadd.s32 $0x19E6, v0;
	v5 =	vld [tilespmem:s26+$0x7DC0];
	v6 =	vadd.s32 v13, v1  }
0x30f: {  	v9 =	vadd.s32 v14, v1;
	v8 =	vld [tilespmem:s26+$0x7DD0]  }
0x310: {  	v11 =	vld [tilespmem:s26+$0x7DE0]  }
0x311: {  	v13 =	vld [tilespmem:s26+$0x7DF0];
	[tilespmem:v2+s20+$0x0] =	vst.idx.msk $0xffff, v4  }
0x312: {  	v2 =	vadd.s32 $0x67, v0;
	[tilespmem:v3+s20+$0x0] =	vst.idx.msk $0xffff, v7  }
0x313: {  	v2 =	vadd.s32 v2, v1;
	v3 =	vadd.s32 $0x8E7, v0;
	[tilespmem:v6+s20+$0x0] =	vst.idx.msk $0xffff, v10  }
0x314: {  	v3 =	vadd.s32 v3, v1;
	v10 =	vadd.s32 $0x1167, v0;
	[tilespmem:v9+s20+$0x0] =	vst.idx.msk $0xffff, v12  }
0x315: {  	v6 =	vadd.s32 v10, v1;
	v12 =	vadd.s32 $0x19E7, v0;
	v4 =	vld [tilespmem:s26+$0x7E00]  }
0x316: {  	v7 =	vld [tilespmem:s26+$0x7E10];
	v9 =	vadd.s32 v12, v1  }
0x317: {  	v10 =	vld [tilespmem:s26+$0x7E20]  }
0x318: {  	v12 =	vld [tilespmem:s26+$0x7E30];
	[tilespmem:v2+s20+$0x0] =	vst.idx.msk $0xffff, v5  }
0x319: {  	v2 =	vadd.s32 $0x68, v0;
	[tilespmem:v3+s20+$0x0] =	vst.idx.msk $0xffff, v8  }
0x31a: {  	v2 =	vadd.s32 v2, v1;
	v3 =	vadd.s32 $0x8E8, v0;
	[tilespmem:v6+s20+$0x0] =	vst.idx.msk $0xffff, v11  }
0x31b: {  	v3 =	vadd.s32 v3, v1;
	[tilespmem:v9+s20+$0x0] =	vst.idx.msk $0xffff, v13;
	v13 =	vadd.s32 $0x1168, v0  }
0x31c: {  	v14 =	vadd.s32 $0x19E8, v0;
	v5 =	vld [tilespmem:s26+$0x7E40];
	v6 =	vadd.s32 v13, v1  }
0x31d: {  	v9 =	vadd.s32 v14, v1;
	v8 =	vld [tilespmem:s26+$0x7E50]  }
0x31e: {  	v11 =	vld [tilespmem:s26+$0x7E60]  }
0x31f: {  	v13 =	vld [tilespmem:s26+$0x7E70];
	[tilespmem:v2+s20+$0x0] =	vst.idx.msk $0xffff, v4  }
0x320: {  	v2 =	vadd.s32 $0x69, v0;
	[tilespmem:v3+s20+$0x0] =	vst.idx.msk $0xffff, v7  }
0x321: {  	v2 =	vadd.s32 v2, v1;
	v3 =	vadd.s32 $0x8E9, v0;
	[tilespmem:v6+s20+$0x0] =	vst.idx.msk $0xffff, v10  }
0x322: {  	v3 =	vadd.s32 v3, v1;
	v10 =	vadd.s32 $0x1169, v0;
	[tilespmem:v9+s20+$0x0] =	vst.idx.msk $0xffff, v12  }
0x323: {  	v6 =	vadd.s32 v10, v1;
	v12 =	vadd.s32 $0x19E9, v0;
	v4 =	vld [tilespmem:s26+$0x7E80]  }
0x324: {  	v7 =	vld [tilespmem:s26+$0x7E90];
	v9 =	vadd.s32 v12, v1  }
0x325: {  	v10 =	vld [tilespmem:s26+$0x7EA0]  }
0x326: {  	v12 =	vld [tilespmem:s26+$0x7EB0];
	[tilespmem:v2+s20+$0x0] =	vst.idx.msk $0xffff, v5  }
0x327: {  	v2 =	vadd.s32 $0x6A, v0;
	[tilespmem:v3+s20+$0x0] =	vst.idx.msk $0xffff, v8  }
0x328: {  	v2 =	vadd.s32 v2, v1;
	v3 =	vadd.s32 $0x8EA, v0;
	[tilespmem:v6+s20+$0x0] =	vst.idx.msk $0xffff, v11  }
0x329: {  	v3 =	vadd.s32 v3, v1;
	[tilespmem:v9+s20+$0x0] =	vst.idx.msk $0xffff, v13;
	v13 =	vadd.s32 $0x116A, v0  }
0x32a: {  	v14 =	vadd.s32 $0x19EA, v0;
	v5 =	vld [tilespmem:s26+$0x7EC0];
	v6 =	vadd.s32 v13, v1  }
0x32b: {  	v9 =	vadd.s32 v14, v1;
	v8 =	vld [tilespmem:s26+$0x7ED0]  }
0x32c: {  	v11 =	vld [tilespmem:s26+$0x7EE0]  }
0x32d: {  	v13 =	vld [tilespmem:s26+$0x7EF0];
	[tilespmem:v2+s20+$0x0] =	vst.idx.msk $0xffff, v4  }
0x32e: {  	v2 =	vadd.s32 $0x6B, v0;
	[tilespmem:v3+s20+$0x0] =	vst.idx.msk $0xffff, v7  }
0x32f: {  	v2 =	vadd.s32 v2, v1;
	v3 =	vadd.s32 $0x8EB, v0;
	[tilespmem:v6+s20+$0x0] =	vst.idx.msk $0xffff, v10  }
0x330: {  	v3 =	vadd.s32 v3, v1;
	v10 =	vadd.s32 $0x116B, v0;
	[tilespmem:v9+s20+$0x0] =	vst.idx.msk $0xffff, v12  }
0x331: {  	v6 =	vadd.s32 v10, v1;
	v12 =	vadd.s32 $0x19EB, v0;
	v4 =	vld [tilespmem:s26+$0x7F00]  }
0x332: {  	v7 =	vld [tilespmem:s26+$0x7F10];
	v9 =	vadd.s32 v12, v1  }
0x333: {  	v10 =	vld [tilespmem:s26+$0x7F20]  }
0x334: {  	v12 =	vld [tilespmem:s26+$0x7F30];
	[tilespmem:v2+s20+$0x0] =	vst.idx.msk $0xffff, v5  }
0x335: {  	v2 =	vadd.s32 $0x6C, v0;
	[tilespmem:v3+s20+$0x0] =	vst.idx.msk $0xffff, v8  }
0x336: {  	v2 =	vadd.s32 v2, v1;
	v3 =	vadd.s32 $0x8EC, v0;
	[tilespmem:v6+s20+$0x0] =	vst.idx.msk $0xffff, v11  }
0x337: {  	v3 =	vadd.s32 v3, v1;
	[tilespmem:v9+s20+$0x0] =	vst.idx.msk $0xffff, v13;
	v13 =	vadd.s32 $0x116C, v0  }
0x338: {  	v14 =	vadd.s32 $0x19EC, v0;
	v5 =	vld [tilespmem:s26+$0x7F40];
	v6 =	vadd.s32 v13, v1  }
0x339: {  	v9 =	vadd.s32 v14, v1;
	v8 =	vld [tilespmem:s26+$0x7F50]  }
0x33a: {  	v11 =	vld [tilespmem:s26+$0x7F60]  }
0x33b: {  	v13 =	vld [tilespmem:s26+$0x7F70];
	[tilespmem:v2+s20+$0x0] =	vst.idx.msk $0xffff, v4  }
0x33c: {  	v2 =	vadd.s32 $0x6D, v0;
	[tilespmem:v3+s20+$0x0] =	vst.idx.msk $0xffff, v7  }
0x33d: {  	v2 =	vadd.s32 v2, v1;
	v3 =	vadd.s32 $0x8ED, v0;
	[tilespmem:v6+s20+$0x0] =	vst.idx.msk $0xffff, v10  }
0x33e: {  	v3 =	vadd.s32 v3, v1;
	v10 =	vadd.s32 $0x116D, v0;
	[tilespmem:v9+s20+$0x0] =	vst.idx.msk $0xffff, v12  }
0x33f: {  	v6 =	vadd.s32 v10, v1;
	v12 =	vadd.s32 $0x19ED, v0;
	v4 =	vld [tilespmem:s26+$0x7F80]  }
0x340: {  	v7 =	vld [tilespmem:s26+$0x7F90];
	v9 =	vadd.s32 v12, v1  }
0x341: {  	v10 =	vld [tilespmem:s26+$0x7FA0]  }
0x342: {  	v12 =	vld [tilespmem:s26+$0x7FB0];
	[tilespmem:v2+s20+$0x0] =	vst.idx.msk $0xffff, v5  }
0x343: {  	v2 =	vadd.s32 $0x6E, v0;
	[tilespmem:v3+s20+$0x0] =	vst.idx.msk $0xffff, v8  }
0x344: {  	v2 =	vadd.s32 v2, v1;
	v3 =	vadd.s32 $0x8EE, v0;
	[tilespmem:v6+s20+$0x0] =	vst.idx.msk $0xffff, v11  }
0x345: {  	v3 =	vadd.s32 v3, v1;
	[tilespmem:v9+s20+$0x0] =	vst.idx.msk $0xffff, v13;
	v13 =	vadd.s32 $0x116E, v0  }
0x346: {  	v14 =	vadd.s32 $0x19EE, v0;
	v5 =	vld [tilespmem:s26+$0x7FC0];
	v6 =	vadd.s32 v13, v1  }
0x347: {  	v9 =	vadd.s32 v14, v1;
	v8 =	vld [tilespmem:s26+$0x7FD0]  }
0x348: {  	v11 =	vld [tilespmem:s26+$0x7FE0]  }
0x349: {  	v13 =	vld [tilespmem:s26+$0x7FF0];
	[tilespmem:v2+s20+$0x0] =	vst.idx.msk $0xffff, v4  }
0x34a: {  	v2 =	vadd.s32 $0x6F, v0;
	[tilespmem:v3+s20+$0x0] =	vst.idx.msk $0xffff, v7  }
0x34b: {  	v2 =	vadd.s32 v2, v1;
	v3 =	vadd.s32 $0x8EF, v0;
	[tilespmem:v6+s20+$0x0] =	vst.idx.msk $0xffff, v10  }
0x34c: {  	v3 =	vadd.s32 v3, v1;
	v10 =	vadd.s32 $0x116F, v0;
	[tilespmem:v9+s20+$0x0] =	vst.idx.msk $0xffff, v12  }
0x34d: {  	v6 =	vadd.s32 v10, v1;
	v12 =	vadd.s32 $0x19EF, v0;
	v4 =	vld [tilespmem:s26+$0x8000]  }
0x34e: {  	v7 =	vld [tilespmem:s26+$0x8010];
	v9 =	vadd.s32 v12, v1  }
0x34f: {  	v10 =	vld [tilespmem:s26+$0x8020]  }
0x350: {  	v12 =	vld [tilespmem:s26+$0x8030];
	[tilespmem:v2+s20+$0x0] =	vst.idx.msk $0xffff, v5  }
0x351: {  	v2 =	vadd.s32 $0x70, v0;
	[tilespmem:v3+s20+$0x0] =	vst.idx.msk $0xffff, v8  }
0x352: {  	v2 =	vadd.s32 v2, v1;
	v3 =	vadd.s32 $0x8F0, v0;
	[tilespmem:v6+s20+$0x0] =	vst.idx.msk $0xffff, v11  }
0x353: {  	v3 =	vadd.s32 v3, v1;
	[tilespmem:v9+s20+$0x0] =	vst.idx.msk $0xffff, v13;
	v13 =	vadd.s32 $0x1170, v0  }
0x354: {  	v14 =	vadd.s32 $0x19F0, v0;
	v5 =	vld [tilespmem:s26+$0x8040];
	v6 =	vadd.s32 v13, v1  }
0x355: {  	v9 =	vadd.s32 v14, v1;
	v8 =	vld [tilespmem:s26+$0x8050]  }
0x356: {  	v11 =	vld [tilespmem:s26+$0x8060]  }
0x357: {  	v13 =	vld [tilespmem:s26+$0x8070];
	[tilespmem:v2+s20+$0x0] =	vst.idx.msk $0xffff, v4  }
0x358: {  	v2 =	vadd.s32 $0x71, v0;
	[tilespmem:v3+s20+$0x0] =	vst.idx.msk $0xffff, v7  }
0x359: {  	v2 =	vadd.s32 v2, v1;
	v3 =	vadd.s32 $0x8F1, v0;
	[tilespmem:v6+s20+$0x0] =	vst.idx.msk $0xffff, v10  }
0x35a: {  	v3 =	vadd.s32 v3, v1;
	v10 =	vadd.s32 $0x1171, v0;
	[tilespmem:v9+s20+$0x0] =	vst.idx.msk $0xffff, v12  }
0x35b: {  	v6 =	vadd.s32 v10, v1;
	v12 =	vadd.s32 $0x19F1, v0;
	v4 =	vld [tilespmem:s26+$0x8080]  }
0x35c: {  	v7 =	vld [tilespmem:s26+$0x8090];
	v9 =	vadd.s32 v12, v1  }
0x35d: {  	v10 =	vld [tilespmem:s26+$0x80A0]  }
0x35e: {  	v12 =	vld [tilespmem:s26+$0x80B0];
	[tilespmem:v2+s20+$0x0] =	vst.idx.msk $0xffff, v5  }
0x35f: {  	v2 =	vadd.s32 $0x72, v0;
	[tilespmem:v3+s20+$0x0] =	vst.idx.msk $0xffff, v8  }
0x360: {  	v2 =	vadd.s32 v2, v1;
	v3 =	vadd.s32 $0x8F2, v0;
	[tilespmem:v6+s20+$0x0] =	vst.idx.msk $0xffff, v11  }
0x361: {  	v3 =	vadd.s32 v3, v1;
	[tilespmem:v9+s20+$0x0] =	vst.idx.msk $0xffff, v13;
	v13 =	vadd.s32 $0x1172, v0  }
0x362: {  	v14 =	vadd.s32 $0x19F2, v0;
	v5 =	vld [tilespmem:s26+$0x80C0];
	v6 =	vadd.s32 v13, v1  }
0x363: {  	v9 =	vadd.s32 v14, v1;
	v8 =	vld [tilespmem:s26+$0x80D0]  }
0x364: {  	v11 =	vld [tilespmem:s26+$0x80E0]  }
0x365: {  	v13 =	vld [tilespmem:s26+$0x80F0];
	[tilespmem:v2+s20+$0x0] =	vst.idx.msk $0xffff, v4  }
0x366: {  	v2 =	vadd.s32 $0x73, v0;
	[tilespmem:v3+s20+$0x0] =	vst.idx.msk $0xffff, v7  }
0x367: {  	v2 =	vadd.s32 v2, v1;
	v3 =	vadd.s32 $0x8F3, v0;
	[tilespmem:v6+s20+$0x0] =	vst.idx.msk $0xffff, v10  }
0x368: {  	v3 =	vadd.s32 v3, v1;
	v10 =	vadd.s32 $0x1173, v0;
	[tilespmem:v9+s20+$0x0] =	vst.idx.msk $0xffff, v12  }
0x369: {  	v6 =	vadd.s32 v10, v1;
	v12 =	vadd.s32 $0x19F3, v0;
	v4 =	vld [tilespmem:s26+$0x8100]  }
0x36a: {  	v7 =	vld [tilespmem:s26+$0x8110];
	v9 =	vadd.s32 v12, v1  }
0x36b: {  	v10 =	vld [tilespmem:s26+$0x8120]  }
0x36c: {  	v12 =	vld [tilespmem:s26+$0x8130];
	[tilespmem:v2+s20+$0x0] =	vst.idx.msk $0xffff, v5  }
0x36d: {  	v2 =	vadd.s32 $0x74, v0;
	[tilespmem:v3+s20+$0x0] =	vst.idx.msk $0xffff, v8  }
0x36e: {  	v2 =	vadd.s32 v2, v1;
	v3 =	vadd.s32 $0x8F4, v0;
	[tilespmem:v6+s20+$0x0] =	vst.idx.msk $0xffff, v11  }
0x36f: {  	v3 =	vadd.s32 v3, v1;
	[tilespmem:v9+s20+$0x0] =	vst.idx.msk $0xffff, v13;
	v13 =	vadd.s32 $0x1174, v0  }
0x370: {  	v14 =	vadd.s32 $0x19F4, v0;
	v5 =	vld [tilespmem:s26+$0x8140];
	v6 =	vadd.s32 v13, v1  }
0x371: {  	v9 =	vadd.s32 v14, v1;
	v8 =	vld [tilespmem:s26+$0x8150]  }
0x372: {  	v11 =	vld [tilespmem:s26+$0x8160]  }
0x373: {  	v13 =	vld [tilespmem:s26+$0x8170];
	[tilespmem:v2+s20+$0x0] =	vst.idx.msk $0xffff, v4  }
0x374: {  	v2 =	vadd.s32 $0x75, v0;
	[tilespmem:v3+s20+$0x0] =	vst.idx.msk $0xffff, v7  }
0x375: {  	v2 =	vadd.s32 v2, v1;
	v3 =	vadd.s32 $0x8F5, v0;
	[tilespmem:v6+s20+$0x0] =	vst.idx.msk $0xffff, v10  }
0x376: {  	v3 =	vadd.s32 v3, v1;
	v10 =	vadd.s32 $0x1175, v0;
	[tilespmem:v9+s20+$0x0] =	vst.idx.msk $0xffff, v12  }
0x377: {  	v6 =	vadd.s32 v10, v1;
	v12 =	vadd.s32 $0x19F5, v0;
	v4 =	vld [tilespmem:s26+$0x8180]  }
0x378: {  	v7 =	vld [tilespmem:s26+$0x8190];
	v9 =	vadd.s32 v12, v1  }
0x379: {  	v10 =	vld [tilespmem:s26+$0x81A0]  }
0x37a: {  	v12 =	vld [tilespmem:s26+$0x81B0];
	[tilespmem:v2+s20+$0x0] =	vst.idx.msk $0xffff, v5  }
0x37b: {  	v2 =	vadd.s32 $0x76, v0;
	[tilespmem:v3+s20+$0x0] =	vst.idx.msk $0xffff, v8  }
0x37c: {  	v2 =	vadd.s32 v2, v1;
	v3 =	vadd.s32 $0x8F6, v0;
	[tilespmem:v6+s20+$0x0] =	vst.idx.msk $0xffff, v11  }
0x37d: {  	v3 =	vadd.s32 v3, v1;
	[tilespmem:v9+s20+$0x0] =	vst.idx.msk $0xffff, v13;
	v13 =	vadd.s32 $0x1176, v0  }
0x37e: {  	v14 =	vadd.s32 $0x19F6, v0;
	v5 =	vld [tilespmem:s26+$0x81C0];
	v6 =	vadd.s32 v13, v1  }
0x37f: {  	v9 =	vadd.s32 v14, v1;
	v8 =	vld [tilespmem:s26+$0x81D0]  }
0x380: {  	v11 =	vld [tilespmem:s26+$0x81E0]  }
0x381: {  	v13 =	vld [tilespmem:s26+$0x81F0];
	[tilespmem:v2+s20+$0x0] =	vst.idx.msk $0xffff, v4  }
0x382: {  	v2 =	vadd.s32 $0x77, v0;
	[tilespmem:v3+s20+$0x0] =	vst.idx.msk $0xffff, v7  }
0x383: {  	v2 =	vadd.s32 v2, v1;
	v3 =	vadd.s32 $0x8F7, v0;
	[tilespmem:v6+s20+$0x0] =	vst.idx.msk $0xffff, v10  }
0x384: {  	v3 =	vadd.s32 v3, v1;
	v10 =	vadd.s32 $0x1177, v0;
	[tilespmem:v9+s20+$0x0] =	vst.idx.msk $0xffff, v12  }
0x385: {  	v6 =	vadd.s32 v10, v1;
	v12 =	vadd.s32 $0x19F7, v0;
	v4 =	vld [tilespmem:s26+$0x8200]  }
0x386: {  	v7 =	vld [tilespmem:s26+$0x8210];
	v9 =	vadd.s32 v12, v1  }
0x387: {  	v10 =	vld [tilespmem:s26+$0x8220]  }
0x388: {  	v12 =	vld [tilespmem:s26+$0x8230];
	[tilespmem:v2+s20+$0x0] =	vst.idx.msk $0xffff, v5  }
0x389: {  	v2 =	vadd.s32 $0x78, v0;
	[tilespmem:v3+s20+$0x0] =	vst.idx.msk $0xffff, v8  }
0x38a: {  	v2 =	vadd.s32 v2, v1;
	v3 =	vadd.s32 $0x8F8, v0;
	[tilespmem:v6+s20+$0x0] =	vst.idx.msk $0xffff, v11  }
0x38b: {  	v3 =	vadd.s32 v3, v1;
	[tilespmem:v9+s20+$0x0] =	vst.idx.msk $0xffff, v13;
	v13 =	vadd.s32 $0x1178, v0  }
0x38c: {  	v14 =	vadd.s32 $0x19F8, v0;
	v5 =	vld [tilespmem:s26+$0x8240];
	v6 =	vadd.s32 v13, v1  }
0x38d: {  	v9 =	vadd.s32 v14, v1;
	v8 =	vld [tilespmem:s26+$0x8250]  }
0x38e: {  	v11 =	vld [tilespmem:s26+$0x8260]  }
0x38f: {  	v13 =	vld [tilespmem:s26+$0x8270];
	[tilespmem:v2+s20+$0x0] =	vst.idx.msk $0xffff, v4  }
0x390: {  	v2 =	vadd.s32 $0x79, v0;
	[tilespmem:v3+s20+$0x0] =	vst.idx.msk $0xffff, v7  }
0x391: {  	v2 =	vadd.s32 v2, v1;
	v3 =	vadd.s32 $0x8F9, v0;
	[tilespmem:v6+s20+$0x0] =	vst.idx.msk $0xffff, v10  }
0x392: {  	v3 =	vadd.s32 v3, v1;
	v10 =	vadd.s32 $0x1179, v0;
	[tilespmem:v9+s20+$0x0] =	vst.idx.msk $0xffff, v12  }
0x393: {  	v6 =	vadd.s32 v10, v1;
	v12 =	vadd.s32 $0x19F9, v0;
	v4 =	vld [tilespmem:s26+$0x8280]  }
0x394: {  	v7 =	vld [tilespmem:s26+$0x8290];
	v9 =	vadd.s32 v12, v1  }
0x395: {  	v10 =	vld [tilespmem:s26+$0x82A0]  }
0x396: {  	v12 =	vld [tilespmem:s26+$0x82B0];
	[tilespmem:v2+s20+$0x0] =	vst.idx.msk $0xffff, v5  }
0x397: {  	v2 =	vadd.s32 $0x7A, v0;
	[tilespmem:v3+s20+$0x0] =	vst.idx.msk $0xffff, v8  }
0x398: {  	v2 =	vadd.s32 v2, v1;
	v3 =	vadd.s32 $0x8FA, v0;
	[tilespmem:v6+s20+$0x0] =	vst.idx.msk $0xffff, v11  }
0x399: {  	v3 =	vadd.s32 v3, v1;
	[tilespmem:v9+s20+$0x0] =	vst.idx.msk $0xffff, v13;
	v13 =	vadd.s32 $0x117A, v0  }
0x39a: {  	v14 =	vadd.s32 $0x19FA, v0;
	v5 =	vld [tilespmem:s26+$0x82C0];
	v6 =	vadd.s32 v13, v1  }
0x39b: {  	v9 =	vadd.s32 v14, v1;
	v8 =	vld [tilespmem:s26+$0x82D0]  }
0x39c: {  	v11 =	vld [tilespmem:s26+$0x82E0]  }
0x39d: {  	v13 =	vld [tilespmem:s26+$0x82F0];
	[tilespmem:v2+s20+$0x0] =	vst.idx.msk $0xffff, v4  }
0x39e: {  	v2 =	vadd.s32 $0x7B, v0;
	[tilespmem:v3+s20+$0x0] =	vst.idx.msk $0xffff, v7  }
0x39f: {  	v2 =	vadd.s32 v2, v1;
	v3 =	vadd.s32 $0x8FB, v0;
	[tilespmem:v6+s20+$0x0] =	vst.idx.msk $0xffff, v10  }
0x3a0: {  	v3 =	vadd.s32 v3, v1;
	v10 =	vadd.s32 $0x117B, v0;
	[tilespmem:v9+s20+$0x0] =	vst.idx.msk $0xffff, v12  }
0x3a1: {  	v6 =	vadd.s32 v10, v1;
	v12 =	vadd.s32 $0x19FB, v0;
	v4 =	vld [tilespmem:s26+$0x8300]  }
0x3a2: {  	v7 =	vld [tilespmem:s26+$0x8310];
	v9 =	vadd.s32 v12, v1  }
0x3a3: {  	v10 =	vld [tilespmem:s26+$0x8320]  }
0x3a4: {  	v12 =	vld [tilespmem:s26+$0x8330];
	[tilespmem:v2+s20+$0x0] =	vst.idx.msk $0xffff, v5  }
0x3a5: {  	v2 =	vadd.s32 $0x7C, v0;
	[tilespmem:v3+s20+$0x0] =	vst.idx.msk $0xffff, v8  }
0x3a6: {  	v2 =	vadd.s32 v2, v1;
	v3 =	vadd.s32 $0x8FC, v0;
	[tilespmem:v6+s20+$0x0] =	vst.idx.msk $0xffff, v11  }
0x3a7: {  	v3 =	vadd.s32 v3, v1;
	[tilespmem:v9+s20+$0x0] =	vst.idx.msk $0xffff, v13;
	v13 =	vadd.s32 $0x117C, v0  }
0x3a8: {  	v14 =	vadd.s32 $0x19FC, v0;
	v5 =	vld [tilespmem:s26+$0x8340];
	v6 =	vadd.s32 v13, v1  }
0x3a9: {  	v9 =	vadd.s32 v14, v1;
	v8 =	vld [tilespmem:s26+$0x8350]  }
0x3aa: {  	v11 =	vld [tilespmem:s26+$0x8360]  }
0x3ab: {  	v13 =	vld [tilespmem:s26+$0x8370];
	[tilespmem:v2+s20+$0x0] =	vst.idx.msk $0xffff, v4  }
0x3ac: {  	v2 =	vadd.s32 $0x7D, v0;
	[tilespmem:v3+s20+$0x0] =	vst.idx.msk $0xffff, v7  }
0x3ad: {  	v2 =	vadd.s32 v2, v1;
	v3 =	vadd.s32 $0x8FD, v0;
	[tilespmem:v6+s20+$0x0] =	vst.idx.msk $0xffff, v10  }
0x3ae: {  	v3 =	vadd.s32 v3, v1;
	v10 =	vadd.s32 $0x117D, v0;
	[tilespmem:v9+s20+$0x0] =	vst.idx.msk $0xffff, v12  }
0x3af: {  	v6 =	vadd.s32 v10, v1;
	v12 =	vadd.s32 $0x19FD, v0;
	v4 =	vld [tilespmem:s26+$0x8380]  }
0x3b0: {  	v7 =	vld [tilespmem:s26+$0x8390];
	v9 =	vadd.s32 v12, v1  }
0x3b1: {  	v10 =	vld [tilespmem:s26+$0x83A0]  }
0x3b2: {  	v12 =	vld [tilespmem:s26+$0x83B0];
	[tilespmem:v2+s20+$0x0] =	vst.idx.msk $0xffff, v5  }
0x3b3: {  	v2 =	vadd.s32 $0x7E, v0;
	[tilespmem:v3+s20+$0x0] =	vst.idx.msk $0xffff, v8  }
0x3b4: {  	v2 =	vadd.s32 v2, v1;
	v3 =	vadd.s32 $0x8FE, v0;
	[tilespmem:v6+s20+$0x0] =	vst.idx.msk $0xffff, v11  }
0x3b5: {  	v3 =	vadd.s32 v3, v1;
	[tilespmem:v9+s20+$0x0] =	vst.idx.msk $0xffff, v13;
	v13 =	vadd.s32 $0x117E, v0  }
0x3b6: {  	v14 =	vadd.s32 $0x19FE, v0;
	v5 =	vld [tilespmem:s26+$0x83C0];
	v6 =	vadd.s32 v13, v1  }
0x3b7: {  	v9 =	vadd.s32 v14, v1;
	v8 =	vld [tilespmem:s26+$0x83D0];
	v13 =	vadd.s32 $0x7F, v0  }
0x3b8: {  	v15 =	vadd.s32 $0x8FF, v0;
	v11 =	vld [tilespmem:s26+$0x83E0];
	v13 =	vadd.s32 v13, v1  }
0x3b9: {  	v14 =	vld [tilespmem:s26+$0x83F0];
	[tilespmem:v2+s20+$0x0] =	vst.idx.msk $0xffff, v4;
	v2 =	vadd.s32 v15, v1;
	v4 =	vadd.s32 $0x117F, v0  }
0x3ba: {  	s0 =	simm.s32 $0x1;
	[tilespmem:v3+s20+$0x0] =	vst.idx.msk $0xffff, v7;
	v3 =	vadd.s32 v4, v1;
	v4 =	vadd.s32 $0x19FF, v0  }
0x3bb: {  	s0 =	simm.s32 @!p0 $0x0;
	v1 =	vadd.s32 v4, v1;
	[tilespmem:v6+s20+$0x0] =	vst.idx.msk $0xffff, v10  }
0x3bc: {  	s10 =	sadd.s32 s5, s24;
	s0 =	smul.u32 $0x8800, s0;
	[tilespmem:v9+s20+$0x0] =	vst.idx.msk $0xffff, v12  }
0x3bd: {  	s11 =	sshll.u32 s10, $0x7;
	[tilespmem:v13+s20+$0x0] =	vst.idx.msk $0xffff, v5  }
0x3be: {  	s0 =	sshrl.u32 s0, $0x2;
	s1 =	sshll.u32 s10, $0xA;
	s10 =	sand.u32 $0x3F80, s11;
	[tilespmem:v2+s20+$0x0] =	vst.idx.msk $0xffff, v8  }
0x3bf: {  	s29 =	sadd.s32 $0x12400, s0;
	s1 =	sand.u32 $0xFFE0000, s1;
	s11 =	sadd.s32 s2, s10;
	[tilespmem:v3+s20+$0x0] =	vst.idx.msk $0xffff, v11  }
0x3c0: {  	s28 =	sadd.s32 $0x7, s28;
	s0 =	sadd.s32 $0x0, s29;
	s30 =	sadd.s32 s1, s11;
	[tilespmem:v1+s20+$0x0] =	vst.idx.msk $0xffff, v14  }
0x3c1: {  	[hbm4b:s30+s3] =	stream.linear.scatter [tilespmem:s0], [sflag:s28], $0x80, $0x38;
	[tilespmem:$0x16800] =	vst v63  }
0x3c2: {  	s10 =	sadd.s32 $0x88, s0;
	s11 =	sadd.s32 $0x10, s30  }
0x3c3: {  	[hbm4b:s11+s3] =	stream.linear.scatter [tilespmem:s10], [sflag:s28], $0x80, $0x38;
	[tilespmem:$0x16800] =	vst v63  }
0x3c4: {  	s10 =	sadd.s32 $0x110, s0;
	s11 =	sadd.s32 $0x20, s30  }
0x3c5: {  	[hbm4b:s11+s3] =	stream.linear.scatter [tilespmem:s10], [sflag:s28], $0x80, $0x38;
	[tilespmem:$0x16800] =	vst v63  }
0x3c6: {  	s10 =	sadd.s32 $0x198, s0;
	s11 =	sadd.s32 $0x30, s30  }
0x3c7: {  	[hbm4b:s11+s3] =	stream.linear.scatter [tilespmem:s10], [sflag:s28], $0x80, $0x38;
	[tilespmem:$0x16800] =	vst v63  }
0x3c8: {  	s31 =	simm.s32 $0x440;
	s10 =	sadd.s32 $0x220, s0;
	s11 =	sadd.s32 $0x40, s30  }
0x3c9: {  	[hbm4b:s11+s3] =	stream.linear.scatter [tilespmem:s10], [sflag:s28], $0x80, $0x38;
	[tilespmem:$0x16800] =	vst v63  }
0x3ca: {  	s1 =	simm.s32 $0x2200;
	s10 =	sadd.s32 $0x2A8, s0;
	s11 =	sadd.s32 $0x50, s30  }
0x3cb: {  	[hbm4b:s11+s3] =	stream.linear.scatter [tilespmem:s10], [sflag:s28], $0x80, $0x38;
	[tilespmem:$0x16800] =	vst v63  }
0x3cc: {  	s26 =	sadd.s32 $0x6400, s26;
	s10 =	sadd.s32 $0x330, s0;
	s11 =	sadd.s32 $0x60, s30  }
0x3cd: {  	[hbm4b:s11+s3] =	stream.linear.scatter [tilespmem:s10], [sflag:s28], $0x80, $0x38;
	[tilespmem:$0x16800] =	vst v63  }
0x3ce: {  	s0 =	sadd.s32 $0x3B8, s0;
	s10 =	sadd.s32 $0x70, s30;
	s30 =	sadd.s32 $0x4000, s30  }
.LBB2_3:
0x3cf: {  	[hbm4b:s10+s3] =	stream.linear.scatter [tilespmem:s0], [sflag:s28], $0x80, $0x38;
	[tilespmem:$0x16800] =	vst v63  }
0x3d0: {  	s0 =	smov.u32 s1  }
0x3d1: {  	s11 =	sadd.s32 $0x1100, s1;
	s10 =	sadd.s32 s31, s29;
	s31 =	sshra.s32 s0, $0x2  }
0x3d2: {  	[hbm4b:s30+s3] =	stream.linear.scatter [tilespmem:s10], [sflag:s28], $0x80, $0x38;
	[tilespmem:$0x16800] =	vst v63  }
0x3d3: {  	p1 =	sne.s32 s1, $0x7700;
	s1 =	sadd.s32 $0x10, s30;
	s0 =	sadd.s32 $0x88, s10  }
0x3d4: {  	[hbm4b:s1+s3] =	stream.linear.scatter [tilespmem:s0], [sflag:s28], $0x80, $0x38;
	[tilespmem:$0x16800] =	vst v63  }
0x3d5: {  	s0 =	sadd.s32 $0x110, s10;
	s1 =	sadd.s32 $0x20, s30  }
0x3d6: {  	[hbm4b:s1+s3] =	stream.linear.scatter [tilespmem:s0], [sflag:s28], $0x80, $0x38;
	[tilespmem:$0x16800] =	vst v63  }
0x3d7: {  	s0 =	sadd.s32 $0x198, s10;
	s1 =	sadd.s32 $0x30, s30  }
0x3d8: {  	[hbm4b:s1+s3] =	stream.linear.scatter [tilespmem:s0], [sflag:s28], $0x80, $0x38;
	[tilespmem:$0x16800] =	vst v63  }
0x3d9: {  	s0 =	sadd.s32 $0x220, s10;
	s1 =	sadd.s32 $0x40, s30  }
0x3da: {  	[hbm4b:s1+s3] =	stream.linear.scatter [tilespmem:s0], [sflag:s28], $0x80, $0x38;
	[tilespmem:$0x16800] =	vst v63  }
0x3db: {  	s0 =	sadd.s32 $0x2A8, s10;
	s1 =	sadd.s32 $0x50, s30  }
0x3dc: {  	[hbm4b:s1+s3] =	stream.linear.scatter [tilespmem:s0], [sflag:s28], $0x80, $0x38;
	[tilespmem:$0x16800] =	vst v63  }
.Ltmp0:
0x3dd: {  	_ = 	snop;
	(pc) =	sbr.rel @p1 .LBB2_3-.Ltmp0, $4  }
0x3de: {  	s0 =	sadd.s32 $0x330, s10;
	s1 =	sadd.s32 $0x60, s30  }
0x3df: {  	[hbm4b:s1+s3] =	stream.linear.scatter [tilespmem:s0], [sflag:s28], $0x80, $0x38;
	[tilespmem:$0x16800] =	vst v63  }
0x3e0: {  	s0 =	sadd.s32 $0x3B8, s10  }
0x3e1: {  	s10 =	sadd.s32 $0x70, s30;
	s30 =	sadd.s32 $0x4000, s30;
	s1 =	smov.u32 s11  }
0x3e2: {  	[hbm4b:s10+s3] =	stream.linear.scatter [tilespmem:s0], [sflag:s28], $0x80, $0x38;
	[tilespmem:$0x16800] =	vst v63  }
0x3e3: {  	s0 =	sadd.s32 s31, s29  }
0x3e4: {  	[hbm4b:s30+s3] =	stream.linear.scatter [tilespmem:s0], [sflag:s28], $0x80, $0x38;
	[tilespmem:$0x16800] =	vst v63  }
0x3e5: {  	s31 =	sadd.s32 $0x10, s30;
	s1 =	sadd.s32 $0x88, s0  }
0x3e6: {  	[hbm4b:s31+s3] =	stream.linear.scatter [tilespmem:s1], [sflag:s28], $0x80, $0x38;
	[tilespmem:$0x16800] =	vst v63  }
0x3e7: {  	s11 =	sadd.s32 $0x20, s30;
	s10 =	sadd.s32 $0x110, s0  }
0x3e8: {  	[hbm4b:s11+s3] =	stream.linear.scatter [tilespmem:s10], [sflag:s28], $0x80, $0x38;
	[tilespmem:$0x16800] =	vst v63  }
0x3e9: {  	s29 =	sadd.s32 $0x198, s0;
	s31 =	sadd.s32 $0x30, s30  }
0x3ea: {  	[hbm4b:s31+s3] =	stream.linear.scatter [tilespmem:s29], [sflag:s28], $0x80, $0x38;
	[tilespmem:$0x16800] =	vst v63  }
0x3eb: {  	s10 =	sadd.s32 $0x220, s0;
	s11 =	sadd.s32 $0x40, s30  }
0x3ec: {  	[hbm4b:s11+s3] =	stream.linear.scatter [tilespmem:s10], [sflag:s28], $0x80, $0x38;
	[tilespmem:$0x16800] =	vst v63  }
0x3ed: {  	s29 =	sadd.s32 $0x2A8, s0;
	s31 =	sadd.s32 $0x50, s30  }
0x3ee: {  	[hbm4b:s31+s3] =	stream.linear.scatter [tilespmem:s29], [sflag:s28], $0x80, $0x38;
	[tilespmem:$0x16800] =	vst v63  }
0x3ef: {  	s11 =	sadd.s32 $0x330, s0;
	s29 =	sadd.s32 $0x60, s30  }
0x3f0: {  	[hbm4b:s29+s3] =	stream.linear.scatter [tilespmem:s11], [sflag:s28], $0x80, $0x38;
	[tilespmem:$0x16800] =	vst v63  }
0x3f1: {  	p1 =	sgt.u32 s24, $0xC1;
	s0 =	sadd.s32 $0x3B8, s0;
	s31 =	sadd.s32 $0x70, s30  }
0x3f2: {  	[hbm4b:s31+s3] =	stream.linear.scatter [tilespmem:s0], [sflag:s28], $0x80, $0x38;
	[tilespmem:$0x16800] =	vst v63  }
0x3f3: {  	s0 =	sshll.u32 @!p1 s24, $0x7  }
0x3f4: {  	s0 =	sand.u32 @!p1 $0x3FFFFF80, s0  }
0x3f5: {  	s1 =	simm.s32 @!p1 $0x80;
	s24 =	sadd.s32 $0x1, s24;
	s0 =	sadd.s32 @!p1 $0x300, s0  }
0x3f6: {  	[tilespmem:s26], [sflag:s25] =	stream.indirect.gather @!p1 [hbm4b:s4+s1], $0x40, s0, s1, $0xb8;
	[tilespmem:$0x16800] =	vst v63  }
0x3f7: {  	p1 =	sne.s32 s24, $0xC8  }
.Ltmp1:
0x3f8: {  	_ = 	snop;
	(pc) =	sbr.rel @p1 .LBB2_2-.Ltmp1, $2  }
0x3f9: {  	_ =	sdelay $0x2  }
0x3fa: {  	p0 =	por !p0, !p0  }
0x3fb: {  	s23 =	sadd.s32 $0x1, s23  }
0x3fc: {  	_ =	swait.ge [sflag:s21], $0x2000;
	p0 =	sne.s32 s23, s7  }
.Ltmp2:
0x3fd: {  	[sflag:s21] =	ssyncset.done $0x0;
	(pc) =	sbr.rel @p0 .LBB2_1-.Ltmp2, $4  }
0x3fe: {  	[sflag:s21] =	ssyncadd.s32 $0xFFFFE000  }
0x3ff: {  	_ =	swait.ge [sflag:s22], $0x2000  }
0x400: {  	[sflag:s22] =	ssyncset.done $0x0  }
0x401: {  	[sflag:s22] =	ssyncadd.s32 $0xFFFFE000  }
0x402: {  	_ =	sfence.sel $0x180000  }
0x403: {  	[bflag:$0x0] =	sbarrier.arrive $0xFFFF  }
0x404: {  	_ =	strace $0x90000047  }
0x405: {  	s0 =	stileid.u32;
	[bflag:$0x2] =	sbarrier.arrive $0xFFFF  }
0x406: {  	p0 =	sne.s32 s0, $0x0;
	s0 =	rddreg [dreg:$0x2]  }
0x407: {  	s0 =	sadd.s32 @!p0 $0x100000, s0  }
0x408: {  	[sflag:s0] =	ssyncadd.tile.s32 @!p0 $0x1;
	_ =	shalt  }
.Lfunc_end2:
_tile_overlayer_lowered:
.L_overlay_start_2:
0x409: {  	(tag) =	ssettag $0x2  }
0x40a: {  	s0 =	rddreg [dreg:$0x0];
	s2 =	stileid.u32  }
0x40b: {  	s1 =	rddreg [dreg:$0x1];
	p0 =	sne.s32 s2, $0x0  }
0x40c: {  	s3 =	rddreg [dreg:$0x2];
	[bflag:$0x3] =	sbarrier.arrive $0xFFFF;
	s2 =	simm.s32 @!p0 $0x1C09  }
0x40d: {  	[timem:s3], [sflag:s2] =	dma.local @!p0 [hbm:s0], s1  }
0x40e: {  	s0 =	simm.s32 @!p0 $0x9  }
0x40f: {  	_ =	swait.ge @!p0 [sflag:s0], s1  }
0x410: {  	s1 =	ssub.s32 @!p0 $0x0, s1;
	[sflag:s0] =	ssyncset.done @!p0 $0x0  }
0x411: {  	[sflag:s0] =	ssyncadd.s32 @!p0 s1  }
0x412: {  	[bflag:$0x3] =	sbarrier.arrive $0xFFFF  }
0x413: {  	_ =	shalt  }

</sc_bundles>
